<compile_context>
chip_gen: v7x
topology: tpu7x:2x2x1
jax: 0.10.2.dev20260603
libtpu: 0.0.44.dev20260713+nightly
codegen_flags: <defaults>
</compile_context>

<pallas_src>
import functools

import jax
import jax.numpy as jnp
from jax import lax
from jax.experimental import pallas as pl
from jax.experimental.pallas import tpu as pltpu
from jax.experimental.pallas import tpu_sc as plsc

_NC = 2
_NS = 16
_NW = _NC * _NS
_CHUNK = 128
_NBUF = 2
_BLK = 8


def _make_sc_agg(n_pad, d, n_chunks, gather):
    rows_per_tile = n_pad // _NS
    half = n_chunks // 2
    mesh = plsc.VectorSubcoreMesh(core_axis_name="c", subcore_axis_name="s")

    @functools.partial(
        pl.kernel,
        mesh=mesh,
        out_type=(jax.ShapeDtypeStruct((n_pad, d), jnp.float32),
                  jax.ShapeDtypeStruct((n_pad, d), jnp.float32)),
        scratch_types=[
            pltpu.VMEM((half, _CHUNK), jnp.int32),
            pltpu.VMEM((half, _CHUNK), jnp.int32),
            pltpu.VMEM((_NBUF, _CHUNK, d), jnp.float32),
            pltpu.VMEM_SHARED((n_pad, d), jnp.float32),
        ] + [pltpu.SemaphoreType.DMA] * _NBUF,
    )
    def agg_kernel(table_hbm, src_hbm, dst_hbm, zeros_hbm, out0_hbm,
                   out1_hbm, src_v, dst_v, rows_v, acc_sh, *sems):
        cid = lax.axis_index("c")
        sid = lax.axis_index("s")
        wid = cid * _NS + sid
        r0 = sid * rows_per_tile
        pltpu.sync_copy(zeros_hbm.at[pl.ds(r0, rows_per_tile)],
                        acc_sh.at[pl.ds(r0, rows_per_tile)])
        if not gather:
            pltpu.sync_copy(table_hbm, rows_v.at[0])
        plsc.subcore_barrier()

        for hf in range(2):
            base = hf * half
            pltpu.sync_copy(dst_hbm.at[wid, pl.ds(base, half)], dst_v)
            if gather:
                pltpu.sync_copy(src_hbm.at[wid, pl.ds(base, half)], src_v)
                for b in range(_NBUF):
                    pltpu.async_copy(table_hbm.at[src_v.at[b]],
                                     rows_v.at[b], sems[b])

                def body(i, carry):
                    for b in range(_NBUF):
                        j = i * _NBUF + b
                        pltpu.make_async_copy(table_hbm.at[src_v.at[j]],
                                              rows_v.at[b], sems[b]).wait()
                        pltpu.sync_copy(rows_v.at[b],
                                        acc_sh.at[dst_v.at[j]], add=True)
                        pltpu.async_copy(table_hbm.at[src_v.at[j + _NBUF]],
                                         rows_v.at[b], sems[b])
                    return carry

                lax.fori_loop(0, half // _NBUF - 1, body, 0)
                for b in range(_NBUF):
                    j = half - _NBUF + b
                    pltpu.make_async_copy(table_hbm.at[src_v.at[j]],
                                          rows_v.at[b], sems[b]).wait()
                    pltpu.sync_copy(rows_v.at[b], acc_sh.at[dst_v.at[j]],
                                    add=True)
            else:
                def body(j, carry):
                    pltpu.sync_copy(rows_v.at[0], acc_sh.at[dst_v.at[j]],
                                    add=True)
                    return carry

                lax.fori_loop(0, half, body, 0)

        plsc.subcore_barrier()

        @pl.when(cid == 0)
        def _():
            pltpu.sync_copy(acc_sh.at[pl.ds(r0, rows_per_tile)],
                            out0_hbm.at[pl.ds(r0, rows_per_tile)])

        @pl.when(cid == 1)
        def _():
            pltpu.sync_copy(acc_sh.at[pl.ds(r0, rows_per_tile)],
                            out1_hbm.at[pl.ds(r0, rows_per_tile)])

    return agg_kernel


def _embed_body(h_ref, w_ref, d0_ref, d1_ref, o_ref, dinv_ref):
    o_ref[...] = jnp.dot(h_ref[...], w_ref[...],
                         preferred_element_type=jnp.float32)
    deg = d0_ref[:, :1] + d1_ref[:, :1]
    dinv_ref[...] = 1.0 / jnp.maximum(deg, 1.0)


def _layer_body(h_ref, p0_ref, p1_ref, dinv_ref, sn_ref, ws_ref, wn_ref,
                b_ref, o_ref):
    agg = (p0_ref[...] + p1_ref[...]) * dinv_ref[...]
    z = (jnp.dot(h_ref[...], ws_ref[...], preferred_element_type=jnp.float32)
         + jnp.dot(agg, wn_ref[...], preferred_element_type=jnp.float32)
         + b_ref[...])
    o_ref[...] = jnp.maximum(z, 0.0) * sn_ref[...] + h_ref[...]


def _make_readout_body(inv_n):
    def _readout_body(h_ref, wro_ref, wp_ref, bp_ref, o_ref):
        s = jnp.sum(h_ref[...], axis=0, keepdims=True) * inv_n
        v = jnp.dot(s, wro_ref[...], preferred_element_type=jnp.float32)
        o_ref[...] = jnp.dot(v, wp_ref[...],
                             preferred_element_type=jnp.float32) + bp_ref[...]
    return _readout_body


def kernel(edge_index, h, e, snorm_n, snorm_e, W_embed, W_layers, b_layers,
           W_ro, W_pred, b_pred):
    n, d_in = h.shape
    hd = W_embed.shape[1]
    n_layers = W_layers.shape[0]
    n_edges = edge_index.shape[1]

    bn = 400 if n % 400 == 0 else n
    n_pad = -(-(n + 1) // 128) * 128
    n_chunks = -(-n_edges // (_CHUNK * _NW))
    n_chunks = -(-n_chunks // _BLK) * _BLK
    e_pad = n_chunks * _CHUNK * _NW

    src = jnp.pad(edge_index[0], (0, e_pad - n_edges))
    dst = jnp.pad(edge_index[1], (0, e_pad - n_edges), constant_values=n)
    src3 = src.reshape(_NW, n_chunks, _CHUNK)
    dst3 = dst.reshape(_NW, n_chunks, _CHUNK)

    zeros_h = jnp.zeros((n_pad, hd), jnp.float32)
    ones_t = jnp.ones((_CHUNK, hd), jnp.float32)

    agg_fn = _make_sc_agg(n_pad, hd, n_chunks, gather=True)
    deg_fn = _make_sc_agg(n_pad, hd, n_chunks, gather=False)

    nb = n // bn

    deg0, deg1 = deg_fn(ones_t, src3, dst3, zeros_h)

    h0, dinv = pl.pallas_call(
        _embed_body,
        grid=(nb,),
        in_specs=[
            pl.BlockSpec((bn, d_in), lambda i: (i, 0)),
            pl.BlockSpec((d_in, hd), lambda i: (0, 0)),
            pl.BlockSpec((bn, hd), lambda i: (i, 0)),
            pl.BlockSpec((bn, hd), lambda i: (i, 0)),
        ],
        out_specs=[
            pl.BlockSpec((bn, hd), lambda i: (i, 0)),
            pl.BlockSpec((bn, 1), lambda i: (i, 0)),
        ],
        out_shape=[
            jax.ShapeDtypeStruct((n, hd), jnp.float32),
            jax.ShapeDtypeStruct((n, 1), jnp.float32),
        ],
    )(h, W_embed, deg0, deg1)

    hcur = h0
    for l in range(n_layers):
        p0, p1 = agg_fn(hcur, src3, dst3, zeros_h)
        hcur = pl.pallas_call(
            _layer_body,
            grid=(nb,),
            in_specs=[
                pl.BlockSpec((bn, hd), lambda i: (i, 0)),
                pl.BlockSpec((bn, hd), lambda i: (i, 0)),
                pl.BlockSpec((bn, hd), lambda i: (i, 0)),
                pl.BlockSpec((bn, 1), lambda i: (i, 0)),
                pl.BlockSpec((bn, 1), lambda i: (i, 0)),
                pl.BlockSpec((hd, hd), lambda i: (0, 0)),
                pl.BlockSpec((hd, hd), lambda i: (0, 0)),
                pl.BlockSpec((1, hd), lambda i: (0, 0)),
            ],
            out_specs=pl.BlockSpec((bn, hd), lambda i: (i, 0)),
            out_shape=jax.ShapeDtypeStruct((n, hd), jnp.float32),
        )(hcur, p0, p1, dinv, snorm_n,
          W_layers[l, :hd], W_layers[l, hd:], b_layers[l][None, :])

    out = pl.pallas_call(
        _make_readout_body(1.0 / n),
        out_shape=jax.ShapeDtypeStruct((1, 1), jnp.float32),
    )(hcur, W_ro, W_pred, b_pred[None, :])
    return out


def _gcd(a, b):
    while b:
        a, b = b, a % b
    return a

# --- scband reference (transcript-rebuilt; emitter-appended) ---
"""Pipeline reference for scband-graph-sage-net-67645734912961 (READ-ONLY COPY).

The authoritative reference and input builder live on the scoring server;
editing this copy changes nothing except your own understanding.
"""

import jax, jax.numpy as jnp
import numpy as np

N = 10000
E = 320000
D_IN = 128
H = 128
D_EDGE = 16
L = 4


def setup_inputs(seed: int = 0) -> dict:
    key = jax.random.key(seed)
    ks = jax.random.split(key, 12)
    h = jax.random.normal(ks[0], (N, D_IN), dtype=jnp.float32)
    edge_index = jax.random.randint(ks[1], (2, E), 0, N, dtype=jnp.int32)
    e = jax.random.normal(ks[2], (E, D_EDGE), dtype=jnp.float32)
    snorm_n = jax.random.uniform(ks[3], (N, 1), dtype=jnp.float32)
    snorm_e = jax.random.uniform(ks[4], (E, 1), dtype=jnp.float32)
    # Bayesian linear layers are evaluated with a single sampled weight,
    # materialized here as fixed dense weights (same math as one MC sample).
    W_embed = jax.random.normal(ks[5], (D_IN, H), dtype=jnp.float32) * 0.05
    W_layers = jax.random.normal(ks[6], (L, 2 * H, H), dtype=jnp.float32) * 0.05
    b_layers = jnp.zeros((L, H), dtype=jnp.float32)
    W_ro = jax.random.normal(ks[7], (H, H), dtype=jnp.float32) * 0.05
    W_pred = jax.random.normal(ks[8], (H, 1), dtype=jnp.float32) * 0.05
    b_pred = jnp.zeros((1,), dtype=jnp.float32)
    return {
        "edge_index": edge_index,
        "h": h,
        "e": e,
        "snorm_n": snorm_n,
        "snorm_e": snorm_e,
        "W_embed": W_embed,
        "W_layers": W_layers,
        "b_layers": b_layers,
        "W_ro": W_ro,
        "W_pred": W_pred,
        "b_pred": b_pred,
    }


def reference(edge_index, h, e, snorm_n, snorm_e, W_embed, W_layers, b_layers, W_ro, W_pred, b_pred):
    src = edge_index[0]
    dst = edge_index[1]
    n = h.shape[0]
    # input embedding (BayesianLinear, no bias) + in_feat_dropout (p=0 -> identity)
    h = h.astype(jnp.float32) @ W_embed
    # mean-aggregator in-degree normalization (constant across layers)
    deg = jnp.zeros((n,), dtype=jnp.float32).at[dst].add(1.0)
    deg = jnp.maximum(deg, 1.0)[:, None]
    n_layers = W_layers.shape[0]
    for l in range(n_layers):
        h_in = h
        # GraphSageLayer, mean aggregator: gather src feats, segment-mean by dst
        msgs = jnp.take(h, src, axis=0)
        agg = jax.ops.segment_sum(msgs, dst, num_segments=n) / deg
        # NodeApply: concat(self, neigh) -> BayesianLinear -> ReLU
        bundle = jnp.concatenate([h, agg], axis=1)
        h = bundle @ W_layers[l] + b_layers[l]
        h = jax.nn.relu(h)
        # graph_norm
        h = h * snorm_n
        # plain residual
        h = h + h_in
    # readout projection
    h = h @ W_ro
    # mean readout over the (single) graph's nodes
    hg = jnp.mean(h, axis=0, keepdims=True)
    # final prediction head (BayesianLinear with bias)
    return hg @ W_pred + b_pred

if __name__ == "__main__":
    import jax
    _d = setup_inputs()
    print(jax.jit(kernel)(*tuple(_d.values())))

</pallas_src>

<mosaic_0001>
#map = affine_map<(d0, d1) -> (0, 0)>
#map1 = affine_map<(d0, d1) -> (0, 0, 0)>
module attributes {stable_mosaic.version = 14 : i64} {
  func.func @agg_kernel(%arg0: i32, %arg1: i32, %arg2: memref<10000x128xf32, #tpu.memory_space<hbm>>, %arg3: memref<32x80x128xi32, #tpu.memory_space<hbm>>, %arg4: memref<32x80x128xi32, #tpu.memory_space<hbm>>, %arg5: memref<10112x128xf32, #tpu.memory_space<hbm>>, %arg6: memref<10112x128xf32, #tpu.memory_space<hbm>>, %arg7: memref<10112x128xf32, #tpu.memory_space<hbm>>, %arg8: memref<40x128xi32, #tpu.memory_space<vmem>>, %arg9: memref<40x128xi32, #tpu.memory_space<vmem>>, %arg10: memref<2x128x128xf32, #tpu.memory_space<vmem>>, %arg11: memref<10112x128xf32, #tpu.memory_space<vmem_shared>>, %arg12: memref<!tpu.dma_semaphore, #tpu.memory_space<semaphore_mem>>, %arg13: memref<!tpu.dma_semaphore, #tpu.memory_space<semaphore_mem>>) attributes {dimension_semantics = [#tpu.dimension_semantics<core_parallel>, #tpu.dimension_semantics<subcore_parallel>], iteration_bounds = array<i64: 2, 16>, scalar_prefetch = 0 : i64, scratch_operands = 6 : i64, tpu.core_type = #tpu.core_type<sc_vector_subcore>, window_params = [{transform_indices = #map}, {transform_indices = #map1}, {transform_indices = #map1}, {transform_indices = #map}, {transform_indices = #map}, {transform_indices = #map}]} {
    %mul3A = arith.constant 16 : i32
    %mul3A_0 = arith.muli %arg0, %mul3A : i32
    %add3A = arith.addi %mul3A_0, %arg1 : i32
    %mul3A_1 = arith.constant 632 : i32
    %mul3A_2 = arith.muli %arg1, %mul3A_1 : i32
    "tpu.region"() ({
      %run_scoped3A_123 = tpu.sem_alloc : memref<!tpu.dma_semaphore, #tpu.memory_space<semaphore_mem>>
      %dma_start3A_124 = arith.constant 0 : i32
      %dma_start3A_125 = tpu.memref_slice %arg11[%mul3A_2, %dma_start3A_124] : memref<10112x128xf32, #tpu.memory_space<vmem_shared>> -> memref<632x128xf32, #tpu.memory_space<vmem_shared>>
      %dma_start3A_126 = arith.constant 0 : i32
      %dma_start3A_127 = tpu.memref_slice %arg5[%mul3A_2, %dma_start3A_126] : memref<10112x128xf32, #tpu.memory_space<hbm>> -> memref<632x128xf32, #tpu.memory_space<hbm>>
      tpu.enqueue_dma source(%dma_start3A_127 : memref<632x128xf32, #tpu.memory_space<hbm>>) target(%dma_start3A_125 : memref<632x128xf32, #tpu.memory_space<vmem_shared>>) target_semaphore(%run_scoped3A_123 : memref<!tpu.dma_semaphore, #tpu.memory_space<semaphore_mem>>)
      %dma_wait3A_128 = arith.constant 0 : i32
      %dma_wait3A_129 = tpu.memref_slice %arg11[%mul3A_2, %dma_wait3A_128] : memref<10112x128xf32, #tpu.memory_space<vmem_shared>> -> memref<632x128xf32, #tpu.memory_space<vmem_shared>>
      %dma_wait3A_130 = arith.constant 0 : i32
      %dma_wait3A_131 = tpu.memref_slice %arg5[%mul3A_2, %dma_wait3A_130] : memref<10112x128xf32, #tpu.memory_space<hbm>> -> memref<632x128xf32, #tpu.memory_space<hbm>>
      tpu.wait_dma2 semaphore(%run_scoped3A_123 : memref<!tpu.dma_semaphore, #tpu.memory_space<semaphore_mem>>) src(%dma_wait3A_131 : memref<632x128xf32, #tpu.memory_space<hbm>>) dst(%dma_wait3A_129 : memref<632x128xf32, #tpu.memory_space<vmem_shared>>)
      tpu.yield
    }) : () -> ()
    %barrier3A = arith.constant 0 : index
    tpu.barrier barrier_id(%barrier3A)
    "tpu.region"() ({
      %run_scoped3A_123 = tpu.sem_alloc : memref<!tpu.dma_semaphore, #tpu.memory_space<semaphore_mem>>
      %dma_start3A_124 = arith.constant 0 : i32
      %dma_start3A_125 = arith.constant 0 : i32
      %dma_start3A_126 = tpu.memref_slice %arg4[%add3A, %dma_start3A_124, %dma_start3A_125] : memref<32x80x128xi32, #tpu.memory_space<hbm>> -> memref<1x40x128xi32, #tpu.memory_space<hbm>>
      %dma_start3A_127 = tpu.memref_squeeze %dma_start3A_126 : memref<1x40x128xi32, #tpu.memory_space<hbm>> -> memref<40x128xi32, #tpu.memory_space<hbm>>
      %dma_start3A_128 = arith.constant 0 : i32
      %dma_start3A_129 = arith.constant 0 : i32
      %dma_start3A_130 = tpu.memref_slice %arg4[%add3A, %dma_start3A_128, %dma_start3A_129] : memref<32x80x128xi32, #tpu.memory_space<hbm>> -> memref<1x40x128xi32, #tpu.memory_space<hbm>>
      %dma_start3A_131 = tpu.memref_squeeze %dma_start3A_130 : memref<1x40x128xi32, #tpu.memory_space<hbm>> -> memref<40x128xi32, #tpu.memory_space<hbm>>
      tpu.enqueue_dma source(%dma_start3A_131 : memref<40x128xi32, #tpu.memory_space<hbm>>) target(%arg9 : memref<40x128xi32, #tpu.memory_space<vmem>>) target_semaphore(%run_scoped3A_123 : memref<!tpu.dma_semaphore, #tpu.memory_space<semaphore_mem>>)
      %dma_wait3A_132 = arith.constant 0 : i32
      %dma_wait3A_133 = arith.constant 0 : i32
      %dma_wait3A_134 = tpu.memref_slice %arg4[%add3A, %dma_wait3A_132, %dma_wait3A_133] : memref<32x80x128xi32, #tpu.memory_space<hbm>> -> memref<1x40x128xi32, #tpu.memory_space<hbm>>
      %dma_wait3A_135 = tpu.memref_squeeze %dma_wait3A_134 : memref<1x40x128xi32, #tpu.memory_space<hbm>> -> memref<40x128xi32, #tpu.memory_space<hbm>>
      %dma_wait3A_136 = arith.constant 0 : i32
      %dma_wait3A_137 = arith.constant 0 : i32
      %dma_wait3A_138 = tpu.memref_slice %arg4[%add3A, %dma_wait3A_136, %dma_wait3A_137] : memref<32x80x128xi32, #tpu.memory_space<hbm>> -> memref<1x40x128xi32, #tpu.memory_space<hbm>>
      %dma_wait3A_139 = tpu.memref_squeeze %dma_wait3A_138 : memref<1x40x128xi32, #tpu.memory_space<hbm>> -> memref<40x128xi32, #tpu.memory_space<hbm>>
      tpu.wait_dma2 semaphore(%run_scoped3A_123 : memref<!tpu.dma_semaphore, #tpu.memory_space<semaphore_mem>>) src(%dma_wait3A_139 : memref<40x128xi32, #tpu.memory_space<hbm>>) dst(%arg9 : memref<40x128xi32, #tpu.memory_space<vmem>>)
      tpu.yield
    }) : () -> ()
    "tpu.region"() ({
      %run_scoped3A_123 = tpu.sem_alloc : memref<!tpu.dma_semaphore, #tpu.memory_space<semaphore_mem>>
      %dma_start3A_124 = arith.constant 0 : i32
      %dma_start3A_125 = arith.constant 0 : i32
      %dma_start3A_126 = tpu.memref_slice %arg3[%add3A, %dma_start3A_124, %dma_start3A_125] : memref<32x80x128xi32, #tpu.memory_space<hbm>> -> memref<1x40x128xi32, #tpu.memory_space<hbm>>
      %dma_start3A_127 = tpu.memref_squeeze %dma_start3A_126 : memref<1x40x128xi32, #tpu.memory_space<hbm>> -> memref<40x128xi32, #tpu.memory_space<hbm>>
      %dma_start3A_128 = arith.constant 0 : i32
      %dma_start3A_129 = arith.constant 0 : i32
      %dma_start3A_130 = tpu.memref_slice %arg3[%add3A, %dma_start3A_128, %dma_start3A_129] : memref<32x80x128xi32, #tpu.memory_space<hbm>> -> memref<1x40x128xi32, #tpu.memory_space<hbm>>
      %dma_start3A_131 = tpu.memref_squeeze %dma_start3A_130 : memref<1x40x128xi32, #tpu.memory_space<hbm>> -> memref<40x128xi32, #tpu.memory_space<hbm>>
      tpu.enqueue_dma source(%dma_start3A_131 : memref<40x128xi32, #tpu.memory_space<hbm>>) target(%arg8 : memref<40x128xi32, #tpu.memory_space<vmem>>) target_semaphore(%run_scoped3A_123 : memref<!tpu.dma_semaphore, #tpu.memory_space<semaphore_mem>>)
      %dma_wait3A_132 = arith.constant 0 : i32
      %dma_wait3A_133 = arith.constant 0 : i32
      %dma_wait3A_134 = tpu.memref_slice %arg3[%add3A, %dma_wait3A_132, %dma_wait3A_133] : memref<32x80x128xi32, #tpu.memory_space<hbm>> -> memref<1x40x128xi32, #tpu.memory_space<hbm>>
      %dma_wait3A_135 = tpu.memref_squeeze %dma_wait3A_134 : memref<1x40x128xi32, #tpu.memory_space<hbm>> -> memref<40x128xi32, #tpu.memory_space<hbm>>
      %dma_wait3A_136 = arith.constant 0 : i32
      %dma_wait3A_137 = arith.constant 0 : i32
      %dma_wait3A_138 = tpu.memref_slice %arg3[%add3A, %dma_wait3A_136, %dma_wait3A_137] : memref<32x80x128xi32, #tpu.memory_space<hbm>> -> memref<1x40x128xi32, #tpu.memory_space<hbm>>
      %dma_wait3A_139 = tpu.memref_squeeze %dma_wait3A_138 : memref<1x40x128xi32, #tpu.memory_space<hbm>> -> memref<40x128xi32, #tpu.memory_space<hbm>>
      tpu.wait_dma2 semaphore(%run_scoped3A_123 : memref<!tpu.dma_semaphore, #tpu.memory_space<semaphore_mem>>) src(%dma_wait3A_139 : memref<40x128xi32, #tpu.memory_space<hbm>>) dst(%arg8 : memref<40x128xi32, #tpu.memory_space<vmem>>)
      tpu.yield
    }) : () -> ()
    %dma_start3A = arith.constant 0 : i32
    %dma_start3A_3 = arith.constant 0 : i32
    %dma_start3A_4 = arith.constant 0 : i32
    %dma_start3A_5 = arith.constant 0 : i32
    %dma_start3A_6 = tpu.memref_slice %arg10[%dma_start3A_3, %dma_start3A_4, %dma_start3A_5] : memref<2x128x128xf32, #tpu.memory_space<vmem>> -> memref<1x128x128xf32, #tpu.memory_space<vmem>>
    %dma_start3A_7 = tpu.memref_squeeze %dma_start3A_6 : memref<1x128x128xf32, #tpu.memory_space<vmem>> -> memref<128x128xf32, #tpu.memory_space<vmem>>
    %dma_start3A_8 = arith.constant 0 : i32
    %dma_start3A_9 = tpu.memref_slice %arg8[%dma_start3A, %dma_start3A_8] : memref<40x128xi32, #tpu.memory_space<vmem>> -> memref<1x128xi32, #tpu.memory_space<vmem>>
    %dma_start3A_10 = tpu.memref_squeeze %dma_start3A_9 : memref<1x128xi32, #tpu.memory_space<vmem>> -> memref<128xi32, #tpu.memory_space<vmem>>
    %dma_start3A_11 = arith.constant 0 : i32
    %dma_start3A_12 = arith.constant 0 : i32
    %dma_start3A_13 = tpu.memref_slice %arg2[%dma_start3A_11, %dma_start3A_12] : memref<10000x128xf32, #tpu.memory_space<hbm>> -> memref<10000x128xf32, #tpu.memory_space<hbm>>
    tpu.enqueue_indirect_dma source(%dma_start3A_13 : memref<10000x128xf32, #tpu.memory_space<hbm>>) target(%dma_start3A_7 : memref<128x128xf32, #tpu.memory_space<vmem>>) offsets(%dma_start3A_10 : memref<128xi32, #tpu.memory_space<vmem>>) semaphore(%arg12 : memref<!tpu.dma_semaphore, #tpu.memory_space<semaphore_mem>>)
    %dma_start3A_14 = arith.constant 1 : i32
    %dma_start3A_15 = arith.constant 1 : i32
    %dma_start3A_16 = arith.constant 0 : i32
    %dma_start3A_17 = arith.constant 0 : i32
    %dma_start3A_18 = tpu.memref_slice %arg10[%dma_start3A_15, %dma_start3A_16, %dma_start3A_17] : memref<2x128x128xf32, #tpu.memory_space<vmem>> -> memref<1x128x128xf32, #tpu.memory_space<vmem>>
    %dma_start3A_19 = tpu.memref_squeeze %dma_start3A_18 : memref<1x128x128xf32, #tpu.memory_space<vmem>> -> memref<128x128xf32, #tpu.memory_space<vmem>>
    %dma_start3A_20 = arith.constant 0 : i32
    %dma_start3A_21 = tpu.memref_slice %arg8[%dma_start3A_14, %dma_start3A_20] : memref<40x128xi32, #tpu.memory_space<vmem>> -> memref<1x128xi32, #tpu.memory_space<vmem>>
    %dma_start3A_22 = tpu.memref_squeeze %dma_start3A_21 : memref<1x128xi32, #tpu.memory_space<vmem>> -> memref<128xi32, #tpu.memory_space<vmem>>
    %dma_start3A_23 = arith.constant 0 : i32
    %dma_start3A_24 = arith.constant 0 : i32
    %dma_start3A_25 = tpu.memref_slice %arg2[%dma_start3A_23, %dma_start3A_24] : memref<10000x128xf32, #tpu.memory_space<hbm>> -> memref<10000x128xf32, #tpu.memory_space<hbm>>
    tpu.enqueue_indirect_dma source(%dma_start3A_25 : memref<10000x128xf32, #tpu.memory_space<hbm>>) target(%dma_start3A_19 : memref<128x128xf32, #tpu.memory_space<vmem>>) offsets(%dma_start3A_22 : memref<128xi32, #tpu.memory_space<vmem>>) semaphore(%arg13 : memref<!tpu.dma_semaphore, #tpu.memory_space<semaphore_mem>>)
    %scan3A = arith.constant 0 : i32
    %scan3A_26 = arith.constant 0 : i32
    %scan3A_27 = arith.constant 19 : i32
    %scan3A_28 = arith.addi %scan3A_26, %scan3A_27 : i32
    %scan3A_29 = arith.constant 1 : i32
    scf.for %scan3A_123 = %scan3A_26 to %scan3A_28 step %scan3A_29  : i32 {
      %mul3A_124 = arith.constant 2 : i32
      %mul3A_125 = arith.muli %scan3A_123, %mul3A_124 : i32
      %add3A_126 = arith.constant 0 : i32
      %add3A_127 = arith.addi %mul3A_125, %add3A_126 : i32
      %dma_wait3A_128 = arith.constant 0 : i32
      %dma_wait3A_129 = arith.constant 0 : i32
      %dma_wait3A_130 = arith.constant 0 : i32
      %dma_wait3A_131 = tpu.memref_slice %arg10[%dma_wait3A_128, %dma_wait3A_129, %dma_wait3A_130] : memref<2x128x128xf32, #tpu.memory_space<vmem>> -> memref<1x128x128xf32, #tpu.memory_space<vmem>>
      %dma_wait3A_132 = tpu.memref_squeeze %dma_wait3A_131 : memref<1x128x128xf32, #tpu.memory_space<vmem>> -> memref<128x128xf32, #tpu.memory_space<vmem>>
      %dma_wait3A_133 = arith.constant 0 : i32
      %dma_wait3A_134 = tpu.memref_slice %arg8[%add3A_127, %dma_wait3A_133] : memref<40x128xi32, #tpu.memory_space<vmem>> -> memref<1x128xi32, #tpu.memory_space<vmem>>
      %dma_wait3A_135 = tpu.memref_squeeze %dma_wait3A_134 : memref<1x128xi32, #tpu.memory_space<vmem>> -> memref<128xi32, #tpu.memory_space<vmem>>
      %dma_wait3A_136 = arith.constant 0 : i32
      %dma_wait3A_137 = arith.constant 0 : i32
      %dma_wait3A_138 = tpu.memref_slice %arg2[%dma_wait3A_136, %dma_wait3A_137] : memref<10000x128xf32, #tpu.memory_space<hbm>> -> memref<10000x128xf32, #tpu.memory_space<hbm>>
      tpu.wait_indirect_dma semaphore(%arg12 : memref<!tpu.dma_semaphore, #tpu.memory_space<semaphore_mem>>) src(%dma_wait3A_138 : memref<10000x128xf32, #tpu.memory_space<hbm>>) dst(%dma_wait3A_132 : memref<128x128xf32, #tpu.memory_space<vmem>>)
      %run_scoped3A_139 = arith.constant 0 : i32
      "tpu.region"() ({
        %run_scoped3A_182 = tpu.sem_alloc : memref<!tpu.dma_semaphore, #tpu.memory_space<semaphore_mem>>
        %dma_start3A_183 = arith.constant 0 : i32
        %dma_start3A_184 = arith.constant 0 : i32
        %dma_start3A_185 = tpu.memref_slice %arg10[%run_scoped3A_139, %dma_start3A_183, %dma_start3A_184] : memref<2x128x128xf32, #tpu.memory_space<vmem>> -> memref<1x128x128xf32, #tpu.memory_space<vmem>>
        %dma_start3A_186 = tpu.memref_squeeze %dma_start3A_185 : memref<1x128x128xf32, #tpu.memory_space<vmem>> -> memref<128x128xf32, #tpu.memory_space<vmem>>
        %dma_start3A_187 = arith.constant 0 : i32
        %dma_start3A_188 = tpu.memref_slice %arg9[%add3A_127, %dma_start3A_187] : memref<40x128xi32, #tpu.memory_space<vmem>> -> memref<1x128xi32, #tpu.memory_space<vmem>>
        %dma_start3A_189 = tpu.memref_squeeze %dma_start3A_188 : memref<1x128xi32, #tpu.memory_space<vmem>> -> memref<128xi32, #tpu.memory_space<vmem>>
        %dma_start3A_190 = arith.constant 0 : i32
        %dma_start3A_191 = arith.constant 0 : i32
        %dma_start3A_192 = tpu.memref_slice %arg11[%dma_start3A_190, %dma_start3A_191] : memref<10112x128xf32, #tpu.memory_space<vmem_shared>> -> memref<10112x128xf32, #tpu.memory_space<vmem_shared>>
        tpu.enqueue_indirect_dma source(%dma_start3A_186 : memref<128x128xf32, #tpu.memory_space<vmem>>) target(%dma_start3A_192 : memref<10112x128xf32, #tpu.memory_space<vmem_shared>>) offsets(%dma_start3A_189 : memref<128xi32, #tpu.memory_space<vmem>>) semaphore(%run_scoped3A_182 : memref<!tpu.dma_semaphore, #tpu.memory_space<semaphore_mem>>) {add = true}
        %dma_wait3A_193 = arith.constant 0 : i32
        %dma_wait3A_194 = arith.constant 0 : i32
        %dma_wait3A_195 = tpu.memref_slice %arg10[%run_scoped3A_139, %dma_wait3A_193, %dma_wait3A_194] : memref<2x128x128xf32, #tpu.memory_space<vmem>> -> memref<1x128x128xf32, #tpu.memory_space<vmem>>
        %dma_wait3A_196 = tpu.memref_squeeze %dma_wait3A_195 : memref<1x128x128xf32, #tpu.memory_space<vmem>> -> memref<128x128xf32, #tpu.memory_space<vmem>>
        %dma_wait3A_197 = arith.constant 0 : i32
        %dma_wait3A_198 = tpu.memref_slice %arg9[%add3A_127, %dma_wait3A_197] : memref<40x128xi32, #tpu.memory_space<vmem>> -> memref<1x128xi32, #tpu.memory_space<vmem>>
        %dma_wait3A_199 = tpu.memref_squeeze %dma_wait3A_198 : memref<1x128xi32, #tpu.memory_space<vmem>> -> memref<128xi32, #tpu.memory_space<vmem>>
        %dma_wait3A_200 = arith.constant 0 : i32
        %dma_wait3A_201 = arith.constant 0 : i32
        %dma_wait3A_202 = tpu.memref_slice %arg11[%dma_wait3A_200, %dma_wait3A_201] : memref<10112x128xf32, #tpu.memory_space<vmem_shared>> -> memref<10112x128xf32, #tpu.memory_space<vmem_shared>>
        tpu.wait_indirect_dma semaphore(%run_scoped3A_182 : memref<!tpu.dma_semaphore, #tpu.memory_space<semaphore_mem>>) src(%dma_wait3A_196 : memref<128x128xf32, #tpu.memory_space<vmem>>) dst(%dma_wait3A_202 : memref<10112x128xf32, #tpu.memory_space<vmem_shared>>)
        tpu.yield
      }) : () -> ()
      %add3A_140 = arith.constant 2 : i32
      %add3A_141 = arith.addi %add3A_127, %add3A_140 : i32
      %dma_start3A_142 = arith.constant 0 : i32
      %dma_start3A_143 = arith.constant 0 : i32
      %dma_start3A_144 = arith.constant 0 : i32
      %dma_start3A_145 = tpu.memref_slice %arg10[%dma_start3A_142, %dma_start3A_143, %dma_start3A_144] : memref<2x128x128xf32, #tpu.memory_space<vmem>> -> memref<1x128x128xf32, #tpu.memory_space<vmem>>
      %dma_start3A_146 = tpu.memref_squeeze %dma_start3A_145 : memref<1x128x128xf32, #tpu.memory_space<vmem>> -> memref<128x128xf32, #tpu.memory_space<vmem>>
      %dma_start3A_147 = arith.constant 0 : i32
      %dma_start3A_148 = tpu.memref_slice %arg8[%add3A_141, %dma_start3A_147] : memref<40x128xi32, #tpu.memory_space<vmem>> -> memref<1x128xi32, #tpu.memory_space<vmem>>
      %dma_start3A_149 = tpu.memref_squeeze %dma_start3A_148 : memref<1x128xi32, #tpu.memory_space<vmem>> -> memref<128xi32, #tpu.memory_space<vmem>>
      %dma_start3A_150 = arith.constant 0 : i32
      %dma_start3A_151 = arith.constant 0 : i32
      %dma_start3A_152 = tpu.memref_slice %arg2[%dma_start3A_150, %dma_start3A_151] : memref<10000x128xf32, #tpu.memory_space<hbm>> -> memref<10000x128xf32, #tpu.memory_space<hbm>>
      tpu.enqueue_indirect_dma source(%dma_start3A_152 : memref<10000x128xf32, #tpu.memory_space<hbm>>) target(%dma_start3A_146 : memref<128x128xf32, #tpu.memory_space<vmem>>) offsets(%dma_start3A_149 : memref<128xi32, #tpu.memory_space<vmem>>) semaphore(%arg12 : memref<!tpu.dma_semaphore, #tpu.memory_space<semaphore_mem>>)
      %mul3A_153 = arith.constant 2 : i32
      %mul3A_154 = arith.muli %scan3A_123, %mul3A_153 : i32
      %add3A_155 = arith.constant 1 : i32
      %add3A_156 = arith.addi %mul3A_154, %add3A_155 : i32
      %dma_wait3A_157 = arith.constant 1 : i32
      %dma_wait3A_158 = arith.constant 0 : i32
      %dma_wait3A_159 = arith.constant 0 : i32
      %dma_wait3A_160 = tpu.memref_slice %arg10[%dma_wait3A_157, %dma_wait3A_158, %dma_wait3A_159] : memref<2x128x128xf32, #tpu.memory_space<vmem>> -> memref<1x128x128xf32, #tpu.memory_space<vmem>>
      %dma_wait3A_161 = tpu.memref_squeeze %dma_wait3A_160 : memref<1x128x128xf32, #tpu.memory_space<vmem>> -> memref<128x128xf32, #tpu.memory_space<vmem>>
      %dma_wait3A_162 = arith.constant 0 : i32
      %dma_wait3A_163 = tpu.memref_slice %arg8[%add3A_156, %dma_wait3A_162] : memref<40x128xi32, #tpu.memory_space<vmem>> -> memref<1x128xi32, #tpu.memory_space<vmem>>
      %dma_wait3A_164 = tpu.memref_squeeze %dma_wait3A_163 : memref<1x128xi32, #tpu.memory_space<vmem>> -> memref<128xi32, #tpu.memory_space<vmem>>
      %dma_wait3A_165 = arith.constant 0 : i32
      %dma_wait3A_166 = arith.constant 0 : i32
      %dma_wait3A_167 = tpu.memref_slice %arg2[%dma_wait3A_165, %dma_wait3A_166] : memref<10000x128xf32, #tpu.memory_space<hbm>> -> memref<10000x128xf32, #tpu.memory_space<hbm>>
      tpu.wait_indirect_dma semaphore(%arg13 : memref<!tpu.dma_semaphore, #tpu.memory_space<semaphore_mem>>) src(%dma_wait3A_167 : memref<10000x128xf32, #tpu.memory_space<hbm>>) dst(%dma_wait3A_161 : memref<128x128xf32, #tpu.memory_space<vmem>>)
      %run_scoped3A_168 = arith.constant 1 : i32
      "tpu.region"() ({
        %run_scoped3A_182 = tpu.sem_alloc : memref<!tpu.dma_semaphore, #tpu.memory_space<semaphore_mem>>
        %dma_start3A_183 = arith.constant 0 : i32
        %dma_start3A_184 = arith.constant 0 : i32
        %dma_start3A_185 = tpu.memref_slice %arg10[%run_scoped3A_168, %dma_start3A_183, %dma_start3A_184] : memref<2x128x128xf32, #tpu.memory_space<vmem>> -> memref<1x128x128xf32, #tpu.memory_space<vmem>>
        %dma_start3A_186 = tpu.memref_squeeze %dma_start3A_185 : memref<1x128x128xf32, #tpu.memory_space<vmem>> -> memref<128x128xf32, #tpu.memory_space<vmem>>
        %dma_start3A_187 = arith.constant 0 : i32
        %dma_start3A_188 = tpu.memref_slice %arg9[%add3A_156, %dma_start3A_187] : memref<40x128xi32, #tpu.memory_space<vmem>> -> memref<1x128xi32, #tpu.memory_space<vmem>>
        %dma_start3A_189 = tpu.memref_squeeze %dma_start3A_188 : memref<1x128xi32, #tpu.memory_space<vmem>> -> memref<128xi32, #tpu.memory_space<vmem>>
        %dma_start3A_190 = arith.constant 0 : i32
        %dma_start3A_191 = arith.constant 0 : i32
        %dma_start3A_192 = tpu.memref_slice %arg11[%dma_start3A_190, %dma_start3A_191] : memref<10112x128xf32, #tpu.memory_space<vmem_shared>> -> memref<10112x128xf32, #tpu.memory_space<vmem_shared>>
        tpu.enqueue_indirect_dma source(%dma_start3A_186 : memref<128x128xf32, #tpu.memory_space<vmem>>) target(%dma_start3A_192 : memref<10112x128xf32, #tpu.memory_space<vmem_shared>>) offsets(%dma_start3A_189 : memref<128xi32, #tpu.memory_space<vmem>>) semaphore(%run_scoped3A_182 : memref<!tpu.dma_semaphore, #tpu.memory_space<semaphore_mem>>) {add = true}
        %dma_wait3A_193 = arith.constant 0 : i32
        %dma_wait3A_194 = arith.constant 0 : i32
        %dma_wait3A_195 = tpu.memref_slice %arg10[%run_scoped3A_168, %dma_wait3A_193, %dma_wait3A_194] : memref<2x128x128xf32, #tpu.memory_space<vmem>> -> memref<1x128x128xf32, #tpu.memory_space<vmem>>
        %dma_wait3A_196 = tpu.memref_squeeze %dma_wait3A_195 : memref<1x128x128xf32, #tpu.memory_space<vmem>> -> memref<128x128xf32, #tpu.memory_space<vmem>>
        %dma_wait3A_197 = arith.constant 0 : i32
        %dma_wait3A_198 = tpu.memref_slice %arg9[%add3A_156, %dma_wait3A_197] : memref<40x128xi32, #tpu.memory_space<vmem>> -> memref<1x128xi32, #tpu.memory_space<vmem>>
        %dma_wait3A_199 = tpu.memref_squeeze %dma_wait3A_198 : memref<1x128xi32, #tpu.memory_space<vmem>> -> memref<128xi32, #tpu.memory_space<vmem>>
        %dma_wait3A_200 = arith.constant 0 : i32
        %dma_wait3A_201 = arith.constant 0 : i32
        %dma_wait3A_202 = tpu.memref_slice %arg11[%dma_wait3A_200, %dma_wait3A_201] : memref<10112x128xf32, #tpu.memory_space<vmem_shared>> -> memref<10112x128xf32, #tpu.memory_space<vmem_shared>>
        tpu.wait_indirect_dma semaphore(%run_scoped3A_182 : memref<!tpu.dma_semaphore, #tpu.memory_space<semaphore_mem>>) src(%dma_wait3A_196 : memref<128x128xf32, #tpu.memory_space<vmem>>) dst(%dma_wait3A_202 : memref<10112x128xf32, #tpu.memory_space<vmem_shared>>)
        tpu.yield
      }) : () -> ()
      %add3A_169 = arith.constant 2 : i32
      %add3A_170 = arith.addi %add3A_156, %add3A_169 : i32
      %dma_start3A_171 = arith.constant 1 : i32
      %dma_start3A_172 = arith.constant 0 : i32
      %dma_start3A_173 = arith.constant 0 : i32
      %dma_start3A_174 = tpu.memref_slice %arg10[%dma_start3A_171, %dma_start3A_172, %dma_start3A_173] : memref<2x128x128xf32, #tpu.memory_space<vmem>> -> memref<1x128x128xf32, #tpu.memory_space<vmem>>
      %dma_start3A_175 = tpu.memref_squeeze %dma_start3A_174 : memref<1x128x128xf32, #tpu.memory_space<vmem>> -> memref<128x128xf32, #tpu.memory_space<vmem>>
      %dma_start3A_176 = arith.constant 0 : i32
      %dma_start3A_177 = tpu.memref_slice %arg8[%add3A_170, %dma_start3A_176] : memref<40x128xi32, #tpu.memory_space<vmem>> -> memref<1x128xi32, #tpu.memory_space<vmem>>
      %dma_start3A_178 = tpu.memref_squeeze %dma_start3A_177 : memref<1x128xi32, #tpu.memory_space<vmem>> -> memref<128xi32, #tpu.memory_space<vmem>>
      %dma_start3A_179 = arith.constant 0 : i32
      %dma_start3A_180 = arith.constant 0 : i32
      %dma_start3A_181 = tpu.memref_slice %arg2[%dma_start3A_179, %dma_start3A_180] : memref<10000x128xf32, #tpu.memory_space<hbm>> -> memref<10000x128xf32, #tpu.memory_space<hbm>>
      tpu.enqueue_indirect_dma source(%dma_start3A_181 : memref<10000x128xf32, #tpu.memory_space<hbm>>) target(%dma_start3A_175 : memref<128x128xf32, #tpu.memory_space<vmem>>) offsets(%dma_start3A_178 : memref<128xi32, #tpu.memory_space<vmem>>) semaphore(%arg13 : memref<!tpu.dma_semaphore, #tpu.memory_space<semaphore_mem>>)
    }
    %scan3A_30 = arith.constant 19 : i32
    %dma_wait3A = arith.constant 38 : i32
    %dma_wait3A_31 = arith.constant 0 : i32
    %dma_wait3A_32 = arith.constant 0 : i32
    %dma_wait3A_33 = arith.constant 0 : i32
    %dma_wait3A_34 = tpu.memref_slice %arg10[%dma_wait3A_31, %dma_wait3A_32, %dma_wait3A_33] : memref<2x128x128xf32, #tpu.memory_space<vmem>> -> memref<1x128x128xf32, #tpu.memory_space<vmem>>
    %dma_wait3A_35 = tpu.memref_squeeze %dma_wait3A_34 : memref<1x128x128xf32, #tpu.memory_space<vmem>> -> memref<128x128xf32, #tpu.memory_space<vmem>>
    %dma_wait3A_36 = arith.constant 0 : i32
    %dma_wait3A_37 = tpu.memref_slice %arg8[%dma_wait3A, %dma_wait3A_36] : memref<40x128xi32, #tpu.memory_space<vmem>> -> memref<1x128xi32, #tpu.memory_space<vmem>>
    %dma_wait3A_38 = tpu.memref_squeeze %dma_wait3A_37 : memref<1x128xi32, #tpu.memory_space<vmem>> -> memref<128xi32, #tpu.memory_space<vmem>>
    %dma_wait3A_39 = arith.constant 0 : i32
    %dma_wait3A_40 = arith.constant 0 : i32
    %dma_wait3A_41 = tpu.memref_slice %arg2[%dma_wait3A_39, %dma_wait3A_40] : memref<10000x128xf32, #tpu.memory_space<hbm>> -> memref<10000x128xf32, #tpu.memory_space<hbm>>
    tpu.wait_indirect_dma semaphore(%arg12 : memref<!tpu.dma_semaphore, #tpu.memory_space<semaphore_mem>>) src(%dma_wait3A_41 : memref<10000x128xf32, #tpu.memory_space<hbm>>) dst(%dma_wait3A_35 : memref<128x128xf32, #tpu.memory_space<vmem>>)
    %run_scoped3A = arith.constant 0 : i32
    %run_scoped3A_42 = arith.constant 38 : i32
    "tpu.region"() ({
      %run_scoped3A_123 = tpu.sem_alloc : memref<!tpu.dma_semaphore, #tpu.memory_space<semaphore_mem>>
      %dma_start3A_124 = arith.constant 0 : i32
      %dma_start3A_125 = arith.constant 0 : i32
      %dma_start3A_126 = tpu.memref_slice %arg10[%run_scoped3A, %dma_start3A_124, %dma_start3A_125] : memref<2x128x128xf32, #tpu.memory_space<vmem>> -> memref<1x128x128xf32, #tpu.memory_space<vmem>>
      %dma_start3A_127 = tpu.memref_squeeze %dma_start3A_126 : memref<1x128x128xf32, #tpu.memory_space<vmem>> -> memref<128x128xf32, #tpu.memory_space<vmem>>
      %dma_start3A_128 = arith.constant 0 : i32
      %dma_start3A_129 = tpu.memref_slice %arg9[%run_scoped3A_42, %dma_start3A_128] : memref<40x128xi32, #tpu.memory_space<vmem>> -> memref<1x128xi32, #tpu.memory_space<vmem>>
      %dma_start3A_130 = tpu.memref_squeeze %dma_start3A_129 : memref<1x128xi32, #tpu.memory_space<vmem>> -> memref<128xi32, #tpu.memory_space<vmem>>
      %dma_start3A_131 = arith.constant 0 : i32
      %dma_start3A_132 = arith.constant 0 : i32
      %dma_start3A_133 = tpu.memref_slice %arg11[%dma_start3A_131, %dma_start3A_132] : memref<10112x128xf32, #tpu.memory_space<vmem_shared>> -> memref<10112x128xf32, #tpu.memory_space<vmem_shared>>
      tpu.enqueue_indirect_dma source(%dma_start3A_127 : memref<128x128xf32, #tpu.memory_space<vmem>>) target(%dma_start3A_133 : memref<10112x128xf32, #tpu.memory_space<vmem_shared>>) offsets(%dma_start3A_130 : memref<128xi32, #tpu.memory_space<vmem>>) semaphore(%run_scoped3A_123 : memref<!tpu.dma_semaphore, #tpu.memory_space<semaphore_mem>>) {add = true}
      %dma_wait3A_134 = arith.constant 0 : i32
      %dma_wait3A_135 = arith.constant 0 : i32
      %dma_wait3A_136 = tpu.memref_slice %arg10[%run_scoped3A, %dma_wait3A_134, %dma_wait3A_135] : memref<2x128x128xf32, #tpu.memory_space<vmem>> -> memref<1x128x128xf32, #tpu.memory_space<vmem>>
      %dma_wait3A_137 = tpu.memref_squeeze %dma_wait3A_136 : memref<1x128x128xf32, #tpu.memory_space<vmem>> -> memref<128x128xf32, #tpu.memory_space<vmem>>
      %dma_wait3A_138 = arith.constant 0 : i32
      %dma_wait3A_139 = tpu.memref_slice %arg9[%run_scoped3A_42, %dma_wait3A_138] : memref<40x128xi32, #tpu.memory_space<vmem>> -> memref<1x128xi32, #tpu.memory_space<vmem>>
      %dma_wait3A_140 = tpu.memref_squeeze %dma_wait3A_139 : memref<1x128xi32, #tpu.memory_space<vmem>> -> memref<128xi32, #tpu.memory_space<vmem>>
      %dma_wait3A_141 = arith.constant 0 : i32
      %dma_wait3A_142 = arith.constant 0 : i32
      %dma_wait3A_143 = tpu.memref_slice %arg11[%dma_wait3A_141, %dma_wait3A_142] : memref<10112x128xf32, #tpu.memory_space<vmem_shared>> -> memref<10112x128xf32, #tpu.memory_space<vmem_shared>>
      tpu.wait_indirect_dma semaphore(%run_scoped3A_123 : memref<!tpu.dma_semaphore, #tpu.memory_space<semaphore_mem>>) src(%dma_wait3A_137 : memref<128x128xf32, #tpu.memory_space<vmem>>) dst(%dma_wait3A_143 : memref<10112x128xf32, #tpu.memory_space<vmem_shared>>)
      tpu.yield
    }) : () -> ()
    %dma_wait3A_43 = arith.constant 39 : i32
    %dma_wait3A_44 = arith.constant 1 : i32
    %dma_wait3A_45 = arith.constant 0 : i32
    %dma_wait3A_46 = arith.constant 0 : i32
    %dma_wait3A_47 = tpu.memref_slice %arg10[%dma_wait3A_44, %dma_wait3A_45, %dma_wait3A_46] : memref<2x128x128xf32, #tpu.memory_space<vmem>> -> memref<1x128x128xf32, #tpu.memory_space<vmem>>
    %dma_wait3A_48 = tpu.memref_squeeze %dma_wait3A_47 : memref<1x128x128xf32, #tpu.memory_space<vmem>> -> memref<128x128xf32, #tpu.memory_space<vmem>>
    %dma_wait3A_49 = arith.constant 0 : i32
    %dma_wait3A_50 = tpu.memref_slice %arg8[%dma_wait3A_43, %dma_wait3A_49] : memref<40x128xi32, #tpu.memory_space<vmem>> -> memref<1x128xi32, #tpu.memory_space<vmem>>
    %dma_wait3A_51 = tpu.memref_squeeze %dma_wait3A_50 : memref<1x128xi32, #tpu.memory_space<vmem>> -> memref<128xi32, #tpu.memory_space<vmem>>
    %dma_wait3A_52 = arith.constant 0 : i32
    %dma_wait3A_53 = arith.constant 0 : i32
    %dma_wait3A_54 = tpu.memref_slice %arg2[%dma_wait3A_52, %dma_wait3A_53] : memref<10000x128xf32, #tpu.memory_space<hbm>> -> memref<10000x128xf32, #tpu.memory_space<hbm>>
    tpu.wait_indirect_dma semaphore(%arg13 : memref<!tpu.dma_semaphore, #tpu.memory_space<semaphore_mem>>) src(%dma_wait3A_54 : memref<10000x128xf32, #tpu.memory_space<hbm>>) dst(%dma_wait3A_48 : memref<128x128xf32, #tpu.memory_space<vmem>>)
    %run_scoped3A_55 = arith.constant 1 : i32
    %run_scoped3A_56 = arith.constant 39 : i32
    "tpu.region"() ({
      %run_scoped3A_123 = tpu.sem_alloc : memref<!tpu.dma_semaphore, #tpu.memory_space<semaphore_mem>>
      %dma_start3A_124 = arith.constant 0 : i32
      %dma_start3A_125 = arith.constant 0 : i32
      %dma_start3A_126 = tpu.memref_slice %arg10[%run_scoped3A_55, %dma_start3A_124, %dma_start3A_125] : memref<2x128x128xf32, #tpu.memory_space<vmem>> -> memref<1x128x128xf32, #tpu.memory_space<vmem>>
      %dma_start3A_127 = tpu.memref_squeeze %dma_start3A_126 : memref<1x128x128xf32, #tpu.memory_space<vmem>> -> memref<128x128xf32, #tpu.memory_space<vmem>>
      %dma_start3A_128 = arith.constant 0 : i32
      %dma_start3A_129 = tpu.memref_slice %arg9[%run_scoped3A_56, %dma_start3A_128] : memref<40x128xi32, #tpu.memory_space<vmem>> -> memref<1x128xi32, #tpu.memory_space<vmem>>
      %dma_start3A_130 = tpu.memref_squeeze %dma_start3A_129 : memref<1x128xi32, #tpu.memory_space<vmem>> -> memref<128xi32, #tpu.memory_space<vmem>>
      %dma_start3A_131 = arith.constant 0 : i32
      %dma_start3A_132 = arith.constant 0 : i32
      %dma_start3A_133 = tpu.memref_slice %arg11[%dma_start3A_131, %dma_start3A_132] : memref<10112x128xf32, #tpu.memory_space<vmem_shared>> -> memref<10112x128xf32, #tpu.memory_space<vmem_shared>>
      tpu.enqueue_indirect_dma source(%dma_start3A_127 : memref<128x128xf32, #tpu.memory_space<vmem>>) target(%dma_start3A_133 : memref<10112x128xf32, #tpu.memory_space<vmem_shared>>) offsets(%dma_start3A_130 : memref<128xi32, #tpu.memory_space<vmem>>) semaphore(%run_scoped3A_123 : memref<!tpu.dma_semaphore, #tpu.memory_space<semaphore_mem>>) {add = true}
      %dma_wait3A_134 = arith.constant 0 : i32
      %dma_wait3A_135 = arith.constant 0 : i32
      %dma_wait3A_136 = tpu.memref_slice %arg10[%run_scoped3A_55, %dma_wait3A_134, %dma_wait3A_135] : memref<2x128x128xf32, #tpu.memory_space<vmem>> -> memref<1x128x128xf32, #tpu.memory_space<vmem>>
      %dma_wait3A_137 = tpu.memref_squeeze %dma_wait3A_136 : memref<1x128x128xf32, #tpu.memory_space<vmem>> -> memref<128x128xf32, #tpu.memory_space<vmem>>
      %dma_wait3A_138 = arith.constant 0 : i32
      %dma_wait3A_139 = tpu.memref_slice %arg9[%run_scoped3A_56, %dma_wait3A_138] : memref<40x128xi32, #tpu.memory_space<vmem>> -> memref<1x128xi32, #tpu.memory_space<vmem>>
      %dma_wait3A_140 = tpu.memref_squeeze %dma_wait3A_139 : memref<1x128xi32, #tpu.memory_space<vmem>> -> memref<128xi32, #tpu.memory_space<vmem>>
      %dma_wait3A_141 = arith.constant 0 : i32
      %dma_wait3A_142 = arith.constant 0 : i32
      %dma_wait3A_143 = tpu.memref_slice %arg11[%dma_wait3A_141, %dma_wait3A_142] : memref<10112x128xf32, #tpu.memory_space<vmem_shared>> -> memref<10112x128xf32, #tpu.memory_space<vmem_shared>>
      tpu.wait_indirect_dma semaphore(%run_scoped3A_123 : memref<!tpu.dma_semaphore, #tpu.memory_space<semaphore_mem>>) src(%dma_wait3A_137 : memref<128x128xf32, #tpu.memory_space<vmem>>) dst(%dma_wait3A_143 : memref<10112x128xf32, #tpu.memory_space<vmem_shared>>)
      tpu.yield
    }) : () -> ()
    "tpu.region"() ({
      %run_scoped3A_123 = tpu.sem_alloc : memref<!tpu.dma_semaphore, #tpu.memory_space<semaphore_mem>>
      %dma_start3A_124 = arith.constant 40 : i32
      %dma_start3A_125 = arith.constant 0 : i32
      %dma_start3A_126 = tpu.memref_slice %arg4[%add3A, %dma_start3A_124, %dma_start3A_125] : memref<32x80x128xi32, #tpu.memory_space<hbm>> -> memref<1x40x128xi32, #tpu.memory_space<hbm>>
      %dma_start3A_127 = tpu.memref_squeeze %dma_start3A_126 : memref<1x40x128xi32, #tpu.memory_space<hbm>> -> memref<40x128xi32, #tpu.memory_space<hbm>>
      %dma_start3A_128 = arith.constant 40 : i32
      %dma_start3A_129 = arith.constant 0 : i32
      %dma_start3A_130 = tpu.memref_slice %arg4[%add3A, %dma_start3A_128, %dma_start3A_129] : memref<32x80x128xi32, #tpu.memory_space<hbm>> -> memref<1x40x128xi32, #tpu.memory_space<hbm>>
      %dma_start3A_131 = tpu.memref_squeeze %dma_start3A_130 : memref<1x40x128xi32, #tpu.memory_space<hbm>> -> memref<40x128xi32, #tpu.memory_space<hbm>>
      tpu.enqueue_dma source(%dma_start3A_131 : memref<40x128xi32, #tpu.memory_space<hbm>>) target(%arg9 : memref<40x128xi32, #tpu.memory_space<vmem>>) target_semaphore(%run_scoped3A_123 : memref<!tpu.dma_semaphore, #tpu.memory_space<semaphore_mem>>)
      %dma_wait3A_132 = arith.constant 40 : i32
      %dma_wait3A_133 = arith.constant 0 : i32
      %dma_wait3A_134 = tpu.memref_slice %arg4[%add3A, %dma_wait3A_132, %dma_wait3A_133] : memref<32x80x128xi32, #tpu.memory_space<hbm>> -> memref<1x40x128xi32, #tpu.memory_space<hbm>>
      %dma_wait3A_135 = tpu.memref_squeeze %dma_wait3A_134 : memref<1x40x128xi32, #tpu.memory_space<hbm>> -> memref<40x128xi32, #tpu.memory_space<hbm>>
      %dma_wait3A_136 = arith.constant 40 : i32
      %dma_wait3A_137 = arith.constant 0 : i32
      %dma_wait3A_138 = tpu.memref_slice %arg4[%add3A, %dma_wait3A_136, %dma_wait3A_137] : memref<32x80x128xi32, #tpu.memory_space<hbm>> -> memref<1x40x128xi32, #tpu.memory_space<hbm>>
      %dma_wait3A_139 = tpu.memref_squeeze %dma_wait3A_138 : memref<1x40x128xi32, #tpu.memory_space<hbm>> -> memref<40x128xi32, #tpu.memory_space<hbm>>
      tpu.wait_dma2 semaphore(%run_scoped3A_123 : memref<!tpu.dma_semaphore, #tpu.memory_space<semaphore_mem>>) src(%dma_wait3A_139 : memref<40x128xi32, #tpu.memory_space<hbm>>) dst(%arg9 : memref<40x128xi32, #tpu.memory_space<vmem>>)
      tpu.yield
    }) : () -> ()
    "tpu.region"() ({
      %run_scoped3A_123 = tpu.sem_alloc : memref<!tpu.dma_semaphore, #tpu.memory_space<semaphore_mem>>
      %dma_start3A_124 = arith.constant 40 : i32
      %dma_start3A_125 = arith.constant 0 : i32
      %dma_start3A_126 = tpu.memref_slice %arg3[%add3A, %dma_start3A_124, %dma_start3A_125] : memref<32x80x128xi32, #tpu.memory_space<hbm>> -> memref<1x40x128xi32, #tpu.memory_space<hbm>>
      %dma_start3A_127 = tpu.memref_squeeze %dma_start3A_126 : memref<1x40x128xi32, #tpu.memory_space<hbm>> -> memref<40x128xi32, #tpu.memory_space<hbm>>
      %dma_start3A_128 = arith.constant 40 : i32
      %dma_start3A_129 = arith.constant 0 : i32
      %dma_start3A_130 = tpu.memref_slice %arg3[%add3A, %dma_start3A_128, %dma_start3A_129] : memref<32x80x128xi32, #tpu.memory_space<hbm>> -> memref<1x40x128xi32, #tpu.memory_space<hbm>>
      %dma_start3A_131 = tpu.memref_squeeze %dma_start3A_130 : memref<1x40x128xi32, #tpu.memory_space<hbm>> -> memref<40x128xi32, #tpu.memory_space<hbm>>
      tpu.enqueue_dma source(%dma_start3A_131 : memref<40x128xi32, #tpu.memory_space<hbm>>) target(%arg8 : memref<40x128xi32, #tpu.memory_space<vmem>>) target_semaphore(%run_scoped3A_123 : memref<!tpu.dma_semaphore, #tpu.memory_space<semaphore_mem>>)
      %dma_wait3A_132 = arith.constant 40 : i32
      %dma_wait3A_133 = arith.constant 0 : i32
      %dma_wait3A_134 = tpu.memref_slice %arg3[%add3A, %dma_wait3A_132, %dma_wait3A_133] : memref<32x80x128xi32, #tpu.memory_space<hbm>> -> memref<1x40x128xi32, #tpu.memory_space<hbm>>
      %dma_wait3A_135 = tpu.memref_squeeze %dma_wait3A_134 : memref<1x40x128xi32, #tpu.memory_space<hbm>> -> memref<40x128xi32, #tpu.memory_space<hbm>>
      %dma_wait3A_136 = arith.constant 40 : i32
      %dma_wait3A_137 = arith.constant 0 : i32
      %dma_wait3A_138 = tpu.memref_slice %arg3[%add3A, %dma_wait3A_136, %dma_wait3A_137] : memref<32x80x128xi32, #tpu.memory_space<hbm>> -> memref<1x40x128xi32, #tpu.memory_space<hbm>>
      %dma_wait3A_139 = tpu.memref_squeeze %dma_wait3A_138 : memref<1x40x128xi32, #tpu.memory_space<hbm>> -> memref<40x128xi32, #tpu.memory_space<hbm>>
      tpu.wait_dma2 semaphore(%run_scoped3A_123 : memref<!tpu.dma_semaphore, #tpu.memory_space<semaphore_mem>>) src(%dma_wait3A_139 : memref<40x128xi32, #tpu.memory_space<hbm>>) dst(%arg8 : memref<40x128xi32, #tpu.memory_space<vmem>>)
      tpu.yield
    }) : () -> ()
    %dma_start3A_57 = arith.constant 0 : i32
    %dma_start3A_58 = arith.constant 0 : i32
    %dma_start3A_59 = arith.constant 0 : i32
    %dma_start3A_60 = arith.constant 0 : i32
    %dma_start3A_61 = tpu.memref_slice %arg10[%dma_start3A_58, %dma_start3A_59, %dma_start3A_60] : memref<2x128x128xf32, #tpu.memory_space<vmem>> -> memref<1x128x128xf32, #tpu.memory_space<vmem>>
    %dma_start3A_62 = tpu.memref_squeeze %dma_start3A_61 : memref<1x128x128xf32, #tpu.memory_space<vmem>> -> memref<128x128xf32, #tpu.memory_space<vmem>>
    %dma_start3A_63 = arith.constant 0 : i32
    %dma_start3A_64 = tpu.memref_slice %arg8[%dma_start3A_57, %dma_start3A_63] : memref<40x128xi32, #tpu.memory_space<vmem>> -> memref<1x128xi32, #tpu.memory_space<vmem>>
    %dma_start3A_65 = tpu.memref_squeeze %dma_start3A_64 : memref<1x128xi32, #tpu.memory_space<vmem>> -> memref<128xi32, #tpu.memory_space<vmem>>
    %dma_start3A_66 = arith.constant 0 : i32
    %dma_start3A_67 = arith.constant 0 : i32
    %dma_start3A_68 = tpu.memref_slice %arg2[%dma_start3A_66, %dma_start3A_67] : memref<10000x128xf32, #tpu.memory_space<hbm>> -> memref<10000x128xf32, #tpu.memory_space<hbm>>
    tpu.enqueue_indirect_dma source(%dma_start3A_68 : memref<10000x128xf32, #tpu.memory_space<hbm>>) target(%dma_start3A_62 : memref<128x128xf32, #tpu.memory_space<vmem>>) offsets(%dma_start3A_65 : memref<128xi32, #tpu.memory_space<vmem>>) semaphore(%arg12 : memref<!tpu.dma_semaphore, #tpu.memory_space<semaphore_mem>>)
    %dma_start3A_69 = arith.constant 1 : i32
    %dma_start3A_70 = arith.constant 1 : i32
    %dma_start3A_71 = arith.constant 0 : i32
    %dma_start3A_72 = arith.constant 0 : i32
    %dma_start3A_73 = tpu.memref_slice %arg10[%dma_start3A_70, %dma_start3A_71, %dma_start3A_72] : memref<2x128x128xf32, #tpu.memory_space<vmem>> -> memref<1x128x128xf32, #tpu.memory_space<vmem>>
    %dma_start3A_74 = tpu.memref_squeeze %dma_start3A_73 : memref<1x128x128xf32, #tpu.memory_space<vmem>> -> memref<128x128xf32, #tpu.memory_space<vmem>>
    %dma_start3A_75 = arith.constant 0 : i32
    %dma_start3A_76 = tpu.memref_slice %arg8[%dma_start3A_69, %dma_start3A_75] : memref<40x128xi32, #tpu.memory_space<vmem>> -> memref<1x128xi32, #tpu.memory_space<vmem>>
    %dma_start3A_77 = tpu.memref_squeeze %dma_start3A_76 : memref<1x128xi32, #tpu.memory_space<vmem>> -> memref<128xi32, #tpu.memory_space<vmem>>
    %dma_start3A_78 = arith.constant 0 : i32
    %dma_start3A_79 = arith.constant 0 : i32
    %dma_start3A_80 = tpu.memref_slice %arg2[%dma_start3A_78, %dma_start3A_79] : memref<10000x128xf32, #tpu.memory_space<hbm>> -> memref<10000x128xf32, #tpu.memory_space<hbm>>
    tpu.enqueue_indirect_dma source(%dma_start3A_80 : memref<10000x128xf32, #tpu.memory_space<hbm>>) target(%dma_start3A_74 : memref<128x128xf32, #tpu.memory_space<vmem>>) offsets(%dma_start3A_77 : memref<128xi32, #tpu.memory_space<vmem>>) semaphore(%arg13 : memref<!tpu.dma_semaphore, #tpu.memory_space<semaphore_mem>>)
    %scan3A_81 = arith.constant 0 : i32
    %scan3A_82 = arith.constant 0 : i32
    %scan3A_83 = arith.constant 19 : i32
    %scan3A_84 = arith.addi %scan3A_82, %scan3A_83 : i32
    %scan3A_85 = arith.constant 1 : i32
    scf.for %scan3A_123 = %scan3A_82 to %scan3A_84 step %scan3A_85  : i32 {
      %mul3A_124 = arith.constant 2 : i32
      %mul3A_125 = arith.muli %scan3A_123, %mul3A_124 : i32
      %add3A_126 = arith.constant 0 : i32
      %add3A_127 = arith.addi %mul3A_125, %add3A_126 : i32
      %dma_wait3A_128 = arith.constant 0 : i32
      %dma_wait3A_129 = arith.constant 0 : i32
      %dma_wait3A_130 = arith.constant 0 : i32
      %dma_wait3A_131 = tpu.memref_slice %arg10[%dma_wait3A_128, %dma_wait3A_129, %dma_wait3A_130] : memref<2x128x128xf32, #tpu.memory_space<vmem>> -> memref<1x128x128xf32, #tpu.memory_space<vmem>>
      %dma_wait3A_132 = tpu.memref_squeeze %dma_wait3A_131 : memref<1x128x128xf32, #tpu.memory_space<vmem>> -> memref<128x128xf32, #tpu.memory_space<vmem>>
      %dma_wait3A_133 = arith.constant 0 : i32
      %dma_wait3A_134 = tpu.memref_slice %arg8[%add3A_127, %dma_wait3A_133] : memref<40x128xi32, #tpu.memory_space<vmem>> -> memref<1x128xi32, #tpu.memory_space<vmem>>
      %dma_wait3A_135 = tpu.memref_squeeze %dma_wait3A_134 : memref<1x128xi32, #tpu.memory_space<vmem>> -> memref<128xi32, #tpu.memory_space<vmem>>
      %dma_wait3A_136 = arith.constant 0 : i32
      %dma_wait3A_137 = arith.constant 0 : i32
      %dma_wait3A_138 = tpu.memref_slice %arg2[%dma_wait3A_136, %dma_wait3A_137] : memref<10000x128xf32, #tpu.memory_space<hbm>> -> memref<10000x128xf32, #tpu.memory_space<hbm>>
      tpu.wait_indirect_dma semaphore(%arg12 : memref<!tpu.dma_semaphore, #tpu.memory_space<semaphore_mem>>) src(%dma_wait3A_138 : memref<10000x128xf32, #tpu.memory_space<hbm>>) dst(%dma_wait3A_132 : memref<128x128xf32, #tpu.memory_space<vmem>>)
      %run_scoped3A_139 = arith.constant 0 : i32
      "tpu.region"() ({
        %run_scoped3A_182 = tpu.sem_alloc : memref<!tpu.dma_semaphore, #tpu.memory_space<semaphore_mem>>
        %dma_start3A_183 = arith.constant 0 : i32
        %dma_start3A_184 = arith.constant 0 : i32
        %dma_start3A_185 = tpu.memref_slice %arg10[%run_scoped3A_139, %dma_start3A_183, %dma_start3A_184] : memref<2x128x128xf32, #tpu.memory_space<vmem>> -> memref<1x128x128xf32, #tpu.memory_space<vmem>>
        %dma_start3A_186 = tpu.memref_squeeze %dma_start3A_185 : memref<1x128x128xf32, #tpu.memory_space<vmem>> -> memref<128x128xf32, #tpu.memory_space<vmem>>
        %dma_start3A_187 = arith.constant 0 : i32
        %dma_start3A_188 = tpu.memref_slice %arg9[%add3A_127, %dma_start3A_187] : memref<40x128xi32, #tpu.memory_space<vmem>> -> memref<1x128xi32, #tpu.memory_space<vmem>>
        %dma_start3A_189 = tpu.memref_squeeze %dma_start3A_188 : memref<1x128xi32, #tpu.memory_space<vmem>> -> memref<128xi32, #tpu.memory_space<vmem>>
        %dma_start3A_190 = arith.constant 0 : i32
        %dma_start3A_191 = arith.constant 0 : i32
        %dma_start3A_192 = tpu.memref_slice %arg11[%dma_start3A_190, %dma_start3A_191] : memref<10112x128xf32, #tpu.memory_space<vmem_shared>> -> memref<10112x128xf32, #tpu.memory_space<vmem_shared>>
        tpu.enqueue_indirect_dma source(%dma_start3A_186 : memref<128x128xf32, #tpu.memory_space<vmem>>) target(%dma_start3A_192 : memref<10112x128xf32, #tpu.memory_space<vmem_shared>>) offsets(%dma_start3A_189 : memref<128xi32, #tpu.memory_space<vmem>>) semaphore(%run_scoped3A_182 : memref<!tpu.dma_semaphore, #tpu.memory_space<semaphore_mem>>) {add = true}
        %dma_wait3A_193 = arith.constant 0 : i32
        %dma_wait3A_194 = arith.constant 0 : i32
        %dma_wait3A_195 = tpu.memref_slice %arg10[%run_scoped3A_139, %dma_wait3A_193, %dma_wait3A_194] : memref<2x128x128xf32, #tpu.memory_space<vmem>> -> memref<1x128x128xf32, #tpu.memory_space<vmem>>
        %dma_wait3A_196 = tpu.memref_squeeze %dma_wait3A_195 : memref<1x128x128xf32, #tpu.memory_space<vmem>> -> memref<128x128xf32, #tpu.memory_space<vmem>>
        %dma_wait3A_197 = arith.constant 0 : i32
        %dma_wait3A_198 = tpu.memref_slice %arg9[%add3A_127, %dma_wait3A_197] : memref<40x128xi32, #tpu.memory_space<vmem>> -> memref<1x128xi32, #tpu.memory_space<vmem>>
        %dma_wait3A_199 = tpu.memref_squeeze %dma_wait3A_198 : memref<1x128xi32, #tpu.memory_space<vmem>> -> memref<128xi32, #tpu.memory_space<vmem>>
        %dma_wait3A_200 = arith.constant 0 : i32
        %dma_wait3A_201 = arith.constant 0 : i32
        %dma_wait3A_202 = tpu.memref_slice %arg11[%dma_wait3A_200, %dma_wait3A_201] : memref<10112x128xf32, #tpu.memory_space<vmem_shared>> -> memref<10112x128xf32, #tpu.memory_space<vmem_shared>>
        tpu.wait_indirect_dma semaphore(%run_scoped3A_182 : memref<!tpu.dma_semaphore, #tpu.memory_space<semaphore_mem>>) src(%dma_wait3A_196 : memref<128x128xf32, #tpu.memory_space<vmem>>) dst(%dma_wait3A_202 : memref<10112x128xf32, #tpu.memory_space<vmem_shared>>)
        tpu.yield
      }) : () -> ()
      %add3A_140 = arith.constant 2 : i32
      %add3A_141 = arith.addi %add3A_127, %add3A_140 : i32
      %dma_start3A_142 = arith.constant 0 : i32
      %dma_start3A_143 = arith.constant 0 : i32
      %dma_start3A_144 = arith.constant 0 : i32
      %dma_start3A_145 = tpu.memref_slice %arg10[%dma_start3A_142, %dma_start3A_143, %dma_start3A_144] : memref<2x128x128xf32, #tpu.memory_space<vmem>> -> memref<1x128x128xf32, #tpu.memory_space<vmem>>
      %dma_start3A_146 = tpu.memref_squeeze %dma_start3A_145 : memref<1x128x128xf32, #tpu.memory_space<vmem>> -> memref<128x128xf32, #tpu.memory_space<vmem>>
      %dma_start3A_147 = arith.constant 0 : i32
      %dma_start3A_148 = tpu.memref_slice %arg8[%add3A_141, %dma_start3A_147] : memref<40x128xi32, #tpu.memory_space<vmem>> -> memref<1x128xi32, #tpu.memory_space<vmem>>
      %dma_start3A_149 = tpu.memref_squeeze %dma_start3A_148 : memref<1x128xi32, #tpu.memory_space<vmem>> -> memref<128xi32, #tpu.memory_space<vmem>>
      %dma_start3A_150 = arith.constant 0 : i32
      %dma_start3A_151 = arith.constant 0 : i32
      %dma_start3A_152 = tpu.memref_slice %arg2[%dma_start3A_150, %dma_start3A_151] : memref<10000x128xf32, #tpu.memory_space<hbm>> -> memref<10000x128xf32, #tpu.memory_space<hbm>>
      tpu.enqueue_indirect_dma source(%dma_start3A_152 : memref<10000x128xf32, #tpu.memory_space<hbm>>) target(%dma_start3A_146 : memref<128x128xf32, #tpu.memory_space<vmem>>) offsets(%dma_start3A_149 : memref<128xi32, #tpu.memory_space<vmem>>) semaphore(%arg12 : memref<!tpu.dma_semaphore, #tpu.memory_space<semaphore_mem>>)
      %mul3A_153 = arith.constant 2 : i32
      %mul3A_154 = arith.muli %scan3A_123, %mul3A_153 : i32
      %add3A_155 = arith.constant 1 : i32
      %add3A_156 = arith.addi %mul3A_154, %add3A_155 : i32
      %dma_wait3A_157 = arith.constant 1 : i32
      %dma_wait3A_158 = arith.constant 0 : i32
      %dma_wait3A_159 = arith.constant 0 : i32
      %dma_wait3A_160 = tpu.memref_slice %arg10[%dma_wait3A_157, %dma_wait3A_158, %dma_wait3A_159] : memref<2x128x128xf32, #tpu.memory_space<vmem>> -> memref<1x128x128xf32, #tpu.memory_space<vmem>>
      %dma_wait3A_161 = tpu.memref_squeeze %dma_wait3A_160 : memref<1x128x128xf32, #tpu.memory_space<vmem>> -> memref<128x128xf32, #tpu.memory_space<vmem>>
      %dma_wait3A_162 = arith.constant 0 : i32
      %dma_wait3A_163 = tpu.memref_slice %arg8[%add3A_156, %dma_wait3A_162] : memref<40x128xi32, #tpu.memory_space<vmem>> -> memref<1x128xi32, #tpu.memory_space<vmem>>
      %dma_wait3A_164 = tpu.memref_squeeze %dma_wait3A_163 : memref<1x128xi32, #tpu.memory_space<vmem>> -> memref<128xi32, #tpu.memory_space<vmem>>
      %dma_wait3A_165 = arith.constant 0 : i32
      %dma_wait3A_166 = arith.constant 0 : i32
      %dma_wait3A_167 = tpu.memref_slice %arg2[%dma_wait3A_165, %dma_wait3A_166] : memref<10000x128xf32, #tpu.memory_space<hbm>> -> memref<10000x128xf32, #tpu.memory_space<hbm>>
      tpu.wait_indirect_dma semaphore(%arg13 : memref<!tpu.dma_semaphore, #tpu.memory_space<semaphore_mem>>) src(%dma_wait3A_167 : memref<10000x128xf32, #tpu.memory_space<hbm>>) dst(%dma_wait3A_161 : memref<128x128xf32, #tpu.memory_space<vmem>>)
      %run_scoped3A_168 = arith.constant 1 : i32
      "tpu.region"() ({
        %run_scoped3A_182 = tpu.sem_alloc : memref<!tpu.dma_semaphore, #tpu.memory_space<semaphore_mem>>
        %dma_start3A_183 = arith.constant 0 : i32
        %dma_start3A_184 = arith.constant 0 : i32
        %dma_start3A_185 = tpu.memref_slice %arg10[%run_scoped3A_168, %dma_start3A_183, %dma_start3A_184] : memref<2x128x128xf32, #tpu.memory_space<vmem>> -> memref<1x128x128xf32, #tpu.memory_space<vmem>>
        %dma_start3A_186 = tpu.memref_squeeze %dma_start3A_185 : memref<1x128x128xf32, #tpu.memory_space<vmem>> -> memref<128x128xf32, #tpu.memory_space<vmem>>
        %dma_start3A_187 = arith.constant 0 : i32
        %dma_start3A_188 = tpu.memref_slice %arg9[%add3A_156, %dma_start3A_187] : memref<40x128xi32, #tpu.memory_space<vmem>> -> memref<1x128xi32, #tpu.memory_space<vmem>>
        %dma_start3A_189 = tpu.memref_squeeze %dma_start3A_188 : memref<1x128xi32, #tpu.memory_space<vmem>> -> memref<128xi32, #tpu.memory_space<vmem>>
        %dma_start3A_190 = arith.constant 0 : i32
        %dma_start3A_191 = arith.constant 0 : i32
        %dma_start3A_192 = tpu.memref_slice %arg11[%dma_start3A_190, %dma_start3A_191] : memref<10112x128xf32, #tpu.memory_space<vmem_shared>> -> memref<10112x128xf32, #tpu.memory_space<vmem_shared>>
        tpu.enqueue_indirect_dma source(%dma_start3A_186 : memref<128x128xf32, #tpu.memory_space<vmem>>) target(%dma_start3A_192 : memref<10112x128xf32, #tpu.memory_space<vmem_shared>>) offsets(%dma_start3A_189 : memref<128xi32, #tpu.memory_space<vmem>>) semaphore(%run_scoped3A_182 : memref<!tpu.dma_semaphore, #tpu.memory_space<semaphore_mem>>) {add = true}
        %dma_wait3A_193 = arith.constant 0 : i32
        %dma_wait3A_194 = arith.constant 0 : i32
        %dma_wait3A_195 = tpu.memref_slice %arg10[%run_scoped3A_168, %dma_wait3A_193, %dma_wait3A_194] : memref<2x128x128xf32, #tpu.memory_space<vmem>> -> memref<1x128x128xf32, #tpu.memory_space<vmem>>
        %dma_wait3A_196 = tpu.memref_squeeze %dma_wait3A_195 : memref<1x128x128xf32, #tpu.memory_space<vmem>> -> memref<128x128xf32, #tpu.memory_space<vmem>>
        %dma_wait3A_197 = arith.constant 0 : i32
        %dma_wait3A_198 = tpu.memref_slice %arg9[%add3A_156, %dma_wait3A_197] : memref<40x128xi32, #tpu.memory_space<vmem>> -> memref<1x128xi32, #tpu.memory_space<vmem>>
        %dma_wait3A_199 = tpu.memref_squeeze %dma_wait3A_198 : memref<1x128xi32, #tpu.memory_space<vmem>> -> memref<128xi32, #tpu.memory_space<vmem>>
        %dma_wait3A_200 = arith.constant 0 : i32
        %dma_wait3A_201 = arith.constant 0 : i32
        %dma_wait3A_202 = tpu.memref_slice %arg11[%dma_wait3A_200, %dma_wait3A_201] : memref<10112x128xf32, #tpu.memory_space<vmem_shared>> -> memref<10112x128xf32, #tpu.memory_space<vmem_shared>>
        tpu.wait_indirect_dma semaphore(%run_scoped3A_182 : memref<!tpu.dma_semaphore, #tpu.memory_space<semaphore_mem>>) src(%dma_wait3A_196 : memref<128x128xf32, #tpu.memory_space<vmem>>) dst(%dma_wait3A_202 : memref<10112x128xf32, #tpu.memory_space<vmem_shared>>)
        tpu.yield
      }) : () -> ()
      %add3A_169 = arith.constant 2 : i32
      %add3A_170 = arith.addi %add3A_156, %add3A_169 : i32
      %dma_start3A_171 = arith.constant 1 : i32
      %dma_start3A_172 = arith.constant 0 : i32
      %dma_start3A_173 = arith.constant 0 : i32
      %dma_start3A_174 = tpu.memref_slice %arg10[%dma_start3A_171, %dma_start3A_172, %dma_start3A_173] : memref<2x128x128xf32, #tpu.memory_space<vmem>> -> memref<1x128x128xf32, #tpu.memory_space<vmem>>
      %dma_start3A_175 = tpu.memref_squeeze %dma_start3A_174 : memref<1x128x128xf32, #tpu.memory_space<vmem>> -> memref<128x128xf32, #tpu.memory_space<vmem>>
      %dma_start3A_176 = arith.constant 0 : i32
      %dma_start3A_177 = tpu.memref_slice %arg8[%add3A_170, %dma_start3A_176] : memref<40x128xi32, #tpu.memory_space<vmem>> -> memref<1x128xi32, #tpu.memory_space<vmem>>
      %dma_start3A_178 = tpu.memref_squeeze %dma_start3A_177 : memref<1x128xi32, #tpu.memory_space<vmem>> -> memref<128xi32, #tpu.memory_space<vmem>>
      %dma_start3A_179 = arith.constant 0 : i32
      %dma_start3A_180 = arith.constant 0 : i32
      %dma_start3A_181 = tpu.memref_slice %arg2[%dma_start3A_179, %dma_start3A_180] : memref<10000x128xf32, #tpu.memory_space<hbm>> -> memref<10000x128xf32, #tpu.memory_space<hbm>>
      tpu.enqueue_indirect_dma source(%dma_start3A_181 : memref<10000x128xf32, #tpu.memory_space<hbm>>) target(%dma_start3A_175 : memref<128x128xf32, #tpu.memory_space<vmem>>) offsets(%dma_start3A_178 : memref<128xi32, #tpu.memory_space<vmem>>) semaphore(%arg13 : memref<!tpu.dma_semaphore, #tpu.memory_space<semaphore_mem>>)
    }
    %scan3A_86 = arith.constant 19 : i32
    %dma_wait3A_87 = arith.constant 38 : i32
    %dma_wait3A_88 = arith.constant 0 : i32
    %dma_wait3A_89 = arith.constant 0 : i32
    %dma_wait3A_90 = arith.constant 0 : i32
    %dma_wait3A_91 = tpu.memref_slice %arg10[%dma_wait3A_88, %dma_wait3A_89, %dma_wait3A_90] : memref<2x128x128xf32, #tpu.memory_space<vmem>> -> memref<1x128x128xf32, #tpu.memory_space<vmem>>
    %dma_wait3A_92 = tpu.memref_squeeze %dma_wait3A_91 : memref<1x128x128xf32, #tpu.memory_space<vmem>> -> memref<128x128xf32, #tpu.memory_space<vmem>>
    %dma_wait3A_93 = arith.constant 0 : i32
    %dma_wait3A_94 = tpu.memref_slice %arg8[%dma_wait3A_87, %dma_wait3A_93] : memref<40x128xi32, #tpu.memory_space<vmem>> -> memref<1x128xi32, #tpu.memory_space<vmem>>
    %dma_wait3A_95 = tpu.memref_squeeze %dma_wait3A_94 : memref<1x128xi32, #tpu.memory_space<vmem>> -> memref<128xi32, #tpu.memory_space<vmem>>
    %dma_wait3A_96 = arith.constant 0 : i32
    %dma_wait3A_97 = arith.constant 0 : i32
    %dma_wait3A_98 = tpu.memref_slice %arg2[%dma_wait3A_96, %dma_wait3A_97] : memref<10000x128xf32, #tpu.memory_space<hbm>> -> memref<10000x128xf32, #tpu.memory_space<hbm>>
    tpu.wait_indirect_dma semaphore(%arg12 : memref<!tpu.dma_semaphore, #tpu.memory_space<semaphore_mem>>) src(%dma_wait3A_98 : memref<10000x128xf32, #tpu.memory_space<hbm>>) dst(%dma_wait3A_92 : memref<128x128xf32, #tpu.memory_space<vmem>>)
    %run_scoped3A_99 = arith.constant 0 : i32
    %run_scoped3A_100 = arith.constant 38 : i32
    "tpu.region"() ({
      %run_scoped3A_123 = tpu.sem_alloc : memref<!tpu.dma_semaphore, #tpu.memory_space<semaphore_mem>>
      %dma_start3A_124 = arith.constant 0 : i32
      %dma_start3A_125 = arith.constant 0 : i32
      %dma_start3A_126 = tpu.memref_slice %arg10[%run_scoped3A_99, %dma_start3A_124, %dma_start3A_125] : memref<2x128x128xf32, #tpu.memory_space<vmem>> -> memref<1x128x128xf32, #tpu.memory_space<vmem>>
      %dma_start3A_127 = tpu.memref_squeeze %dma_start3A_126 : memref<1x128x128xf32, #tpu.memory_space<vmem>> -> memref<128x128xf32, #tpu.memory_space<vmem>>
      %dma_start3A_128 = arith.constant 0 : i32
      %dma_start3A_129 = tpu.memref_slice %arg9[%run_scoped3A_100, %dma_start3A_128] : memref<40x128xi32, #tpu.memory_space<vmem>> -> memref<1x128xi32, #tpu.memory_space<vmem>>
      %dma_start3A_130 = tpu.memref_squeeze %dma_start3A_129 : memref<1x128xi32, #tpu.memory_space<vmem>> -> memref<128xi32, #tpu.memory_space<vmem>>
      %dma_start3A_131 = arith.constant 0 : i32
      %dma_start3A_132 = arith.constant 0 : i32
      %dma_start3A_133 = tpu.memref_slice %arg11[%dma_start3A_131, %dma_start3A_132] : memref<10112x128xf32, #tpu.memory_space<vmem_shared>> -> memref<10112x128xf32, #tpu.memory_space<vmem_shared>>
      tpu.enqueue_indirect_dma source(%dma_start3A_127 : memref<128x128xf32, #tpu.memory_space<vmem>>) target(%dma_start3A_133 : memref<10112x128xf32, #tpu.memory_space<vmem_shared>>) offsets(%dma_start3A_130 : memref<128xi32, #tpu.memory_space<vmem>>) semaphore(%run_scoped3A_123 : memref<!tpu.dma_semaphore, #tpu.memory_space<semaphore_mem>>) {add = true}
      %dma_wait3A_134 = arith.constant 0 : i32
      %dma_wait3A_135 = arith.constant 0 : i32
      %dma_wait3A_136 = tpu.memref_slice %arg10[%run_scoped3A_99, %dma_wait3A_134, %dma_wait3A_135] : memref<2x128x128xf32, #tpu.memory_space<vmem>> -> memref<1x128x128xf32, #tpu.memory_space<vmem>>
      %dma_wait3A_137 = tpu.memref_squeeze %dma_wait3A_136 : memref<1x128x128xf32, #tpu.memory_space<vmem>> -> memref<128x128xf32, #tpu.memory_space<vmem>>
      %dma_wait3A_138 = arith.constant 0 : i32
      %dma_wait3A_139 = tpu.memref_slice %arg9[%run_scoped3A_100, %dma_wait3A_138] : memref<40x128xi32, #tpu.memory_space<vmem>> -> memref<1x128xi32, #tpu.memory_space<vmem>>
      %dma_wait3A_140 = tpu.memref_squeeze %dma_wait3A_139 : memref<1x128xi32, #tpu.memory_space<vmem>> -> memref<128xi32, #tpu.memory_space<vmem>>
      %dma_wait3A_141 = arith.constant 0 : i32
      %dma_wait3A_142 = arith.constant 0 : i32
      %dma_wait3A_143 = tpu.memref_slice %arg11[%dma_wait3A_141, %dma_wait3A_142] : memref<10112x128xf32, #tpu.memory_space<vmem_shared>> -> memref<10112x128xf32, #tpu.memory_space<vmem_shared>>
      tpu.wait_indirect_dma semaphore(%run_scoped3A_123 : memref<!tpu.dma_semaphore, #tpu.memory_space<semaphore_mem>>) src(%dma_wait3A_137 : memref<128x128xf32, #tpu.memory_space<vmem>>) dst(%dma_wait3A_143 : memref<10112x128xf32, #tpu.memory_space<vmem_shared>>)
      tpu.yield
    }) : () -> ()
    %dma_wait3A_101 = arith.constant 39 : i32
    %dma_wait3A_102 = arith.constant 1 : i32
    %dma_wait3A_103 = arith.constant 0 : i32
    %dma_wait3A_104 = arith.constant 0 : i32
    %dma_wait3A_105 = tpu.memref_slice %arg10[%dma_wait3A_102, %dma_wait3A_103, %dma_wait3A_104] : memref<2x128x128xf32, #tpu.memory_space<vmem>> -> memref<1x128x128xf32, #tpu.memory_space<vmem>>
    %dma_wait3A_106 = tpu.memref_squeeze %dma_wait3A_105 : memref<1x128x128xf32, #tpu.memory_space<vmem>> -> memref<128x128xf32, #tpu.memory_space<vmem>>
    %dma_wait3A_107 = arith.constant 0 : i32
    %dma_wait3A_108 = tpu.memref_slice %arg8[%dma_wait3A_101, %dma_wait3A_107] : memref<40x128xi32, #tpu.memory_space<vmem>> -> memref<1x128xi32, #tpu.memory_space<vmem>>
    %dma_wait3A_109 = tpu.memref_squeeze %dma_wait3A_108 : memref<1x128xi32, #tpu.memory_space<vmem>> -> memref<128xi32, #tpu.memory_space<vmem>>
    %dma_wait3A_110 = arith.constant 0 : i32
    %dma_wait3A_111 = arith.constant 0 : i32
    %dma_wait3A_112 = tpu.memref_slice %arg2[%dma_wait3A_110, %dma_wait3A_111] : memref<10000x128xf32, #tpu.memory_space<hbm>> -> memref<10000x128xf32, #tpu.memory_space<hbm>>
    tpu.wait_indirect_dma semaphore(%arg13 : memref<!tpu.dma_semaphore, #tpu.memory_space<semaphore_mem>>) src(%dma_wait3A_112 : memref<10000x128xf32, #tpu.memory_space<hbm>>) dst(%dma_wait3A_106 : memref<128x128xf32, #tpu.memory_space<vmem>>)
    %run_scoped3A_113 = arith.constant 1 : i32
    %run_scoped3A_114 = arith.constant 39 : i32
    "tpu.region"() ({
      %run_scoped3A_123 = tpu.sem_alloc : memref<!tpu.dma_semaphore, #tpu.memory_space<semaphore_mem>>
      %dma_start3A_124 = arith.constant 0 : i32
      %dma_start3A_125 = arith.constant 0 : i32
      %dma_start3A_126 = tpu.memref_slice %arg10[%run_scoped3A_113, %dma_start3A_124, %dma_start3A_125] : memref<2x128x128xf32, #tpu.memory_space<vmem>> -> memref<1x128x128xf32, #tpu.memory_space<vmem>>
      %dma_start3A_127 = tpu.memref_squeeze %dma_start3A_126 : memref<1x128x128xf32, #tpu.memory_space<vmem>> -> memref<128x128xf32, #tpu.memory_space<vmem>>
      %dma_start3A_128 = arith.constant 0 : i32
      %dma_start3A_129 = tpu.memref_slice %arg9[%run_scoped3A_114, %dma_start3A_128] : memref<40x128xi32, #tpu.memory_space<vmem>> -> memref<1x128xi32, #tpu.memory_space<vmem>>
      %dma_start3A_130 = tpu.memref_squeeze %dma_start3A_129 : memref<1x128xi32, #tpu.memory_space<vmem>> -> memref<128xi32, #tpu.memory_space<vmem>>
      %dma_start3A_131 = arith.constant 0 : i32
      %dma_start3A_132 = arith.constant 0 : i32
      %dma_start3A_133 = tpu.memref_slice %arg11[%dma_start3A_131, %dma_start3A_132] : memref<10112x128xf32, #tpu.memory_space<vmem_shared>> -> memref<10112x128xf32, #tpu.memory_space<vmem_shared>>
      tpu.enqueue_indirect_dma source(%dma_start3A_127 : memref<128x128xf32, #tpu.memory_space<vmem>>) target(%dma_start3A_133 : memref<10112x128xf32, #tpu.memory_space<vmem_shared>>) offsets(%dma_start3A_130 : memref<128xi32, #tpu.memory_space<vmem>>) semaphore(%run_scoped3A_123 : memref<!tpu.dma_semaphore, #tpu.memory_space<semaphore_mem>>) {add = true}
      %dma_wait3A_134 = arith.constant 0 : i32
      %dma_wait3A_135 = arith.constant 0 : i32
      %dma_wait3A_136 = tpu.memref_slice %arg10[%run_scoped3A_113, %dma_wait3A_134, %dma_wait3A_135] : memref<2x128x128xf32, #tpu.memory_space<vmem>> -> memref<1x128x128xf32, #tpu.memory_space<vmem>>
      %dma_wait3A_137 = tpu.memref_squeeze %dma_wait3A_136 : memref<1x128x128xf32, #tpu.memory_space<vmem>> -> memref<128x128xf32, #tpu.memory_space<vmem>>
      %dma_wait3A_138 = arith.constant 0 : i32
      %dma_wait3A_139 = tpu.memref_slice %arg9[%run_scoped3A_114, %dma_wait3A_138] : memref<40x128xi32, #tpu.memory_space<vmem>> -> memref<1x128xi32, #tpu.memory_space<vmem>>
      %dma_wait3A_140 = tpu.memref_squeeze %dma_wait3A_139 : memref<1x128xi32, #tpu.memory_space<vmem>> -> memref<128xi32, #tpu.memory_space<vmem>>
      %dma_wait3A_141 = arith.constant 0 : i32
      %dma_wait3A_142 = arith.constant 0 : i32
      %dma_wait3A_143 = tpu.memref_slice %arg11[%dma_wait3A_141, %dma_wait3A_142] : memref<10112x128xf32, #tpu.memory_space<vmem_shared>> -> memref<10112x128xf32, #tpu.memory_space<vmem_shared>>
      tpu.wait_indirect_dma semaphore(%run_scoped3A_123 : memref<!tpu.dma_semaphore, #tpu.memory_space<semaphore_mem>>) src(%dma_wait3A_137 : memref<128x128xf32, #tpu.memory_space<vmem>>) dst(%dma_wait3A_143 : memref<10112x128xf32, #tpu.memory_space<vmem_shared>>)
      tpu.yield
    }) : () -> ()
    %barrier3A_115 = arith.constant 0 : index
    tpu.barrier barrier_id(%barrier3A_115)
    %eq3A = arith.constant 0 : i32
    %eq3A_116 = arith.cmpi eq, %arg0, %eq3A : i32
    %convert_element_type3A = arith.extui %eq3A_116 : i1 to i32
    %cond3A = arith.constant 0 : i32
    %cond3A_117 = arith.cmpi ne, %convert_element_type3A, %cond3A : i32
    scf.if %cond3A_117 {
      "tpu.region"() ({
        %run_scoped3A_123 = tpu.sem_alloc : memref<!tpu.dma_semaphore, #tpu.memory_space<semaphore_mem>>
        %dma_start3A_124 = arith.constant 0 : i32
        %dma_start3A_125 = tpu.memref_slice %arg6[%mul3A_2, %dma_start3A_124] : memref<10112x128xf32, #tpu.memory_space<hbm>> -> memref<632x128xf32, #tpu.memory_space<hbm>>
        %dma_start3A_126 = arith.constant 0 : i32
        %dma_start3A_127 = tpu.memref_slice %arg11[%mul3A_2, %dma_start3A_126] : memref<10112x128xf32, #tpu.memory_space<vmem_shared>> -> memref<632x128xf32, #tpu.memory_space<vmem_shared>>
        tpu.enqueue_dma source(%dma_start3A_127 : memref<632x128xf32, #tpu.memory_space<vmem_shared>>) target(%dma_start3A_125 : memref<632x128xf32, #tpu.memory_space<hbm>>) target_semaphore(%run_scoped3A_123 : memref<!tpu.dma_semaphore, #tpu.memory_space<semaphore_mem>>)
        %dma_wait3A_128 = arith.constant 0 : i32
        %dma_wait3A_129 = tpu.memref_slice %arg6[%mul3A_2, %dma_wait3A_128] : memref<10112x128xf32, #tpu.memory_space<hbm>> -> memref<632x128xf32, #tpu.memory_space<hbm>>
        %dma_wait3A_130 = arith.constant 0 : i32
        %dma_wait3A_131 = tpu.memref_slice %arg11[%mul3A_2, %dma_wait3A_130] : memref<10112x128xf32, #tpu.memory_space<vmem_shared>> -> memref<632x128xf32, #tpu.memory_space<vmem_shared>>
        tpu.wait_dma2 semaphore(%run_scoped3A_123 : memref<!tpu.dma_semaphore, #tpu.memory_space<semaphore_mem>>) src(%dma_wait3A_131 : memref<632x128xf32, #tpu.memory_space<vmem_shared>>) dst(%dma_wait3A_129 : memref<632x128xf32, #tpu.memory_space<hbm>>)
        tpu.yield
      }) : () -> ()
    } else {
    }
    %eq3A_118 = arith.constant 1 : i32
    %eq3A_119 = arith.cmpi eq, %arg0, %eq3A_118 : i32
    %convert_element_type3A_120 = arith.extui %eq3A_119 : i1 to i32
    %cond3A_121 = arith.constant 0 : i32
    %cond3A_122 = arith.cmpi ne, %convert_element_type3A_120, %cond3A_121 : i32
    scf.if %cond3A_122 {
      "tpu.region"() ({
        %run_scoped3A_123 = tpu.sem_alloc : memref<!tpu.dma_semaphore, #tpu.memory_space<semaphore_mem>>
        %dma_start3A_124 = arith.constant 0 : i32
        %dma_start3A_125 = tpu.memref_slice %arg7[%mul3A_2, %dma_start3A_124] : memref<10112x128xf32, #tpu.memory_space<hbm>> -> memref<632x128xf32, #tpu.memory_space<hbm>>
        %dma_start3A_126 = arith.constant 0 : i32
        %dma_start3A_127 = tpu.memref_slice %arg11[%mul3A_2, %dma_start3A_126] : memref<10112x128xf32, #tpu.memory_space<vmem_shared>> -> memref<632x128xf32, #tpu.memory_space<vmem_shared>>
        tpu.enqueue_dma source(%dma_start3A_127 : memref<632x128xf32, #tpu.memory_space<vmem_shared>>) target(%dma_start3A_125 : memref<632x128xf32, #tpu.memory_space<hbm>>) target_semaphore(%run_scoped3A_123 : memref<!tpu.dma_semaphore, #tpu.memory_space<semaphore_mem>>)
        %dma_wait3A_128 = arith.constant 0 : i32
        %dma_wait3A_129 = tpu.memref_slice %arg7[%mul3A_2, %dma_wait3A_128] : memref<10112x128xf32, #tpu.memory_space<hbm>> -> memref<632x128xf32, #tpu.memory_space<hbm>>
        %dma_wait3A_130 = arith.constant 0 : i32
        %dma_wait3A_131 = tpu.memref_slice %arg11[%mul3A_2, %dma_wait3A_130] : memref<10112x128xf32, #tpu.memory_space<vmem_shared>> -> memref<632x128xf32, #tpu.memory_space<vmem_shared>>
        tpu.wait_dma2 semaphore(%run_scoped3A_123 : memref<!tpu.dma_semaphore, #tpu.memory_space<semaphore_mem>>) src(%dma_wait3A_131 : memref<632x128xf32, #tpu.memory_space<vmem_shared>>) dst(%dma_wait3A_129 : memref<632x128xf32, #tpu.memory_space<hbm>>)
        tpu.yield
      }) : () -> ()
    } else {
    }
    return
  }
}

#map = affine_map<(d0, d1) -> (0, 0)>
#map1 = affine_map<(d0, d1) -> (0, 0, 0)>
module attributes {stable_mosaic.version = 14 : i64} {
  func.func @agg_kernel(%arg0: i32, %arg1: i32, %arg2: memref<128x128xf32, #tpu.memory_space<hbm>>, %arg3: memref<32x80x128xi32, #tpu.memory_space<hbm>>, %arg4: memref<32x80x128xi32, #tpu.memory_space<hbm>>, %arg5: memref<10112x128xf32, #tpu.memory_space<hbm>>, %arg6: memref<10112x128xf32, #tpu.memory_space<hbm>>, %arg7: memref<10112x128xf32, #tpu.memory_space<hbm>>, %arg8: memref<40x128xi32, #tpu.memory_space<vmem>>, %arg9: memref<40x128xi32, #tpu.memory_space<vmem>>, %arg10: memref<2x128x128xf32, #tpu.memory_space<vmem>>, %arg11: memref<10112x128xf32, #tpu.memory_space<vmem_shared>>, %arg12: memref<!tpu.dma_semaphore, #tpu.memory_space<semaphore_mem>>, %arg13: memref<!tpu.dma_semaphore, #tpu.memory_space<semaphore_mem>>) attributes {dimension_semantics = [#tpu.dimension_semantics<core_parallel>, #tpu.dimension_semantics<subcore_parallel>], iteration_bounds = array<i64: 2, 16>, scalar_prefetch = 0 : i64, scratch_operands = 6 : i64, tpu.core_type = #tpu.core_type<sc_vector_subcore>, window_params = [{transform_indices = #map}, {transform_indices = #map1}, {transform_indices = #map1}, {transform_indices = #map}, {transform_indices = #map}, {transform_indices = #map}]} {
    %mul3A = arith.constant 16 : i32
    %mul3A_0 = arith.muli %arg0, %mul3A : i32
    %add3A = arith.addi %mul3A_0, %arg1 : i32
    %mul3A_1 = arith.constant 632 : i32
    %mul3A_2 = arith.muli %arg1, %mul3A_1 : i32
    "tpu.region"() ({
      %run_scoped3A_22 = tpu.sem_alloc : memref<!tpu.dma_semaphore, #tpu.memory_space<semaphore_mem>>
      %dma_start3A = arith.constant 0 : i32
      %dma_start3A_23 = tpu.memref_slice %arg11[%mul3A_2, %dma_start3A] : memref<10112x128xf32, #tpu.memory_space<vmem_shared>> -> memref<632x128xf32, #tpu.memory_space<vmem_shared>>
      %dma_start3A_24 = arith.constant 0 : i32
      %dma_start3A_25 = tpu.memref_slice %arg5[%mul3A_2, %dma_start3A_24] : memref<10112x128xf32, #tpu.memory_space<hbm>> -> memref<632x128xf32, #tpu.memory_space<hbm>>
      tpu.enqueue_dma source(%dma_start3A_25 : memref<632x128xf32, #tpu.memory_space<hbm>>) target(%dma_start3A_23 : memref<632x128xf32, #tpu.memory_space<vmem_shared>>) target_semaphore(%run_scoped3A_22 : memref<!tpu.dma_semaphore, #tpu.memory_space<semaphore_mem>>)
      %dma_wait3A = arith.constant 0 : i32
      %dma_wait3A_26 = tpu.memref_slice %arg11[%mul3A_2, %dma_wait3A] : memref<10112x128xf32, #tpu.memory_space<vmem_shared>> -> memref<632x128xf32, #tpu.memory_space<vmem_shared>>
      %dma_wait3A_27 = arith.constant 0 : i32
      %dma_wait3A_28 = tpu.memref_slice %arg5[%mul3A_2, %dma_wait3A_27] : memref<10112x128xf32, #tpu.memory_space<hbm>> -> memref<632x128xf32, #tpu.memory_space<hbm>>
      tpu.wait_dma2 semaphore(%run_scoped3A_22 : memref<!tpu.dma_semaphore, #tpu.memory_space<semaphore_mem>>) src(%dma_wait3A_28 : memref<632x128xf32, #tpu.memory_space<hbm>>) dst(%dma_wait3A_26 : memref<632x128xf32, #tpu.memory_space<vmem_shared>>)
      tpu.yield
    }) : () -> ()
    %run_scoped3A = arith.constant 0 : i32
    "tpu.region"() ({
      %run_scoped3A_22 = tpu.sem_alloc : memref<!tpu.dma_semaphore, #tpu.memory_space<semaphore_mem>>
      %dma_start3A = arith.constant 0 : i32
      %dma_start3A_23 = arith.constant 0 : i32
      %dma_start3A_24 = tpu.memref_slice %arg10[%run_scoped3A, %dma_start3A, %dma_start3A_23] : memref<2x128x128xf32, #tpu.memory_space<vmem>> -> memref<1x128x128xf32, #tpu.memory_space<vmem>>
      %dma_start3A_25 = tpu.memref_squeeze %dma_start3A_24 : memref<1x128x128xf32, #tpu.memory_space<vmem>> -> memref<128x128xf32, #tpu.memory_space<vmem>>
      %dma_start3A_26 = arith.constant 0 : i32
      %dma_start3A_27 = arith.constant 0 : i32
      %dma_start3A_28 = tpu.memref_slice %arg10[%run_scoped3A, %dma_start3A_26, %dma_start3A_27] : memref<2x128x128xf32, #tpu.memory_space<vmem>> -> memref<1x128x128xf32, #tpu.memory_space<vmem>>
      %dma_start3A_29 = tpu.memref_squeeze %dma_start3A_28 : memref<1x128x128xf32, #tpu.memory_space<vmem>> -> memref<128x128xf32, #tpu.memory_space<vmem>>
      tpu.enqueue_dma source(%arg2 : memref<128x128xf32, #tpu.memory_space<hbm>>) target(%dma_start3A_29 : memref<128x128xf32, #tpu.memory_space<vmem>>) target_semaphore(%run_scoped3A_22 : memref<!tpu.dma_semaphore, #tpu.memory_space<semaphore_mem>>)
      %dma_wait3A = arith.constant 0 : i32
      %dma_wait3A_30 = arith.constant 0 : i32
      %dma_wait3A_31 = tpu.memref_slice %arg10[%run_scoped3A, %dma_wait3A, %dma_wait3A_30] : memref<2x128x128xf32, #tpu.memory_space<vmem>> -> memref<1x128x128xf32, #tpu.memory_space<vmem>>
      %dma_wait3A_32 = tpu.memref_squeeze %dma_wait3A_31 : memref<1x128x128xf32, #tpu.memory_space<vmem>> -> memref<128x128xf32, #tpu.memory_space<vmem>>
      %dma_wait3A_33 = arith.constant 0 : i32
      %dma_wait3A_34 = arith.constant 0 : i32
      %dma_wait3A_35 = tpu.memref_slice %arg10[%run_scoped3A, %dma_wait3A_33, %dma_wait3A_34] : memref<2x128x128xf32, #tpu.memory_space<vmem>> -> memref<1x128x128xf32, #tpu.memory_space<vmem>>
      %dma_wait3A_36 = tpu.memref_squeeze %dma_wait3A_35 : memref<1x128x128xf32, #tpu.memory_space<vmem>> -> memref<128x128xf32, #tpu.memory_space<vmem>>
      tpu.wait_dma2 semaphore(%run_scoped3A_22 : memref<!tpu.dma_semaphore, #tpu.memory_space<semaphore_mem>>) src(%arg2 : memref<128x128xf32, #tpu.memory_space<hbm>>) dst(%dma_wait3A_36 : memref<128x128xf32, #tpu.memory_space<vmem>>)
      tpu.yield
    }) : () -> ()
    %barrier3A = arith.constant 0 : index
    tpu.barrier barrier_id(%barrier3A)
    "tpu.region"() ({
      %run_scoped3A_22 = tpu.sem_alloc : memref<!tpu.dma_semaphore, #tpu.memory_space<semaphore_mem>>
      %dma_start3A = arith.constant 0 : i32
      %dma_start3A_23 = arith.constant 0 : i32
      %dma_start3A_24 = tpu.memref_slice %arg4[%add3A, %dma_start3A, %dma_start3A_23] : memref<32x80x128xi32, #tpu.memory_space<hbm>> -> memref<1x40x128xi32, #tpu.memory_space<hbm>>
      %dma_start3A_25 = tpu.memref_squeeze %dma_start3A_24 : memref<1x40x128xi32, #tpu.memory_space<hbm>> -> memref<40x128xi32, #tpu.memory_space<hbm>>
      %dma_start3A_26 = arith.constant 0 : i32
      %dma_start3A_27 = arith.constant 0 : i32
      %dma_start3A_28 = tpu.memref_slice %arg4[%add3A, %dma_start3A_26, %dma_start3A_27] : memref<32x80x128xi32, #tpu.memory_space<hbm>> -> memref<1x40x128xi32, #tpu.memory_space<hbm>>
      %dma_start3A_29 = tpu.memref_squeeze %dma_start3A_28 : memref<1x40x128xi32, #tpu.memory_space<hbm>> -> memref<40x128xi32, #tpu.memory_space<hbm>>
      tpu.enqueue_dma source(%dma_start3A_29 : memref<40x128xi32, #tpu.memory_space<hbm>>) target(%arg9 : memref<40x128xi32, #tpu.memory_space<vmem>>) target_semaphore(%run_scoped3A_22 : memref<!tpu.dma_semaphore, #tpu.memory_space<semaphore_mem>>)
      %dma_wait3A = arith.constant 0 : i32
      %dma_wait3A_30 = arith.constant 0 : i32
      %dma_wait3A_31 = tpu.memref_slice %arg4[%add3A, %dma_wait3A, %dma_wait3A_30] : memref<32x80x128xi32, #tpu.memory_space<hbm>> -> memref<1x40x128xi32, #tpu.memory_space<hbm>>
      %dma_wait3A_32 = tpu.memref_squeeze %dma_wait3A_31 : memref<1x40x128xi32, #tpu.memory_space<hbm>> -> memref<40x128xi32, #tpu.memory_space<hbm>>
      %dma_wait3A_33 = arith.constant 0 : i32
      %dma_wait3A_34 = arith.constant 0 : i32
      %dma_wait3A_35 = tpu.memref_slice %arg4[%add3A, %dma_wait3A_33, %dma_wait3A_34] : memref<32x80x128xi32, #tpu.memory_space<hbm>> -> memref<1x40x128xi32, #tpu.memory_space<hbm>>
      %dma_wait3A_36 = tpu.memref_squeeze %dma_wait3A_35 : memref<1x40x128xi32, #tpu.memory_space<hbm>> -> memref<40x128xi32, #tpu.memory_space<hbm>>
      tpu.wait_dma2 semaphore(%run_scoped3A_22 : memref<!tpu.dma_semaphore, #tpu.memory_space<semaphore_mem>>) src(%dma_wait3A_36 : memref<40x128xi32, #tpu.memory_space<hbm>>) dst(%arg9 : memref<40x128xi32, #tpu.memory_space<vmem>>)
      tpu.yield
    }) : () -> ()
    %scan3A = arith.constant 0 : i32
    %scan3A_3 = arith.constant 0 : i32
    %scan3A_4 = arith.constant 40 : i32
    %scan3A_5 = arith.addi %scan3A_3, %scan3A_4 : i32
    %scan3A_6 = arith.constant 1 : i32
    scf.for %scan3A_22 = %scan3A_3 to %scan3A_5 step %scan3A_6  : i32 {
      %run_scoped3A_23 = arith.constant 0 : i32
      "tpu.region"() ({
        %run_scoped3A_24 = tpu.sem_alloc : memref<!tpu.dma_semaphore, #tpu.memory_space<semaphore_mem>>
        %dma_start3A = arith.constant 0 : i32
        %dma_start3A_25 = arith.constant 0 : i32
        %dma_start3A_26 = tpu.memref_slice %arg10[%run_scoped3A_23, %dma_start3A, %dma_start3A_25] : memref<2x128x128xf32, #tpu.memory_space<vmem>> -> memref<1x128x128xf32, #tpu.memory_space<vmem>>
        %dma_start3A_27 = tpu.memref_squeeze %dma_start3A_26 : memref<1x128x128xf32, #tpu.memory_space<vmem>> -> memref<128x128xf32, #tpu.memory_space<vmem>>
        %dma_start3A_28 = arith.constant 0 : i32
        %dma_start3A_29 = tpu.memref_slice %arg9[%scan3A_22, %dma_start3A_28] : memref<40x128xi32, #tpu.memory_space<vmem>> -> memref<1x128xi32, #tpu.memory_space<vmem>>
        %dma_start3A_30 = tpu.memref_squeeze %dma_start3A_29 : memref<1x128xi32, #tpu.memory_space<vmem>> -> memref<128xi32, #tpu.memory_space<vmem>>
        %dma_start3A_31 = arith.constant 0 : i32
        %dma_start3A_32 = arith.constant 0 : i32
        %dma_start3A_33 = tpu.memref_slice %arg11[%dma_start3A_31, %dma_start3A_32] : memref<10112x128xf32, #tpu.memory_space<vmem_shared>> -> memref<10112x128xf32, #tpu.memory_space<vmem_shared>>
        tpu.enqueue_indirect_dma source(%dma_start3A_27 : memref<128x128xf32, #tpu.memory_space<vmem>>) target(%dma_start3A_33 : memref<10112x128xf32, #tpu.memory_space<vmem_shared>>) offsets(%dma_start3A_30 : memref<128xi32, #tpu.memory_space<vmem>>) semaphore(%run_scoped3A_24 : memref<!tpu.dma_semaphore, #tpu.memory_space<semaphore_mem>>) {add = true}
        %dma_wait3A = arith.constant 0 : i32
        %dma_wait3A_34 = arith.constant 0 : i32
        %dma_wait3A_35 = tpu.memref_slice %arg10[%run_scoped3A_23, %dma_wait3A, %dma_wait3A_34] : memref<2x128x128xf32, #tpu.memory_space<vmem>> -> memref<1x128x128xf32, #tpu.memory_space<vmem>>
        %dma_wait3A_36 = tpu.memref_squeeze %dma_wait3A_35 : memref<1x128x128xf32, #tpu.memory_space<vmem>> -> memref<128x128xf32, #tpu.memory_space<vmem>>
        %dma_wait3A_37 = arith.constant 0 : i32
        %dma_wait3A_38 = tpu.memref_slice %arg9[%scan3A_22, %dma_wait3A_37] : memref<40x128xi32, #tpu.memory_space<vmem>> -> memref<1x128xi32, #tpu.memory_space<vmem>>
        %dma_wait3A_39 = tpu.memref_squeeze %dma_wait3A_38 : memref<1x128xi32, #tpu.memory_space<vmem>> -> memref<128xi32, #tpu.memory_space<vmem>>
        %dma_wait3A_40 = arith.constant 0 : i32
        %dma_wait3A_41 = arith.constant 0 : i32
        %dma_wait3A_42 = tpu.memref_slice %arg11[%dma_wait3A_40, %dma_wait3A_41] : memref<10112x128xf32, #tpu.memory_space<vmem_shared>> -> memref<10112x128xf32, #tpu.memory_space<vmem_shared>>
        tpu.wait_indirect_dma semaphore(%run_scoped3A_24 : memref<!tpu.dma_semaphore, #tpu.memory_space<semaphore_mem>>) src(%dma_wait3A_36 : memref<128x128xf32, #tpu.memory_space<vmem>>) dst(%dma_wait3A_42 : memref<10112x128xf32, #tpu.memory_space<vmem_shared>>)
        tpu.yield
      }) : () -> ()
    }
    %scan3A_7 = arith.constant 40 : i32
    "tpu.region"() ({
      %run_scoped3A_22 = tpu.sem_alloc : memref<!tpu.dma_semaphore, #tpu.memory_space<semaphore_mem>>
      %dma_start3A = arith.constant 40 : i32
      %dma_start3A_23 = arith.constant 0 : i32
      %dma_start3A_24 = tpu.memref_slice %arg4[%add3A, %dma_start3A, %dma_start3A_23] : memref<32x80x128xi32, #tpu.memory_space<hbm>> -> memref<1x40x128xi32, #tpu.memory_space<hbm>>
      %dma_start3A_25 = tpu.memref_squeeze %dma_start3A_24 : memref<1x40x128xi32, #tpu.memory_space<hbm>> -> memref<40x128xi32, #tpu.memory_space<hbm>>
      %dma_start3A_26 = arith.constant 40 : i32
      %dma_start3A_27 = arith.constant 0 : i32
      %dma_start3A_28 = tpu.memref_slice %arg4[%add3A, %dma_start3A_26, %dma_start3A_27] : memref<32x80x128xi32, #tpu.memory_space<hbm>> -> memref<1x40x128xi32, #tpu.memory_space<hbm>>
      %dma_start3A_29 = tpu.memref_squeeze %dma_start3A_28 : memref<1x40x128xi32, #tpu.memory_space<hbm>> -> memref<40x128xi32, #tpu.memory_space<hbm>>
      tpu.enqueue_dma source(%dma_start3A_29 : memref<40x128xi32, #tpu.memory_space<hbm>>) target(%arg9 : memref<40x128xi32, #tpu.memory_space<vmem>>) target_semaphore(%run_scoped3A_22 : memref<!tpu.dma_semaphore, #tpu.memory_space<semaphore_mem>>)
      %dma_wait3A = arith.constant 40 : i32
      %dma_wait3A_30 = arith.constant 0 : i32
      %dma_wait3A_31 = tpu.memref_slice %arg4[%add3A, %dma_wait3A, %dma_wait3A_30] : memref<32x80x128xi32, #tpu.memory_space<hbm>> -> memref<1x40x128xi32, #tpu.memory_space<hbm>>
      %dma_wait3A_32 = tpu.memref_squeeze %dma_wait3A_31 : memref<1x40x128xi32, #tpu.memory_space<hbm>> -> memref<40x128xi32, #tpu.memory_space<hbm>>
      %dma_wait3A_33 = arith.constant 40 : i32
      %dma_wait3A_34 = arith.constant 0 : i32
      %dma_wait3A_35 = tpu.memref_slice %arg4[%add3A, %dma_wait3A_33, %dma_wait3A_34] : memref<32x80x128xi32, #tpu.memory_space<hbm>> -> memref<1x40x128xi32, #tpu.memory_space<hbm>>
      %dma_wait3A_36 = tpu.memref_squeeze %dma_wait3A_35 : memref<1x40x128xi32, #tpu.memory_space<hbm>> -> memref<40x128xi32, #tpu.memory_space<hbm>>
      tpu.wait_dma2 semaphore(%run_scoped3A_22 : memref<!tpu.dma_semaphore, #tpu.memory_space<semaphore_mem>>) src(%dma_wait3A_36 : memref<40x128xi32, #tpu.memory_space<hbm>>) dst(%arg9 : memref<40x128xi32, #tpu.memory_space<vmem>>)
      tpu.yield
    }) : () -> ()
    %scan3A_8 = arith.constant 0 : i32
    %scan3A_9 = arith.constant 0 : i32
    %scan3A_10 = arith.constant 40 : i32
    %scan3A_11 = arith.addi %scan3A_9, %scan3A_10 : i32
    %scan3A_12 = arith.constant 1 : i32
    scf.for %scan3A_22 = %scan3A_9 to %scan3A_11 step %scan3A_12  : i32 {
      %run_scoped3A_23 = arith.constant 0 : i32
      "tpu.region"() ({
        %run_scoped3A_24 = tpu.sem_alloc : memref<!tpu.dma_semaphore, #tpu.memory_space<semaphore_mem>>
        %dma_start3A = arith.constant 0 : i32
        %dma_start3A_25 = arith.constant 0 : i32
        %dma_start3A_26 = tpu.memref_slice %arg10[%run_scoped3A_23, %dma_start3A, %dma_start3A_25] : memref<2x128x128xf32, #tpu.memory_space<vmem>> -> memref<1x128x128xf32, #tpu.memory_space<vmem>>
        %dma_start3A_27 = tpu.memref_squeeze %dma_start3A_26 : memref<1x128x128xf32, #tpu.memory_space<vmem>> -> memref<128x128xf32, #tpu.memory_space<vmem>>
        %dma_start3A_28 = arith.constant 0 : i32
        %dma_start3A_29 = tpu.memref_slice %arg9[%scan3A_22, %dma_start3A_28] : memref<40x128xi32, #tpu.memory_space<vmem>> -> memref<1x128xi32, #tpu.memory_space<vmem>>
        %dma_start3A_30 = tpu.memref_squeeze %dma_start3A_29 : memref<1x128xi32, #tpu.memory_space<vmem>> -> memref<128xi32, #tpu.memory_space<vmem>>
        %dma_start3A_31 = arith.constant 0 : i32
        %dma_start3A_32 = arith.constant 0 : i32
        %dma_start3A_33 = tpu.memref_slice %arg11[%dma_start3A_31, %dma_start3A_32] : memref<10112x128xf32, #tpu.memory_space<vmem_shared>> -> memref<10112x128xf32, #tpu.memory_space<vmem_shared>>
        tpu.enqueue_indirect_dma source(%dma_start3A_27 : memref<128x128xf32, #tpu.memory_space<vmem>>) target(%dma_start3A_33 : memref<10112x128xf32, #tpu.memory_space<vmem_shared>>) offsets(%dma_start3A_30 : memref<128xi32, #tpu.memory_space<vmem>>) semaphore(%run_scoped3A_24 : memref<!tpu.dma_semaphore, #tpu.memory_space<semaphore_mem>>) {add = true}
        %dma_wait3A = arith.constant 0 : i32
        %dma_wait3A_34 = arith.constant 0 : i32
        %dma_wait3A_35 = tpu.memref_slice %arg10[%run_scoped3A_23, %dma_wait3A, %dma_wait3A_34] : memref<2x128x128xf32, #tpu.memory_space<vmem>> -> memref<1x128x128xf32, #tpu.memory_space<vmem>>
        %dma_wait3A_36 = tpu.memref_squeeze %dma_wait3A_35 : memref<1x128x128xf32, #tpu.memory_space<vmem>> -> memref<128x128xf32, #tpu.memory_space<vmem>>
        %dma_wait3A_37 = arith.constant 0 : i32
        %dma_wait3A_38 = tpu.memref_slice %arg9[%scan3A_22, %dma_wait3A_37] : memref<40x128xi32, #tpu.memory_space<vmem>> -> memref<1x128xi32, #tpu.memory_space<vmem>>
        %dma_wait3A_39 = tpu.memref_squeeze %dma_wait3A_38 : memref<1x128xi32, #tpu.memory_space<vmem>> -> memref<128xi32, #tpu.memory_space<vmem>>
        %dma_wait3A_40 = arith.constant 0 : i32
        %dma_wait3A_41 = arith.constant 0 : i32
        %dma_wait3A_42 = tpu.memref_slice %arg11[%dma_wait3A_40, %dma_wait3A_41] : memref<10112x128xf32, #tpu.memory_space<vmem_shared>> -> memref<10112x128xf32, #tpu.memory_space<vmem_shared>>
        tpu.wait_indirect_dma semaphore(%run_scoped3A_24 : memref<!tpu.dma_semaphore, #tpu.memory_space<semaphore_mem>>) src(%dma_wait3A_36 : memref<128x128xf32, #tpu.memory_space<vmem>>) dst(%dma_wait3A_42 : memref<10112x128xf32, #tpu.memory_space<vmem_shared>>)
        tpu.yield
      }) : () -> ()
    }
    %scan3A_13 = arith.constant 40 : i32
    %barrier3A_14 = arith.constant 0 : index
    tpu.barrier barrier_id(%barrier3A_14)
    %eq3A = arith.constant 0 : i32
    %eq3A_15 = arith.cmpi eq, %arg0, %eq3A : i32
    %convert_element_type3A = arith.extui %eq3A_15 : i1 to i32
    %cond3A = arith.constant 0 : i32
    %cond3A_16 = arith.cmpi ne, %convert_element_type3A, %cond3A : i32
    scf.if %cond3A_16 {
      "tpu.region"() ({
        %run_scoped3A_22 = tpu.sem_alloc : memref<!tpu.dma_semaphore, #tpu.memory_space<semaphore_mem>>
        %dma_start3A = arith.constant 0 : i32
        %dma_start3A_23 = tpu.memref_slice %arg6[%mul3A_2, %dma_start3A] : memref<10112x128xf32, #tpu.memory_space<hbm>> -> memref<632x128xf32, #tpu.memory_space<hbm>>
        %dma_start3A_24 = arith.constant 0 : i32
        %dma_start3A_25 = tpu.memref_slice %arg11[%mul3A_2, %dma_start3A_24] : memref<10112x128xf32, #tpu.memory_space<vmem_shared>> -> memref<632x128xf32, #tpu.memory_space<vmem_shared>>
        tpu.enqueue_dma source(%dma_start3A_25 : memref<632x128xf32, #tpu.memory_space<vmem_shared>>) target(%dma_start3A_23 : memref<632x128xf32, #tpu.memory_space<hbm>>) target_semaphore(%run_scoped3A_22 : memref<!tpu.dma_semaphore, #tpu.memory_space<semaphore_mem>>)
        %dma_wait3A = arith.constant 0 : i32
        %dma_wait3A_26 = tpu.memref_slice %arg6[%mul3A_2, %dma_wait3A] : memref<10112x128xf32, #tpu.memory_space<hbm>> -> memref<632x128xf32, #tpu.memory_space<hbm>>
        %dma_wait3A_27 = arith.constant 0 : i32
        %dma_wait3A_28 = tpu.memref_slice %arg11[%mul3A_2, %dma_wait3A_27] : memref<10112x128xf32, #tpu.memory_space<vmem_shared>> -> memref<632x128xf32, #tpu.memory_space<vmem_shared>>
        tpu.wait_dma2 semaphore(%run_scoped3A_22 : memref<!tpu.dma_semaphore, #tpu.memory_space<semaphore_mem>>) src(%dma_wait3A_28 : memref<632x128xf32, #tpu.memory_space<vmem_shared>>) dst(%dma_wait3A_26 : memref<632x128xf32, #tpu.memory_space<hbm>>)
        tpu.yield
      }) : () -> ()
    } else {
    }
    %eq3A_17 = arith.constant 1 : i32
    %eq3A_18 = arith.cmpi eq, %arg0, %eq3A_17 : i32
    %convert_element_type3A_19 = arith.extui %eq3A_18 : i1 to i32
    %cond3A_20 = arith.constant 0 : i32
    %cond3A_21 = arith.cmpi ne, %convert_element_type3A_19, %cond3A_20 : i32
    scf.if %cond3A_21 {
      "tpu.region"() ({
        %run_scoped3A_22 = tpu.sem_alloc : memref<!tpu.dma_semaphore, #tpu.memory_space<semaphore_mem>>
        %dma_start3A = arith.constant 0 : i32
        %dma_start3A_23 = tpu.memref_slice %arg7[%mul3A_2, %dma_start3A] : memref<10112x128xf32, #tpu.memory_space<hbm>> -> memref<632x128xf32, #tpu.memory_space<hbm>>
        %dma_start3A_24 = arith.constant 0 : i32
        %dma_start3A_25 = tpu.memref_slice %arg11[%mul3A_2, %dma_start3A_24] : memref<10112x128xf32, #tpu.memory_space<vmem_shared>> -> memref<632x128xf32, #tpu.memory_space<vmem_shared>>
        tpu.enqueue_dma source(%dma_start3A_25 : memref<632x128xf32, #tpu.memory_space<vmem_shared>>) target(%dma_start3A_23 : memref<632x128xf32, #tpu.memory_space<hbm>>) target_semaphore(%run_scoped3A_22 : memref<!tpu.dma_semaphore, #tpu.memory_space<semaphore_mem>>)
        %dma_wait3A = arith.constant 0 : i32
        %dma_wait3A_26 = tpu.memref_slice %arg7[%mul3A_2, %dma_wait3A] : memref<10112x128xf32, #tpu.memory_space<hbm>> -> memref<632x128xf32, #tpu.memory_space<hbm>>
        %dma_wait3A_27 = arith.constant 0 : i32
        %dma_wait3A_28 = tpu.memref_slice %arg11[%mul3A_2, %dma_wait3A_27] : memref<10112x128xf32, #tpu.memory_space<vmem_shared>> -> memref<632x128xf32, #tpu.memory_space<vmem_shared>>
        tpu.wait_dma2 semaphore(%run_scoped3A_22 : memref<!tpu.dma_semaphore, #tpu.memory_space<semaphore_mem>>) src(%dma_wait3A_28 : memref<632x128xf32, #tpu.memory_space<vmem_shared>>) dst(%dma_wait3A_26 : memref<632x128xf32, #tpu.memory_space<hbm>>)
        tpu.yield
      }) : () -> ()
    } else {
    }
    return
  }
}

#map = affine_map<(d0, d1) -> (0, 0)>
#map1 = affine_map<(d0, d1) -> (0, 0, 0)>
module attributes {stable_mosaic.version = 14 : i64} {
  func.func @agg_kernel(%arg0: i32, %arg1: i32, %arg2: memref<10000x128xf32, #tpu.memory_space<hbm>>, %arg3: memref<32x80x128xi32, #tpu.memory_space<hbm>>, %arg4: memref<32x80x128xi32, #tpu.memory_space<hbm>>, %arg5: memref<10112x128xf32, #tpu.memory_space<hbm>>, %arg6: memref<10112x128xf32, #tpu.memory_space<hbm>>, %arg7: memref<10112x128xf32, #tpu.memory_space<hbm>>, %arg8: memref<40x128xi32, #tpu.memory_space<vmem>>, %arg9: memref<40x128xi32, #tpu.memory_space<vmem>>, %arg10: memref<2x128x128xf32, #tpu.memory_space<vmem>>, %arg11: memref<10112x128xf32, #tpu.memory_space<vmem_shared>>, %arg12: memref<!tpu.dma_semaphore, #tpu.memory_space<semaphore_mem>>, %arg13: memref<!tpu.dma_semaphore, #tpu.memory_space<semaphore_mem>>) attributes {dimension_semantics = [#tpu.dimension_semantics<core_parallel>, #tpu.dimension_semantics<subcore_parallel>], iteration_bounds = array<i64: 2, 16>, scalar_prefetch = 0 : i64, scratch_operands = 6 : i64, tpu.core_type = #tpu.core_type<sc_vector_subcore>, window_params = [{transform_indices = #map}, {transform_indices = #map1}, {transform_indices = #map1}, {transform_indices = #map}, {transform_indices = #map}, {transform_indices = #map}]} {
    %mul3A = arith.constant 16 : i32
    %mul3A_0 = arith.muli %arg0, %mul3A : i32
    %add3A = arith.addi %mul3A_0, %arg1 : i32
    %mul3A_1 = arith.constant 632 : i32
    %mul3A_2 = arith.muli %arg1, %mul3A_1 : i32
    "tpu.region"() ({
      %run_scoped3A_123 = tpu.sem_alloc : memref<!tpu.dma_semaphore, #tpu.memory_space<semaphore_mem>>
      %dma_start3A_124 = arith.constant 0 : i32
      %dma_start3A_125 = tpu.memref_slice %arg11[%mul3A_2, %dma_start3A_124] : memref<10112x128xf32, #tpu.memory_space<vmem_shared>> -> memref<632x128xf32, #tpu.memory_space<vmem_shared>>
      %dma_start3A_126 = arith.constant 0 : i32
      %dma_start3A_127 = tpu.memref_slice %arg5[%mul3A_2, %dma_start3A_126] : memref<10112x128xf32, #tpu.memory_space<hbm>> -> memref<632x128xf32, #tpu.memory_space<hbm>>
      tpu.enqueue_dma source(%dma_start3A_127 : memref<632x128xf32, #tpu.memory_space<hbm>>) target(%dma_start3A_125 : memref<632x128xf32, #tpu.memory_space<vmem_shared>>) target_semaphore(%run_scoped3A_123 : memref<!tpu.dma_semaphore, #tpu.memory_space<semaphore_mem>>)
      %dma_wait3A_128 = arith.constant 0 : i32
      %dma_wait3A_129 = tpu.memref_slice %arg11[%mul3A_2, %dma_wait3A_128] : memref<10112x128xf32, #tpu.memory_space<vmem_shared>> -> memref<632x128xf32, #tpu.memory_space<vmem_shared>>
      %dma_wait3A_130 = arith.constant 0 : i32
      %dma_wait3A_131 = tpu.memref_slice %arg5[%mul3A_2, %dma_wait3A_130] : memref<10112x128xf32, #tpu.memory_space<hbm>> -> memref<632x128xf32, #tpu.memory_space<hbm>>
      tpu.wait_dma2 semaphore(%run_scoped3A_123 : memref<!tpu.dma_semaphore, #tpu.memory_space<semaphore_mem>>) src(%dma_wait3A_131 : memref<632x128xf32, #tpu.memory_space<hbm>>) dst(%dma_wait3A_129 : memref<632x128xf32, #tpu.memory_space<vmem_shared>>)
      tpu.yield
    }) : () -> ()
    %barrier3A = arith.constant 0 : index
    tpu.barrier barrier_id(%barrier3A)
    "tpu.region"() ({
      %run_scoped3A_123 = tpu.sem_alloc : memref<!tpu.dma_semaphore, #tpu.memory_space<semaphore_mem>>
      %dma_start3A_124 = arith.constant 0 : i32
      %dma_start3A_125 = arith.constant 0 : i32
      %dma_start3A_126 = tpu.memref_slice %arg4[%add3A, %dma_start3A_124, %dma_start3A_125] : memref<32x80x128xi32, #tpu.memory_space<hbm>> -> memref<1x40x128xi32, #tpu.memory_space<hbm>>
      %dma_start3A_127 = tpu.memref_squeeze %dma_start3A_126 : memref<1x40x128xi32, #tpu.memory_space<hbm>> -> memref<40x128xi32, #tpu.memory_space<hbm>>
      %dma_start3A_128 = arith.constant 0 : i32
      %dma_start3A_129 = arith.constant 0 : i32
      %dma_start3A_130 = tpu.memref_slice %arg4[%add3A, %dma_start3A_128, %dma_start3A_129] : memref<32x80x128xi32, #tpu.memory_space<hbm>> -> memref<1x40x128xi32, #tpu.memory_space<hbm>>
      %dma_start3A_131 = tpu.memref_squeeze %dma_start3A_130 : memref<1x40x128xi32, #tpu.memory_space<hbm>> -> memref<40x128xi32, #tpu.memory_space<hbm>>
      tpu.enqueue_dma source(%dma_start3A_131 : memref<40x128xi32, #tpu.memory_space<hbm>>) target(%arg9 : memref<40x128xi32, #tpu.memory_space<vmem>>) target_semaphore(%run_scoped3A_123 : memref<!tpu.dma_semaphore, #tpu.memory_space<semaphore_mem>>)
      %dma_wait3A_132 = arith.constant 0 : i32
      %dma_wait3A_133 = arith.constant 0 : i32
      %dma_wait3A_134 = tpu.memref_slice %arg4[%add3A, %dma_wait3A_132, %dma_wait3A_133] : memref<32x80x128xi32, #tpu.memory_space<hbm>> -> memref<1x40x128xi32, #tpu.memory_space<hbm>>
      %dma_wait3A_135 = tpu.memref_squeeze %dma_wait3A_134 : memref<1x40x128xi32, #tpu.memory_space<hbm>> -> memref<40x128xi32, #tpu.memory_space<hbm>>
      %dma_wait3A_136 = arith.constant 0 : i32
      %dma_wait3A_137 = arith.constant 0 : i32
      %dma_wait3A_138 = tpu.memref_slice %arg4[%add3A, %dma_wait3A_136, %dma_wait3A_137] : memref<32x80x128xi32, #tpu.memory_space<hbm>> -> memref<1x40x128xi32, #tpu.memory_space<hbm>>
      %dma_wait3A_139 = tpu.memref_squeeze %dma_wait3A_138 : memref<1x40x128xi32, #tpu.memory_space<hbm>> -> memref<40x128xi32, #tpu.memory_space<hbm>>
      tpu.wait_dma2 semaphore(%run_scoped3A_123 : memref<!tpu.dma_semaphore, #tpu.memory_space<semaphore_mem>>) src(%dma_wait3A_139 : memref<40x128xi32, #tpu.memory_space<hbm>>) dst(%arg9 : memref<40x128xi32, #tpu.memory_space<vmem>>)
      tpu.yield
    }) : () -> ()
    "tpu.region"() ({
      %run_scoped3A_123 = tpu.sem_alloc : memref<!tpu.dma_semaphore, #tpu.memory_space<semaphore_mem>>
      %dma_start3A_124 = arith.constant 0 : i32
      %dma_start3A_125 = arith.constant 0 : i32
      %dma_start3A_126 = tpu.memref_slice %arg3[%add3A, %dma_start3A_124, %dma_start3A_125] : memref<32x80x128xi32, #tpu.memory_space<hbm>> -> memref<1x40x128xi32, #tpu.memory_space<hbm>>
      %dma_start3A_127 = tpu.memref_squeeze %dma_start3A_126 : memref<1x40x128xi32, #tpu.memory_space<hbm>> -> memref<40x128xi32, #tpu.memory_space<hbm>>
      %dma_start3A_128 = arith.constant 0 : i32
      %dma_start3A_129 = arith.constant 0 : i32
      %dma_start3A_130 = tpu.memref_slice %arg3[%add3A, %dma_start3A_128, %dma_start3A_129] : memref<32x80x128xi32, #tpu.memory_space<hbm>> -> memref<1x40x128xi32, #tpu.memory_space<hbm>>
      %dma_start3A_131 = tpu.memref_squeeze %dma_start3A_130 : memref<1x40x128xi32, #tpu.memory_space<hbm>> -> memref<40x128xi32, #tpu.memory_space<hbm>>
      tpu.enqueue_dma source(%dma_start3A_131 : memref<40x128xi32, #tpu.memory_space<hbm>>) target(%arg8 : memref<40x128xi32, #tpu.memory_space<vmem>>) target_semaphore(%run_scoped3A_123 : memref<!tpu.dma_semaphore, #tpu.memory_space<semaphore_mem>>)
      %dma_wait3A_132 = arith.constant 0 : i32
      %dma_wait3A_133 = arith.constant 0 : i32
      %dma_wait3A_134 = tpu.memref_slice %arg3[%add3A, %dma_wait3A_132, %dma_wait3A_133] : memref<32x80x128xi32, #tpu.memory_space<hbm>> -> memref<1x40x128xi32, #tpu.memory_space<hbm>>
      %dma_wait3A_135 = tpu.memref_squeeze %dma_wait3A_134 : memref<1x40x128xi32, #tpu.memory_space<hbm>> -> memref<40x128xi32, #tpu.memory_space<hbm>>
      %dma_wait3A_136 = arith.constant 0 : i32
      %dma_wait3A_137 = arith.constant 0 : i32
      %dma_wait3A_138 = tpu.memref_slice %arg3[%add3A, %dma_wait3A_136, %dma_wait3A_137] : memref<32x80x128xi32, #tpu.memory_space<hbm>> -> memref<1x40x128xi32, #tpu.memory_space<hbm>>
      %dma_wait3A_139 = tpu.memref_squeeze %dma_wait3A_138 : memref<1x40x128xi32, #tpu.memory_space<hbm>> -> memref<40x128xi32, #tpu.memory_space<hbm>>
      tpu.wait_dma2 semaphore(%run_scoped3A_123 : memref<!tpu.dma_semaphore, #tpu.memory_space<semaphore_mem>>) src(%dma_wait3A_139 : memref<40x128xi32, #tpu.memory_space<hbm>>) dst(%arg8 : memref<40x128xi32, #tpu.memory_space<vmem>>)
      tpu.yield
    }) : () -> ()
    %dma_start3A = arith.constant 0 : i32
    %dma_start3A_3 = arith.constant 0 : i32
    %dma_start3A_4 = arith.constant 0 : i32
    %dma_start3A_5 = arith.constant 0 : i32
    %dma_start3A_6 = tpu.memref_slice %arg10[%dma_start3A_3, %dma_start3A_4, %dma_start3A_5] : memref<2x128x128xf32, #tpu.memory_space<vmem>> -> memref<1x128x128xf32, #tpu.memory_space<vmem>>
    %dma_start3A_7 = tpu.memref_squeeze %dma_start3A_6 : memref<1x128x128xf32, #tpu.memory_space<vmem>> -> memref<128x128xf32, #tpu.memory_space<vmem>>
    %dma_start3A_8 = arith.constant 0 : i32
    %dma_start3A_9 = tpu.memref_slice %arg8[%dma_start3A, %dma_start3A_8] : memref<40x128xi32, #tpu.memory_space<vmem>> -> memref<1x128xi32, #tpu.memory_space<vmem>>
    %dma_start3A_10 = tpu.memref_squeeze %dma_start3A_9 : memref<1x128xi32, #tpu.memory_space<vmem>> -> memref<128xi32, #tpu.memory_space<vmem>>
    %dma_start3A_11 = arith.constant 0 : i32
    %dma_start3A_12 = arith.constant 0 : i32
    %dma_start3A_13 = tpu.memref_slice %arg2[%dma_start3A_11, %dma_start3A_12] : memref<10000x128xf32, #tpu.memory_space<hbm>> -> memref<10000x128xf32, #tpu.memory_space<hbm>>
    tpu.enqueue_indirect_dma source(%dma_start3A_13 : memref<10000x128xf32, #tpu.memory_space<hbm>>) target(%dma_start3A_7 : memref<128x128xf32, #tpu.memory_space<vmem>>) offsets(%dma_start3A_10 : memref<128xi32, #tpu.memory_space<vmem>>) semaphore(%arg12 : memref<!tpu.dma_semaphore, #tpu.memory_space<semaphore_mem>>)
    %dma_start3A_14 = arith.constant 1 : i32
    %dma_start3A_15 = arith.constant 1 : i32
    %dma_start3A_16 = arith.constant 0 : i32
    %dma_start3A_17 = arith.constant 0 : i32
    %dma_start3A_18 = tpu.memref_slice %arg10[%dma_start3A_15, %dma_start3A_16, %dma_start3A_17] : memref<2x128x128xf32, #tpu.memory_space<vmem>> -> memref<1x128x128xf32, #tpu.memory_space<vmem>>
    %dma_start3A_19 = tpu.memref_squeeze %dma_start3A_18 : memref<1x128x128xf32, #tpu.memory_space<vmem>> -> memref<128x128xf32, #tpu.memory_space<vmem>>
    %dma_start3A_20 = arith.constant 0 : i32
    %dma_start3A_21 = tpu.memref_slice %arg8[%dma_start3A_14, %dma_start3A_20] : memref<40x128xi32, #tpu.memory_space<vmem>> -> memref<1x128xi32, #tpu.memory_space<vmem>>
    %dma_start3A_22 = tpu.memref_squeeze %dma_start3A_21 : memref<1x128xi32, #tpu.memory_space<vmem>> -> memref<128xi32, #tpu.memory_space<vmem>>
    %dma_start3A_23 = arith.constant 0 : i32
    %dma_start3A_24 = arith.constant 0 : i32
    %dma_start3A_25 = tpu.memref_slice %arg2[%dma_start3A_23, %dma_start3A_24] : memref<10000x128xf32, #tpu.memory_space<hbm>> -> memref<10000x128xf32, #tpu.memory_space<hbm>>
    tpu.enqueue_indirect_dma source(%dma_start3A_25 : memref<10000x128xf32, #tpu.memory_space<hbm>>) target(%dma_start3A_19 : memref<128x128xf32, #tpu.memory_space<vmem>>) offsets(%dma_start3A_22 : memref<128xi32, #tpu.memory_space<vmem>>) semaphore(%arg13 : memref<!tpu.dma_semaphore, #tpu.memory_space<semaphore_mem>>)
    %scan3A = arith.constant 0 : i32
    %scan3A_26 = arith.constant 0 : i32
    %scan3A_27 = arith.constant 19 : i32
    %scan3A_28 = arith.addi %scan3A_26, %scan3A_27 : i32
    %scan3A_29 = arith.constant 1 : i32
    scf.for %scan3A_123 = %scan3A_26 to %scan3A_28 step %scan3A_29  : i32 {
      %mul3A_124 = arith.constant 2 : i32
      %mul3A_125 = arith.muli %scan3A_123, %mul3A_124 : i32
      %add3A_126 = arith.constant 0 : i32
      %add3A_127 = arith.addi %mul3A_125, %add3A_126 : i32
      %dma_wait3A_128 = arith.constant 0 : i32
      %dma_wait3A_129 = arith.constant 0 : i32
      %dma_wait3A_130 = arith.constant 0 : i32
      %dma_wait3A_131 = tpu.memref_slice %arg10[%dma_wait3A_128, %dma_wait3A_129, %dma_wait3A_130] : memref<2x128x128xf32, #tpu.memory_space<vmem>> -> memref<1x128x128xf32, #tpu.memory_space<vmem>>
      %dma_wait3A_132 = tpu.memref_squeeze %dma_wait3A_131 : memref<1x128x128xf32, #tpu.memory_space<vmem>> -> memref<128x128xf32, #tpu.memory_space<vmem>>
      %dma_wait3A_133 = arith.constant 0 : i32
      %dma_wait3A_134 = tpu.memref_slice %arg8[%add3A_127, %dma_wait3A_133] : memref<40x128xi32, #tpu.memory_space<vmem>> -> memref<1x128xi32, #tpu.memory_space<vmem>>
      %dma_wait3A_135 = tpu.memref_squeeze %dma_wait3A_134 : memref<1x128xi32, #tpu.memory_space<vmem>> -> memref<128xi32, #tpu.memory_space<vmem>>
      %dma_wait3A_136 = arith.constant 0 : i32
      %dma_wait3A_137 = arith.constant 0 : i32
      %dma_wait3A_138 = tpu.memref_slice %arg2[%dma_wait3A_136, %dma_wait3A_137] : memref<10000x128xf32, #tpu.memory_space<hbm>> -> memref<10000x128xf32, #tpu.memory_space<hbm>>
      tpu.wait_indirect_dma semaphore(%arg12 : memref<!tpu.dma_semaphore, #tpu.memory_space<semaphore_mem>>) src(%dma_wait3A_138 : memref<10000x128xf32, #tpu.memory_space<hbm>>) dst(%dma_wait3A_132 : memref<128x128xf32, #tpu.memory_space<vmem>>)
      %run_scoped3A_139 = arith.constant 0 : i32
      "tpu.region"() ({
        %run_scoped3A_182 = tpu.sem_alloc : memref<!tpu.dma_semaphore, #tpu.memory_space<semaphore_mem>>
        %dma_start3A_183 = arith.constant 0 : i32
        %dma_start3A_184 = arith.constant 0 : i32
        %dma_start3A_185 = tpu.memref_slice %arg10[%run_scoped3A_139, %dma_start3A_183, %dma_start3A_184] : memref<2x128x128xf32, #tpu.memory_space<vmem>> -> memref<1x128x128xf32, #tpu.memory_space<vmem>>
        %dma_start3A_186 = tpu.memref_squeeze %dma_start3A_185 : memref<1x128x128xf32, #tpu.memory_space<vmem>> -> memref<128x128xf32, #tpu.memory_space<vmem>>
        %dma_start3A_187 = arith.constant 0 : i32
        %dma_start3A_188 = tpu.memref_slice %arg9[%add3A_127, %dma_start3A_187] : memref<40x128xi32, #tpu.memory_space<vmem>> -> memref<1x128xi32, #tpu.memory_space<vmem>>
        %dma_start3A_189 = tpu.memref_squeeze %dma_start3A_188 : memref<1x128xi32, #tpu.memory_space<vmem>> -> memref<128xi32, #tpu.memory_space<vmem>>
        %dma_start3A_190 = arith.constant 0 : i32
        %dma_start3A_191 = arith.constant 0 : i32
        %dma_start3A_192 = tpu.memref_slice %arg11[%dma_start3A_190, %dma_start3A_191] : memref<10112x128xf32, #tpu.memory_space<vmem_shared>> -> memref<10112x128xf32, #tpu.memory_space<vmem_shared>>
        tpu.enqueue_indirect_dma source(%dma_start3A_186 : memref<128x128xf32, #tpu.memory_space<vmem>>) target(%dma_start3A_192 : memref<10112x128xf32, #tpu.memory_space<vmem_shared>>) offsets(%dma_start3A_189 : memref<128xi32, #tpu.memory_space<vmem>>) semaphore(%run_scoped3A_182 : memref<!tpu.dma_semaphore, #tpu.memory_space<semaphore_mem>>) {add = true}
        %dma_wait3A_193 = arith.constant 0 : i32
        %dma_wait3A_194 = arith.constant 0 : i32
        %dma_wait3A_195 = tpu.memref_slice %arg10[%run_scoped3A_139, %dma_wait3A_193, %dma_wait3A_194] : memref<2x128x128xf32, #tpu.memory_space<vmem>> -> memref<1x128x128xf32, #tpu.memory_space<vmem>>
        %dma_wait3A_196 = tpu.memref_squeeze %dma_wait3A_195 : memref<1x128x128xf32, #tpu.memory_space<vmem>> -> memref<128x128xf32, #tpu.memory_space<vmem>>
        %dma_wait3A_197 = arith.constant 0 : i32
        %dma_wait3A_198 = tpu.memref_slice %arg9[%add3A_127, %dma_wait3A_197] : memref<40x128xi32, #tpu.memory_space<vmem>> -> memref<1x128xi32, #tpu.memory_space<vmem>>
        %dma_wait3A_199 = tpu.memref_squeeze %dma_wait3A_198 : memref<1x128xi32, #tpu.memory_space<vmem>> -> memref<128xi32, #tpu.memory_space<vmem>>
        %dma_wait3A_200 = arith.constant 0 : i32
        %dma_wait3A_201 = arith.constant 0 : i32
        %dma_wait3A_202 = tpu.memref_slice %arg11[%dma_wait3A_200, %dma_wait3A_201] : memref<10112x128xf32, #tpu.memory_space<vmem_shared>> -> memref<10112x128xf32, #tpu.memory_space<vmem_shared>>
        tpu.wait_indirect_dma semaphore(%run_scoped3A_182 : memref<!tpu.dma_semaphore, #tpu.memory_space<semaphore_mem>>) src(%dma_wait3A_196 : memref<128x128xf32, #tpu.memory_space<vmem>>) dst(%dma_wait3A_202 : memref<10112x128xf32, #tpu.memory_space<vmem_shared>>)
        tpu.yield
      }) : () -> ()
      %add3A_140 = arith.constant 2 : i32
      %add3A_141 = arith.addi %add3A_127, %add3A_140 : i32
      %dma_start3A_142 = arith.constant 0 : i32
      %dma_start3A_143 = arith.constant 0 : i32
      %dma_start3A_144 = arith.constant 0 : i32
      %dma_start3A_145 = tpu.memref_slice %arg10[%dma_start3A_142, %dma_start3A_143, %dma_start3A_144] : memref<2x128x128xf32, #tpu.memory_space<vmem>> -> memref<1x128x128xf32, #tpu.memory_space<vmem>>
      %dma_start3A_146 = tpu.memref_squeeze %dma_start3A_145 : memref<1x128x128xf32, #tpu.memory_space<vmem>> -> memref<128x128xf32, #tpu.memory_space<vmem>>
      %dma_start3A_147 = arith.constant 0 : i32
      %dma_start3A_148 = tpu.memref_slice %arg8[%add3A_141, %dma_start3A_147] : memref<40x128xi32, #tpu.memory_space<vmem>> -> memref<1x128xi32, #tpu.memory_space<vmem>>
      %dma_start3A_149 = tpu.memref_squeeze %dma_start3A_148 : memref<1x128xi32, #tpu.memory_space<vmem>> -> memref<128xi32, #tpu.memory_space<vmem>>
      %dma_start3A_150 = arith.constant 0 : i32
      %dma_start3A_151 = arith.constant 0 : i32
      %dma_start3A_152 = tpu.memref_slice %arg2[%dma_start3A_150, %dma_start3A_151] : memref<10000x128xf32, #tpu.memory_space<hbm>> -> memref<10000x128xf32, #tpu.memory_space<hbm>>
      tpu.enqueue_indirect_dma source(%dma_start3A_152 : memref<10000x128xf32, #tpu.memory_space<hbm>>) target(%dma_start3A_146 : memref<128x128xf32, #tpu.memory_space<vmem>>) offsets(%dma_start3A_149 : memref<128xi32, #tpu.memory_space<vmem>>) semaphore(%arg12 : memref<!tpu.dma_semaphore, #tpu.memory_space<semaphore_mem>>)
      %mul3A_153 = arith.constant 2 : i32
      %mul3A_154 = arith.muli %scan3A_123, %mul3A_153 : i32
      %add3A_155 = arith.constant 1 : i32
      %add3A_156 = arith.addi %mul3A_154, %add3A_155 : i32
      %dma_wait3A_157 = arith.constant 1 : i32
      %dma_wait3A_158 = arith.constant 0 : i32
      %dma_wait3A_159 = arith.constant 0 : i32
      %dma_wait3A_160 = tpu.memref_slice %arg10[%dma_wait3A_157, %dma_wait3A_158, %dma_wait3A_159] : memref<2x128x128xf32, #tpu.memory_space<vmem>> -> memref<1x128x128xf32, #tpu.memory_space<vmem>>
      %dma_wait3A_161 = tpu.memref_squeeze %dma_wait3A_160 : memref<1x128x128xf32, #tpu.memory_space<vmem>> -> memref<128x128xf32, #tpu.memory_space<vmem>>
      %dma_wait3A_162 = arith.constant 0 : i32
      %dma_wait3A_163 = tpu.memref_slice %arg8[%add3A_156, %dma_wait3A_162] : memref<40x128xi32, #tpu.memory_space<vmem>> -> memref<1x128xi32, #tpu.memory_space<vmem>>
      %dma_wait3A_164 = tpu.memref_squeeze %dma_wait3A_163 : memref<1x128xi32, #tpu.memory_space<vmem>> -> memref<128xi32, #tpu.memory_space<vmem>>
      %dma_wait3A_165 = arith.constant 0 : i32
      %dma_wait3A_166 = arith.constant 0 : i32
      %dma_wait3A_167 = tpu.memref_slice %arg2[%dma_wait3A_165, %dma_wait3A_166] : memref<10000x128xf32, #tpu.memory_space<hbm>> -> memref<10000x128xf32, #tpu.memory_space<hbm>>
      tpu.wait_indirect_dma semaphore(%arg13 : memref<!tpu.dma_semaphore, #tpu.memory_space<semaphore_mem>>) src(%dma_wait3A_167 : memref<10000x128xf32, #tpu.memory_space<hbm>>) dst(%dma_wait3A_161 : memref<128x128xf32, #tpu.memory_space<vmem>>)
      %run_scoped3A_168 = arith.constant 1 : i32
      "tpu.region"() ({
        %run_scoped3A_182 = tpu.sem_alloc : memref<!tpu.dma_semaphore, #tpu.memory_space<semaphore_mem>>
        %dma_start3A_183 = arith.constant 0 : i32
        %dma_start3A_184 = arith.constant 0 : i32
        %dma_start3A_185 = tpu.memref_slice %arg10[%run_scoped3A_168, %dma_start3A_183, %dma_start3A_184] : memref<2x128x128xf32, #tpu.memory_space<vmem>> -> memref<1x128x128xf32, #tpu.memory_space<vmem>>
        %dma_start3A_186 = tpu.memref_squeeze %dma_start3A_185 : memref<1x128x128xf32, #tpu.memory_space<vmem>> -> memref<128x128xf32, #tpu.memory_space<vmem>>
        %dma_start3A_187 = arith.constant 0 : i32
        %dma_start3A_188 = tpu.memref_slice %arg9[%add3A_156, %dma_start3A_187] : memref<40x128xi32, #tpu.memory_space<vmem>> -> memref<1x128xi32, #tpu.memory_space<vmem>>
        %dma_start3A_189 = tpu.memref_squeeze %dma_start3A_188 : memref<1x128xi32, #tpu.memory_space<vmem>> -> memref<128xi32, #tpu.memory_space<vmem>>
        %dma_start3A_190 = arith.constant 0 : i32
        %dma_start3A_191 = arith.constant 0 : i32
        %dma_start3A_192 = tpu.memref_slice %arg11[%dma_start3A_190, %dma_start3A_191] : memref<10112x128xf32, #tpu.memory_space<vmem_shared>> -> memref<10112x128xf32, #tpu.memory_space<vmem_shared>>
        tpu.enqueue_indirect_dma source(%dma_start3A_186 : memref<128x128xf32, #tpu.memory_space<vmem>>) target(%dma_start3A_192 : memref<10112x128xf32, #tpu.memory_space<vmem_shared>>) offsets(%dma_start3A_189 : memref<128xi32, #tpu.memory_space<vmem>>) semaphore(%run_scoped3A_182 : memref<!tpu.dma_semaphore, #tpu.memory_space<semaphore_mem>>) {add = true}
        %dma_wait3A_193 = arith.constant 0 : i32
        %dma_wait3A_194 = arith.constant 0 : i32
        %dma_wait3A_195 = tpu.memref_slice %arg10[%run_scoped3A_168, %dma_wait3A_193, %dma_wait3A_194] : memref<2x128x128xf32, #tpu.memory_space<vmem>> -> memref<1x128x128xf32, #tpu.memory_space<vmem>>
        %dma_wait3A_196 = tpu.memref_squeeze %dma_wait3A_195 : memref<1x128x128xf32, #tpu.memory_space<vmem>> -> memref<128x128xf32, #tpu.memory_space<vmem>>
        %dma_wait3A_197 = arith.constant 0 : i32
        %dma_wait3A_198 = tpu.memref_slice %arg9[%add3A_156, %dma_wait3A_197] : memref<40x128xi32, #tpu.memory_space<vmem>> -> memref<1x128xi32, #tpu.memory_space<vmem>>
        %dma_wait3A_199 = tpu.memref_squeeze %dma_wait3A_198 : memref<1x128xi32, #tpu.memory_space<vmem>> -> memref<128xi32, #tpu.memory_space<vmem>>
        %dma_wait3A_200 = arith.constant 0 : i32
        %dma_wait3A_201 = arith.constant 0 : i32
        %dma_wait3A_202 = tpu.memref_slice %arg11[%dma_wait3A_200, %dma_wait3A_201] : memref<10112x128xf32, #tpu.memory_space<vmem_shared>> -> memref<10112x128xf32, #tpu.memory_space<vmem_shared>>
        tpu.wait_indirect_dma semaphore(%run_scoped3A_182 : memref<!tpu.dma_semaphore, #tpu.memory_space<semaphore_mem>>) src(%dma_wait3A_196 : memref<128x128xf32, #tpu.memory_space<vmem>>) dst(%dma_wait3A_202 : memref<10112x128xf32, #tpu.memory_space<vmem_shared>>)
        tpu.yield
      }) : () -> ()
      %add3A_169 = arith.constant 2 : i32
      %add3A_170 = arith.addi %add3A_156, %add3A_169 : i32
      %dma_start3A_171 = arith.constant 1 : i32
      %dma_start3A_172 = arith.constant 0 : i32
      %dma_start3A_173 = arith.constant 0 : i32
      %dma_start3A_174 = tpu.memref_slice %arg10[%dma_start3A_171, %dma_start3A_172, %dma_start3A_173] : memref<2x128x128xf32, #tpu.memory_space<vmem>> -> memref<1x128x128xf32, #tpu.memory_space<vmem>>
      %dma_start3A_175 = tpu.memref_squeeze %dma_start3A_174 : memref<1x128x128xf32, #tpu.memory_space<vmem>> -> memref<128x128xf32, #tpu.memory_space<vmem>>
      %dma_start3A_176 = arith.constant 0 : i32
      %dma_start3A_177 = tpu.memref_slice %arg8[%add3A_170, %dma_start3A_176] : memref<40x128xi32, #tpu.memory_space<vmem>> -> memref<1x128xi32, #tpu.memory_space<vmem>>
      %dma_start3A_178 = tpu.memref_squeeze %dma_start3A_177 : memref<1x128xi32, #tpu.memory_space<vmem>> -> memref<128xi32, #tpu.memory_space<vmem>>
      %dma_start3A_179 = arith.constant 0 : i32
      %dma_start3A_180 = arith.constant 0 : i32
      %dma_start3A_181 = tpu.memref_slice %arg2[%dma_start3A_179, %dma_start3A_180] : memref<10000x128xf32, #tpu.memory_space<hbm>> -> memref<10000x128xf32, #tpu.memory_space<hbm>>
      tpu.enqueue_indirect_dma source(%dma_start3A_181 : memref<10000x128xf32, #tpu.memory_space<hbm>>) target(%dma_start3A_175 : memref<128x128xf32, #tpu.memory_space<vmem>>) offsets(%dma_start3A_178 : memref<128xi32, #tpu.memory_space<vmem>>) semaphore(%arg13 : memref<!tpu.dma_semaphore, #tpu.memory_space<semaphore_mem>>)
    }
    %scan3A_30 = arith.constant 19 : i32
    %dma_wait3A = arith.constant 38 : i32
    %dma_wait3A_31 = arith.constant 0 : i32
    %dma_wait3A_32 = arith.constant 0 : i32
    %dma_wait3A_33 = arith.constant 0 : i32
    %dma_wait3A_34 = tpu.memref_slice %arg10[%dma_wait3A_31, %dma_wait3A_32, %dma_wait3A_33] : memref<2x128x128xf32, #tpu.memory_space<vmem>> -> memref<1x128x128xf32, #tpu.memory_space<vmem>>
    %dma_wait3A_35 = tpu.memref_squeeze %dma_wait3A_34 : memref<1x128x128xf32, #tpu.memory_space<vmem>> -> memref<128x128xf32, #tpu.memory_space<vmem>>
    %dma_wait3A_36 = arith.constant 0 : i32
    %dma_wait3A_37 = tpu.memref_slice %arg8[%dma_wait3A, %dma_wait3A_36] : memref<40x128xi32, #tpu.memory_space<vmem>> -> memref<1x128xi32, #tpu.memory_space<vmem>>
    %dma_wait3A_38 = tpu.memref_squeeze %dma_wait3A_37 : memref<1x128xi32, #tpu.memory_space<vmem>> -> memref<128xi32, #tpu.memory_space<vmem>>
    %dma_wait3A_39 = arith.constant 0 : i32
    %dma_wait3A_40 = arith.constant 0 : i32
    %dma_wait3A_41 = tpu.memref_slice %arg2[%dma_wait3A_39, %dma_wait3A_40] : memref<10000x128xf32, #tpu.memory_space<hbm>> -> memref<10000x128xf32, #tpu.memory_space<hbm>>
    tpu.wait_indirect_dma semaphore(%arg12 : memref<!tpu.dma_semaphore, #tpu.memory_space<semaphore_mem>>) src(%dma_wait3A_41 : memref<10000x128xf32, #tpu.memory_space<hbm>>) dst(%dma_wait3A_35 : memref<128x128xf32, #tpu.memory_space<vmem>>)
    %run_scoped3A = arith.constant 0 : i32
    %run_scoped3A_42 = arith.constant 38 : i32
    "tpu.region"() ({
      %run_scoped3A_123 = tpu.sem_alloc : memref<!tpu.dma_semaphore, #tpu.memory_space<semaphore_mem>>
      %dma_start3A_124 = arith.constant 0 : i32
      %dma_start3A_125 = arith.constant 0 : i32
      %dma_start3A_126 = tpu.memref_slice %arg10[%run_scoped3A, %dma_start3A_124, %dma_start3A_125] : memref<2x128x128xf32, #tpu.memory_space<vmem>> -> memref<1x128x128xf32, #tpu.memory_space<vmem>>
      %dma_start3A_127 = tpu.memref_squeeze %dma_start3A_126 : memref<1x128x128xf32, #tpu.memory_space<vmem>> -> memref<128x128xf32, #tpu.memory_space<vmem>>
      %dma_start3A_128 = arith.constant 0 : i32
      %dma_start3A_129 = tpu.memref_slice %arg9[%run_scoped3A_42, %dma_start3A_128] : memref<40x128xi32, #tpu.memory_space<vmem>> -> memref<1x128xi32, #tpu.memory_space<vmem>>
      %dma_start3A_130 = tpu.memref_squeeze %dma_start3A_129 : memref<1x128xi32, #tpu.memory_space<vmem>> -> memref<128xi32, #tpu.memory_space<vmem>>
      %dma_start3A_131 = arith.constant 0 : i32
      %dma_start3A_132 = arith.constant 0 : i32
      %dma_start3A_133 = tpu.memref_slice %arg11[%dma_start3A_131, %dma_start3A_132] : memref<10112x128xf32, #tpu.memory_space<vmem_shared>> -> memref<10112x128xf32, #tpu.memory_space<vmem_shared>>
      tpu.enqueue_indirect_dma source(%dma_start3A_127 : memref<128x128xf32, #tpu.memory_space<vmem>>) target(%dma_start3A_133 : memref<10112x128xf32, #tpu.memory_space<vmem_shared>>) offsets(%dma_start3A_130 : memref<128xi32, #tpu.memory_space<vmem>>) semaphore(%run_scoped3A_123 : memref<!tpu.dma_semaphore, #tpu.memory_space<semaphore_mem>>) {add = true}
      %dma_wait3A_134 = arith.constant 0 : i32
      %dma_wait3A_135 = arith.constant 0 : i32
      %dma_wait3A_136 = tpu.memref_slice %arg10[%run_scoped3A, %dma_wait3A_134, %dma_wait3A_135] : memref<2x128x128xf32, #tpu.memory_space<vmem>> -> memref<1x128x128xf32, #tpu.memory_space<vmem>>
      %dma_wait3A_137 = tpu.memref_squeeze %dma_wait3A_136 : memref<1x128x128xf32, #tpu.memory_space<vmem>> -> memref<128x128xf32, #tpu.memory_space<vmem>>
      %dma_wait3A_138 = arith.constant 0 : i32
      %dma_wait3A_139 = tpu.memref_slice %arg9[%run_scoped3A_42, %dma_wait3A_138] : memref<40x128xi32, #tpu.memory_space<vmem>> -> memref<1x128xi32, #tpu.memory_space<vmem>>
      %dma_wait3A_140 = tpu.memref_squeeze %dma_wait3A_139 : memref<1x128xi32, #tpu.memory_space<vmem>> -> memref<128xi32, #tpu.memory_space<vmem>>
      %dma_wait3A_141 = arith.constant 0 : i32
      %dma_wait3A_142 = arith.constant 0 : i32
      %dma_wait3A_143 = tpu.memref_slice %arg11[%dma_wait3A_141, %dma_wait3A_142] : memref<10112x128xf32, #tpu.memory_space<vmem_shared>> -> memref<10112x128xf32, #tpu.memory_space<vmem_shared>>
      tpu.wait_indirect_dma semaphore(%run_scoped3A_123 : memref<!tpu.dma_semaphore, #tpu.memory_space<semaphore_mem>>) src(%dma_wait3A_137 : memref<128x128xf32, #tpu.memory_space<vmem>>) dst(%dma_wait3A_143 : memref<10112x128xf32, #tpu.memory_space<vmem_shared>>)
      tpu.yield
    }) : () -> ()
    %dma_wait3A_43 = arith.constant 39 : i32
    %dma_wait3A_44 = arith.constant 1 : i32
    %dma_wait3A_45 = arith.constant 0 : i32
    %dma_wait3A_46 = arith.constant 0 : i32
    %dma_wait3A_47 = tpu.memref_slice %arg10[%dma_wait3A_44, %dma_wait3A_45, %dma_wait3A_46] : memref<2x128x128xf32, #tpu.memory_space<vmem>> -> memref<1x128x128xf32, #tpu.memory_space<vmem>>
    %dma_wait3A_48 = tpu.memref_squeeze %dma_wait3A_47 : memref<1x128x128xf32, #tpu.memory_space<vmem>> -> memref<128x128xf32, #tpu.memory_space<vmem>>
    %dma_wait3A_49 = arith.constant 0 : i32
    %dma_wait3A_50 = tpu.memref_slice %arg8[%dma_wait3A_43, %dma_wait3A_49] : memref<40x128xi32, #tpu.memory_space<vmem>> -> memref<1x128xi32, #tpu.memory_space<vmem>>
    %dma_wait3A_51 = tpu.memref_squeeze %dma_wait3A_50 : memref<1x128xi32, #tpu.memory_space<vmem>> -> memref<128xi32, #tpu.memory_space<vmem>>
    %dma_wait3A_52 = arith.constant 0 : i32
    %dma_wait3A_53 = arith.constant 0 : i32
    %dma_wait3A_54 = tpu.memref_slice %arg2[%dma_wait3A_52, %dma_wait3A_53] : memref<10000x128xf32, #tpu.memory_space<hbm>> -> memref<10000x128xf32, #tpu.memory_space<hbm>>
    tpu.wait_indirect_dma semaphore(%arg13 : memref<!tpu.dma_semaphore, #tpu.memory_space<semaphore_mem>>) src(%dma_wait3A_54 : memref<10000x128xf32, #tpu.memory_space<hbm>>) dst(%dma_wait3A_48 : memref<128x128xf32, #tpu.memory_space<vmem>>)
    %run_scoped3A_55 = arith.constant 1 : i32
    %run_scoped3A_56 = arith.constant 39 : i32
    "tpu.region"() ({
      %run_scoped3A_123 = tpu.sem_alloc : memref<!tpu.dma_semaphore, #tpu.memory_space<semaphore_mem>>
      %dma_start3A_124 = arith.constant 0 : i32
      %dma_start3A_125 = arith.constant 0 : i32
      %dma_start3A_126 = tpu.memref_slice %arg10[%run_scoped3A_55, %dma_start3A_124, %dma_start3A_125] : memref<2x128x128xf32, #tpu.memory_space<vmem>> -> memref<1x128x128xf32, #tpu.memory_space<vmem>>
      %dma_start3A_127 = tpu.memref_squeeze %dma_start3A_126 : memref<1x128x128xf32, #tpu.memory_space<vmem>> -> memref<128x128xf32, #tpu.memory_space<vmem>>
      %dma_start3A_128 = arith.constant 0 : i32
      %dma_start3A_129 = tpu.memref_slice %arg9[%run_scoped3A_56, %dma_start3A_128] : memref<40x128xi32, #tpu.memory_space<vmem>> -> memref<1x128xi32, #tpu.memory_space<vmem>>
      %dma_start3A_130 = tpu.memref_squeeze %dma_start3A_129 : memref<1x128xi32, #tpu.memory_space<vmem>> -> memref<128xi32, #tpu.memory_space<vmem>>
      %dma_start3A_131 = arith.constant 0 : i32
      %dma_start3A_132 = arith.constant 0 : i32
      %dma_start3A_133 = tpu.memref_slice %arg11[%dma_start3A_131, %dma_start3A_132] : memref<10112x128xf32, #tpu.memory_space<vmem_shared>> -> memref<10112x128xf32, #tpu.memory_space<vmem_shared>>
      tpu.enqueue_indirect_dma source(%dma_start3A_127 : memref<128x128xf32, #tpu.memory_space<vmem>>) target(%dma_start3A_133 : memref<10112x128xf32, #tpu.memory_space<vmem_shared>>) offsets(%dma_start3A_130 : memref<128xi32, #tpu.memory_space<vmem>>) semaphore(%run_scoped3A_123 : memref<!tpu.dma_semaphore, #tpu.memory_space<semaphore_mem>>) {add = true}
      %dma_wait3A_134 = arith.constant 0 : i32
      %dma_wait3A_135 = arith.constant 0 : i32
      %dma_wait3A_136 = tpu.memref_slice %arg10[%run_scoped3A_55, %dma_wait3A_134, %dma_wait3A_135] : memref<2x128x128xf32, #tpu.memory_space<vmem>> -> memref<1x128x128xf32, #tpu.memory_space<vmem>>
      %dma_wait3A_137 = tpu.memref_squeeze %dma_wait3A_136 : memref<1x128x128xf32, #tpu.memory_space<vmem>> -> memref<128x128xf32, #tpu.memory_space<vmem>>
      %dma_wait3A_138 = arith.constant 0 : i32
      %dma_wait3A_139 = tpu.memref_slice %arg9[%run_scoped3A_56, %dma_wait3A_138] : memref<40x128xi32, #tpu.memory_space<vmem>> -> memref<1x128xi32, #tpu.memory_space<vmem>>
      %dma_wait3A_140 = tpu.memref_squeeze %dma_wait3A_139 : memref<1x128xi32, #tpu.memory_space<vmem>> -> memref<128xi32, #tpu.memory_space<vmem>>
      %dma_wait3A_141 = arith.constant 0 : i32
      %dma_wait3A_142 = arith.constant 0 : i32
      %dma_wait3A_143 = tpu.memref_slice %arg11[%dma_wait3A_141, %dma_wait3A_142] : memref<10112x128xf32, #tpu.memory_space<vmem_shared>> -> memref<10112x128xf32, #tpu.memory_space<vmem_shared>>
      tpu.wait_indirect_dma semaphore(%run_scoped3A_123 : memref<!tpu.dma_semaphore, #tpu.memory_space<semaphore_mem>>) src(%dma_wait3A_137 : memref<128x128xf32, #tpu.memory_space<vmem>>) dst(%dma_wait3A_143 : memref<10112x128xf32, #tpu.memory_space<vmem_shared>>)
      tpu.yield
    }) : () -> ()
    "tpu.region"() ({
      %run_scoped3A_123 = tpu.sem_alloc : memref<!tpu.dma_semaphore, #tpu.memory_space<semaphore_mem>>
      %dma_start3A_124 = arith.constant 40 : i32
      %dma_start3A_125 = arith.constant 0 : i32
      %dma_start3A_126 = tpu.memref_slice %arg4[%add3A, %dma_start3A_124, %dma_start3A_125] : memref<32x80x128xi32, #tpu.memory_space<hbm>> -> memref<1x40x128xi32, #tpu.memory_space<hbm>>
      %dma_start3A_127 = tpu.memref_squeeze %dma_start3A_126 : memref<1x40x128xi32, #tpu.memory_space<hbm>> -> memref<40x128xi32, #tpu.memory_space<hbm>>
      %dma_start3A_128 = arith.constant 40 : i32
      %dma_start3A_129 = arith.constant 0 : i32
      %dma_start3A_130 = tpu.memref_slice %arg4[%add3A, %dma_start3A_128, %dma_start3A_129] : memref<32x80x128xi32, #tpu.memory_space<hbm>> -> memref<1x40x128xi32, #tpu.memory_space<hbm>>
      %dma_start3A_131 = tpu.memref_squeeze %dma_start3A_130 : memref<1x40x128xi32, #tpu.memory_space<hbm>> -> memref<40x128xi32, #tpu.memory_space<hbm>>
      tpu.enqueue_dma source(%dma_start3A_131 : memref<40x128xi32, #tpu.memory_space<hbm>>) target(%arg9 : memref<40x128xi32, #tpu.memory_space<vmem>>) target_semaphore(%run_scoped3A_123 : memref<!tpu.dma_semaphore, #tpu.memory_space<semaphore_mem>>)
      %dma_wait3A_132 = arith.constant 40 : i32
      %dma_wait3A_133 = arith.constant 0 : i32
      %dma_wait3A_134 = tpu.memref_slice %arg4[%add3A, %dma_wait3A_132, %dma_wait3A_133] : memref<32x80x128xi32, #tpu.memory_space<hbm>> -> memref<1x40x128xi32, #tpu.memory_space<hbm>>
      %dma_wait3A_135 = tpu.memref_squeeze %dma_wait3A_134 : memref<1x40x128xi32, #tpu.memory_space<hbm>> -> memref<40x128xi32, #tpu.memory_space<hbm>>
      %dma_wait3A_136 = arith.constant 40 : i32
      %dma_wait3A_137 = arith.constant 0 : i32
      %dma_wait3A_138 = tpu.memref_slice %arg4[%add3A, %dma_wait3A_136, %dma_wait3A_137] : memref<32x80x128xi32, #tpu.memory_space<hbm>> -> memref<1x40x128xi32, #tpu.memory_space<hbm>>
      %dma_wait3A_139 = tpu.memref_squeeze %dma_wait3A_138 : memref<1x40x128xi32, #tpu.memory_space<hbm>> -> memref<40x128xi32, #tpu.memory_space<hbm>>
      tpu.wait_dma2 semaphore(%run_scoped3A_123 : memref<!tpu.dma_semaphore, #tpu.memory_space<semaphore_mem>>) src(%dma_wait3A_139 : memref<40x128xi32, #tpu.memory_space<hbm>>) dst(%arg9 : memref<40x128xi32, #tpu.memory_space<vmem>>)
      tpu.yield
    }) : () -> ()
    "tpu.region"() ({
      %run_scoped3A_123 = tpu.sem_alloc : memref<!tpu.dma_semaphore, #tpu.memory_space<semaphore_mem>>
      %dma_start3A_124 = arith.constant 40 : i32
      %dma_start3A_125 = arith.constant 0 : i32
      %dma_start3A_126 = tpu.memref_slice %arg3[%add3A, %dma_start3A_124, %dma_start3A_125] : memref<32x80x128xi32, #tpu.memory_space<hbm>> -> memref<1x40x128xi32, #tpu.memory_space<hbm>>
      %dma_start3A_127 = tpu.memref_squeeze %dma_start3A_126 : memref<1x40x128xi32, #tpu.memory_space<hbm>> -> memref<40x128xi32, #tpu.memory_space<hbm>>
      %dma_start3A_128 = arith.constant 40 : i32
      %dma_start3A_129 = arith.constant 0 : i32
      %dma_start3A_130 = tpu.memref_slice %arg3[%add3A, %dma_start3A_128, %dma_start3A_129] : memref<32x80x128xi32, #tpu.memory_space<hbm>> -> memref<1x40x128xi32, #tpu.memory_space<hbm>>
      %dma_start3A_131 = tpu.memref_squeeze %dma_start3A_130 : memref<1x40x128xi32, #tpu.memory_space<hbm>> -> memref<40x128xi32, #tpu.memory_space<hbm>>
      tpu.enqueue_dma source(%dma_start3A_131 : memref<40x128xi32, #tpu.memory_space<hbm>>) target(%arg8 : memref<40x128xi32, #tpu.memory_space<vmem>>) target_semaphore(%run_scoped3A_123 : memref<!tpu.dma_semaphore, #tpu.memory_space<semaphore_mem>>)
      %dma_wait3A_132 = arith.constant 40 : i32
      %dma_wait3A_133 = arith.constant 0 : i32
      %dma_wait3A_134 = tpu.memref_slice %arg3[%add3A, %dma_wait3A_132, %dma_wait3A_133] : memref<32x80x128xi32, #tpu.memory_space<hbm>> -> memref<1x40x128xi32, #tpu.memory_space<hbm>>
      %dma_wait3A_135 = tpu.memref_squeeze %dma_wait3A_134 : memref<1x40x128xi32, #tpu.memory_space<hbm>> -> memref<40x128xi32, #tpu.memory_space<hbm>>
      %dma_wait3A_136 = arith.constant 40 : i32
      %dma_wait3A_137 = arith.constant 0 : i32
      %dma_wait3A_138 = tpu.memref_slice %arg3[%add3A, %dma_wait3A_136, %dma_wait3A_137] : memref<32x80x128xi32, #tpu.memory_space<hbm>> -> memref<1x40x128xi32, #tpu.memory_space<hbm>>
      %dma_wait3A_139 = tpu.memref_squeeze %dma_wait3A_138 : memref<1x40x128xi32, #tpu.memory_space<hbm>> -> memref<40x128xi32, #tpu.memory_space<hbm>>
      tpu.wait_dma2 semaphore(%run_scoped3A_123 : memref<!tpu.dma_semaphore, #tpu.memory_space<semaphore_mem>>) src(%dma_wait3A_139 : memref<40x128xi32, #tpu.memory_space<hbm>>) dst(%arg8 : memref<40x128xi32, #tpu.memory_space<vmem>>)
      tpu.yield
    }) : () -> ()
    %dma_start3A_57 = arith.constant 0 : i32
    %dma_start3A_58 = arith.constant 0 : i32
    %dma_start3A_59 = arith.constant 0 : i32
    %dma_start3A_60 = arith.constant 0 : i32
    %dma_start3A_61 = tpu.memref_slice %arg10[%dma_start3A_58, %dma_start3A_59, %dma_start3A_60] : memref<2x128x128xf32, #tpu.memory_space<vmem>> -> memref<1x128x128xf32, #tpu.memory_space<vmem>>
    %dma_start3A_62 = tpu.memref_squeeze %dma_start3A_61 : memref<1x128x128xf32, #tpu.memory_space<vmem>> -> memref<128x128xf32, #tpu.memory_space<vmem>>
    %dma_start3A_63 = arith.constant 0 : i32
    %dma_start3A_64 = tpu.memref_slice %arg8[%dma_start3A_57, %dma_start3A_63] : memref<40x128xi32, #tpu.memory_space<vmem>> -> memref<1x128xi32, #tpu.memory_space<vmem>>
    %dma_start3A_65 = tpu.memref_squeeze %dma_start3A_64 : memref<1x128xi32, #tpu.memory_space<vmem>> -> memref<128xi32, #tpu.memory_space<vmem>>
    %dma_start3A_66 = arith.constant 0 : i32
    %dma_start3A_67 = arith.constant 0 : i32
    %dma_start3A_68 = tpu.memref_slice %arg2[%dma_start3A_66, %dma_start3A_67] : memref<10000x128xf32, #tpu.memory_space<hbm>> -> memref<10000x128xf32, #tpu.memory_space<hbm>>
    tpu.enqueue_indirect_dma source(%dma_start3A_68 : memref<10000x128xf32, #tpu.memory_space<hbm>>) target(%dma_start3A_62 : memref<128x128xf32, #tpu.memory_space<vmem>>) offsets(%dma_start3A_65 : memref<128xi32, #tpu.memory_space<vmem>>) semaphore(%arg12 : memref<!tpu.dma_semaphore, #tpu.memory_space<semaphore_mem>>)
    %dma_start3A_69 = arith.constant 1 : i32
    %dma_start3A_70 = arith.constant 1 : i32
    %dma_start3A_71 = arith.constant 0 : i32
    %dma_start3A_72 = arith.constant 0 : i32
    %dma_start3A_73 = tpu.memref_slice %arg10[%dma_start3A_70, %dma_start3A_71, %dma_start3A_72] : memref<2x128x128xf32, #tpu.memory_space<vmem>> -> memref<1x128x128xf32, #tpu.memory_space<vmem>>
    %dma_start3A_74 = tpu.memref_squeeze %dma_start3A_73 : memref<1x128x128xf32, #tpu.memory_space<vmem>> -> memref<128x128xf32, #tpu.memory_space<vmem>>
    %dma_start3A_75 = arith.constant 0 : i32
    %dma_start3A_76 = tpu.memref_slice %arg8[%dma_start3A_69, %dma_start3A_75] : memref<40x128xi32, #tpu.memory_space<vmem>> -> memref<1x128xi32, #tpu.memory_space<vmem>>
    %dma_start3A_77 = tpu.memref_squeeze %dma_start3A_76 : memref<1x128xi32, #tpu.memory_space<vmem>> -> memref<128xi32, #tpu.memory_space<vmem>>
    %dma_start3A_78 = arith.constant 0 : i32
    %dma_start3A_79 = arith.constant 0 : i32
    %dma_start3A_80 = tpu.memref_slice %arg2[%dma_start3A_78, %dma_start3A_79] : memref<10000x128xf32, #tpu.memory_space<hbm>> -> memref<10000x128xf32, #tpu.memory_space<hbm>>
    tpu.enqueue_indirect_dma source(%dma_start3A_80 : memref<10000x128xf32, #tpu.memory_space<hbm>>) target(%dma_start3A_74 : memref<128x128xf32, #tpu.memory_space<vmem>>) offsets(%dma_start3A_77 : memref<128xi32, #tpu.memory_space<vmem>>) semaphore(%arg13 : memref<!tpu.dma_semaphore, #tpu.memory_space<semaphore_mem>>)
    %scan3A_81 = arith.constant 0 : i32
    %scan3A_82 = arith.constant 0 : i32
    %scan3A_83 = arith.constant 19 : i32
    %scan3A_84 = arith.addi %scan3A_82, %scan3A_83 : i32
    %scan3A_85 = arith.constant 1 : i32
    scf.for %scan3A_123 = %scan3A_82 to %scan3A_84 step %scan3A_85  : i32 {
      %mul3A_124 = arith.constant 2 : i32
      %mul3A_125 = arith.muli %scan3A_123, %mul3A_124 : i32
      %add3A_126 = arith.constant 0 : i32
      %add3A_127 = arith.addi %mul3A_125, %add3A_126 : i32
      %dma_wait3A_128 = arith.constant 0 : i32
      %dma_wait3A_129 = arith.constant 0 : i32
      %dma_wait3A_130 = arith.constant 0 : i32
      %dma_wait3A_131 = tpu.memref_slice %arg10[%dma_wait3A_128, %dma_wait3A_129, %dma_wait3A_130] : memref<2x128x128xf32, #tpu.memory_space<vmem>> -> memref<1x128x128xf32, #tpu.memory_space<vmem>>
      %dma_wait3A_132 = tpu.memref_squeeze %dma_wait3A_131 : memref<1x128x128xf32, #tpu.memory_space<vmem>> -> memref<128x128xf32, #tpu.memory_space<vmem>>
      %dma_wait3A_133 = arith.constant 0 : i32
      %dma_wait3A_134 = tpu.memref_slice %arg8[%add3A_127, %dma_wait3A_133] : memref<40x128xi32, #tpu.memory_space<vmem>> -> memref<1x128xi32, #tpu.memory_space<vmem>>
      %dma_wait3A_135 = tpu.memref_squeeze %dma_wait3A_134 : memref<1x128xi32, #tpu.memory_space<vmem>> -> memref<128xi32, #tpu.memory_space<vmem>>
      %dma_wait3A_136 = arith.constant 0 : i32
      %dma_wait3A_137 = arith.constant 0 : i32
      %dma_wait3A_138 = tpu.memref_slice %arg2[%dma_wait3A_136, %dma_wait3A_137] : memref<10000x128xf32, #tpu.memory_space<hbm>> -> memref<10000x128xf32, #tpu.memory_space<hbm>>
      tpu.wait_indirect_dma semaphore(%arg12 : memref<!tpu.dma_semaphore, #tpu.memory_space<semaphore_mem>>) src(%dma_wait3A_138 : memref<10000x128xf32, #tpu.memory_space<hbm>>) dst(%dma_wait3A_132 : memref<128x128xf32, #tpu.memory_space<vmem>>)
      %run_scoped3A_139 = arith.constant 0 : i32
      "tpu.region"() ({
        %run_scoped3A_182 = tpu.sem_alloc : memref<!tpu.dma_semaphore, #tpu.memory_space<semaphore_mem>>
        %dma_start3A_183 = arith.constant 0 : i32
        %dma_start3A_184 = arith.constant 0 : i32
        %dma_start3A_185 = tpu.memref_slice %arg10[%run_scoped3A_139, %dma_start3A_183, %dma_start3A_184] : memref<2x128x128xf32, #tpu.memory_space<vmem>> -> memref<1x128x128xf32, #tpu.memory_space<vmem>>
        %dma_start3A_186 = tpu.memref_squeeze %dma_start3A_185 : memref<1x128x128xf32, #tpu.memory_space<vmem>> -> memref<128x128xf32, #tpu.memory_space<vmem>>
        %dma_start3A_187 = arith.constant 0 : i32
        %dma_start3A_188 = tpu.memref_slice %arg9[%add3A_127, %dma_start3A_187] : memref<40x128xi32, #tpu.memory_space<vmem>> -> memref<1x128xi32, #tpu.memory_space<vmem>>
        %dma_start3A_189 = tpu.memref_squeeze %dma_start3A_188 : memref<1x128xi32, #tpu.memory_space<vmem>> -> memref<128xi32, #tpu.memory_space<vmem>>
        %dma_start3A_190 = arith.constant 0 : i32
        %dma_start3A_191 = arith.constant 0 : i32
        %dma_start3A_192 = tpu.memref_slice %arg11[%dma_start3A_190, %dma_start3A_191] : memref<10112x128xf32, #tpu.memory_space<vmem_shared>> -> memref<10112x128xf32, #tpu.memory_space<vmem_shared>>
        tpu.enqueue_indirect_dma source(%dma_start3A_186 : memref<128x128xf32, #tpu.memory_space<vmem>>) target(%dma_start3A_192 : memref<10112x128xf32, #tpu.memory_space<vmem_shared>>) offsets(%dma_start3A_189 : memref<128xi32, #tpu.memory_space<vmem>>) semaphore(%run_scoped3A_182 : memref<!tpu.dma_semaphore, #tpu.memory_space<semaphore_mem>>) {add = true}
        %dma_wait3A_193 = arith.constant 0 : i32
        %dma_wait3A_194 = arith.constant 0 : i32
        %dma_wait3A_195 = tpu.memref_slice %arg10[%run_scoped3A_139, %dma_wait3A_193, %dma_wait3A_194] : memref<2x128x128xf32, #tpu.memory_space<vmem>> -> memref<1x128x128xf32, #tpu.memory_space<vmem>>
        %dma_wait3A_196 = tpu.memref_squeeze %dma_wait3A_195 : memref<1x128x128xf32, #tpu.memory_space<vmem>> -> memref<128x128xf32, #tpu.memory_space<vmem>>
        %dma_wait3A_197 = arith.constant 0 : i32
        %dma_wait3A_198 = tpu.memref_slice %arg9[%add3A_127, %dma_wait3A_197] : memref<40x128xi32, #tpu.memory_space<vmem>> -> memref<1x128xi32, #tpu.memory_space<vmem>>
        %dma_wait3A_199 = tpu.memref_squeeze %dma_wait3A_198 : memref<1x128xi32, #tpu.memory_space<vmem>> -> memref<128xi32, #tpu.memory_space<vmem>>
        %dma_wait3A_200 = arith.constant 0 : i32
        %dma_wait3A_201 = arith.constant 0 : i32
        %dma_wait3A_202 = tpu.memref_slice %arg11[%dma_wait3A_200, %dma_wait3A_201] : memref<10112x128xf32, #tpu.memory_space<vmem_shared>> -> memref<10112x128xf32, #tpu.memory_space<vmem_shared>>
        tpu.wait_indirect_dma semaphore(%run_scoped3A_182 : memref<!tpu.dma_semaphore, #tpu.memory_space<semaphore_mem>>) src(%dma_wait3A_196 : memref<128x128xf32, #tpu.memory_space<vmem>>) dst(%dma_wait3A_202 : memref<10112x128xf32, #tpu.memory_space<vmem_shared>>)
        tpu.yield
      }) : () -> ()
      %add3A_140 = arith.constant 2 : i32
      %add3A_141 = arith.addi %add3A_127, %add3A_140 : i32
      %dma_start3A_142 = arith.constant 0 : i32
      %dma_start3A_143 = arith.constant 0 : i32
      %dma_start3A_144 = arith.constant 0 : i32
      %dma_start3A_145 = tpu.memref_slice %arg10[%dma_start3A_142, %dma_start3A_143, %dma_start3A_144] : memref<2x128x128xf32, #tpu.memory_space<vmem>> -> memref<1x128x128xf32, #tpu.memory_space<vmem>>
      %dma_start3A_146 = tpu.memref_squeeze %dma_start3A_145 : memref<1x128x128xf32, #tpu.memory_space<vmem>> -> memref<128x128xf32, #tpu.memory_space<vmem>>
      %dma_start3A_147 = arith.constant 0 : i32
      %dma_start3A_148 = tpu.memref_slice %arg8[%add3A_141, %dma_start3A_147] : memref<40x128xi32, #tpu.memory_space<vmem>> -> memref<1x128xi32, #tpu.memory_space<vmem>>
      %dma_start3A_149 = tpu.memref_squeeze %dma_start3A_148 : memref<1x128xi32, #tpu.memory_space<vmem>> -> memref<128xi32, #tpu.memory_space<vmem>>
      %dma_start3A_150 = arith.constant 0 : i32
      %dma_start3A_151 = arith.constant 0 : i32
      %dma_start3A_152 = tpu.memref_slice %arg2[%dma_start3A_150, %dma_start3A_151] : memref<10000x128xf32, #tpu.memory_space<hbm>> -> memref<10000x128xf32, #tpu.memory_space<hbm>>
      tpu.enqueue_indirect_dma source(%dma_start3A_152 : memref<10000x128xf32, #tpu.memory_space<hbm>>) target(%dma_start3A_146 : memref<128x128xf32, #tpu.memory_space<vmem>>) offsets(%dma_start3A_149 : memref<128xi32, #tpu.memory_space<vmem>>) semaphore(%arg12 : memref<!tpu.dma_semaphore, #tpu.memory_space<semaphore_mem>>)
      %mul3A_153 = arith.constant 2 : i32
      %mul3A_154 = arith.muli %scan3A_123, %mul3A_153 : i32
      %add3A_155 = arith.constant 1 : i32
      %add3A_156 = arith.addi %mul3A_154, %add3A_155 : i32
      %dma_wait3A_157 = arith.constant 1 : i32
      %dma_wait3A_158 = arith.constant 0 : i32
      %dma_wait3A_159 = arith.constant 0 : i32
      %dma_wait3A_160 = tpu.memref_slice %arg10[%dma_wait3A_157, %dma_wait3A_158, %dma_wait3A_159] : memref<2x128x128xf32, #tpu.memory_space<vmem>> -> memref<1x128x128xf32, #tpu.memory_space<vmem>>
      %dma_wait3A_161 = tpu.memref_squeeze %dma_wait3A_160 : memref<1x128x128xf32, #tpu.memory_space<vmem>> -> memref<128x128xf32, #tpu.memory_space<vmem>>
      %dma_wait3A_162 = arith.constant 0 : i32
      %dma_wait3A_163 = tpu.memref_slice %arg8[%add3A_156, %dma_wait3A_162] : memref<40x128xi32, #tpu.memory_space<vmem>> -> memref<1x128xi32, #tpu.memory_space<vmem>>
      %dma_wait3A_164 = tpu.memref_squeeze %dma_wait3A_163 : memref<1x128xi32, #tpu.memory_space<vmem>> -> memref<128xi32, #tpu.memory_space<vmem>>
      %dma_wait3A_165 = arith.constant 0 : i32
      %dma_wait3A_166 = arith.constant 0 : i32
      %dma_wait3A_167 = tpu.memref_slice %arg2[%dma_wait3A_165, %dma_wait3A_166] : memref<10000x128xf32, #tpu.memory_space<hbm>> -> memref<10000x128xf32, #tpu.memory_space<hbm>>
      tpu.wait_indirect_dma semaphore(%arg13 : memref<!tpu.dma_semaphore, #tpu.memory_space<semaphore_mem>>) src(%dma_wait3A_167 : memref<10000x128xf32, #tpu.memory_space<hbm>>) dst(%dma_wait3A_161 : memref<128x128xf32, #tpu.memory_space<vmem>>)
      %run_scoped3A_168 = arith.constant 1 : i32
      "tpu.region"() ({
        %run_scoped3A_182 = tpu.sem_alloc : memref<!tpu.dma_semaphore, #tpu.memory_space<semaphore_mem>>
        %dma_start3A_183 = arith.constant 0 : i32
        %dma_start3A_184 = arith.constant 0 : i32
        %dma_start3A_185 = tpu.memref_slice %arg10[%run_scoped3A_168, %dma_start3A_183, %dma_start3A_184] : memref<2x128x128xf32, #tpu.memory_space<vmem>> -> memref<1x128x128xf32, #tpu.memory_space<vmem>>
        %dma_start3A_186 = tpu.memref_squeeze %dma_start3A_185 : memref<1x128x128xf32, #tpu.memory_space<vmem>> -> memref<128x128xf32, #tpu.memory_space<vmem>>
        %dma_start3A_187 = arith.constant 0 : i32
        %dma_start3A_188 = tpu.memref_slice %arg9[%add3A_156, %dma_start3A_187] : memref<40x128xi32, #tpu.memory_space<vmem>> -> memref<1x128xi32, #tpu.memory_space<vmem>>
        %dma_start3A_189 = tpu.memref_squeeze %dma_start3A_188 : memref<1x128xi32, #tpu.memory_space<vmem>> -> memref<128xi32, #tpu.memory_space<vmem>>
        %dma_start3A_190 = arith.constant 0 : i32
        %dma_start3A_191 = arith.constant 0 : i32
        %dma_start3A_192 = tpu.memref_slice %arg11[%dma_start3A_190, %dma_start3A_191] : memref<10112x128xf32, #tpu.memory_space<vmem_shared>> -> memref<10112x128xf32, #tpu.memory_space<vmem_shared>>
        tpu.enqueue_indirect_dma source(%dma_start3A_186 : memref<128x128xf32, #tpu.memory_space<vmem>>) target(%dma_start3A_192 : memref<10112x128xf32, #tpu.memory_space<vmem_shared>>) offsets(%dma_start3A_189 : memref<128xi32, #tpu.memory_space<vmem>>) semaphore(%run_scoped3A_182 : memref<!tpu.dma_semaphore, #tpu.memory_space<semaphore_mem>>) {add = true}
        %dma_wait3A_193 = arith.constant 0 : i32
        %dma_wait3A_194 = arith.constant 0 : i32
        %dma_wait3A_195 = tpu.memref_slice %arg10[%run_scoped3A_168, %dma_wait3A_193, %dma_wait3A_194] : memref<2x128x128xf32, #tpu.memory_space<vmem>> -> memref<1x128x128xf32, #tpu.memory_space<vmem>>
        %dma_wait3A_196 = tpu.memref_squeeze %dma_wait3A_195 : memref<1x128x128xf32, #tpu.memory_space<vmem>> -> memref<128x128xf32, #tpu.memory_space<vmem>>
        %dma_wait3A_197 = arith.constant 0 : i32
        %dma_wait3A_198 = tpu.memref_slice %arg9[%add3A_156, %dma_wait3A_197] : memref<40x128xi32, #tpu.memory_space<vmem>> -> memref<1x128xi32, #tpu.memory_space<vmem>>
        %dma_wait3A_199 = tpu.memref_squeeze %dma_wait3A_198 : memref<1x128xi32, #tpu.memory_space<vmem>> -> memref<128xi32, #tpu.memory_space<vmem>>
        %dma_wait3A_200 = arith.constant 0 : i32
        %dma_wait3A_201 = arith.constant 0 : i32
        %dma_wait3A_202 = tpu.memref_slice %arg11[%dma_wait3A_200, %dma_wait3A_201] : memref<10112x128xf32, #tpu.memory_space<vmem_shared>> -> memref<10112x128xf32, #tpu.memory_space<vmem_shared>>
        tpu.wait_indirect_dma semaphore(%run_scoped3A_182 : memref<!tpu.dma_semaphore, #tpu.memory_space<semaphore_mem>>) src(%dma_wait3A_196 : memref<128x128xf32, #tpu.memory_space<vmem>>) dst(%dma_wait3A_202 : memref<10112x128xf32, #tpu.memory_space<vmem_shared>>)
        tpu.yield
      }) : () -> ()
      %add3A_169 = arith.constant 2 : i32
      %add3A_170 = arith.addi %add3A_156, %add3A_169 : i32
      %dma_start3A_171 = arith.constant 1 : i32
      %dma_start3A_172 = arith.constant 0 : i32
      %dma_start3A_173 = arith.constant 0 : i32
      %dma_start3A_174 = tpu.memref_slice %arg10[%dma_start3A_171, %dma_start3A_172, %dma_start3A_173] : memref<2x128x128xf32, #tpu.memory_space<vmem>> -> memref<1x128x128xf32, #tpu.memory_space<vmem>>
      %dma_start3A_175 = tpu.memref_squeeze %dma_start3A_174 : memref<1x128x128xf32, #tpu.memory_space<vmem>> -> memref<128x128xf32, #tpu.memory_space<vmem>>
      %dma_start3A_176 = arith.constant 0 : i32
      %dma_start3A_177 = tpu.memref_slice %arg8[%add3A_170, %dma_start3A_176] : memref<40x128xi32, #tpu.memory_space<vmem>> -> memref<1x128xi32, #tpu.memory_space<vmem>>
      %dma_start3A_178 = tpu.memref_squeeze %dma_start3A_177 : memref<1x128xi32, #tpu.memory_space<vmem>> -> memref<128xi32, #tpu.memory_space<vmem>>
      %dma_start3A_179 = arith.constant 0 : i32
      %dma_start3A_180 = arith.constant 0 : i32
      %dma_start3A_181 = tpu.memref_slice %arg2[%dma_start3A_179, %dma_start3A_180] : memref<10000x128xf32, #tpu.memory_space<hbm>> -> memref<10000x128xf32, #tpu.memory_space<hbm>>
      tpu.enqueue_indirect_dma source(%dma_start3A_181 : memref<10000x128xf32, #tpu.memory_space<hbm>>) target(%dma_start3A_175 : memref<128x128xf32, #tpu.memory_space<vmem>>) offsets(%dma_start3A_178 : memref<128xi32, #tpu.memory_space<vmem>>) semaphore(%arg13 : memref<!tpu.dma_semaphore, #tpu.memory_space<semaphore_mem>>)
    }
    %scan3A_86 = arith.constant 19 : i32
    %dma_wait3A_87 = arith.constant 38 : i32
    %dma_wait3A_88 = arith.constant 0 : i32
    %dma_wait3A_89 = arith.constant 0 : i32
    %dma_wait3A_90 = arith.constant 0 : i32
    %dma_wait3A_91 = tpu.memref_slice %arg10[%dma_wait3A_88, %dma_wait3A_89, %dma_wait3A_90] : memref<2x128x128xf32, #tpu.memory_space<vmem>> -> memref<1x128x128xf32, #tpu.memory_space<vmem>>
    %dma_wait3A_92 = tpu.memref_squeeze %dma_wait3A_91 : memref<1x128x128xf32, #tpu.memory_space<vmem>> -> memref<128x128xf32, #tpu.memory_space<vmem>>
    %dma_wait3A_93 = arith.constant 0 : i32
    %dma_wait3A_94 = tpu.memref_slice %arg8[%dma_wait3A_87, %dma_wait3A_93] : memref<40x128xi32, #tpu.memory_space<vmem>> -> memref<1x128xi32, #tpu.memory_space<vmem>>
    %dma_wait3A_95 = tpu.memref_squeeze %dma_wait3A_94 : memref<1x128xi32, #tpu.memory_space<vmem>> -> memref<128xi32, #tpu.memory_space<vmem>>
    %dma_wait3A_96 = arith.constant 0 : i32
    %dma_wait3A_97 = arith.constant 0 : i32
    %dma_wait3A_98 = tpu.memref_slice %arg2[%dma_wait3A_96, %dma_wait3A_97] : memref<10000x128xf32, #tpu.memory_space<hbm>> -> memref<10000x128xf32, #tpu.memory_space<hbm>>
    tpu.wait_indirect_dma semaphore(%arg12 : memref<!tpu.dma_semaphore, #tpu.memory_space<semaphore_mem>>) src(%dma_wait3A_98 : memref<10000x128xf32, #tpu.memory_space<hbm>>) dst(%dma_wait3A_92 : memref<128x128xf32, #tpu.memory_space<vmem>>)
    %run_scoped3A_99 = arith.constant 0 : i32
    %run_scoped3A_100 = arith.constant 38 : i32
    "tpu.region"() ({
      %run_scoped3A_123 = tpu.sem_alloc : memref<!tpu.dma_semaphore, #tpu.memory_space<semaphore_mem>>
      %dma_start3A_124 = arith.constant 0 : i32
      %dma_start3A_125 = arith.constant 0 : i32
      %dma_start3A_126 = tpu.memref_slice %arg10[%run_scoped3A_99, %dma_start3A_124, %dma_start3A_125] : memref<2x128x128xf32, #tpu.memory_space<vmem>> -> memref<1x128x128xf32, #tpu.memory_space<vmem>>
      %dma_start3A_127 = tpu.memref_squeeze %dma_start3A_126 : memref<1x128x128xf32, #tpu.memory_space<vmem>> -> memref<128x128xf32, #tpu.memory_space<vmem>>
      %dma_start3A_128 = arith.constant 0 : i32
      %dma_start3A_129 = tpu.memref_slice %arg9[%run_scoped3A_100, %dma_start3A_128] : memref<40x128xi32, #tpu.memory_space<vmem>> -> memref<1x128xi32, #tpu.memory_space<vmem>>
      %dma_start3A_130 = tpu.memref_squeeze %dma_start3A_129 : memref<1x128xi32, #tpu.memory_space<vmem>> -> memref<128xi32, #tpu.memory_space<vmem>>
      %dma_start3A_131 = arith.constant 0 : i32
      %dma_start3A_132 = arith.constant 0 : i32
      %dma_start3A_133 = tpu.memref_slice %arg11[%dma_start3A_131, %dma_start3A_132] : memref<10112x128xf32, #tpu.memory_space<vmem_shared>> -> memref<10112x128xf32, #tpu.memory_space<vmem_shared>>
      tpu.enqueue_indirect_dma source(%dma_start3A_127 : memref<128x128xf32, #tpu.memory_space<vmem>>) target(%dma_start3A_133 : memref<10112x128xf32, #tpu.memory_space<vmem_shared>>) offsets(%dma_start3A_130 : memref<128xi32, #tpu.memory_space<vmem>>) semaphore(%run_scoped3A_123 : memref<!tpu.dma_semaphore, #tpu.memory_space<semaphore_mem>>) {add = true}
      %dma_wait3A_134 = arith.constant 0 : i32
      %dma_wait3A_135 = arith.constant 0 : i32
      %dma_wait3A_136 = tpu.memref_slice %arg10[%run_scoped3A_99, %dma_wait3A_134, %dma_wait3A_135] : memref<2x128x128xf32, #tpu.memory_space<vmem>> -> memref<1x128x128xf32, #tpu.memory_space<vmem>>
      %dma_wait3A_137 = tpu.memref_squeeze %dma_wait3A_136 : memref<1x128x128xf32, #tpu.memory_space<vmem>> -> memref<128x128xf32, #tpu.memory_space<vmem>>
      %dma_wait3A_138 = arith.constant 0 : i32
      %dma_wait3A_139 = tpu.memref_slice %arg9[%run_scoped3A_100, %dma_wait3A_138] : memref<40x128xi32, #tpu.memory_space<vmem>> -> memref<1x128xi32, #tpu.memory_space<vmem>>
      %dma_wait3A_140 = tpu.memref_squeeze %dma_wait3A_139 : memref<1x128xi32, #tpu.memory_space<vmem>> -> memref<128xi32, #tpu.memory_space<vmem>>
      %dma_wait3A_141 = arith.constant 0 : i32
      %dma_wait3A_142 = arith.constant 0 : i32
      %dma_wait3A_143 = tpu.memref_slice %arg11[%dma_wait3A_141, %dma_wait3A_142] : memref<10112x128xf32, #tpu.memory_space<vmem_shared>> -> memref<10112x128xf32, #tpu.memory_space<vmem_shared>>
      tpu.wait_indirect_dma semaphore(%run_scoped3A_123 : memref<!tpu.dma_semaphore, #tpu.memory_space<semaphore_mem>>) src(%dma_wait3A_137 : memref<128x128xf32, #tpu.memory_space<vmem>>) dst(%dma_wait3A_143 : memref<10112x128xf32, #tpu.memory_space<vmem_shared>>)
      tpu.yield
    }) : () -> ()
    %dma_wait3A_101 = arith.constant 39 : i32
    %dma_wait3A_102 = arith.constant 1 : i32
    %dma_wait3A_103 = arith.constant 0 : i32
    %dma_wait3A_104 = arith.constant 0 : i32
    %dma_wait3A_105 = tpu.memref_slice %arg10[%dma_wait3A_102, %dma_wait3A_103, %dma_wait3A_104] : memref<2x128x128xf32, #tpu.memory_space<vmem>> -> memref<1x128x128xf32, #tpu.memory_space<vmem>>
    %dma_wait3A_106 = tpu.memref_squeeze %dma_wait3A_105 : memref<1x128x128xf32, #tpu.memory_space<vmem>> -> memref<128x128xf32, #tpu.memory_space<vmem>>
    %dma_wait3A_107 = arith.constant 0 : i32
    %dma_wait3A_108 = tpu.memref_slice %arg8[%dma_wait3A_101, %dma_wait3A_107] : memref<40x128xi32, #tpu.memory_space<vmem>> -> memref<1x128xi32, #tpu.memory_space<vmem>>
    %dma_wait3A_109 = tpu.memref_squeeze %dma_wait3A_108 : memref<1x128xi32, #tpu.memory_space<vmem>> -> memref<128xi32, #tpu.memory_space<vmem>>
    %dma_wait3A_110 = arith.constant 0 : i32
    %dma_wait3A_111 = arith.constant 0 : i32
    %dma_wait3A_112 = tpu.memref_slice %arg2[%dma_wait3A_110, %dma_wait3A_111] : memref<10000x128xf32, #tpu.memory_space<hbm>> -> memref<10000x128xf32, #tpu.memory_space<hbm>>
    tpu.wait_indirect_dma semaphore(%arg13 : memref<!tpu.dma_semaphore, #tpu.memory_space<semaphore_mem>>) src(%dma_wait3A_112 : memref<10000x128xf32, #tpu.memory_space<hbm>>) dst(%dma_wait3A_106 : memref<128x128xf32, #tpu.memory_space<vmem>>)
    %run_scoped3A_113 = arith.constant 1 : i32
    %run_scoped3A_114 = arith.constant 39 : i32
    "tpu.region"() ({
      %run_scoped3A_123 = tpu.sem_alloc : memref<!tpu.dma_semaphore, #tpu.memory_space<semaphore_mem>>
      %dma_start3A_124 = arith.constant 0 : i32
      %dma_start3A_125 = arith.constant 0 : i32
      %dma_start3A_126 = tpu.memref_slice %arg10[%run_scoped3A_113, %dma_start3A_124, %dma_start3A_125] : memref<2x128x128xf32, #tpu.memory_space<vmem>> -> memref<1x128x128xf32, #tpu.memory_space<vmem>>
      %dma_start3A_127 = tpu.memref_squeeze %dma_start3A_126 : memref<1x128x128xf32, #tpu.memory_space<vmem>> -> memref<128x128xf32, #tpu.memory_space<vmem>>
      %dma_start3A_128 = arith.constant 0 : i32
      %dma_start3A_129 = tpu.memref_slice %arg9[%run_scoped3A_114, %dma_start3A_128] : memref<40x128xi32, #tpu.memory_space<vmem>> -> memref<1x128xi32, #tpu.memory_space<vmem>>
      %dma_start3A_130 = tpu.memref_squeeze %dma_start3A_129 : memref<1x128xi32, #tpu.memory_space<vmem>> -> memref<128xi32, #tpu.memory_space<vmem>>
      %dma_start3A_131 = arith.constant 0 : i32
      %dma_start3A_132 = arith.constant 0 : i32
      %dma_start3A_133 = tpu.memref_slice %arg11[%dma_start3A_131, %dma_start3A_132] : memref<10112x128xf32, #tpu.memory_space<vmem_shared>> -> memref<10112x128xf32, #tpu.memory_space<vmem_shared>>
      tpu.enqueue_indirect_dma source(%dma_start3A_127 : memref<128x128xf32, #tpu.memory_space<vmem>>) target(%dma_start3A_133 : memref<10112x128xf32, #tpu.memory_space<vmem_shared>>) offsets(%dma_start3A_130 : memref<128xi32, #tpu.memory_space<vmem>>) semaphore(%run_scoped3A_123 : memref<!tpu.dma_semaphore, #tpu.memory_space<semaphore_mem>>) {add = true}
      %dma_wait3A_134 = arith.constant 0 : i32
      %dma_wait3A_135 = arith.constant 0 : i32
      %dma_wait3A_136 = tpu.memref_slice %arg10[%run_scoped3A_113, %dma_wait3A_134, %dma_wait3A_135] : memref<2x128x128xf32, #tpu.memory_space<vmem>> -> memref<1x128x128xf32, #tpu.memory_space<vmem>>
      %dma_wait3A_137 = tpu.memref_squeeze %dma_wait3A_136 : memref<1x128x128xf32, #tpu.memory_space<vmem>> -> memref<128x128xf32, #tpu.memory_space<vmem>>
      %dma_wait3A_138 = arith.constant 0 : i32
      %dma_wait3A_139 = tpu.memref_slice %arg9[%run_scoped3A_114, %dma_wait3A_138] : memref<40x128xi32, #tpu.memory_space<vmem>> -> memref<1x128xi32, #tpu.memory_space<vmem>>
      %dma_wait3A_140 = tpu.memref_squeeze %dma_wait3A_139 : memref<1x128xi32, #tpu.memory_space<vmem>> -> memref<128xi32, #tpu.memory_space<vmem>>
      %dma_wait3A_141 = arith.constant 0 : i32
      %dma_wait3A_142 = arith.constant 0 : i32
      %dma_wait3A_143 = tpu.memref_slice %arg11[%dma_wait3A_141, %dma_wait3A_142] : memref<10112x128xf32, #tpu.memory_space<vmem_shared>> -> memref<10112x128xf32, #tpu.memory_space<vmem_shared>>
      tpu.wait_indirect_dma semaphore(%run_scoped3A_123 : memref<!tpu.dma_semaphore, #tpu.memory_space<semaphore_mem>>) src(%dma_wait3A_137 : memref<128x128xf32, #tpu.memory_space<vmem>>) dst(%dma_wait3A_143 : memref<10112x128xf32, #tpu.memory_space<vmem_shared>>)
      tpu.yield
    }) : () -> ()
    %barrier3A_115 = arith.constant 0 : index
    tpu.barrier barrier_id(%barrier3A_115)
    %eq3A = arith.constant 0 : i32
    %eq3A_116 = arith.cmpi eq, %arg0, %eq3A : i32
    %convert_element_type3A = arith.extui %eq3A_116 : i1 to i32
    %cond3A = arith.constant 0 : i32
    %cond3A_117 = arith.cmpi ne, %convert_element_type3A, %cond3A : i32
    scf.if %cond3A_117 {
      "tpu.region"() ({
        %run_scoped3A_123 = tpu.sem_alloc : memref<!tpu.dma_semaphore, #tpu.memory_space<semaphore_mem>>
        %dma_start3A_124 = arith.constant 0 : i32
        %dma_start3A_125 = tpu.memref_slice %arg6[%mul3A_2, %dma_start3A_124] : memref<10112x128xf32, #tpu.memory_space<hbm>> -> memref<632x128xf32, #tpu.memory_space<hbm>>
        %dma_start3A_126 = arith.constant 0 : i32
        %dma_start3A_127 = tpu.memref_slice %arg11[%mul3A_2, %dma_start3A_126] : memref<10112x128xf32, #tpu.memory_space<vmem_shared>> -> memref<632x128xf32, #tpu.memory_space<vmem_shared>>
        tpu.enqueue_dma source(%dma_start3A_127 : memref<632x128xf32, #tpu.memory_space<vmem_shared>>) target(%dma_start3A_125 : memref<632x128xf32, #tpu.memory_space<hbm>>) target_semaphore(%run_scoped3A_123 : memref<!tpu.dma_semaphore, #tpu.memory_space<semaphore_mem>>)
        %dma_wait3A_128 = arith.constant 0 : i32
        %dma_wait3A_129 = tpu.memref_slice %arg6[%mul3A_2, %dma_wait3A_128] : memref<10112x128xf32, #tpu.memory_space<hbm>> -> memref<632x128xf32, #tpu.memory_space<hbm>>
        %dma_wait3A_130 = arith.constant 0 : i32
        %dma_wait3A_131 = tpu.memref_slice %arg11[%mul3A_2, %dma_wait3A_130] : memref<10112x128xf32, #tpu.memory_space<vmem_shared>> -> memref<632x128xf32, #tpu.memory_space<vmem_shared>>
        tpu.wait_dma2 semaphore(%run_scoped3A_123 : memref<!tpu.dma_semaphore, #tpu.memory_space<semaphore_mem>>) src(%dma_wait3A_131 : memref<632x128xf32, #tpu.memory_space<vmem_shared>>) dst(%dma_wait3A_129 : memref<632x128xf32, #tpu.memory_space<hbm>>)
        tpu.yield
      }) : () -> ()
    } else {
    }
    %eq3A_118 = arith.constant 1 : i32
    %eq3A_119 = arith.cmpi eq, %arg0, %eq3A_118 : i32
    %convert_element_type3A_120 = arith.extui %eq3A_119 : i1 to i32
    %cond3A_121 = arith.constant 0 : i32
    %cond3A_122 = arith.cmpi ne, %convert_element_type3A_120, %cond3A_121 : i32
    scf.if %cond3A_122 {
      "tpu.region"() ({
        %run_scoped3A_123 = tpu.sem_alloc : memref<!tpu.dma_semaphore, #tpu.memory_space<semaphore_mem>>
        %dma_start3A_124 = arith.constant 0 : i32
        %dma_start3A_125 = tpu.memref_slice %arg7[%mul3A_2, %dma_start3A_124] : memref<10112x128xf32, #tpu.memory_space<hbm>> -> memref<632x128xf32, #tpu.memory_space<hbm>>
        %dma_start3A_126 = arith.constant 0 : i32
        %dma_start3A_127 = tpu.memref_slice %arg11[%mul3A_2, %dma_start3A_126] : memref<10112x128xf32, #tpu.memory_space<vmem_shared>> -> memref<632x128xf32, #tpu.memory_space<vmem_shared>>
        tpu.enqueue_dma source(%dma_start3A_127 : memref<632x128xf32, #tpu.memory_space<vmem_shared>>) target(%dma_start3A_125 : memref<632x128xf32, #tpu.memory_space<hbm>>) target_semaphore(%run_scoped3A_123 : memref<!tpu.dma_semaphore, #tpu.memory_space<semaphore_mem>>)
        %dma_wait3A_128 = arith.constant 0 : i32
        %dma_wait3A_129 = tpu.memref_slice %arg7[%mul3A_2, %dma_wait3A_128] : memref<10112x128xf32, #tpu.memory_space<hbm>> -> memref<632x128xf32, #tpu.memory_space<hbm>>
        %dma_wait3A_130 = arith.constant 0 : i32
        %dma_wait3A_131 = tpu.memref_slice %arg11[%mul3A_2, %dma_wait3A_130] : memref<10112x128xf32, #tpu.memory_space<vmem_shared>> -> memref<632x128xf32, #tpu.memory_space<vmem_shared>>
        tpu.wait_dma2 semaphore(%run_scoped3A_123 : memref<!tpu.dma_semaphore, #tpu.memory_space<semaphore_mem>>) src(%dma_wait3A_131 : memref<632x128xf32, #tpu.memory_space<vmem_shared>>) dst(%dma_wait3A_129 : memref<632x128xf32, #tpu.memory_space<hbm>>)
        tpu.yield
      }) : () -> ()
    } else {
    }
    return
  }
}

#map = affine_map<(d0, d1) -> (0, 0)>
#map1 = affine_map<(d0, d1) -> (0, 0, 0)>
module attributes {stable_mosaic.version = 14 : i64} {
  func.func @agg_kernel(%arg0: i32, %arg1: i32, %arg2: memref<10000x128xf32, #tpu.memory_space<hbm>>, %arg3: memref<32x80x128xi32, #tpu.memory_space<hbm>>, %arg4: memref<32x80x128xi32, #tpu.memory_space<hbm>>, %arg5: memref<10112x128xf32, #tpu.memory_space<hbm>>, %arg6: memref<10112x128xf32, #tpu.memory_space<hbm>>, %arg7: memref<10112x128xf32, #tpu.memory_space<hbm>>, %arg8: memref<40x128xi32, #tpu.memory_space<vmem>>, %arg9: memref<40x128xi32, #tpu.memory_space<vmem>>, %arg10: memref<2x128x128xf32, #tpu.memory_space<vmem>>, %arg11: memref<10112x128xf32, #tpu.memory_space<vmem_shared>>, %arg12: memref<!tpu.dma_semaphore, #tpu.memory_space<semaphore_mem>>, %arg13: memref<!tpu.dma_semaphore, #tpu.memory_space<semaphore_mem>>) attributes {dimension_semantics = [#tpu.dimension_semantics<core_parallel>, #tpu.dimension_semantics<subcore_parallel>], iteration_bounds = array<i64: 2, 16>, scalar_prefetch = 0 : i64, scratch_operands = 6 : i64, tpu.core_type = #tpu.core_type<sc_vector_subcore>, window_params = [{transform_indices = #map}, {transform_indices = #map1}, {transform_indices = #map1}, {transform_indices = #map}, {transform_indices = #map}, {transform_indices = #map}]} {
    %mul3A = arith.constant 16 : i32
    %mul3A_0 = arith.muli %arg0, %mul3A : i32
    %add3A = arith.addi %mul3A_0, %arg1 : i32
    %mul3A_1 = arith.constant 632 : i32
    %mul3A_2 = arith.muli %arg1, %mul3A_1 : i32
    "tpu.region"() ({
      %run_scoped3A_123 = tpu.sem_alloc : memref<!tpu.dma_semaphore, #tpu.memory_space<semaphore_mem>>
      %dma_start3A_124 = arith.constant 0 : i32
      %dma_start3A_125 = tpu.memref_slice %arg11[%mul3A_2, %dma_start3A_124] : memref<10112x128xf32, #tpu.memory_space<vmem_shared>> -> memref<632x128xf32, #tpu.memory_space<vmem_shared>>
      %dma_start3A_126 = arith.constant 0 : i32
      %dma_start3A_127 = tpu.memref_slice %arg5[%mul3A_2, %dma_start3A_126] : memref<10112x128xf32, #tpu.memory_space<hbm>> -> memref<632x128xf32, #tpu.memory_space<hbm>>
      tpu.enqueue_dma source(%dma_start3A_127 : memref<632x128xf32, #tpu.memory_space<hbm>>) target(%dma_start3A_125 : memref<632x128xf32, #tpu.memory_space<vmem_shared>>) target_semaphore(%run_scoped3A_123 : memref<!tpu.dma_semaphore, #tpu.memory_space<semaphore_mem>>)
      %dma_wait3A_128 = arith.constant 0 : i32
      %dma_wait3A_129 = tpu.memref_slice %arg11[%mul3A_2, %dma_wait3A_128] : memref<10112x128xf32, #tpu.memory_space<vmem_shared>> -> memref<632x128xf32, #tpu.memory_space<vmem_shared>>
      %dma_wait3A_130 = arith.constant 0 : i32
      %dma_wait3A_131 = tpu.memref_slice %arg5[%mul3A_2, %dma_wait3A_130] : memref<10112x128xf32, #tpu.memory_space<hbm>> -> memref<632x128xf32, #tpu.memory_space<hbm>>
      tpu.wait_dma2 semaphore(%run_scoped3A_123 : memref<!tpu.dma_semaphore, #tpu.memory_space<semaphore_mem>>) src(%dma_wait3A_131 : memref<632x128xf32, #tpu.memory_space<hbm>>) dst(%dma_wait3A_129 : memref<632x128xf32, #tpu.memory_space<vmem_shared>>)
      tpu.yield
    }) : () -> ()
    %barrier3A = arith.constant 0 : index
    tpu.barrier barrier_id(%barrier3A)
    "tpu.region"() ({
      %run_scoped3A_123 = tpu.sem_alloc : memref<!tpu.dma_semaphore, #tpu.memory_space<semaphore_mem>>
      %dma_start3A_124 = arith.constant 0 : i32
      %dma_start3A_125 = arith.constant 0 : i32
      %dma_start3A_126 = tpu.memref_slice %arg4[%add3A, %dma_start3A_124, %dma_start3A_125] : memref<32x80x128xi32, #tpu.memory_space<hbm>> -> memref<1x40x128xi32, #tpu.memory_space<hbm>>
      %dma_start3A_127 = tpu.memref_squeeze %dma_start3A_126 : memref<1x40x128xi32, #tpu.memory_space<hbm>> -> memref<40x128xi32, #tpu.memory_space<hbm>>
      %dma_start3A_128 = arith.constant 0 : i32
      %dma_start3A_129 = arith.constant 0 : i32
      %dma_start3A_130 = tpu.memref_slice %arg4[%add3A, %dma_start3A_128, %dma_start3A_129] : memref<32x80x128xi32, #tpu.memory_space<hbm>> -> memref<1x40x128xi32, #tpu.memory_space<hbm>>
      %dma_start3A_131 = tpu.memref_squeeze %dma_start3A_130 : memref<1x40x128xi32, #tpu.memory_space<hbm>> -> memref<40x128xi32, #tpu.memory_space<hbm>>
      tpu.enqueue_dma source(%dma_start3A_131 : memref<40x128xi32, #tpu.memory_space<hbm>>) target(%arg9 : memref<40x128xi32, #tpu.memory_space<vmem>>) target_semaphore(%run_scoped3A_123 : memref<!tpu.dma_semaphore, #tpu.memory_space<semaphore_mem>>)
      %dma_wait3A_132 = arith.constant 0 : i32
      %dma_wait3A_133 = arith.constant 0 : i32
      %dma_wait3A_134 = tpu.memref_slice %arg4[%add3A, %dma_wait3A_132, %dma_wait3A_133] : memref<32x80x128xi32, #tpu.memory_space<hbm>> -> memref<1x40x128xi32, #tpu.memory_space<hbm>>
      %dma_wait3A_135 = tpu.memref_squeeze %dma_wait3A_134 : memref<1x40x128xi32, #tpu.memory_space<hbm>> -> memref<40x128xi32, #tpu.memory_space<hbm>>
      %dma_wait3A_136 = arith.constant 0 : i32
      %dma_wait3A_137 = arith.constant 0 : i32
      %dma_wait3A_138 = tpu.memref_slice %arg4[%add3A, %dma_wait3A_136, %dma_wait3A_137] : memref<32x80x128xi32, #tpu.memory_space<hbm>> -> memref<1x40x128xi32, #tpu.memory_space<hbm>>
      %dma_wait3A_139 = tpu.memref_squeeze %dma_wait3A_138 : memref<1x40x128xi32, #tpu.memory_space<hbm>> -> memref<40x128xi32, #tpu.memory_space<hbm>>
      tpu.wait_dma2 semaphore(%run_scoped3A_123 : memref<!tpu.dma_semaphore, #tpu.memory_space<semaphore_mem>>) src(%dma_wait3A_139 : memref<40x128xi32, #tpu.memory_space<hbm>>) dst(%arg9 : memref<40x128xi32, #tpu.memory_space<vmem>>)
      tpu.yield
    }) : () -> ()
    "tpu.region"() ({
      %run_scoped3A_123 = tpu.sem_alloc : memref<!tpu.dma_semaphore, #tpu.memory_space<semaphore_mem>>
      %dma_start3A_124 = arith.constant 0 : i32
      %dma_start3A_125 = arith.constant 0 : i32
      %dma_start3A_126 = tpu.memref_slice %arg3[%add3A, %dma_start3A_124, %dma_start3A_125] : memref<32x80x128xi32, #tpu.memory_space<hbm>> -> memref<1x40x128xi32, #tpu.memory_space<hbm>>
      %dma_start3A_127 = tpu.memref_squeeze %dma_start3A_126 : memref<1x40x128xi32, #tpu.memory_space<hbm>> -> memref<40x128xi32, #tpu.memory_space<hbm>>
      %dma_start3A_128 = arith.constant 0 : i32
      %dma_start3A_129 = arith.constant 0 : i32
      %dma_start3A_130 = tpu.memref_slice %arg3[%add3A, %dma_start3A_128, %dma_start3A_129] : memref<32x80x128xi32, #tpu.memory_space<hbm>> -> memref<1x40x128xi32, #tpu.memory_space<hbm>>
      %dma_start3A_131 = tpu.memref_squeeze %dma_start3A_130 : memref<1x40x128xi32, #tpu.memory_space<hbm>> -> memref<40x128xi32, #tpu.memory_space<hbm>>
      tpu.enqueue_dma source(%dma_start3A_131 : memref<40x128xi32, #tpu.memory_space<hbm>>) target(%arg8 : memref<40x128xi32, #tpu.memory_space<vmem>>) target_semaphore(%run_scoped3A_123 : memref<!tpu.dma_semaphore, #tpu.memory_space<semaphore_mem>>)
      %dma_wait3A_132 = arith.constant 0 : i32
      %dma_wait3A_133 = arith.constant 0 : i32
      %dma_wait3A_134 = tpu.memref_slice %arg3[%add3A, %dma_wait3A_132, %dma_wait3A_133] : memref<32x80x128xi32, #tpu.memory_space<hbm>> -> memref<1x40x128xi32, #tpu.memory_space<hbm>>
      %dma_wait3A_135 = tpu.memref_squeeze %dma_wait3A_134 : memref<1x40x128xi32, #tpu.memory_space<hbm>> -> memref<40x128xi32, #tpu.memory_space<hbm>>
      %dma_wait3A_136 = arith.constant 0 : i32
      %dma_wait3A_137 = arith.constant 0 : i32
      %dma_wait3A_138 = tpu.memref_slice %arg3[%add3A, %dma_wait3A_136, %dma_wait3A_137] : memref<32x80x128xi32, #tpu.memory_space<hbm>> -> memref<1x40x128xi32, #tpu.memory_space<hbm>>
      %dma_wait3A_139 = tpu.memref_squeeze %dma_wait3A_138 : memref<1x40x128xi32, #tpu.memory_space<hbm>> -> memref<40x128xi32, #tpu.memory_space<hbm>>
      tpu.wait_dma2 semaphore(%run_scoped3A_123 : memref<!tpu.dma_semaphore, #tpu.memory_space<semaphore_mem>>) src(%dma_wait3A_139 : memref<40x128xi32, #tpu.memory_space<hbm>>) dst(%arg8 : memref<40x128xi32, #tpu.memory_space<vmem>>)
      tpu.yield
    }) : () -> ()
    %dma_start3A = arith.constant 0 : i32
    %dma_start3A_3 = arith.constant 0 : i32
    %dma_start3A_4 = arith.constant 0 : i32
    %dma_start3A_5 = arith.constant 0 : i32
    %dma_start3A_6 = tpu.memref_slice %arg10[%dma_start3A_3, %dma_start3A_4, %dma_start3A_5] : memref<2x128x128xf32, #tpu.memory_space<vmem>> -> memref<1x128x128xf32, #tpu.memory_space<vmem>>
    %dma_start3A_7 = tpu.memref_squeeze %dma_start3A_6 : memref<1x128x128xf32, #tpu.memory_space<vmem>> -> memref<128x128xf32, #tpu.memory_space<vmem>>
    %dma_start3A_8 = arith.constant 0 : i32
    %dma_start3A_9 = tpu.memref_slice %arg8[%dma_start3A, %dma_start3A_8] : memref<40x128xi32, #tpu.memory_space<vmem>> -> memref<1x128xi32, #tpu.memory_space<vmem>>
    %dma_start3A_10 = tpu.memref_squeeze %dma_start3A_9 : memref<1x128xi32, #tpu.memory_space<vmem>> -> memref<128xi32, #tpu.memory_space<vmem>>
    %dma_start3A_11 = arith.constant 0 : i32
    %dma_start3A_12 = arith.constant 0 : i32
    %dma_start3A_13 = tpu.memref_slice %arg2[%dma_start3A_11, %dma_start3A_12] : memref<10000x128xf32, #tpu.memory_space<hbm>> -> memref<10000x128xf32, #tpu.memory_space<hbm>>
    tpu.enqueue_indirect_dma source(%dma_start3A_13 : memref<10000x128xf32, #tpu.memory_space<hbm>>) target(%dma_start3A_7 : memref<128x128xf32, #tpu.memory_space<vmem>>) offsets(%dma_start3A_10 : memref<128xi32, #tpu.memory_space<vmem>>) semaphore(%arg12 : memref<!tpu.dma_semaphore, #tpu.memory_space<semaphore_mem>>)
    %dma_start3A_14 = arith.constant 1 : i32
    %dma_start3A_15 = arith.constant 1 : i32
    %dma_start3A_16 = arith.constant 0 : i32
    %dma_start3A_17 = arith.constant 0 : i32
    %dma_start3A_18 = tpu.memref_slice %arg10[%dma_start3A_15, %dma_start3A_16, %dma_start3A_17] : memref<2x128x128xf32, #tpu.memory_space<vmem>> -> memref<1x128x128xf32, #tpu.memory_space<vmem>>
    %dma_start3A_19 = tpu.memref_squeeze %dma_start3A_18 : memref<1x128x128xf32, #tpu.memory_space<vmem>> -> memref<128x128xf32, #tpu.memory_space<vmem>>
    %dma_start3A_20 = arith.constant 0 : i32
    %dma_start3A_21 = tpu.memref_slice %arg8[%dma_start3A_14, %dma_start3A_20] : memref<40x128xi32, #tpu.memory_space<vmem>> -> memref<1x128xi32, #tpu.memory_space<vmem>>
    %dma_start3A_22 = tpu.memref_squeeze %dma_start3A_21 : memref<1x128xi32, #tpu.memory_space<vmem>> -> memref<128xi32, #tpu.memory_space<vmem>>
    %dma_start3A_23 = arith.constant 0 : i32
    %dma_start3A_24 = arith.constant 0 : i32
    %dma_start3A_25 = tpu.memref_slice %arg2[%dma_start3A_23, %dma_start3A_24] : memref<10000x128xf32, #tpu.memory_space<hbm>> -> memref<10000x128xf32, #tpu.memory_space<hbm>>
    tpu.enqueue_indirect_dma source(%dma_start3A_25 : memref<10000x128xf32, #tpu.memory_space<hbm>>) target(%dma_start3A_19 : memref<128x128xf32, #tpu.memory_space<vmem>>) offsets(%dma_start3A_22 : memref<128xi32, #tpu.memory_space<vmem>>) semaphore(%arg13 : memref<!tpu.dma_semaphore, #tpu.memory_space<semaphore_mem>>)
    %scan3A = arith.constant 0 : i32
    %scan3A_26 = arith.constant 0 : i32
    %scan3A_27 = arith.constant 19 : i32
    %scan3A_28 = arith.addi %scan3A_26, %scan3A_27 : i32
    %scan3A_29 = arith.constant 1 : i32
    scf.for %scan3A_123 = %scan3A_26 to %scan3A_28 step %scan3A_29  : i32 {
      %mul3A_124 = arith.constant 2 : i32
      %mul3A_125 = arith.muli %scan3A_123, %mul3A_124 : i32
      %add3A_126 = arith.constant 0 : i32
      %add3A_127 = arith.addi %mul3A_125, %add3A_126 : i32
      %dma_wait3A_128 = arith.constant 0 : i32
      %dma_wait3A_129 = arith.constant 0 : i32
      %dma_wait3A_130 = arith.constant 0 : i32
      %dma_wait3A_131 = tpu.memref_slice %arg10[%dma_wait3A_128, %dma_wait3A_129, %dma_wait3A_130] : memref<2x128x128xf32, #tpu.memory_space<vmem>> -> memref<1x128x128xf32, #tpu.memory_space<vmem>>
      %dma_wait3A_132 = tpu.memref_squeeze %dma_wait3A_131 : memref<1x128x128xf32, #tpu.memory_space<vmem>> -> memref<128x128xf32, #tpu.memory_space<vmem>>
      %dma_wait3A_133 = arith.constant 0 : i32
      %dma_wait3A_134 = tpu.memref_slice %arg8[%add3A_127, %dma_wait3A_133] : memref<40x128xi32, #tpu.memory_space<vmem>> -> memref<1x128xi32, #tpu.memory_space<vmem>>
      %dma_wait3A_135 = tpu.memref_squeeze %dma_wait3A_134 : memref<1x128xi32, #tpu.memory_space<vmem>> -> memref<128xi32, #tpu.memory_space<vmem>>
      %dma_wait3A_136 = arith.constant 0 : i32
      %dma_wait3A_137 = arith.constant 0 : i32
      %dma_wait3A_138 = tpu.memref_slice %arg2[%dma_wait3A_136, %dma_wait3A_137] : memref<10000x128xf32, #tpu.memory_space<hbm>> -> memref<10000x128xf32, #tpu.memory_space<hbm>>
      tpu.wait_indirect_dma semaphore(%arg12 : memref<!tpu.dma_semaphore, #tpu.memory_space<semaphore_mem>>) src(%dma_wait3A_138 : memref<10000x128xf32, #tpu.memory_space<hbm>>) dst(%dma_wait3A_132 : memref<128x128xf32, #tpu.memory_space<vmem>>)
      %run_scoped3A_139 = arith.constant 0 : i32
      "tpu.region"() ({
        %run_scoped3A_182 = tpu.sem_alloc : memref<!tpu.dma_semaphore, #tpu.memory_space<semaphore_mem>>
        %dma_start3A_183 = arith.constant 0 : i32
        %dma_start3A_184 = arith.constant 0 : i32
        %dma_start3A_185 = tpu.memref_slice %arg10[%run_scoped3A_139, %dma_start3A_183, %dma_start3A_184] : memref<2x128x128xf32, #tpu.memory_space<vmem>> -> memref<1x128x128xf32, #tpu.memory_space<vmem>>
        %dma_start3A_186 = tpu.memref_squeeze %dma_start3A_185 : memref<1x128x128xf32, #tpu.memory_space<vmem>> -> memref<128x128xf32, #tpu.memory_space<vmem>>
        %dma_start3A_187 = arith.constant 0 : i32
        %dma_start3A_188 = tpu.memref_slice %arg9[%add3A_127, %dma_start3A_187] : memref<40x128xi32, #tpu.memory_space<vmem>> -> memref<1x128xi32, #tpu.memory_space<vmem>>
        %dma_start3A_189 = tpu.memref_squeeze %dma_start3A_188 : memref<1x128xi32, #tpu.memory_space<vmem>> -> memref<128xi32, #tpu.memory_space<vmem>>
        %dma_start3A_190 = arith.constant 0 : i32
        %dma_start3A_191 = arith.constant 0 : i32
        %dma_start3A_192 = tpu.memref_slice %arg11[%dma_start3A_190, %dma_start3A_191] : memref<10112x128xf32, #tpu.memory_space<vmem_shared>> -> memref<10112x128xf32, #tpu.memory_space<vmem_shared>>
        tpu.enqueue_indirect_dma source(%dma_start3A_186 : memref<128x128xf32, #tpu.memory_space<vmem>>) target(%dma_start3A_192 : memref<10112x128xf32, #tpu.memory_space<vmem_shared>>) offsets(%dma_start3A_189 : memref<128xi32, #tpu.memory_space<vmem>>) semaphore(%run_scoped3A_182 : memref<!tpu.dma_semaphore, #tpu.memory_space<semaphore_mem>>) {add = true}
        %dma_wait3A_193 = arith.constant 0 : i32
        %dma_wait3A_194 = arith.constant 0 : i32
        %dma_wait3A_195 = tpu.memref_slice %arg10[%run_scoped3A_139, %dma_wait3A_193, %dma_wait3A_194] : memref<2x128x128xf32, #tpu.memory_space<vmem>> -> memref<1x128x128xf32, #tpu.memory_space<vmem>>
        %dma_wait3A_196 = tpu.memref_squeeze %dma_wait3A_195 : memref<1x128x128xf32, #tpu.memory_space<vmem>> -> memref<128x128xf32, #tpu.memory_space<vmem>>
        %dma_wait3A_197 = arith.constant 0 : i32
        %dma_wait3A_198 = tpu.memref_slice %arg9[%add3A_127, %dma_wait3A_197] : memref<40x128xi32, #tpu.memory_space<vmem>> -> memref<1x128xi32, #tpu.memory_space<vmem>>
        %dma_wait3A_199 = tpu.memref_squeeze %dma_wait3A_198 : memref<1x128xi32, #tpu.memory_space<vmem>> -> memref<128xi32, #tpu.memory_space<vmem>>
        %dma_wait3A_200 = arith.constant 0 : i32
        %dma_wait3A_201 = arith.constant 0 : i32
        %dma_wait3A_202 = tpu.memref_slice %arg11[%dma_wait3A_200, %dma_wait3A_201] : memref<10112x128xf32, #tpu.memory_space<vmem_shared>> -> memref<10112x128xf32, #tpu.memory_space<vmem_shared>>
        tpu.wait_indirect_dma semaphore(%run_scoped3A_182 : memref<!tpu.dma_semaphore, #tpu.memory_space<semaphore_mem>>) src(%dma_wait3A_196 : memref<128x128xf32, #tpu.memory_space<vmem>>) dst(%dma_wait3A_202 : memref<10112x128xf32, #tpu.memory_space<vmem_shared>>)
        tpu.yield
      }) : () -> ()
      %add3A_140 = arith.constant 2 : i32
      %add3A_141 = arith.addi %add3A_127, %add3A_140 : i32
      %dma_start3A_142 = arith.constant 0 : i32
      %dma_start3A_143 = arith.constant 0 : i32
      %dma_start3A_144 = arith.constant 0 : i32
      %dma_start3A_145 = tpu.memref_slice %arg10[%dma_start3A_142, %dma_start3A_143, %dma_start3A_144] : memref<2x128x128xf32, #tpu.memory_space<vmem>> -> memref<1x128x128xf32, #tpu.memory_space<vmem>>
      %dma_start3A_146 = tpu.memref_squeeze %dma_start3A_145 : memref<1x128x128xf32, #tpu.memory_space<vmem>> -> memref<128x128xf32, #tpu.memory_space<vmem>>
      %dma_start3A_147 = arith.constant 0 : i32
      %dma_start3A_148 = tpu.memref_slice %arg8[%add3A_141, %dma_start3A_147] : memref<40x128xi32, #tpu.memory_space<vmem>> -> memref<1x128xi32, #tpu.memory_space<vmem>>
      %dma_start3A_149 = tpu.memref_squeeze %dma_start3A_148 : memref<1x128xi32, #tpu.memory_space<vmem>> -> memref<128xi32, #tpu.memory_space<vmem>>
      %dma_start3A_150 = arith.constant 0 : i32
      %dma_start3A_151 = arith.constant 0 : i32
      %dma_start3A_152 = tpu.memref_slice %arg2[%dma_start3A_150, %dma_start3A_151] : memref<10000x128xf32, #tpu.memory_space<hbm>> -> memref<10000x128xf32, #tpu.memory_space<hbm>>
      tpu.enqueue_indirect_dma source(%dma_start3A_152 : memref<10000x128xf32, #tpu.memory_space<hbm>>) target(%dma_start3A_146 : memref<128x128xf32, #tpu.memory_space<vmem>>) offsets(%dma_start3A_149 : memref<128xi32, #tpu.memory_space<vmem>>) semaphore(%arg12 : memref<!tpu.dma_semaphore, #tpu.memory_space<semaphore_mem>>)
      %mul3A_153 = arith.constant 2 : i32
      %mul3A_154 = arith.muli %scan3A_123, %mul3A_153 : i32
      %add3A_155 = arith.constant 1 : i32
      %add3A_156 = arith.addi %mul3A_154, %add3A_155 : i32
      %dma_wait3A_157 = arith.constant 1 : i32
      %dma_wait3A_158 = arith.constant 0 : i32
      %dma_wait3A_159 = arith.constant 0 : i32
      %dma_wait3A_160 = tpu.memref_slice %arg10[%dma_wait3A_157, %dma_wait3A_158, %dma_wait3A_159] : memref<2x128x128xf32, #tpu.memory_space<vmem>> -> memref<1x128x128xf32, #tpu.memory_space<vmem>>
      %dma_wait3A_161 = tpu.memref_squeeze %dma_wait3A_160 : memref<1x128x128xf32, #tpu.memory_space<vmem>> -> memref<128x128xf32, #tpu.memory_space<vmem>>
      %dma_wait3A_162 = arith.constant 0 : i32
      %dma_wait3A_163 = tpu.memref_slice %arg8[%add3A_156, %dma_wait3A_162] : memref<40x128xi32, #tpu.memory_space<vmem>> -> memref<1x128xi32, #tpu.memory_space<vmem>>
      %dma_wait3A_164 = tpu.memref_squeeze %dma_wait3A_163 : memref<1x128xi32, #tpu.memory_space<vmem>> -> memref<128xi32, #tpu.memory_space<vmem>>
      %dma_wait3A_165 = arith.constant 0 : i32
      %dma_wait3A_166 = arith.constant 0 : i32
      %dma_wait3A_167 = tpu.memref_slice %arg2[%dma_wait3A_165, %dma_wait3A_166] : memref<10000x128xf32, #tpu.memory_space<hbm>> -> memref<10000x128xf32, #tpu.memory_space<hbm>>
      tpu.wait_indirect_dma semaphore(%arg13 : memref<!tpu.dma_semaphore, #tpu.memory_space<semaphore_mem>>) src(%dma_wait3A_167 : memref<10000x128xf32, #tpu.memory_space<hbm>>) dst(%dma_wait3A_161 : memref<128x128xf32, #tpu.memory_space<vmem>>)
      %run_scoped3A_168 = arith.constant 1 : i32
      "tpu.region"() ({
        %run_scoped3A_182 = tpu.sem_alloc : memref<!tpu.dma_semaphore, #tpu.memory_space<semaphore_mem>>
        %dma_start3A_183 = arith.constant 0 : i32
        %dma_start3A_184 = arith.constant 0 : i32
        %dma_start3A_185 = tpu.memref_slice %arg10[%run_scoped3A_168, %dma_start3A_183, %dma_start3A_184] : memref<2x128x128xf32, #tpu.memory_space<vmem>> -> memref<1x128x128xf32, #tpu.memory_space<vmem>>
        %dma_start3A_186 = tpu.memref_squeeze %dma_start3A_185 : memref<1x128x128xf32, #tpu.memory_space<vmem>> -> memref<128x128xf32, #tpu.memory_space<vmem>>
        %dma_start3A_187 = arith.constant 0 : i32
        %dma_start3A_188 = tpu.memref_slice %arg9[%add3A_156, %dma_start3A_187] : memref<40x128xi32, #tpu.memory_space<vmem>> -> memref<1x128xi32, #tpu.memory_space<vmem>>
        %dma_start3A_189 = tpu.memref_squeeze %dma_start3A_188 : memref<1x128xi32, #tpu.memory_space<vmem>> -> memref<128xi32, #tpu.memory_space<vmem>>
        %dma_start3A_190 = arith.constant 0 : i32
        %dma_start3A_191 = arith.constant 0 : i32
        %dma_start3A_192 = tpu.memref_slice %arg11[%dma_start3A_190, %dma_start3A_191] : memref<10112x128xf32, #tpu.memory_space<vmem_shared>> -> memref<10112x128xf32, #tpu.memory_space<vmem_shared>>
        tpu.enqueue_indirect_dma source(%dma_start3A_186 : memref<128x128xf32, #tpu.memory_space<vmem>>) target(%dma_start3A_192 : memref<10112x128xf32, #tpu.memory_space<vmem_shared>>) offsets(%dma_start3A_189 : memref<128xi32, #tpu.memory_space<vmem>>) semaphore(%run_scoped3A_182 : memref<!tpu.dma_semaphore, #tpu.memory_space<semaphore_mem>>) {add = true}
        %dma_wait3A_193 = arith.constant 0 : i32
        %dma_wait3A_194 = arith.constant 0 : i32
        %dma_wait3A_195 = tpu.memref_slice %arg10[%run_scoped3A_168, %dma_wait3A_193, %dma_wait3A_194] : memref<2x128x128xf32, #tpu.memory_space<vmem>> -> memref<1x128x128xf32, #tpu.memory_space<vmem>>
        %dma_wait3A_196 = tpu.memref_squeeze %dma_wait3A_195 : memref<1x128x128xf32, #tpu.memory_space<vmem>> -> memref<128x128xf32, #tpu.memory_space<vmem>>
        %dma_wait3A_197 = arith.constant 0 : i32
        %dma_wait3A_198 = tpu.memref_slice %arg9[%add3A_156, %dma_wait3A_197] : memref<40x128xi32, #tpu.memory_space<vmem>> -> memref<1x128xi32, #tpu.memory_space<vmem>>
        %dma_wait3A_199 = tpu.memref_squeeze %dma_wait3A_198 : memref<1x128xi32, #tpu.memory_space<vmem>> -> memref<128xi32, #tpu.memory_space<vmem>>
        %dma_wait3A_200 = arith.constant 0 : i32
        %dma_wait3A_201 = arith.constant 0 : i32
        %dma_wait3A_202 = tpu.memref_slice %arg11[%dma_wait3A_200, %dma_wait3A_201] : memref<10112x128xf32, #tpu.memory_space<vmem_shared>> -> memref<10112x128xf32, #tpu.memory_space<vmem_shared>>
        tpu.wait_indirect_dma semaphore(%run_scoped3A_182 : memref<!tpu.dma_semaphore, #tpu.memory_space<semaphore_mem>>) src(%dma_wait3A_196 : memref<128x128xf32, #tpu.memory_space<vmem>>) dst(%dma_wait3A_202 : memref<10112x128xf32, #tpu.memory_space<vmem_shared>>)
        tpu.yield
      }) : () -> ()
      %add3A_169 = arith.constant 2 : i32
      %add3A_170 = arith.addi %add3A_156, %add3A_169 : i32
      %dma_start3A_171 = arith.constant 1 : i32
      %dma_start3A_172 = arith.constant 0 : i32
      %dma_start3A_173 = arith.constant 0 : i32
      %dma_start3A_174 = tpu.memref_slice %arg10[%dma_start3A_171, %dma_start3A_172, %dma_start3A_173] : memref<2x128x128xf32, #tpu.memory_space<vmem>> -> memref<1x128x128xf32, #tpu.memory_space<vmem>>
      %dma_start3A_175 = tpu.memref_squeeze %dma_start3A_174 : memref<1x128x128xf32, #tpu.memory_space<vmem>> -> memref<128x128xf32, #tpu.memory_space<vmem>>
      %dma_start3A_176 = arith.constant 0 : i32
      %dma_start3A_177 = tpu.memref_slice %arg8[%add3A_170, %dma_start3A_176] : memref<40x128xi32, #tpu.memory_space<vmem>> -> memref<1x128xi32, #tpu.memory_space<vmem>>
      %dma_start3A_178 = tpu.memref_squeeze %dma_start3A_177 : memref<1x128xi32, #tpu.memory_space<vmem>> -> memref<128xi32, #tpu.memory_space<vmem>>
      %dma_start3A_179 = arith.constant 0 : i32
      %dma_start3A_180 = arith.constant 0 : i32
      %dma_start3A_181 = tpu.memref_slice %arg2[%dma_start3A_179, %dma_start3A_180] : memref<10000x128xf32, #tpu.memory_space<hbm>> -> memref<10000x128xf32, #tpu.memory_space<hbm>>
      tpu.enqueue_indirect_dma source(%dma_start3A_181 : memref<10000x128xf32, #tpu.memory_space<hbm>>) target(%dma_start3A_175 : memref<128x128xf32, #tpu.memory_space<vmem>>) offsets(%dma_start3A_178 : memref<128xi32, #tpu.memory_space<vmem>>) semaphore(%arg13 : memref<!tpu.dma_semaphore, #tpu.memory_space<semaphore_mem>>)
    }
    %scan3A_30 = arith.constant 19 : i32
    %dma_wait3A = arith.constant 38 : i32
    %dma_wait3A_31 = arith.constant 0 : i32
    %dma_wait3A_32 = arith.constant 0 : i32
    %dma_wait3A_33 = arith.constant 0 : i32
    %dma_wait3A_34 = tpu.memref_slice %arg10[%dma_wait3A_31, %dma_wait3A_32, %dma_wait3A_33] : memref<2x128x128xf32, #tpu.memory_space<vmem>> -> memref<1x128x128xf32, #tpu.memory_space<vmem>>
    %dma_wait3A_35 = tpu.memref_squeeze %dma_wait3A_34 : memref<1x128x128xf32, #tpu.memory_space<vmem>> -> memref<128x128xf32, #tpu.memory_space<vmem>>
    %dma_wait3A_36 = arith.constant 0 : i32
    %dma_wait3A_37 = tpu.memref_slice %arg8[%dma_wait3A, %dma_wait3A_36] : memref<40x128xi32, #tpu.memory_space<vmem>> -> memref<1x128xi32, #tpu.memory_space<vmem>>
    %dma_wait3A_38 = tpu.memref_squeeze %dma_wait3A_37 : memref<1x128xi32, #tpu.memory_space<vmem>> -> memref<128xi32, #tpu.memory_space<vmem>>
    %dma_wait3A_39 = arith.constant 0 : i32
    %dma_wait3A_40 = arith.constant 0 : i32
    %dma_wait3A_41 = tpu.memref_slice %arg2[%dma_wait3A_39, %dma_wait3A_40] : memref<10000x128xf32, #tpu.memory_space<hbm>> -> memref<10000x128xf32, #tpu.memory_space<hbm>>
    tpu.wait_indirect_dma semaphore(%arg12 : memref<!tpu.dma_semaphore, #tpu.memory_space<semaphore_mem>>) src(%dma_wait3A_41 : memref<10000x128xf32, #tpu.memory_space<hbm>>) dst(%dma_wait3A_35 : memref<128x128xf32, #tpu.memory_space<vmem>>)
    %run_scoped3A = arith.constant 0 : i32
    %run_scoped3A_42 = arith.constant 38 : i32
    "tpu.region"() ({
      %run_scoped3A_123 = tpu.sem_alloc : memref<!tpu.dma_semaphore, #tpu.memory_space<semaphore_mem>>
      %dma_start3A_124 = arith.constant 0 : i32
      %dma_start3A_125 = arith.constant 0 : i32
      %dma_start3A_126 = tpu.memref_slice %arg10[%run_scoped3A, %dma_start3A_124, %dma_start3A_125] : memref<2x128x128xf32, #tpu.memory_space<vmem>> -> memref<1x128x128xf32, #tpu.memory_space<vmem>>
      %dma_start3A_127 = tpu.memref_squeeze %dma_start3A_126 : memref<1x128x128xf32, #tpu.memory_space<vmem>> -> memref<128x128xf32, #tpu.memory_space<vmem>>
      %dma_start3A_128 = arith.constant 0 : i32
      %dma_start3A_129 = tpu.memref_slice %arg9[%run_scoped3A_42, %dma_start3A_128] : memref<40x128xi32, #tpu.memory_space<vmem>> -> memref<1x128xi32, #tpu.memory_space<vmem>>
      %dma_start3A_130 = tpu.memref_squeeze %dma_start3A_129 : memref<1x128xi32, #tpu.memory_space<vmem>> -> memref<128xi32, #tpu.memory_space<vmem>>
      %dma_start3A_131 = arith.constant 0 : i32
      %dma_start3A_132 = arith.constant 0 : i32
      %dma_start3A_133 = tpu.memref_slice %arg11[%dma_start3A_131, %dma_start3A_132] : memref<10112x128xf32, #tpu.memory_space<vmem_shared>> -> memref<10112x128xf32, #tpu.memory_space<vmem_shared>>
      tpu.enqueue_indirect_dma source(%dma_start3A_127 : memref<128x128xf32, #tpu.memory_space<vmem>>) target(%dma_start3A_133 : memref<10112x128xf32, #tpu.memory_space<vmem_shared>>) offsets(%dma_start3A_130 : memref<128xi32, #tpu.memory_space<vmem>>) semaphore(%run_scoped3A_123 : memref<!tpu.dma_semaphore, #tpu.memory_space<semaphore_mem>>) {add = true}
      %dma_wait3A_134 = arith.constant 0 : i32
      %dma_wait3A_135 = arith.constant 0 : i32
      %dma_wait3A_136 = tpu.memref_slice %arg10[%run_scoped3A, %dma_wait3A_134, %dma_wait3A_135] : memref<2x128x128xf32, #tpu.memory_space<vmem>> -> memref<1x128x128xf32, #tpu.memory_space<vmem>>
      %dma_wait3A_137 = tpu.memref_squeeze %dma_wait3A_136 : memref<1x128x128xf32, #tpu.memory_space<vmem>> -> memref<128x128xf32, #tpu.memory_space<vmem>>
      %dma_wait3A_138 = arith.constant 0 : i32
      %dma_wait3A_139 = tpu.memref_slice %arg9[%run_scoped3A_42, %dma_wait3A_138] : memref<40x128xi32, #tpu.memory_space<vmem>> -> memref<1x128xi32, #tpu.memory_space<vmem>>
      %dma_wait3A_140 = tpu.memref_squeeze %dma_wait3A_139 : memref<1x128xi32, #tpu.memory_space<vmem>> -> memref<128xi32, #tpu.memory_space<vmem>>
      %dma_wait3A_141 = arith.constant 0 : i32
      %dma_wait3A_142 = arith.constant 0 : i32
      %dma_wait3A_143 = tpu.memref_slice %arg11[%dma_wait3A_141, %dma_wait3A_142] : memref<10112x128xf32, #tpu.memory_space<vmem_shared>> -> memref<10112x128xf32, #tpu.memory_space<vmem_shared>>
      tpu.wait_indirect_dma semaphore(%run_scoped3A_123 : memref<!tpu.dma_semaphore, #tpu.memory_space<semaphore_mem>>) src(%dma_wait3A_137 : memref<128x128xf32, #tpu.memory_space<vmem>>) dst(%dma_wait3A_143 : memref<10112x128xf32, #tpu.memory_space<vmem_shared>>)
      tpu.yield
    }) : () -> ()
    %dma_wait3A_43 = arith.constant 39 : i32
    %dma_wait3A_44 = arith.constant 1 : i32
    %dma_wait3A_45 = arith.constant 0 : i32
    %dma_wait3A_46 = arith.constant 0 : i32
    %dma_wait3A_47 = tpu.memref_slice %arg10[%dma_wait3A_44, %dma_wait3A_45, %dma_wait3A_46] : memref<2x128x128xf32, #tpu.memory_space<vmem>> -> memref<1x128x128xf32, #tpu.memory_space<vmem>>
    %dma_wait3A_48 = tpu.memref_squeeze %dma_wait3A_47 : memref<1x128x128xf32, #tpu.memory_space<vmem>> -> memref<128x128xf32, #tpu.memory_space<vmem>>
    %dma_wait3A_49 = arith.constant 0 : i32
    %dma_wait3A_50 = tpu.memref_slice %arg8[%dma_wait3A_43, %dma_wait3A_49] : memref<40x128xi32, #tpu.memory_space<vmem>> -> memref<1x128xi32, #tpu.memory_space<vmem>>
    %dma_wait3A_51 = tpu.memref_squeeze %dma_wait3A_50 : memref<1x128xi32, #tpu.memory_space<vmem>> -> memref<128xi32, #tpu.memory_space<vmem>>
    %dma_wait3A_52 = arith.constant 0 : i32
    %dma_wait3A_53 = arith.constant 0 : i32
    %dma_wait3A_54 = tpu.memref_slice %arg2[%dma_wait3A_52, %dma_wait3A_53] : memref<10000x128xf32, #tpu.memory_space<hbm>> -> memref<10000x128xf32, #tpu.memory_space<hbm>>
    tpu.wait_indirect_dma semaphore(%arg13 : memref<!tpu.dma_semaphore, #tpu.memory_space<semaphore_mem>>) src(%dma_wait3A_54 : memref<10000x128xf32, #tpu.memory_space<hbm>>) dst(%dma_wait3A_48 : memref<128x128xf32, #tpu.memory_space<vmem>>)
    %run_scoped3A_55 = arith.constant 1 : i32
    %run_scoped3A_56 = arith.constant 39 : i32
    "tpu.region"() ({
      %run_scoped3A_123 = tpu.sem_alloc : memref<!tpu.dma_semaphore, #tpu.memory_space<semaphore_mem>>
      %dma_start3A_124 = arith.constant 0 : i32
      %dma_start3A_125 = arith.constant 0 : i32
      %dma_start3A_126 = tpu.memref_slice %arg10[%run_scoped3A_55, %dma_start3A_124, %dma_start3A_125] : memref<2x128x128xf32, #tpu.memory_space<vmem>> -> memref<1x128x128xf32, #tpu.memory_space<vmem>>
      %dma_start3A_127 = tpu.memref_squeeze %dma_start3A_126 : memref<1x128x128xf32, #tpu.memory_space<vmem>> -> memref<128x128xf32, #tpu.memory_space<vmem>>
      %dma_start3A_128 = arith.constant 0 : i32
      %dma_start3A_129 = tpu.memref_slice %arg9[%run_scoped3A_56, %dma_start3A_128] : memref<40x128xi32, #tpu.memory_space<vmem>> -> memref<1x128xi32, #tpu.memory_space<vmem>>
      %dma_start3A_130 = tpu.memref_squeeze %dma_start3A_129 : memref<1x128xi32, #tpu.memory_space<vmem>> -> memref<128xi32, #tpu.memory_space<vmem>>
      %dma_start3A_131 = arith.constant 0 : i32
      %dma_start3A_132 = arith.constant 0 : i32
      %dma_start3A_133 = tpu.memref_slice %arg11[%dma_start3A_131, %dma_start3A_132] : memref<10112x128xf32, #tpu.memory_space<vmem_shared>> -> memref<10112x128xf32, #tpu.memory_space<vmem_shared>>
      tpu.enqueue_indirect_dma source(%dma_start3A_127 : memref<128x128xf32, #tpu.memory_space<vmem>>) target(%dma_start3A_133 : memref<10112x128xf32, #tpu.memory_space<vmem_shared>>) offsets(%dma_start3A_130 : memref<128xi32, #tpu.memory_space<vmem>>) semaphore(%run_scoped3A_123 : memref<!tpu.dma_semaphore, #tpu.memory_space<semaphore_mem>>) {add = true}
      %dma_wait3A_134 = arith.constant 0 : i32
      %dma_wait3A_135 = arith.constant 0 : i32
      %dma_wait3A_136 = tpu.memref_slice %arg10[%run_scoped3A_55, %dma_wait3A_134, %dma_wait3A_135] : memref<2x128x128xf32, #tpu.memory_space<vmem>> -> memref<1x128x128xf32, #tpu.memory_space<vmem>>
      %dma_wait3A_137 = tpu.memref_squeeze %dma_wait3A_136 : memref<1x128x128xf32, #tpu.memory_space<vmem>> -> memref<128x128xf32, #tpu.memory_space<vmem>>
      %dma_wait3A_138 = arith.constant 0 : i32
      %dma_wait3A_139 = tpu.memref_slice %arg9[%run_scoped3A_56, %dma_wait3A_138] : memref<40x128xi32, #tpu.memory_space<vmem>> -> memref<1x128xi32, #tpu.memory_space<vmem>>
      %dma_wait3A_140 = tpu.memref_squeeze %dma_wait3A_139 : memref<1x128xi32, #tpu.memory_space<vmem>> -> memref<128xi32, #tpu.memory_space<vmem>>
      %dma_wait3A_141 = arith.constant 0 : i32
      %dma_wait3A_142 = arith.constant 0 : i32
      %dma_wait3A_143 = tpu.memref_slice %arg11[%dma_wait3A_141, %dma_wait3A_142] : memref<10112x128xf32, #tpu.memory_space<vmem_shared>> -> memref<10112x128xf32, #tpu.memory_space<vmem_shared>>
      tpu.wait_indirect_dma semaphore(%run_scoped3A_123 : memref<!tpu.dma_semaphore, #tpu.memory_space<semaphore_mem>>) src(%dma_wait3A_137 : memref<128x128xf32, #tpu.memory_space<vmem>>) dst(%dma_wait3A_143 : memref<10112x128xf32, #tpu.memory_space<vmem_shared>>)
      tpu.yield
    }) : () -> ()
    "tpu.region"() ({
      %run_scoped3A_123 = tpu.sem_alloc : memref<!tpu.dma_semaphore, #tpu.memory_space<semaphore_mem>>
      %dma_start3A_124 = arith.constant 40 : i32
      %dma_start3A_125 = arith.constant 0 : i32
      %dma_start3A_126 = tpu.memref_slice %arg4[%add3A, %dma_start3A_124, %dma_start3A_125] : memref<32x80x128xi32, #tpu.memory_space<hbm>> -> memref<1x40x128xi32, #tpu.memory_space<hbm>>
      %dma_start3A_127 = tpu.memref_squeeze %dma_start3A_126 : memref<1x40x128xi32, #tpu.memory_space<hbm>> -> memref<40x128xi32, #tpu.memory_space<hbm>>
      %dma_start3A_128 = arith.constant 40 : i32
      %dma_start3A_129 = arith.constant 0 : i32
      %dma_start3A_130 = tpu.memref_slice %arg4[%add3A, %dma_start3A_128, %dma_start3A_129] : memref<32x80x128xi32, #tpu.memory_space<hbm>> -> memref<1x40x128xi32, #tpu.memory_space<hbm>>
      %dma_start3A_131 = tpu.memref_squeeze %dma_start3A_130 : memref<1x40x128xi32, #tpu.memory_space<hbm>> -> memref<40x128xi32, #tpu.memory_space<hbm>>
      tpu.enqueue_dma source(%dma_start3A_131 : memref<40x128xi32, #tpu.memory_space<hbm>>) target(%arg9 : memref<40x128xi32, #tpu.memory_space<vmem>>) target_semaphore(%run_scoped3A_123 : memref<!tpu.dma_semaphore, #tpu.memory_space<semaphore_mem>>)
      %dma_wait3A_132 = arith.constant 40 : i32
      %dma_wait3A_133 = arith.constant 0 : i32
      %dma_wait3A_134 = tpu.memref_slice %arg4[%add3A, %dma_wait3A_132, %dma_wait3A_133] : memref<32x80x128xi32, #tpu.memory_space<hbm>> -> memref<1x40x128xi32, #tpu.memory_space<hbm>>
      %dma_wait3A_135 = tpu.memref_squeeze %dma_wait3A_134 : memref<1x40x128xi32, #tpu.memory_space<hbm>> -> memref<40x128xi32, #tpu.memory_space<hbm>>
      %dma_wait3A_136 = arith.constant 40 : i32
      %dma_wait3A_137 = arith.constant 0 : i32
      %dma_wait3A_138 = tpu.memref_slice %arg4[%add3A, %dma_wait3A_136, %dma_wait3A_137] : memref<32x80x128xi32, #tpu.memory_space<hbm>> -> memref<1x40x128xi32, #tpu.memory_space<hbm>>
      %dma_wait3A_139 = tpu.memref_squeeze %dma_wait3A_138 : memref<1x40x128xi32, #tpu.memory_space<hbm>> -> memref<40x128xi32, #tpu.memory_space<hbm>>
      tpu.wait_dma2 semaphore(%run_scoped3A_123 : memref<!tpu.dma_semaphore, #tpu.memory_space<semaphore_mem>>) src(%dma_wait3A_139 : memref<40x128xi32, #tpu.memory_space<hbm>>) dst(%arg9 : memref<40x128xi32, #tpu.memory_space<vmem>>)
      tpu.yield
    }) : () -> ()
    "tpu.region"() ({
      %run_scoped3A_123 = tpu.sem_alloc : memref<!tpu.dma_semaphore, #tpu.memory_space<semaphore_mem>>
      %dma_start3A_124 = arith.constant 40 : i32
      %dma_start3A_125 = arith.constant 0 : i32
      %dma_start3A_126 = tpu.memref_slice %arg3[%add3A, %dma_start3A_124, %dma_start3A_125] : memref<32x80x128xi32, #tpu.memory_space<hbm>> -> memref<1x40x128xi32, #tpu.memory_space<hbm>>
      %dma_start3A_127 = tpu.memref_squeeze %dma_start3A_126 : memref<1x40x128xi32, #tpu.memory_space<hbm>> -> memref<40x128xi32, #tpu.memory_space<hbm>>
      %dma_start3A_128 = arith.constant 40 : i32
      %dma_start3A_129 = arith.constant 0 : i32
      %dma_start3A_130 = tpu.memref_slice %arg3[%add3A, %dma_start3A_128, %dma_start3A_129] : memref<32x80x128xi32, #tpu.memory_space<hbm>> -> memref<1x40x128xi32, #tpu.memory_space<hbm>>
      %dma_start3A_131 = tpu.memref_squeeze %dma_start3A_130 : memref<1x40x128xi32, #tpu.memory_space<hbm>> -> memref<40x128xi32, #tpu.memory_space<hbm>>
      tpu.enqueue_dma source(%dma_start3A_131 : memref<40x128xi32, #tpu.memory_space<hbm>>) target(%arg8 : memref<40x128xi32, #tpu.memory_space<vmem>>) target_semaphore(%run_scoped3A_123 : memref<!tpu.dma_semaphore, #tpu.memory_space<semaphore_mem>>)
      %dma_wait3A_132 = arith.constant 40 : i32
      %dma_wait3A_133 = arith.constant 0 : i32
      %dma_wait3A_134 = tpu.memref_slice %arg3[%add3A, %dma_wait3A_132, %dma_wait3A_133] : memref<32x80x128xi32, #tpu.memory_space<hbm>> -> memref<1x40x128xi32, #tpu.memory_space<hbm>>
      %dma_wait3A_135 = tpu.memref_squeeze %dma_wait3A_134 : memref<1x40x128xi32, #tpu.memory_space<hbm>> -> memref<40x128xi32, #tpu.memory_space<hbm>>
      %dma_wait3A_136 = arith.constant 40 : i32
      %dma_wait3A_137 = arith.constant 0 : i32
      %dma_wait3A_138 = tpu.memref_slice %arg3[%add3A, %dma_wait3A_136, %dma_wait3A_137] : memref<32x80x128xi32, #tpu.memory_space<hbm>> -> memref<1x40x128xi32, #tpu.memory_space<hbm>>
      %dma_wait3A_139 = tpu.memref_squeeze %dma_wait3A_138 : memref<1x40x128xi32, #tpu.memory_space<hbm>> -> memref<40x128xi32, #tpu.memory_space<hbm>>
      tpu.wait_dma2 semaphore(%run_scoped3A_123 : memref<!tpu.dma_semaphore, #tpu.memory_space<semaphore_mem>>) src(%dma_wait3A_139 : memref<40x128xi32, #tpu.memory_space<hbm>>) dst(%arg8 : memref<40x128xi32, #tpu.memory_space<vmem>>)
      tpu.yield
    }) : () -> ()
    %dma_start3A_57 = arith.constant 0 : i32
    %dma_start3A_58 = arith.constant 0 : i32
    %dma_start3A_59 = arith.constant 0 : i32
    %dma_start3A_60 = arith.constant 0 : i32
    %dma_start3A_61 = tpu.memref_slice %arg10[%dma_start3A_58, %dma_start3A_59, %dma_start3A_60] : memref<2x128x128xf32, #tpu.memory_space<vmem>> -> memref<1x128x128xf32, #tpu.memory_space<vmem>>
    %dma_start3A_62 = tpu.memref_squeeze %dma_start3A_61 : memref<1x128x128xf32, #tpu.memory_space<vmem>> -> memref<128x128xf32, #tpu.memory_space<vmem>>
    %dma_start3A_63 = arith.constant 0 : i32
    %dma_start3A_64 = tpu.memref_slice %arg8[%dma_start3A_57, %dma_start3A_63] : memref<40x128xi32, #tpu.memory_space<vmem>> -> memref<1x128xi32, #tpu.memory_space<vmem>>
    %dma_start3A_65 = tpu.memref_squeeze %dma_start3A_64 : memref<1x128xi32, #tpu.memory_space<vmem>> -> memref<128xi32, #tpu.memory_space<vmem>>
    %dma_start3A_66 = arith.constant 0 : i32
    %dma_start3A_67 = arith.constant 0 : i32
    %dma_start3A_68 = tpu.memref_slice %arg2[%dma_start3A_66, %dma_start3A_67] : memref<10000x128xf32, #tpu.memory_space<hbm>> -> memref<10000x128xf32, #tpu.memory_space<hbm>>
    tpu.enqueue_indirect_dma source(%dma_start3A_68 : memref<10000x128xf32, #tpu.memory_space<hbm>>) target(%dma_start3A_62 : memref<128x128xf32, #tpu.memory_space<vmem>>) offsets(%dma_start3A_65 : memref<128xi32, #tpu.memory_space<vmem>>) semaphore(%arg12 : memref<!tpu.dma_semaphore, #tpu.memory_space<semaphore_mem>>)
    %dma_start3A_69 = arith.constant 1 : i32
    %dma_start3A_70 = arith.constant 1 : i32
    %dma_start3A_71 = arith.constant 0 : i32
    %dma_start3A_72 = arith.constant 0 : i32
    %dma_start3A_73 = tpu.memref_slice %arg10[%dma_start3A_70, %dma_start3A_71, %dma_start3A_72] : memref<2x128x128xf32, #tpu.memory_space<vmem>> -> memref<1x128x128xf32, #tpu.memory_space<vmem>>
    %dma_start3A_74 = tpu.memref_squeeze %dma_start3A_73 : memref<1x128x128xf32, #tpu.memory_space<vmem>> -> memref<128x128xf32, #tpu.memory_space<vmem>>
    %dma_start3A_75 = arith.constant 0 : i32
    %dma_start3A_76 = tpu.memref_slice %arg8[%dma_start3A_69, %dma_start3A_75] : memref<40x128xi32, #tpu.memory_space<vmem>> -> memref<1x128xi32, #tpu.memory_space<vmem>>
    %dma_start3A_77 = tpu.memref_squeeze %dma_start3A_76 : memref<1x128xi32, #tpu.memory_space<vmem>> -> memref<128xi32, #tpu.memory_space<vmem>>
    %dma_start3A_78 = arith.constant 0 : i32
    %dma_start3A_79 = arith.constant 0 : i32
    %dma_start3A_80 = tpu.memref_slice %arg2[%dma_start3A_78, %dma_start3A_79] : memref<10000x128xf32, #tpu.memory_space<hbm>> -> memref<10000x128xf32, #tpu.memory_space<hbm>>
    tpu.enqueue_indirect_dma source(%dma_start3A_80 : memref<10000x128xf32, #tpu.memory_space<hbm>>) target(%dma_start3A_74 : memref<128x128xf32, #tpu.memory_space<vmem>>) offsets(%dma_start3A_77 : memref<128xi32, #tpu.memory_space<vmem>>) semaphore(%arg13 : memref<!tpu.dma_semaphore, #tpu.memory_space<semaphore_mem>>)
    %scan3A_81 = arith.constant 0 : i32
    %scan3A_82 = arith.constant 0 : i32
    %scan3A_83 = arith.constant 19 : i32
    %scan3A_84 = arith.addi %scan3A_82, %scan3A_83 : i32
    %scan3A_85 = arith.constant 1 : i32
    scf.for %scan3A_123 = %scan3A_82 to %scan3A_84 step %scan3A_85  : i32 {
      %mul3A_124 = arith.constant 2 : i32
      %mul3A_125 = arith.muli %scan3A_123, %mul3A_124 : i32
      %add3A_126 = arith.constant 0 : i32
      %add3A_127 = arith.addi %mul3A_125, %add3A_126 : i32
      %dma_wait3A_128 = arith.constant 0 : i32
      %dma_wait3A_129 = arith.constant 0 : i32
      %dma_wait3A_130 = arith.constant 0 : i32
      %dma_wait3A_131 = tpu.memref_slice %arg10[%dma_wait3A_128, %dma_wait3A_129, %dma_wait3A_130] : memref<2x128x128xf32, #tpu.memory_space<vmem>> -> memref<1x128x128xf32, #tpu.memory_space<vmem>>
      %dma_wait3A_132 = tpu.memref_squeeze %dma_wait3A_131 : memref<1x128x128xf32, #tpu.memory_space<vmem>> -> memref<128x128xf32, #tpu.memory_space<vmem>>
      %dma_wait3A_133 = arith.constant 0 : i32
      %dma_wait3A_134 = tpu.memref_slice %arg8[%add3A_127, %dma_wait3A_133] : memref<40x128xi32, #tpu.memory_space<vmem>> -> memref<1x128xi32, #tpu.memory_space<vmem>>
      %dma_wait3A_135 = tpu.memref_squeeze %dma_wait3A_134 : memref<1x128xi32, #tpu.memory_space<vmem>> -> memref<128xi32, #tpu.memory_space<vmem>>
      %dma_wait3A_136 = arith.constant 0 : i32
      %dma_wait3A_137 = arith.constant 0 : i32
      %dma_wait3A_138 = tpu.memref_slice %arg2[%dma_wait3A_136, %dma_wait3A_137] : memref<10000x128xf32, #tpu.memory_space<hbm>> -> memref<10000x128xf32, #tpu.memory_space<hbm>>
      tpu.wait_indirect_dma semaphore(%arg12 : memref<!tpu.dma_semaphore, #tpu.memory_space<semaphore_mem>>) src(%dma_wait3A_138 : memref<10000x128xf32, #tpu.memory_space<hbm>>) dst(%dma_wait3A_132 : memref<128x128xf32, #tpu.memory_space<vmem>>)
      %run_scoped3A_139 = arith.constant 0 : i32
      "tpu.region"() ({
        %run_scoped3A_182 = tpu.sem_alloc : memref<!tpu.dma_semaphore, #tpu.memory_space<semaphore_mem>>
        %dma_start3A_183 = arith.constant 0 : i32
        %dma_start3A_184 = arith.constant 0 : i32
        %dma_start3A_185 = tpu.memref_slice %arg10[%run_scoped3A_139, %dma_start3A_183, %dma_start3A_184] : memref<2x128x128xf32, #tpu.memory_space<vmem>> -> memref<1x128x128xf32, #tpu.memory_space<vmem>>
        %dma_start3A_186 = tpu.memref_squeeze %dma_start3A_185 : memref<1x128x128xf32, #tpu.memory_space<vmem>> -> memref<128x128xf32, #tpu.memory_space<vmem>>
        %dma_start3A_187 = arith.constant 0 : i32
        %dma_start3A_188 = tpu.memref_slice %arg9[%add3A_127, %dma_start3A_187] : memref<40x128xi32, #tpu.memory_space<vmem>> -> memref<1x128xi32, #tpu.memory_space<vmem>>
        %dma_start3A_189 = tpu.memref_squeeze %dma_start3A_188 : memref<1x128xi32, #tpu.memory_space<vmem>> -> memref<128xi32, #tpu.memory_space<vmem>>
        %dma_start3A_190 = arith.constant 0 : i32
        %dma_start3A_191 = arith.constant 0 : i32
        %dma_start3A_192 = tpu.memref_slice %arg11[%dma_start3A_190, %dma_start3A_191] : memref<10112x128xf32, #tpu.memory_space<vmem_shared>> -> memref<10112x128xf32, #tpu.memory_space<vmem_shared>>
        tpu.enqueue_indirect_dma source(%dma_start3A_186 : memref<128x128xf32, #tpu.memory_space<vmem>>) target(%dma_start3A_192 : memref<10112x128xf32, #tpu.memory_space<vmem_shared>>) offsets(%dma_start3A_189 : memref<128xi32, #tpu.memory_space<vmem>>) semaphore(%run_scoped3A_182 : memref<!tpu.dma_semaphore, #tpu.memory_space<semaphore_mem>>) {add = true}
        %dma_wait3A_193 = arith.constant 0 : i32
        %dma_wait3A_194 = arith.constant 0 : i32
        %dma_wait3A_195 = tpu.memref_slice %arg10[%run_scoped3A_139, %dma_wait3A_193, %dma_wait3A_194] : memref<2x128x128xf32, #tpu.memory_space<vmem>> -> memref<1x128x128xf32, #tpu.memory_space<vmem>>
        %dma_wait3A_196 = tpu.memref_squeeze %dma_wait3A_195 : memref<1x128x128xf32, #tpu.memory_space<vmem>> -> memref<128x128xf32, #tpu.memory_space<vmem>>
        %dma_wait3A_197 = arith.constant 0 : i32
        %dma_wait3A_198 = tpu.memref_slice %arg9[%add3A_127, %dma_wait3A_197] : memref<40x128xi32, #tpu.memory_space<vmem>> -> memref<1x128xi32, #tpu.memory_space<vmem>>
        %dma_wait3A_199 = tpu.memref_squeeze %dma_wait3A_198 : memref<1x128xi32, #tpu.memory_space<vmem>> -> memref<128xi32, #tpu.memory_space<vmem>>
        %dma_wait3A_200 = arith.constant 0 : i32
        %dma_wait3A_201 = arith.constant 0 : i32
        %dma_wait3A_202 = tpu.memref_slice %arg11[%dma_wait3A_200, %dma_wait3A_201] : memref<10112x128xf32, #tpu.memory_space<vmem_shared>> -> memref<10112x128xf32, #tpu.memory_space<vmem_shared>>
        tpu.wait_indirect_dma semaphore(%run_scoped3A_182 : memref<!tpu.dma_semaphore, #tpu.memory_space<semaphore_mem>>) src(%dma_wait3A_196 : memref<128x128xf32, #tpu.memory_space<vmem>>) dst(%dma_wait3A_202 : memref<10112x128xf32, #tpu.memory_space<vmem_shared>>)
        tpu.yield
      }) : () -> ()
      %add3A_140 = arith.constant 2 : i32
      %add3A_141 = arith.addi %add3A_127, %add3A_140 : i32
      %dma_start3A_142 = arith.constant 0 : i32
      %dma_start3A_143 = arith.constant 0 : i32
      %dma_start3A_144 = arith.constant 0 : i32
      %dma_start3A_145 = tpu.memref_slice %arg10[%dma_start3A_142, %dma_start3A_143, %dma_start3A_144] : memref<2x128x128xf32, #tpu.memory_space<vmem>> -> memref<1x128x128xf32, #tpu.memory_space<vmem>>
      %dma_start3A_146 = tpu.memref_squeeze %dma_start3A_145 : memref<1x128x128xf32, #tpu.memory_space<vmem>> -> memref<128x128xf32, #tpu.memory_space<vmem>>
      %dma_start3A_147 = arith.constant 0 : i32
      %dma_start3A_148 = tpu.memref_slice %arg8[%add3A_141, %dma_start3A_147] : memref<40x128xi32, #tpu.memory_space<vmem>> -> memref<1x128xi32, #tpu.memory_space<vmem>>
      %dma_start3A_149 = tpu.memref_squeeze %dma_start3A_148 : memref<1x128xi32, #tpu.memory_space<vmem>> -> memref<128xi32, #tpu.memory_space<vmem>>
      %dma_start3A_150 = arith.constant 0 : i32
      %dma_start3A_151 = arith.constant 0 : i32
      %dma_start3A_152 = tpu.memref_slice %arg2[%dma_start3A_150, %dma_start3A_151] : memref<10000x128xf32, #tpu.memory_space<hbm>> -> memref<10000x128xf32, #tpu.memory_space<hbm>>
      tpu.enqueue_indirect_dma source(%dma_start3A_152 : memref<10000x128xf32, #tpu.memory_space<hbm>>) target(%dma_start3A_146 : memref<128x128xf32, #tpu.memory_space<vmem>>) offsets(%dma_start3A_149 : memref<128xi32, #tpu.memory_space<vmem>>) semaphore(%arg12 : memref<!tpu.dma_semaphore, #tpu.memory_space<semaphore_mem>>)
      %mul3A_153 = arith.constant 2 : i32
      %mul3A_154 = arith.muli %scan3A_123, %mul3A_153 : i32
      %add3A_155 = arith.constant 1 : i32
      %add3A_156 = arith.addi %mul3A_154, %add3A_155 : i32
      %dma_wait3A_157 = arith.constant 1 : i32
      %dma_wait3A_158 = arith.constant 0 : i32
      %dma_wait3A_159 = arith.constant 0 : i32
      %dma_wait3A_160 = tpu.memref_slice %arg10[%dma_wait3A_157, %dma_wait3A_158, %dma_wait3A_159] : memref<2x128x128xf32, #tpu.memory_space<vmem>> -> memref<1x128x128xf32, #tpu.memory_space<vmem>>
      %dma_wait3A_161 = tpu.memref_squeeze %dma_wait3A_160 : memref<1x128x128xf32, #tpu.memory_space<vmem>> -> memref<128x128xf32, #tpu.memory_space<vmem>>
      %dma_wait3A_162 = arith.constant 0 : i32
      %dma_wait3A_163 = tpu.memref_slice %arg8[%add3A_156, %dma_wait3A_162] : memref<40x128xi32, #tpu.memory_space<vmem>> -> memref<1x128xi32, #tpu.memory_space<vmem>>
      %dma_wait3A_164 = tpu.memref_squeeze %dma_wait3A_163 : memref<1x128xi32, #tpu.memory_space<vmem>> -> memref<128xi32, #tpu.memory_space<vmem>>
      %dma_wait3A_165 = arith.constant 0 : i32
      %dma_wait3A_166 = arith.constant 0 : i32
      %dma_wait3A_167 = tpu.memref_slice %arg2[%dma_wait3A_165, %dma_wait3A_166] : memref<10000x128xf32, #tpu.memory_space<hbm>> -> memref<10000x128xf32, #tpu.memory_space<hbm>>
      tpu.wait_indirect_dma semaphore(%arg13 : memref<!tpu.dma_semaphore, #tpu.memory_space<semaphore_mem>>) src(%dma_wait3A_167 : memref<10000x128xf32, #tpu.memory_space<hbm>>) dst(%dma_wait3A_161 : memref<128x128xf32, #tpu.memory_space<vmem>>)
      %run_scoped3A_168 = arith.constant 1 : i32
      "tpu.region"() ({
        %run_scoped3A_182 = tpu.sem_alloc : memref<!tpu.dma_semaphore, #tpu.memory_space<semaphore_mem>>
        %dma_start3A_183 = arith.constant 0 : i32
        %dma_start3A_184 = arith.constant 0 : i32
        %dma_start3A_185 = tpu.memref_slice %arg10[%run_scoped3A_168, %dma_start3A_183, %dma_start3A_184] : memref<2x128x128xf32, #tpu.memory_space<vmem>> -> memref<1x128x128xf32, #tpu.memory_space<vmem>>
        %dma_start3A_186 = tpu.memref_squeeze %dma_start3A_185 : memref<1x128x128xf32, #tpu.memory_space<vmem>> -> memref<128x128xf32, #tpu.memory_space<vmem>>
        %dma_start3A_187 = arith.constant 0 : i32
        %dma_start3A_188 = tpu.memref_slice %arg9[%add3A_156, %dma_start3A_187] : memref<40x128xi32, #tpu.memory_space<vmem>> -> memref<1x128xi32, #tpu.memory_space<vmem>>
        %dma_start3A_189 = tpu.memref_squeeze %dma_start3A_188 : memref<1x128xi32, #tpu.memory_space<vmem>> -> memref<128xi32, #tpu.memory_space<vmem>>
        %dma_start3A_190 = arith.constant 0 : i32
        %dma_start3A_191 = arith.constant 0 : i32
        %dma_start3A_192 = tpu.memref_slice %arg11[%dma_start3A_190, %dma_start3A_191] : memref<10112x128xf32, #tpu.memory_space<vmem_shared>> -> memref<10112x128xf32, #tpu.memory_space<vmem_shared>>
        tpu.enqueue_indirect_dma source(%dma_start3A_186 : memref<128x128xf32, #tpu.memory_space<vmem>>) target(%dma_start3A_192 : memref<10112x128xf32, #tpu.memory_space<vmem_shared>>) offsets(%dma_start3A_189 : memref<128xi32, #tpu.memory_space<vmem>>) semaphore(%run_scoped3A_182 : memref<!tpu.dma_semaphore, #tpu.memory_space<semaphore_mem>>) {add = true}
        %dma_wait3A_193 = arith.constant 0 : i32
        %dma_wait3A_194 = arith.constant 0 : i32
        %dma_wait3A_195 = tpu.memref_slice %arg10[%run_scoped3A_168, %dma_wait3A_193, %dma_wait3A_194] : memref<2x128x128xf32, #tpu.memory_space<vmem>> -> memref<1x128x128xf32, #tpu.memory_space<vmem>>
        %dma_wait3A_196 = tpu.memref_squeeze %dma_wait3A_195 : memref<1x128x128xf32, #tpu.memory_space<vmem>> -> memref<128x128xf32, #tpu.memory_space<vmem>>
        %dma_wait3A_197 = arith.constant 0 : i32
        %dma_wait3A_198 = tpu.memref_slice %arg9[%add3A_156, %dma_wait3A_197] : memref<40x128xi32, #tpu.memory_space<vmem>> -> memref<1x128xi32, #tpu.memory_space<vmem>>
        %dma_wait3A_199 = tpu.memref_squeeze %dma_wait3A_198 : memref<1x128xi32, #tpu.memory_space<vmem>> -> memref<128xi32, #tpu.memory_space<vmem>>
        %dma_wait3A_200 = arith.constant 0 : i32
        %dma_wait3A_201 = arith.constant 0 : i32
        %dma_wait3A_202 = tpu.memref_slice %arg11[%dma_wait3A_200, %dma_wait3A_201] : memref<10112x128xf32, #tpu.memory_space<vmem_shared>> -> memref<10112x128xf32, #tpu.memory_space<vmem_shared>>
        tpu.wait_indirect_dma semaphore(%run_scoped3A_182 : memref<!tpu.dma_semaphore, #tpu.memory_space<semaphore_mem>>) src(%dma_wait3A_196 : memref<128x128xf32, #tpu.memory_space<vmem>>) dst(%dma_wait3A_202 : memref<10112x128xf32, #tpu.memory_space<vmem_shared>>)
        tpu.yield
      }) : () -> ()
      %add3A_169 = arith.constant 2 : i32
      %add3A_170 = arith.addi %add3A_156, %add3A_169 : i32
      %dma_start3A_171 = arith.constant 1 : i32
      %dma_start3A_172 = arith.constant 0 : i32
      %dma_start3A_173 = arith.constant 0 : i32
      %dma_start3A_174 = tpu.memref_slice %arg10[%dma_start3A_171, %dma_start3A_172, %dma_start3A_173] : memref<2x128x128xf32, #tpu.memory_space<vmem>> -> memref<1x128x128xf32, #tpu.memory_space<vmem>>
      %dma_start3A_175 = tpu.memref_squeeze %dma_start3A_174 : memref<1x128x128xf32, #tpu.memory_space<vmem>> -> memref<128x128xf32, #tpu.memory_space<vmem>>
      %dma_start3A_176 = arith.constant 0 : i32
      %dma_start3A_177 = tpu.memref_slice %arg8[%add3A_170, %dma_start3A_176] : memref<40x128xi32, #tpu.memory_space<vmem>> -> memref<1x128xi32, #tpu.memory_space<vmem>>
      %dma_start3A_178 = tpu.memref_squeeze %dma_start3A_177 : memref<1x128xi32, #tpu.memory_space<vmem>> -> memref<128xi32, #tpu.memory_space<vmem>>
      %dma_start3A_179 = arith.constant 0 : i32
      %dma_start3A_180 = arith.constant 0 : i32
      %dma_start3A_181 = tpu.memref_slice %arg2[%dma_start3A_179, %dma_start3A_180] : memref<10000x128xf32, #tpu.memory_space<hbm>> -> memref<10000x128xf32, #tpu.memory_space<hbm>>
      tpu.enqueue_indirect_dma source(%dma_start3A_181 : memref<10000x128xf32, #tpu.memory_space<hbm>>) target(%dma_start3A_175 : memref<128x128xf32, #tpu.memory_space<vmem>>) offsets(%dma_start3A_178 : memref<128xi32, #tpu.memory_space<vmem>>) semaphore(%arg13 : memref<!tpu.dma_semaphore, #tpu.memory_space<semaphore_mem>>)
    }
    %scan3A_86 = arith.constant 19 : i32
    %dma_wait3A_87 = arith.constant 38 : i32
    %dma_wait3A_88 = arith.constant 0 : i32
    %dma_wait3A_89 = arith.constant 0 : i32
    %dma_wait3A_90 = arith.constant 0 : i32
    %dma_wait3A_91 = tpu.memref_slice %arg10[%dma_wait3A_88, %dma_wait3A_89, %dma_wait3A_90] : memref<2x128x128xf32, #tpu.memory_space<vmem>> -> memref<1x128x128xf32, #tpu.memory_space<vmem>>
    %dma_wait3A_92 = tpu.memref_squeeze %dma_wait3A_91 : memref<1x128x128xf32, #tpu.memory_space<vmem>> -> memref<128x128xf32, #tpu.memory_space<vmem>>
    %dma_wait3A_93 = arith.constant 0 : i32
    %dma_wait3A_94 = tpu.memref_slice %arg8[%dma_wait3A_87, %dma_wait3A_93] : memref<40x128xi32, #tpu.memory_space<vmem>> -> memref<1x128xi32, #tpu.memory_space<vmem>>
    %dma_wait3A_95 = tpu.memref_squeeze %dma_wait3A_94 : memref<1x128xi32, #tpu.memory_space<vmem>> -> memref<128xi32, #tpu.memory_space<vmem>>
    %dma_wait3A_96 = arith.constant 0 : i32
    %dma_wait3A_97 = arith.constant 0 : i32
    %dma_wait3A_98 = tpu.memref_slice %arg2[%dma_wait3A_96, %dma_wait3A_97] : memref<10000x128xf32, #tpu.memory_space<hbm>> -> memref<10000x128xf32, #tpu.memory_space<hbm>>
    tpu.wait_indirect_dma semaphore(%arg12 : memref<!tpu.dma_semaphore, #tpu.memory_space<semaphore_mem>>) src(%dma_wait3A_98 : memref<10000x128xf32, #tpu.memory_space<hbm>>) dst(%dma_wait3A_92 : memref<128x128xf32, #tpu.memory_space<vmem>>)
    %run_scoped3A_99 = arith.constant 0 : i32
    %run_scoped3A_100 = arith.constant 38 : i32
    "tpu.region"() ({
      %run_scoped3A_123 = tpu.sem_alloc : memref<!tpu.dma_semaphore, #tpu.memory_space<semaphore_mem>>
      %dma_start3A_124 = arith.constant 0 : i32
      %dma_start3A_125 = arith.constant 0 : i32
      %dma_start3A_126 = tpu.memref_slice %arg10[%run_scoped3A_99, %dma_start3A_124, %dma_start3A_125] : memref<2x128x128xf32, #tpu.memory_space<vmem>> -> memref<1x128x128xf32, #tpu.memory_space<vmem>>
      %dma_start3A_127 = tpu.memref_squeeze %dma_start3A_126 : memref<1x128x128xf32, #tpu.memory_space<vmem>> -> memref<128x128xf32, #tpu.memory_space<vmem>>
      %dma_start3A_128 = arith.constant 0 : i32
      %dma_start3A_129 = tpu.memref_slice %arg9[%run_scoped3A_100, %dma_start3A_128] : memref<40x128xi32, #tpu.memory_space<vmem>> -> memref<1x128xi32, #tpu.memory_space<vmem>>
      %dma_start3A_130 = tpu.memref_squeeze %dma_start3A_129 : memref<1x128xi32, #tpu.memory_space<vmem>> -> memref<128xi32, #tpu.memory_space<vmem>>
      %dma_start3A_131 = arith.constant 0 : i32
      %dma_start3A_132 = arith.constant 0 : i32
      %dma_start3A_133 = tpu.memref_slice %arg11[%dma_start3A_131, %dma_start3A_132] : memref<10112x128xf32, #tpu.memory_space<vmem_shared>> -> memref<10112x128xf32, #tpu.memory_space<vmem_shared>>
      tpu.enqueue_indirect_dma source(%dma_start3A_127 : memref<128x128xf32, #tpu.memory_space<vmem>>) target(%dma_start3A_133 : memref<10112x128xf32, #tpu.memory_space<vmem_shared>>) offsets(%dma_start3A_130 : memref<128xi32, #tpu.memory_space<vmem>>) semaphore(%run_scoped3A_123 : memref<!tpu.dma_semaphore, #tpu.memory_space<semaphore_mem>>) {add = true}
      %dma_wait3A_134 = arith.constant 0 : i32
      %dma_wait3A_135 = arith.constant 0 : i32
      %dma_wait3A_136 = tpu.memref_slice %arg10[%run_scoped3A_99, %dma_wait3A_134, %dma_wait3A_135] : memref<2x128x128xf32, #tpu.memory_space<vmem>> -> memref<1x128x128xf32, #tpu.memory_space<vmem>>
      %dma_wait3A_137 = tpu.memref_squeeze %dma_wait3A_136 : memref<1x128x128xf32, #tpu.memory_space<vmem>> -> memref<128x128xf32, #tpu.memory_space<vmem>>
      %dma_wait3A_138 = arith.constant 0 : i32
      %dma_wait3A_139 = tpu.memref_slice %arg9[%run_scoped3A_100, %dma_wait3A_138] : memref<40x128xi32, #tpu.memory_space<vmem>> -> memref<1x128xi32, #tpu.memory_space<vmem>>
      %dma_wait3A_140 = tpu.memref_squeeze %dma_wait3A_139 : memref<1x128xi32, #tpu.memory_space<vmem>> -> memref<128xi32, #tpu.memory_space<vmem>>
      %dma_wait3A_141 = arith.constant 0 : i32
      %dma_wait3A_142 = arith.constant 0 : i32
      %dma_wait3A_143 = tpu.memref_slice %arg11[%dma_wait3A_141, %dma_wait3A_142] : memref<10112x128xf32, #tpu.memory_space<vmem_shared>> -> memref<10112x128xf32, #tpu.memory_space<vmem_shared>>
      tpu.wait_indirect_dma semaphore(%run_scoped3A_123 : memref<!tpu.dma_semaphore, #tpu.memory_space<semaphore_mem>>) src(%dma_wait3A_137 : memref<128x128xf32, #tpu.memory_space<vmem>>) dst(%dma_wait3A_143 : memref<10112x128xf32, #tpu.memory_space<vmem_shared>>)
      tpu.yield
    }) : () -> ()
    %dma_wait3A_101 = arith.constant 39 : i32
    %dma_wait3A_102 = arith.constant 1 : i32
    %dma_wait3A_103 = arith.constant 0 : i32
    %dma_wait3A_104 = arith.constant 0 : i32
    %dma_wait3A_105 = tpu.memref_slice %arg10[%dma_wait3A_102, %dma_wait3A_103, %dma_wait3A_104] : memref<2x128x128xf32, #tpu.memory_space<vmem>> -> memref<1x128x128xf32, #tpu.memory_space<vmem>>
    %dma_wait3A_106 = tpu.memref_squeeze %dma_wait3A_105 : memref<1x128x128xf32, #tpu.memory_space<vmem>> -> memref<128x128xf32, #tpu.memory_space<vmem>>
    %dma_wait3A_107 = arith.constant 0 : i32
    %dma_wait3A_108 = tpu.memref_slice %arg8[%dma_wait3A_101, %dma_wait3A_107] : memref<40x128xi32, #tpu.memory_space<vmem>> -> memref<1x128xi32, #tpu.memory_space<vmem>>
    %dma_wait3A_109 = tpu.memref_squeeze %dma_wait3A_108 : memref<1x128xi32, #tpu.memory_space<vmem>> -> memref<128xi32, #tpu.memory_space<vmem>>
    %dma_wait3A_110 = arith.constant 0 : i32
    %dma_wait3A_111 = arith.constant 0 : i32
    %dma_wait3A_112 = tpu.memref_slice %arg2[%dma_wait3A_110, %dma_wait3A_111] : memref<10000x128xf32, #tpu.memory_space<hbm>> -> memref<10000x128xf32, #tpu.memory_space<hbm>>
    tpu.wait_indirect_dma semaphore(%arg13 : memref<!tpu.dma_semaphore, #tpu.memory_space<semaphore_mem>>) src(%dma_wait3A_112 : memref<10000x128xf32, #tpu.memory_space<hbm>>) dst(%dma_wait3A_106 : memref<128x128xf32, #tpu.memory_space<vmem>>)
    %run_scoped3A_113 = arith.constant 1 : i32
    %run_scoped3A_114 = arith.constant 39 : i32
    "tpu.region"() ({
      %run_scoped3A_123 = tpu.sem_alloc : memref<!tpu.dma_semaphore, #tpu.memory_space<semaphore_mem>>
      %dma_start3A_124 = arith.constant 0 : i32
      %dma_start3A_125 = arith.constant 0 : i32
      %dma_start3A_126 = tpu.memref_slice %arg10[%run_scoped3A_113, %dma_start3A_124, %dma_start3A_125] : memref<2x128x128xf32, #tpu.memory_space<vmem>> -> memref<1x128x128xf32, #tpu.memory_space<vmem>>
      %dma_start3A_127 = tpu.memref_squeeze %dma_start3A_126 : memref<1x128x128xf32, #tpu.memory_space<vmem>> -> memref<128x128xf32, #tpu.memory_space<vmem>>
      %dma_start3A_128 = arith.constant 0 : i32
      %dma_start3A_129 = tpu.memref_slice %arg9[%run_scoped3A_114, %dma_start3A_128] : memref<40x128xi32, #tpu.memory_space<vmem>> -> memref<1x128xi32, #tpu.memory_space<vmem>>
      %dma_start3A_130 = tpu.memref_squeeze %dma_start3A_129 : memref<1x128xi32, #tpu.memory_space<vmem>> -> memref<128xi32, #tpu.memory_space<vmem>>
      %dma_start3A_131 = arith.constant 0 : i32
      %dma_start3A_132 = arith.constant 0 : i32
      %dma_start3A_133 = tpu.memref_slice %arg11[%dma_start3A_131, %dma_start3A_132] : memref<10112x128xf32, #tpu.memory_space<vmem_shared>> -> memref<10112x128xf32, #tpu.memory_space<vmem_shared>>
      tpu.enqueue_indirect_dma source(%dma_start3A_127 : memref<128x128xf32, #tpu.memory_space<vmem>>) target(%dma_start3A_133 : memref<10112x128xf32, #tpu.memory_space<vmem_shared>>) offsets(%dma_start3A_130 : memref<128xi32, #tpu.memory_space<vmem>>) semaphore(%run_scoped3A_123 : memref<!tpu.dma_semaphore, #tpu.memory_space<semaphore_mem>>) {add = true}
      %dma_wait3A_134 = arith.constant 0 : i32
      %dma_wait3A_135 = arith.constant 0 : i32
      %dma_wait3A_136 = tpu.memref_slice %arg10[%run_scoped3A_113, %dma_wait3A_134, %dma_wait3A_135] : memref<2x128x128xf32, #tpu.memory_space<vmem>> -> memref<1x128x128xf32, #tpu.memory_space<vmem>>
      %dma_wait3A_137 = tpu.memref_squeeze %dma_wait3A_136 : memref<1x128x128xf32, #tpu.memory_space<vmem>> -> memref<128x128xf32, #tpu.memory_space<vmem>>
      %dma_wait3A_138 = arith.constant 0 : i32
      %dma_wait3A_139 = tpu.memref_slice %arg9[%run_scoped3A_114, %dma_wait3A_138] : memref<40x128xi32, #tpu.memory_space<vmem>> -> memref<1x128xi32, #tpu.memory_space<vmem>>
      %dma_wait3A_140 = tpu.memref_squeeze %dma_wait3A_139 : memref<1x128xi32, #tpu.memory_space<vmem>> -> memref<128xi32, #tpu.memory_space<vmem>>
      %dma_wait3A_141 = arith.constant 0 : i32
      %dma_wait3A_142 = arith.constant 0 : i32
      %dma_wait3A_143 = tpu.memref_slice %arg11[%dma_wait3A_141, %dma_wait3A_142] : memref<10112x128xf32, #tpu.memory_space<vmem_shared>> -> memref<10112x128xf32, #tpu.memory_space<vmem_shared>>
      tpu.wait_indirect_dma semaphore(%run_scoped3A_123 : memref<!tpu.dma_semaphore, #tpu.memory_space<semaphore_mem>>) src(%dma_wait3A_137 : memref<128x128xf32, #tpu.memory_space<vmem>>) dst(%dma_wait3A_143 : memref<10112x128xf32, #tpu.memory_space<vmem_shared>>)
      tpu.yield
    }) : () -> ()
    %barrier3A_115 = arith.constant 0 : index
    tpu.barrier barrier_id(%barrier3A_115)
    %eq3A = arith.constant 0 : i32
    %eq3A_116 = arith.cmpi eq, %arg0, %eq3A : i32
    %convert_element_type3A = arith.extui %eq3A_116 : i1 to i32
    %cond3A = arith.constant 0 : i32
    %cond3A_117 = arith.cmpi ne, %convert_element_type3A, %cond3A : i32
    scf.if %cond3A_117 {
      "tpu.region"() ({
        %run_scoped3A_123 = tpu.sem_alloc : memref<!tpu.dma_semaphore, #tpu.memory_space<semaphore_mem>>
        %dma_start3A_124 = arith.constant 0 : i32
        %dma_start3A_125 = tpu.memref_slice %arg6[%mul3A_2, %dma_start3A_124] : memref<10112x128xf32, #tpu.memory_space<hbm>> -> memref<632x128xf32, #tpu.memory_space<hbm>>
        %dma_start3A_126 = arith.constant 0 : i32
        %dma_start3A_127 = tpu.memref_slice %arg11[%mul3A_2, %dma_start3A_126] : memref<10112x128xf32, #tpu.memory_space<vmem_shared>> -> memref<632x128xf32, #tpu.memory_space<vmem_shared>>
        tpu.enqueue_dma source(%dma_start3A_127 : memref<632x128xf32, #tpu.memory_space<vmem_shared>>) target(%dma_start3A_125 : memref<632x128xf32, #tpu.memory_space<hbm>>) target_semaphore(%run_scoped3A_123 : memref<!tpu.dma_semaphore, #tpu.memory_space<semaphore_mem>>)
        %dma_wait3A_128 = arith.constant 0 : i32
        %dma_wait3A_129 = tpu.memref_slice %arg6[%mul3A_2, %dma_wait3A_128] : memref<10112x128xf32, #tpu.memory_space<hbm>> -> memref<632x128xf32, #tpu.memory_space<hbm>>
        %dma_wait3A_130 = arith.constant 0 : i32
        %dma_wait3A_131 = tpu.memref_slice %arg11[%mul3A_2, %dma_wait3A_130] : memref<10112x128xf32, #tpu.memory_space<vmem_shared>> -> memref<632x128xf32, #tpu.memory_space<vmem_shared>>
        tpu.wait_dma2 semaphore(%run_scoped3A_123 : memref<!tpu.dma_semaphore, #tpu.memory_space<semaphore_mem>>) src(%dma_wait3A_131 : memref<632x128xf32, #tpu.memory_space<vmem_shared>>) dst(%dma_wait3A_129 : memref<632x128xf32, #tpu.memory_space<hbm>>)
        tpu.yield
      }) : () -> ()
    } else {
    }
    %eq3A_118 = arith.constant 1 : i32
    %eq3A_119 = arith.cmpi eq, %arg0, %eq3A_118 : i32
    %convert_element_type3A_120 = arith.extui %eq3A_119 : i1 to i32
    %cond3A_121 = arith.constant 0 : i32
    %cond3A_122 = arith.cmpi ne, %convert_element_type3A_120, %cond3A_121 : i32
    scf.if %cond3A_122 {
      "tpu.region"() ({
        %run_scoped3A_123 = tpu.sem_alloc : memref<!tpu.dma_semaphore, #tpu.memory_space<semaphore_mem>>
        %dma_start3A_124 = arith.constant 0 : i32
        %dma_start3A_125 = tpu.memref_slice %arg7[%mul3A_2, %dma_start3A_124] : memref<10112x128xf32, #tpu.memory_space<hbm>> -> memref<632x128xf32, #tpu.memory_space<hbm>>
        %dma_start3A_126 = arith.constant 0 : i32
        %dma_start3A_127 = tpu.memref_slice %arg11[%mul3A_2, %dma_start3A_126] : memref<10112x128xf32, #tpu.memory_space<vmem_shared>> -> memref<632x128xf32, #tpu.memory_space<vmem_shared>>
        tpu.enqueue_dma source(%dma_start3A_127 : memref<632x128xf32, #tpu.memory_space<vmem_shared>>) target(%dma_start3A_125 : memref<632x128xf32, #tpu.memory_space<hbm>>) target_semaphore(%run_scoped3A_123 : memref<!tpu.dma_semaphore, #tpu.memory_space<semaphore_mem>>)
        %dma_wait3A_128 = arith.constant 0 : i32
        %dma_wait3A_129 = tpu.memref_slice %arg7[%mul3A_2, %dma_wait3A_128] : memref<10112x128xf32, #tpu.memory_space<hbm>> -> memref<632x128xf32, #tpu.memory_space<hbm>>
        %dma_wait3A_130 = arith.constant 0 : i32
        %dma_wait3A_131 = tpu.memref_slice %arg11[%mul3A_2, %dma_wait3A_130] : memref<10112x128xf32, #tpu.memory_space<vmem_shared>> -> memref<632x128xf32, #tpu.memory_space<vmem_shared>>
        tpu.wait_dma2 semaphore(%run_scoped3A_123 : memref<!tpu.dma_semaphore, #tpu.memory_space<semaphore_mem>>) src(%dma_wait3A_131 : memref<632x128xf32, #tpu.memory_space<vmem_shared>>) dst(%dma_wait3A_129 : memref<632x128xf32, #tpu.memory_space<hbm>>)
        tpu.yield
      }) : () -> ()
    } else {
    }
    return
  }
}

#map = affine_map<(d0, d1) -> (0, 0)>
#map1 = affine_map<(d0, d1) -> (0, 0, 0)>
module attributes {stable_mosaic.version = 14 : i64} {
  func.func @agg_kernel(%arg0: i32, %arg1: i32, %arg2: memref<10000x128xf32, #tpu.memory_space<hbm>>, %arg3: memref<32x80x128xi32, #tpu.memory_space<hbm>>, %arg4: memref<32x80x128xi32, #tpu.memory_space<hbm>>, %arg5: memref<10112x128xf32, #tpu.memory_space<hbm>>, %arg6: memref<10112x128xf32, #tpu.memory_space<hbm>>, %arg7: memref<10112x128xf32, #tpu.memory_space<hbm>>, %arg8: memref<40x128xi32, #tpu.memory_space<vmem>>, %arg9: memref<40x128xi32, #tpu.memory_space<vmem>>, %arg10: memref<2x128x128xf32, #tpu.memory_space<vmem>>, %arg11: memref<10112x128xf32, #tpu.memory_space<vmem_shared>>, %arg12: memref<!tpu.dma_semaphore, #tpu.memory_space<semaphore_mem>>, %arg13: memref<!tpu.dma_semaphore, #tpu.memory_space<semaphore_mem>>) attributes {dimension_semantics = [#tpu.dimension_semantics<core_parallel>, #tpu.dimension_semantics<subcore_parallel>], iteration_bounds = array<i64: 2, 16>, scalar_prefetch = 0 : i64, scratch_operands = 6 : i64, tpu.core_type = #tpu.core_type<sc_vector_subcore>, window_params = [{transform_indices = #map}, {transform_indices = #map1}, {transform_indices = #map1}, {transform_indices = #map}, {transform_indices = #map}, {transform_indices = #map}]} {
    %mul3A = arith.constant 16 : i32
    %mul3A_0 = arith.muli %arg0, %mul3A : i32
    %add3A = arith.addi %mul3A_0, %arg1 : i32
    %mul3A_1 = arith.constant 632 : i32
    %mul3A_2 = arith.muli %arg1, %mul3A_1 : i32
    "tpu.region"() ({
      %run_scoped3A_123 = tpu.sem_alloc : memref<!tpu.dma_semaphore, #tpu.memory_space<semaphore_mem>>
      %dma_start3A_124 = arith.constant 0 : i32
      %dma_start3A_125 = tpu.memref_slice %arg11[%mul3A_2, %dma_start3A_124] : memref<10112x128xf32, #tpu.memory_space<vmem_shared>> -> memref<632x128xf32, #tpu.memory_space<vmem_shared>>
      %dma_start3A_126 = arith.constant 0 : i32
      %dma_start3A_127 = tpu.memref_slice %arg5[%mul3A_2, %dma_start3A_126] : memref<10112x128xf32, #tpu.memory_space<hbm>> -> memref<632x128xf32, #tpu.memory_space<hbm>>
      tpu.enqueue_dma source(%dma_start3A_127 : memref<632x128xf32, #tpu.memory_space<hbm>>) target(%dma_start3A_125 : memref<632x128xf32, #tpu.memory_space<vmem_shared>>) target_semaphore(%run_scoped3A_123 : memref<!tpu.dma_semaphore, #tpu.memory_space<semaphore_mem>>)
      %dma_wait3A_128 = arith.constant 0 : i32
      %dma_wait3A_129 = tpu.memref_slice %arg11[%mul3A_2, %dma_wait3A_128] : memref<10112x128xf32, #tpu.memory_space<vmem_shared>> -> memref<632x128xf32, #tpu.memory_space<vmem_shared>>
      %dma_wait3A_130 = arith.constant 0 : i32
      %dma_wait3A_131 = tpu.memref_slice %arg5[%mul3A_2, %dma_wait3A_130] : memref<10112x128xf32, #tpu.memory_space<hbm>> -> memref<632x128xf32, #tpu.memory_space<hbm>>
      tpu.wait_dma2 semaphore(%run_scoped3A_123 : memref<!tpu.dma_semaphore, #tpu.memory_space<semaphore_mem>>) src(%dma_wait3A_131 : memref<632x128xf32, #tpu.memory_space<hbm>>) dst(%dma_wait3A_129 : memref<632x128xf32, #tpu.memory_space<vmem_shared>>)
      tpu.yield
    }) : () -> ()
    %barrier3A = arith.constant 0 : index
    tpu.barrier barrier_id(%barrier3A)
    "tpu.region"() ({
      %run_scoped3A_123 = tpu.sem_alloc : memref<!tpu.dma_semaphore, #tpu.memory_space<semaphore_mem>>
      %dma_start3A_124 = arith.constant 0 : i32
      %dma_start3A_125 = arith.constant 0 : i32
      %dma_start3A_126 = tpu.memref_slice %arg4[%add3A, %dma_start3A_124, %dma_start3A_125] : memref<32x80x128xi32, #tpu.memory_space<hbm>> -> memref<1x40x128xi32, #tpu.memory_space<hbm>>
      %dma_start3A_127 = tpu.memref_squeeze %dma_start3A_126 : memref<1x40x128xi32, #tpu.memory_space<hbm>> -> memref<40x128xi32, #tpu.memory_space<hbm>>
      %dma_start3A_128 = arith.constant 0 : i32
      %dma_start3A_129 = arith.constant 0 : i32
      %dma_start3A_130 = tpu.memref_slice %arg4[%add3A, %dma_start3A_128, %dma_start3A_129] : memref<32x80x128xi32, #tpu.memory_space<hbm>> -> memref<1x40x128xi32, #tpu.memory_space<hbm>>
      %dma_start3A_131 = tpu.memref_squeeze %dma_start3A_130 : memref<1x40x128xi32, #tpu.memory_space<hbm>> -> memref<40x128xi32, #tpu.memory_space<hbm>>
      tpu.enqueue_dma source(%dma_start3A_131 : memref<40x128xi32, #tpu.memory_space<hbm>>) target(%arg9 : memref<40x128xi32, #tpu.memory_space<vmem>>) target_semaphore(%run_scoped3A_123 : memref<!tpu.dma_semaphore, #tpu.memory_space<semaphore_mem>>)
      %dma_wait3A_132 = arith.constant 0 : i32
      %dma_wait3A_133 = arith.constant 0 : i32
      %dma_wait3A_134 = tpu.memref_slice %arg4[%add3A, %dma_wait3A_132, %dma_wait3A_133] : memref<32x80x128xi32, #tpu.memory_space<hbm>> -> memref<1x40x128xi32, #tpu.memory_space<hbm>>
      %dma_wait3A_135 = tpu.memref_squeeze %dma_wait3A_134 : memref<1x40x128xi32, #tpu.memory_space<hbm>> -> memref<40x128xi32, #tpu.memory_space<hbm>>
      %dma_wait3A_136 = arith.constant 0 : i32
      %dma_wait3A_137 = arith.constant 0 : i32
      %dma_wait3A_138 = tpu.memref_slice %arg4[%add3A, %dma_wait3A_136, %dma_wait3A_137] : memref<32x80x128xi32, #tpu.memory_space<hbm>> -> memref<1x40x128xi32, #tpu.memory_space<hbm>>
      %dma_wait3A_139 = tpu.memref_squeeze %dma_wait3A_138 : memref<1x40x128xi32, #tpu.memory_space<hbm>> -> memref<40x128xi32, #tpu.memory_space<hbm>>
      tpu.wait_dma2 semaphore(%run_scoped3A_123 : memref<!tpu.dma_semaphore, #tpu.memory_space<semaphore_mem>>) src(%dma_wait3A_139 : memref<40x128xi32, #tpu.memory_space<hbm>>) dst(%arg9 : memref<40x128xi32, #tpu.memory_space<vmem>>)
      tpu.yield
    }) : () -> ()
    "tpu.region"() ({
      %run_scoped3A_123 = tpu.sem_alloc : memref<!tpu.dma_semaphore, #tpu.memory_space<semaphore_mem>>
      %dma_start3A_124 = arith.constant 0 : i32
      %dma_start3A_125 = arith.constant 0 : i32
      %dma_start3A_126 = tpu.memref_slice %arg3[%add3A, %dma_start3A_124, %dma_start3A_125] : memref<32x80x128xi32, #tpu.memory_space<hbm>> -> memref<1x40x128xi32, #tpu.memory_space<hbm>>
      %dma_start3A_127 = tpu.memref_squeeze %dma_start3A_126 : memref<1x40x128xi32, #tpu.memory_space<hbm>> -> memref<40x128xi32, #tpu.memory_space<hbm>>
      %dma_start3A_128 = arith.constant 0 : i32
      %dma_start3A_129 = arith.constant 0 : i32
      %dma_start3A_130 = tpu.memref_slice %arg3[%add3A, %dma_start3A_128, %dma_start3A_129] : memref<32x80x128xi32, #tpu.memory_space<hbm>> -> memref<1x40x128xi32, #tpu.memory_space<hbm>>
      %dma_start3A_131 = tpu.memref_squeeze %dma_start3A_130 : memref<1x40x128xi32, #tpu.memory_space<hbm>> -> memref<40x128xi32, #tpu.memory_space<hbm>>
      tpu.enqueue_dma source(%dma_start3A_131 : memref<40x128xi32, #tpu.memory_space<hbm>>) target(%arg8 : memref<40x128xi32, #tpu.memory_space<vmem>>) target_semaphore(%run_scoped3A_123 : memref<!tpu.dma_semaphore, #tpu.memory_space<semaphore_mem>>)
      %dma_wait3A_132 = arith.constant 0 : i32
      %dma_wait3A_133 = arith.constant 0 : i32
      %dma_wait3A_134 = tpu.memref_slice %arg3[%add3A, %dma_wait3A_132, %dma_wait3A_133] : memref<32x80x128xi32, #tpu.memory_space<hbm>> -> memref<1x40x128xi32, #tpu.memory_space<hbm>>
      %dma_wait3A_135 = tpu.memref_squeeze %dma_wait3A_134 : memref<1x40x128xi32, #tpu.memory_space<hbm>> -> memref<40x128xi32, #tpu.memory_space<hbm>>
      %dma_wait3A_136 = arith.constant 0 : i32
      %dma_wait3A_137 = arith.constant 0 : i32
      %dma_wait3A_138 = tpu.memref_slice %arg3[%add3A, %dma_wait3A_136, %dma_wait3A_137] : memref<32x80x128xi32, #tpu.memory_space<hbm>> -> memref<1x40x128xi32, #tpu.memory_space<hbm>>
      %dma_wait3A_139 = tpu.memref_squeeze %dma_wait3A_138 : memref<1x40x128xi32, #tpu.memory_space<hbm>> -> memref<40x128xi32, #tpu.memory_space<hbm>>
      tpu.wait_dma2 semaphore(%run_scoped3A_123 : memref<!tpu.dma_semaphore, #tpu.memory_space<semaphore_mem>>) src(%dma_wait3A_139 : memref<40x128xi32, #tpu.memory_space<hbm>>) dst(%arg8 : memref<40x128xi32, #tpu.memory_space<vmem>>)
      tpu.yield
    }) : () -> ()
    %dma_start3A = arith.constant 0 : i32
    %dma_start3A_3 = arith.constant 0 : i32
    %dma_start3A_4 = arith.constant 0 : i32
    %dma_start3A_5 = arith.constant 0 : i32
    %dma_start3A_6 = tpu.memref_slice %arg10[%dma_start3A_3, %dma_start3A_4, %dma_start3A_5] : memref<2x128x128xf32, #tpu.memory_space<vmem>> -> memref<1x128x128xf32, #tpu.memory_space<vmem>>
    %dma_start3A_7 = tpu.memref_squeeze %dma_start3A_6 : memref<1x128x128xf32, #tpu.memory_space<vmem>> -> memref<128x128xf32, #tpu.memory_space<vmem>>
    %dma_start3A_8 = arith.constant 0 : i32
    %dma_start3A_9 = tpu.memref_slice %arg8[%dma_start3A, %dma_start3A_8] : memref<40x128xi32, #tpu.memory_space<vmem>> -> memref<1x128xi32, #tpu.memory_space<vmem>>
    %dma_start3A_10 = tpu.memref_squeeze %dma_start3A_9 : memref<1x128xi32, #tpu.memory_space<vmem>> -> memref<128xi32, #tpu.memory_space<vmem>>
    %dma_start3A_11 = arith.constant 0 : i32
    %dma_start3A_12 = arith.constant 0 : i32
    %dma_start3A_13 = tpu.memref_slice %arg2[%dma_start3A_11, %dma_start3A_12] : memref<10000x128xf32, #tpu.memory_space<hbm>> -> memref<10000x128xf32, #tpu.memory_space<hbm>>
    tpu.enqueue_indirect_dma source(%dma_start3A_13 : memref<10000x128xf32, #tpu.memory_space<hbm>>) target(%dma_start3A_7 : memref<128x128xf32, #tpu.memory_space<vmem>>) offsets(%dma_start3A_10 : memref<128xi32, #tpu.memory_space<vmem>>) semaphore(%arg12 : memref<!tpu.dma_semaphore, #tpu.memory_space<semaphore_mem>>)
    %dma_start3A_14 = arith.constant 1 : i32
    %dma_start3A_15 = arith.constant 1 : i32
    %dma_start3A_16 = arith.constant 0 : i32
    %dma_start3A_17 = arith.constant 0 : i32
    %dma_start3A_18 = tpu.memref_slice %arg10[%dma_start3A_15, %dma_start3A_16, %dma_start3A_17] : memref<2x128x128xf32, #tpu.memory_space<vmem>> -> memref<1x128x128xf32, #tpu.memory_space<vmem>>
    %dma_start3A_19 = tpu.memref_squeeze %dma_start3A_18 : memref<1x128x128xf32, #tpu.memory_space<vmem>> -> memref<128x128xf32, #tpu.memory_space<vmem>>
    %dma_start3A_20 = arith.constant 0 : i32
    %dma_start3A_21 = tpu.memref_slice %arg8[%dma_start3A_14, %dma_start3A_20] : memref<40x128xi32, #tpu.memory_space<vmem>> -> memref<1x128xi32, #tpu.memory_space<vmem>>
    %dma_start3A_22 = tpu.memref_squeeze %dma_start3A_21 : memref<1x128xi32, #tpu.memory_space<vmem>> -> memref<128xi32, #tpu.memory_space<vmem>>
    %dma_start3A_23 = arith.constant 0 : i32
    %dma_start3A_24 = arith.constant 0 : i32
    %dma_start3A_25 = tpu.memref_slice %arg2[%dma_start3A_23, %dma_start3A_24] : memref<10000x128xf32, #tpu.memory_space<hbm>> -> memref<10000x128xf32, #tpu.memory_space<hbm>>
    tpu.enqueue_indirect_dma source(%dma_start3A_25 : memref<10000x128xf32, #tpu.memory_space<hbm>>) target(%dma_start3A_19 : memref<128x128xf32, #tpu.memory_space<vmem>>) offsets(%dma_start3A_22 : memref<128xi32, #tpu.memory_space<vmem>>) semaphore(%arg13 : memref<!tpu.dma_semaphore, #tpu.memory_space<semaphore_mem>>)
    %scan3A = arith.constant 0 : i32
    %scan3A_26 = arith.constant 0 : i32
    %scan3A_27 = arith.constant 19 : i32
    %scan3A_28 = arith.addi %scan3A_26, %scan3A_27 : i32
    %scan3A_29 = arith.constant 1 : i32
    scf.for %scan3A_123 = %scan3A_26 to %scan3A_28 step %scan3A_29  : i32 {
      %mul3A_124 = arith.constant 2 : i32
      %mul3A_125 = arith.muli %scan3A_123, %mul3A_124 : i32
      %add3A_126 = arith.constant 0 : i32
      %add3A_127 = arith.addi %mul3A_125, %add3A_126 : i32
      %dma_wait3A_128 = arith.constant 0 : i32
      %dma_wait3A_129 = arith.constant 0 : i32
      %dma_wait3A_130 = arith.constant 0 : i32
      %dma_wait3A_131 = tpu.memref_slice %arg10[%dma_wait3A_128, %dma_wait3A_129, %dma_wait3A_130] : memref<2x128x128xf32, #tpu.memory_space<vmem>> -> memref<1x128x128xf32, #tpu.memory_space<vmem>>
      %dma_wait3A_132 = tpu.memref_squeeze %dma_wait3A_131 : memref<1x128x128xf32, #tpu.memory_space<vmem>> -> memref<128x128xf32, #tpu.memory_space<vmem>>
      %dma_wait3A_133 = arith.constant 0 : i32
      %dma_wait3A_134 = tpu.memref_slice %arg8[%add3A_127, %dma_wait3A_133] : memref<40x128xi32, #tpu.memory_space<vmem>> -> memref<1x128xi32, #tpu.memory_space<vmem>>
      %dma_wait3A_135 = tpu.memref_squeeze %dma_wait3A_134 : memref<1x128xi32, #tpu.memory_space<vmem>> -> memref<128xi32, #tpu.memory_space<vmem>>
      %dma_wait3A_136 = arith.constant 0 : i32
      %dma_wait3A_137 = arith.constant 0 : i32
      %dma_wait3A_138 = tpu.memref_slice %arg2[%dma_wait3A_136, %dma_wait3A_137] : memref<10000x128xf32, #tpu.memory_space<hbm>> -> memref<10000x128xf32, #tpu.memory_space<hbm>>
      tpu.wait_indirect_dma semaphore(%arg12 : memref<!tpu.dma_semaphore, #tpu.memory_space<semaphore_mem>>) src(%dma_wait3A_138 : memref<10000x128xf32, #tpu.memory_space<hbm>>) dst(%dma_wait3A_132 : memref<128x128xf32, #tpu.memory_space<vmem>>)
      %run_scoped3A_139 = arith.constant 0 : i32
      "tpu.region"() ({
        %run_scoped3A_182 = tpu.sem_alloc : memref<!tpu.dma_semaphore, #tpu.memory_space<semaphore_mem>>
        %dma_start3A_183 = arith.constant 0 : i32
        %dma_start3A_184 = arith.constant 0 : i32
        %dma_start3A_185 = tpu.memref_slice %arg10[%run_scoped3A_139, %dma_start3A_183, %dma_start3A_184] : memref<2x128x128xf32, #tpu.memory_space<vmem>> -> memref<1x128x128xf32, #tpu.memory_space<vmem>>
        %dma_start3A_186 = tpu.memref_squeeze %dma_start3A_185 : memref<1x128x128xf32, #tpu.memory_space<vmem>> -> memref<128x128xf32, #tpu.memory_space<vmem>>
        %dma_start3A_187 = arith.constant 0 : i32
        %dma_start3A_188 = tpu.memref_slice %arg9[%add3A_127, %dma_start3A_187] : memref<40x128xi32, #tpu.memory_space<vmem>> -> memref<1x128xi32, #tpu.memory_space<vmem>>
        %dma_start3A_189 = tpu.memref_squeeze %dma_start3A_188 : memref<1x128xi32, #tpu.memory_space<vmem>> -> memref<128xi32, #tpu.memory_space<vmem>>
        %dma_start3A_190 = arith.constant 0 : i32
        %dma_start3A_191 = arith.constant 0 : i32
        %dma_start3A_192 = tpu.memref_slice %arg11[%dma_start3A_190, %dma_start3A_191] : memref<10112x128xf32, #tpu.memory_space<vmem_shared>> -> memref<10112x128xf32, #tpu.memory_space<vmem_shared>>
        tpu.enqueue_indirect_dma source(%dma_start3A_186 : memref<128x128xf32, #tpu.memory_space<vmem>>) target(%dma_start3A_192 : memref<10112x128xf32, #tpu.memory_space<vmem_shared>>) offsets(%dma_start3A_189 : memref<128xi32, #tpu.memory_space<vmem>>) semaphore(%run_scoped3A_182 : memref<!tpu.dma_semaphore, #tpu.memory_space<semaphore_mem>>) {add = true}
        %dma_wait3A_193 = arith.constant 0 : i32
        %dma_wait3A_194 = arith.constant 0 : i32
        %dma_wait3A_195 = tpu.memref_slice %arg10[%run_scoped3A_139, %dma_wait3A_193, %dma_wait3A_194] : memref<2x128x128xf32, #tpu.memory_space<vmem>> -> memref<1x128x128xf32, #tpu.memory_space<vmem>>
        %dma_wait3A_196 = tpu.memref_squeeze %dma_wait3A_195 : memref<1x128x128xf32, #tpu.memory_space<vmem>> -> memref<128x128xf32, #tpu.memory_space<vmem>>
        %dma_wait3A_197 = arith.constant 0 : i32
        %dma_wait3A_198 = tpu.memref_slice %arg9[%add3A_127, %dma_wait3A_197] : memref<40x128xi32, #tpu.memory_space<vmem>> -> memref<1x128xi32, #tpu.memory_space<vmem>>
        %dma_wait3A_199 = tpu.memref_squeeze %dma_wait3A_198 : memref<1x128xi32, #tpu.memory_space<vmem>> -> memref<128xi32, #tpu.memory_space<vmem>>
        %dma_wait3A_200 = arith.constant 0 : i32
        %dma_wait3A_201 = arith.constant 0 : i32
        %dma_wait3A_202 = tpu.memref_slice %arg11[%dma_wait3A_200, %dma_wait3A_201] : memref<10112x128xf32, #tpu.memory_space<vmem_shared>> -> memref<10112x128xf32, #tpu.memory_space<vmem_shared>>
        tpu.wait_indirect_dma semaphore(%run_scoped3A_182 : memref<!tpu.dma_semaphore, #tpu.memory_space<semaphore_mem>>) src(%dma_wait3A_196 : memref<128x128xf32, #tpu.memory_space<vmem>>) dst(%dma_wait3A_202 : memref<10112x128xf32, #tpu.memory_space<vmem_shared>>)
        tpu.yield
      }) : () -> ()
      %add3A_140 = arith.constant 2 : i32
      %add3A_141 = arith.addi %add3A_127, %add3A_140 : i32
      %dma_start3A_142 = arith.constant 0 : i32
      %dma_start3A_143 = arith.constant 0 : i32
      %dma_start3A_144 = arith.constant 0 : i32
      %dma_start3A_145 = tpu.memref_slice %arg10[%dma_start3A_142, %dma_start3A_143, %dma_start3A_144] : memref<2x128x128xf32, #tpu.memory_space<vmem>> -> memref<1x128x128xf32, #tpu.memory_space<vmem>>
      %dma_start3A_146 = tpu.memref_squeeze %dma_start3A_145 : memref<1x128x128xf32, #tpu.memory_space<vmem>> -> memref<128x128xf32, #tpu.memory_space<vmem>>
      %dma_start3A_147 = arith.constant 0 : i32
      %dma_start3A_148 = tpu.memref_slice %arg8[%add3A_141, %dma_start3A_147] : memref<40x128xi32, #tpu.memory_space<vmem>> -> memref<1x128xi32, #tpu.memory_space<vmem>>
      %dma_start3A_149 = tpu.memref_squeeze %dma_start3A_148 : memref<1x128xi32, #tpu.memory_space<vmem>> -> memref<128xi32, #tpu.memory_space<vmem>>
      %dma_start3A_150 = arith.constant 0 : i32
      %dma_start3A_151 = arith.constant 0 : i32
      %dma_start3A_152 = tpu.memref_slice %arg2[%dma_start3A_150, %dma_start3A_151] : memref<10000x128xf32, #tpu.memory_space<hbm>> -> memref<10000x128xf32, #tpu.memory_space<hbm>>
      tpu.enqueue_indirect_dma source(%dma_start3A_152 : memref<10000x128xf32, #tpu.memory_space<hbm>>) target(%dma_start3A_146 : memref<128x128xf32, #tpu.memory_space<vmem>>) offsets(%dma_start3A_149 : memref<128xi32, #tpu.memory_space<vmem>>) semaphore(%arg12 : memref<!tpu.dma_semaphore, #tpu.memory_space<semaphore_mem>>)
      %mul3A_153 = arith.constant 2 : i32
      %mul3A_154 = arith.muli %scan3A_123, %mul3A_153 : i32
      %add3A_155 = arith.constant 1 : i32
      %add3A_156 = arith.addi %mul3A_154, %add3A_155 : i32
      %dma_wait3A_157 = arith.constant 1 : i32
      %dma_wait3A_158 = arith.constant 0 : i32
      %dma_wait3A_159 = arith.constant 0 : i32
      %dma_wait3A_160 = tpu.memref_slice %arg10[%dma_wait3A_157, %dma_wait3A_158, %dma_wait3A_159] : memref<2x128x128xf32, #tpu.memory_space<vmem>> -> memref<1x128x128xf32, #tpu.memory_space<vmem>>
      %dma_wait3A_161 = tpu.memref_squeeze %dma_wait3A_160 : memref<1x128x128xf32, #tpu.memory_space<vmem>> -> memref<128x128xf32, #tpu.memory_space<vmem>>
      %dma_wait3A_162 = arith.constant 0 : i32
      %dma_wait3A_163 = tpu.memref_slice %arg8[%add3A_156, %dma_wait3A_162] : memref<40x128xi32, #tpu.memory_space<vmem>> -> memref<1x128xi32, #tpu.memory_space<vmem>>
      %dma_wait3A_164 = tpu.memref_squeeze %dma_wait3A_163 : memref<1x128xi32, #tpu.memory_space<vmem>> -> memref<128xi32, #tpu.memory_space<vmem>>
      %dma_wait3A_165 = arith.constant 0 : i32
      %dma_wait3A_166 = arith.constant 0 : i32
      %dma_wait3A_167 = tpu.memref_slice %arg2[%dma_wait3A_165, %dma_wait3A_166] : memref<10000x128xf32, #tpu.memory_space<hbm>> -> memref<10000x128xf32, #tpu.memory_space<hbm>>
      tpu.wait_indirect_dma semaphore(%arg13 : memref<!tpu.dma_semaphore, #tpu.memory_space<semaphore_mem>>) src(%dma_wait3A_167 : memref<10000x128xf32, #tpu.memory_space<hbm>>) dst(%dma_wait3A_161 : memref<128x128xf32, #tpu.memory_space<vmem>>)
      %run_scoped3A_168 = arith.constant 1 : i32
      "tpu.region"() ({
        %run_scoped3A_182 = tpu.sem_alloc : memref<!tpu.dma_semaphore, #tpu.memory_space<semaphore_mem>>
        %dma_start3A_183 = arith.constant 0 : i32
        %dma_start3A_184 = arith.constant 0 : i32
        %dma_start3A_185 = tpu.memref_slice %arg10[%run_scoped3A_168, %dma_start3A_183, %dma_start3A_184] : memref<2x128x128xf32, #tpu.memory_space<vmem>> -> memref<1x128x128xf32, #tpu.memory_space<vmem>>
        %dma_start3A_186 = tpu.memref_squeeze %dma_start3A_185 : memref<1x128x128xf32, #tpu.memory_space<vmem>> -> memref<128x128xf32, #tpu.memory_space<vmem>>
        %dma_start3A_187 = arith.constant 0 : i32
        %dma_start3A_188 = tpu.memref_slice %arg9[%add3A_156, %dma_start3A_187] : memref<40x128xi32, #tpu.memory_space<vmem>> -> memref<1x128xi32, #tpu.memory_space<vmem>>
        %dma_start3A_189 = tpu.memref_squeeze %dma_start3A_188 : memref<1x128xi32, #tpu.memory_space<vmem>> -> memref<128xi32, #tpu.memory_space<vmem>>
        %dma_start3A_190 = arith.constant 0 : i32
        %dma_start3A_191 = arith.constant 0 : i32
        %dma_start3A_192 = tpu.memref_slice %arg11[%dma_start3A_190, %dma_start3A_191] : memref<10112x128xf32, #tpu.memory_space<vmem_shared>> -> memref<10112x128xf32, #tpu.memory_space<vmem_shared>>
        tpu.enqueue_indirect_dma source(%dma_start3A_186 : memref<128x128xf32, #tpu.memory_space<vmem>>) target(%dma_start3A_192 : memref<10112x128xf32, #tpu.memory_space<vmem_shared>>) offsets(%dma_start3A_189 : memref<128xi32, #tpu.memory_space<vmem>>) semaphore(%run_scoped3A_182 : memref<!tpu.dma_semaphore, #tpu.memory_space<semaphore_mem>>) {add = true}
        %dma_wait3A_193 = arith.constant 0 : i32
        %dma_wait3A_194 = arith.constant 0 : i32
        %dma_wait3A_195 = tpu.memref_slice %arg10[%run_scoped3A_168, %dma_wait3A_193, %dma_wait3A_194] : memref<2x128x128xf32, #tpu.memory_space<vmem>> -> memref<1x128x128xf32, #tpu.memory_space<vmem>>
        %dma_wait3A_196 = tpu.memref_squeeze %dma_wait3A_195 : memref<1x128x128xf32, #tpu.memory_space<vmem>> -> memref<128x128xf32, #tpu.memory_space<vmem>>
        %dma_wait3A_197 = arith.constant 0 : i32
        %dma_wait3A_198 = tpu.memref_slice %arg9[%add3A_156, %dma_wait3A_197] : memref<40x128xi32, #tpu.memory_space<vmem>> -> memref<1x128xi32, #tpu.memory_space<vmem>>
        %dma_wait3A_199 = tpu.memref_squeeze %dma_wait3A_198 : memref<1x128xi32, #tpu.memory_space<vmem>> -> memref<128xi32, #tpu.memory_space<vmem>>
        %dma_wait3A_200 = arith.constant 0 : i32
        %dma_wait3A_201 = arith.constant 0 : i32
        %dma_wait3A_202 = tpu.memref_slice %arg11[%dma_wait3A_200, %dma_wait3A_201] : memref<10112x128xf32, #tpu.memory_space<vmem_shared>> -> memref<10112x128xf32, #tpu.memory_space<vmem_shared>>
        tpu.wait_indirect_dma semaphore(%run_scoped3A_182 : memref<!tpu.dma_semaphore, #tpu.memory_space<semaphore_mem>>) src(%dma_wait3A_196 : memref<128x128xf32, #tpu.memory_space<vmem>>) dst(%dma_wait3A_202 : memref<10112x128xf32, #tpu.memory_space<vmem_shared>>)
        tpu.yield
      }) : () -> ()
      %add3A_169 = arith.constant 2 : i32
      %add3A_170 = arith.addi %add3A_156, %add3A_169 : i32
      %dma_start3A_171 = arith.constant 1 : i32
      %dma_start3A_172 = arith.constant 0 : i32
      %dma_start3A_173 = arith.constant 0 : i32
      %dma_start3A_174 = tpu.memref_slice %arg10[%dma_start3A_171, %dma_start3A_172, %dma_start3A_173] : memref<2x128x128xf32, #tpu.memory_space<vmem>> -> memref<1x128x128xf32, #tpu.memory_space<vmem>>
      %dma_start3A_175 = tpu.memref_squeeze %dma_start3A_174 : memref<1x128x128xf32, #tpu.memory_space<vmem>> -> memref<128x128xf32, #tpu.memory_space<vmem>>
      %dma_start3A_176 = arith.constant 0 : i32
      %dma_start3A_177 = tpu.memref_slice %arg8[%add3A_170, %dma_start3A_176] : memref<40x128xi32, #tpu.memory_space<vmem>> -> memref<1x128xi32, #tpu.memory_space<vmem>>
      %dma_start3A_178 = tpu.memref_squeeze %dma_start3A_177 : memref<1x128xi32, #tpu.memory_space<vmem>> -> memref<128xi32, #tpu.memory_space<vmem>>
      %dma_start3A_179 = arith.constant 0 : i32
      %dma_start3A_180 = arith.constant 0 : i32
      %dma_start3A_181 = tpu.memref_slice %arg2[%dma_start3A_179, %dma_start3A_180] : memref<10000x128xf32, #tpu.memory_space<hbm>> -> memref<10000x128xf32, #tpu.memory_space<hbm>>
      tpu.enqueue_indirect_dma source(%dma_start3A_181 : memref<10000x128xf32, #tpu.memory_space<hbm>>) target(%dma_start3A_175 : memref<128x128xf32, #tpu.memory_space<vmem>>) offsets(%dma_start3A_178 : memref<128xi32, #tpu.memory_space<vmem>>) semaphore(%arg13 : memref<!tpu.dma_semaphore, #tpu.memory_space<semaphore_mem>>)
    }
    %scan3A_30 = arith.constant 19 : i32
    %dma_wait3A = arith.constant 38 : i32
    %dma_wait3A_31 = arith.constant 0 : i32
    %dma_wait3A_32 = arith.constant 0 : i32
    %dma_wait3A_33 = arith.constant 0 : i32
    %dma_wait3A_34 = tpu.memref_slice %arg10[%dma_wait3A_31, %dma_wait3A_32, %dma_wait3A_33] : memref<2x128x128xf32, #tpu.memory_space<vmem>> -> memref<1x128x128xf32, #tpu.memory_space<vmem>>
    %dma_wait3A_35 = tpu.memref_squeeze %dma_wait3A_34 : memref<1x128x128xf32, #tpu.memory_space<vmem>> -> memref<128x128xf32, #tpu.memory_space<vmem>>
    %dma_wait3A_36 = arith.constant 0 : i32
    %dma_wait3A_37 = tpu.memref_slice %arg8[%dma_wait3A, %dma_wait3A_36] : memref<40x128xi32, #tpu.memory_space<vmem>> -> memref<1x128xi32, #tpu.memory_space<vmem>>
    %dma_wait3A_38 = tpu.memref_squeeze %dma_wait3A_37 : memref<1x128xi32, #tpu.memory_space<vmem>> -> memref<128xi32, #tpu.memory_space<vmem>>
    %dma_wait3A_39 = arith.constant 0 : i32
    %dma_wait3A_40 = arith.constant 0 : i32
    %dma_wait3A_41 = tpu.memref_slice %arg2[%dma_wait3A_39, %dma_wait3A_40] : memref<10000x128xf32, #tpu.memory_space<hbm>> -> memref<10000x128xf32, #tpu.memory_space<hbm>>
    tpu.wait_indirect_dma semaphore(%arg12 : memref<!tpu.dma_semaphore, #tpu.memory_space<semaphore_mem>>) src(%dma_wait3A_41 : memref<10000x128xf32, #tpu.memory_space<hbm>>) dst(%dma_wait3A_35 : memref<128x128xf32, #tpu.memory_space<vmem>>)
    %run_scoped3A = arith.constant 0 : i32
    %run_scoped3A_42 = arith.constant 38 : i32
    "tpu.region"() ({
      %run_scoped3A_123 = tpu.sem_alloc : memref<!tpu.dma_semaphore, #tpu.memory_space<semaphore_mem>>
      %dma_start3A_124 = arith.constant 0 : i32
      %dma_start3A_125 = arith.constant 0 : i32
      %dma_start3A_126 = tpu.memref_slice %arg10[%run_scoped3A, %dma_start3A_124, %dma_start3A_125] : memref<2x128x128xf32, #tpu.memory_space<vmem>> -> memref<1x128x128xf32, #tpu.memory_space<vmem>>
      %dma_start3A_127 = tpu.memref_squeeze %dma_start3A_126 : memref<1x128x128xf32, #tpu.memory_space<vmem>> -> memref<128x128xf32, #tpu.memory_space<vmem>>
      %dma_start3A_128 = arith.constant 0 : i32
      %dma_start3A_129 = tpu.memref_slice %arg9[%run_scoped3A_42, %dma_start3A_128] : memref<40x128xi32, #tpu.memory_space<vmem>> -> memref<1x128xi32, #tpu.memory_space<vmem>>
      %dma_start3A_130 = tpu.memref_squeeze %dma_start3A_129 : memref<1x128xi32, #tpu.memory_space<vmem>> -> memref<128xi32, #tpu.memory_space<vmem>>
      %dma_start3A_131 = arith.constant 0 : i32
      %dma_start3A_132 = arith.constant 0 : i32
      %dma_start3A_133 = tpu.memref_slice %arg11[%dma_start3A_131, %dma_start3A_132] : memref<10112x128xf32, #tpu.memory_space<vmem_shared>> -> memref<10112x128xf32, #tpu.memory_space<vmem_shared>>
      tpu.enqueue_indirect_dma source(%dma_start3A_127 : memref<128x128xf32, #tpu.memory_space<vmem>>) target(%dma_start3A_133 : memref<10112x128xf32, #tpu.memory_space<vmem_shared>>) offsets(%dma_start3A_130 : memref<128xi32, #tpu.memory_space<vmem>>) semaphore(%run_scoped3A_123 : memref<!tpu.dma_semaphore, #tpu.memory_space<semaphore_mem>>) {add = true}
      %dma_wait3A_134 = arith.constant 0 : i32
      %dma_wait3A_135 = arith.constant 0 : i32
      %dma_wait3A_136 = tpu.memref_slice %arg10[%run_scoped3A, %dma_wait3A_134, %dma_wait3A_135] : memref<2x128x128xf32, #tpu.memory_space<vmem>> -> memref<1x128x128xf32, #tpu.memory_space<vmem>>
      %dma_wait3A_137 = tpu.memref_squeeze %dma_wait3A_136 : memref<1x128x128xf32, #tpu.memory_space<vmem>> -> memref<128x128xf32, #tpu.memory_space<vmem>>
      %dma_wait3A_138 = arith.constant 0 : i32
      %dma_wait3A_139 = tpu.memref_slice %arg9[%run_scoped3A_42, %dma_wait3A_138] : memref<40x128xi32, #tpu.memory_space<vmem>> -> memref<1x128xi32, #tpu.memory_space<vmem>>
      %dma_wait3A_140 = tpu.memref_squeeze %dma_wait3A_139 : memref<1x128xi32, #tpu.memory_space<vmem>> -> memref<128xi32, #tpu.memory_space<vmem>>
      %dma_wait3A_141 = arith.constant 0 : i32
      %dma_wait3A_142 = arith.constant 0 : i32
      %dma_wait3A_143 = tpu.memref_slice %arg11[%dma_wait3A_141, %dma_wait3A_142] : memref<10112x128xf32, #tpu.memory_space<vmem_shared>> -> memref<10112x128xf32, #tpu.memory_space<vmem_shared>>
      tpu.wait_indirect_dma semaphore(%run_scoped3A_123 : memref<!tpu.dma_semaphore, #tpu.memory_space<semaphore_mem>>) src(%dma_wait3A_137 : memref<128x128xf32, #tpu.memory_space<vmem>>) dst(%dma_wait3A_143 : memref<10112x128xf32, #tpu.memory_space<vmem_shared>>)
      tpu.yield
    }) : () -> ()
    %dma_wait3A_43 = arith.constant 39 : i32
    %dma_wait3A_44 = arith.constant 1 : i32
    %dma_wait3A_45 = arith.constant 0 : i32
    %dma_wait3A_46 = arith.constant 0 : i32
    %dma_wait3A_47 = tpu.memref_slice %arg10[%dma_wait3A_44, %dma_wait3A_45, %dma_wait3A_46] : memref<2x128x128xf32, #tpu.memory_space<vmem>> -> memref<1x128x128xf32, #tpu.memory_space<vmem>>
    %dma_wait3A_48 = tpu.memref_squeeze %dma_wait3A_47 : memref<1x128x128xf32, #tpu.memory_space<vmem>> -> memref<128x128xf32, #tpu.memory_space<vmem>>
    %dma_wait3A_49 = arith.constant 0 : i32
    %dma_wait3A_50 = tpu.memref_slice %arg8[%dma_wait3A_43, %dma_wait3A_49] : memref<40x128xi32, #tpu.memory_space<vmem>> -> memref<1x128xi32, #tpu.memory_space<vmem>>
    %dma_wait3A_51 = tpu.memref_squeeze %dma_wait3A_50 : memref<1x128xi32, #tpu.memory_space<vmem>> -> memref<128xi32, #tpu.memory_space<vmem>>
    %dma_wait3A_52 = arith.constant 0 : i32
    %dma_wait3A_53 = arith.constant 0 : i32
    %dma_wait3A_54 = tpu.memref_slice %arg2[%dma_wait3A_52, %dma_wait3A_53] : memref<10000x128xf32, #tpu.memory_space<hbm>> -> memref<10000x128xf32, #tpu.memory_space<hbm>>
    tpu.wait_indirect_dma semaphore(%arg13 : memref<!tpu.dma_semaphore, #tpu.memory_space<semaphore_mem>>) src(%dma_wait3A_54 : memref<10000x128xf32, #tpu.memory_space<hbm>>) dst(%dma_wait3A_48 : memref<128x128xf32, #tpu.memory_space<vmem>>)
    %run_scoped3A_55 = arith.constant 1 : i32
    %run_scoped3A_56 = arith.constant 39 : i32
    "tpu.region"() ({
      %run_scoped3A_123 = tpu.sem_alloc : memref<!tpu.dma_semaphore, #tpu.memory_space<semaphore_mem>>
      %dma_start3A_124 = arith.constant 0 : i32
      %dma_start3A_125 = arith.constant 0 : i32
      %dma_start3A_126 = tpu.memref_slice %arg10[%run_scoped3A_55, %dma_start3A_124, %dma_start3A_125] : memref<2x128x128xf32, #tpu.memory_space<vmem>> -> memref<1x128x128xf32, #tpu.memory_space<vmem>>
      %dma_start3A_127 = tpu.memref_squeeze %dma_start3A_126 : memref<1x128x128xf32, #tpu.memory_space<vmem>> -> memref<128x128xf32, #tpu.memory_space<vmem>>
      %dma_start3A_128 = arith.constant 0 : i32
      %dma_start3A_129 = tpu.memref_slice %arg9[%run_scoped3A_56, %dma_start3A_128] : memref<40x128xi32, #tpu.memory_space<vmem>> -> memref<1x128xi32, #tpu.memory_space<vmem>>
      %dma_start3A_130 = tpu.memref_squeeze %dma_start3A_129 : memref<1x128xi32, #tpu.memory_space<vmem>> -> memref<128xi32, #tpu.memory_space<vmem>>
      %dma_start3A_131 = arith.constant 0 : i32
      %dma_start3A_132 = arith.constant 0 : i32
      %dma_start3A_133 = tpu.memref_slice %arg11[%dma_start3A_131, %dma_start3A_132] : memref<10112x128xf32, #tpu.memory_space<vmem_shared>> -> memref<10112x128xf32, #tpu.memory_space<vmem_shared>>
      tpu.enqueue_indirect_dma source(%dma_start3A_127 : memref<128x128xf32, #tpu.memory_space<vmem>>) target(%dma_start3A_133 : memref<10112x128xf32, #tpu.memory_space<vmem_shared>>) offsets(%dma_start3A_130 : memref<128xi32, #tpu.memory_space<vmem>>) semaphore(%run_scoped3A_123 : memref<!tpu.dma_semaphore, #tpu.memory_space<semaphore_mem>>) {add = true}
      %dma_wait3A_134 = arith.constant 0 : i32
      %dma_wait3A_135 = arith.constant 0 : i32
      %dma_wait3A_136 = tpu.memref_slice %arg10[%run_scoped3A_55, %dma_wait3A_134, %dma_wait3A_135] : memref<2x128x128xf32, #tpu.memory_space<vmem>> -> memref<1x128x128xf32, #tpu.memory_space<vmem>>
      %dma_wait3A_137 = tpu.memref_squeeze %dma_wait3A_136 : memref<1x128x128xf32, #tpu.memory_space<vmem>> -> memref<128x128xf32, #tpu.memory_space<vmem>>
      %dma_wait3A_138 = arith.constant 0 : i32
      %dma_wait3A_139 = tpu.memref_slice %arg9[%run_scoped3A_56, %dma_wait3A_138] : memref<40x128xi32, #tpu.memory_space<vmem>> -> memref<1x128xi32, #tpu.memory_space<vmem>>
      %dma_wait3A_140 = tpu.memref_squeeze %dma_wait3A_139 : memref<1x128xi32, #tpu.memory_space<vmem>> -> memref<128xi32, #tpu.memory_space<vmem>>
      %dma_wait3A_141 = arith.constant 0 : i32
      %dma_wait3A_142 = arith.constant 0 : i32
      %dma_wait3A_143 = tpu.memref_slice %arg11[%dma_wait3A_141, %dma_wait3A_142] : memref<10112x128xf32, #tpu.memory_space<vmem_shared>> -> memref<10112x128xf32, #tpu.memory_space<vmem_shared>>
      tpu.wait_indirect_dma semaphore(%run_scoped3A_123 : memref<!tpu.dma_semaphore, #tpu.memory_space<semaphore_mem>>) src(%dma_wait3A_137 : memref<128x128xf32, #tpu.memory_space<vmem>>) dst(%dma_wait3A_143 : memref<10112x128xf32, #tpu.memory_space<vmem_shared>>)
      tpu.yield
    }) : () -> ()
    "tpu.region"() ({
      %run_scoped3A_123 = tpu.sem_alloc : memref<!tpu.dma_semaphore, #tpu.memory_space<semaphore_mem>>
      %dma_start3A_124 = arith.constant 40 : i32
      %dma_start3A_125 = arith.constant 0 : i32
      %dma_start3A_126 = tpu.memref_slice %arg4[%add3A, %dma_start3A_124, %dma_start3A_125] : memref<32x80x128xi32, #tpu.memory_space<hbm>> -> memref<1x40x128xi32, #tpu.memory_space<hbm>>
      %dma_start3A_127 = tpu.memref_squeeze %dma_start3A_126 : memref<1x40x128xi32, #tpu.memory_space<hbm>> -> memref<40x128xi32, #tpu.memory_space<hbm>>
      %dma_start3A_128 = arith.constant 40 : i32
      %dma_start3A_129 = arith.constant 0 : i32
      %dma_start3A_130 = tpu.memref_slice %arg4[%add3A, %dma_start3A_128, %dma_start3A_129] : memref<32x80x128xi32, #tpu.memory_space<hbm>> -> memref<1x40x128xi32, #tpu.memory_space<hbm>>
      %dma_start3A_131 = tpu.memref_squeeze %dma_start3A_130 : memref<1x40x128xi32, #tpu.memory_space<hbm>> -> memref<40x128xi32, #tpu.memory_space<hbm>>
      tpu.enqueue_dma source(%dma_start3A_131 : memref<40x128xi32, #tpu.memory_space<hbm>>) target(%arg9 : memref<40x128xi32, #tpu.memory_space<vmem>>) target_semaphore(%run_scoped3A_123 : memref<!tpu.dma_semaphore, #tpu.memory_space<semaphore_mem>>)
      %dma_wait3A_132 = arith.constant 40 : i32
      %dma_wait3A_133 = arith.constant 0 : i32
      %dma_wait3A_134 = tpu.memref_slice %arg4[%add3A, %dma_wait3A_132, %dma_wait3A_133] : memref<32x80x128xi32, #tpu.memory_space<hbm>> -> memref<1x40x128xi32, #tpu.memory_space<hbm>>
      %dma_wait3A_135 = tpu.memref_squeeze %dma_wait3A_134 : memref<1x40x128xi32, #tpu.memory_space<hbm>> -> memref<40x128xi32, #tpu.memory_space<hbm>>
      %dma_wait3A_136 = arith.constant 40 : i32
      %dma_wait3A_137 = arith.constant 0 : i32
      %dma_wait3A_138 = tpu.memref_slice %arg4[%add3A, %dma_wait3A_136, %dma_wait3A_137] : memref<32x80x128xi32, #tpu.memory_space<hbm>> -> memref<1x40x128xi32, #tpu.memory_space<hbm>>
      %dma_wait3A_139 = tpu.memref_squeeze %dma_wait3A_138 : memref<1x40x128xi32, #tpu.memory_space<hbm>> -> memref<40x128xi32, #tpu.memory_space<hbm>>
      tpu.wait_dma2 semaphore(%run_scoped3A_123 : memref<!tpu.dma_semaphore, #tpu.memory_space<semaphore_mem>>) src(%dma_wait3A_139 : memref<40x128xi32, #tpu.memory_space<hbm>>) dst(%arg9 : memref<40x128xi32, #tpu.memory_space<vmem>>)
      tpu.yield
    }) : () -> ()
    "tpu.region"() ({
      %run_scoped3A_123 = tpu.sem_alloc : memref<!tpu.dma_semaphore, #tpu.memory_space<semaphore_mem>>
      %dma_start3A_124 = arith.constant 40 : i32
      %dma_start3A_125 = arith.constant 0 : i32
      %dma_start3A_126 = tpu.memref_slice %arg3[%add3A, %dma_start3A_124, %dma_start3A_125] : memref<32x80x128xi32, #tpu.memory_space<hbm>> -> memref<1x40x128xi32, #tpu.memory_space<hbm>>
      %dma_start3A_127 = tpu.memref_squeeze %dma_start3A_126 : memref<1x40x128xi32, #tpu.memory_space<hbm>> -> memref<40x128xi32, #tpu.memory_space<hbm>>
      %dma_start3A_128 = arith.constant 40 : i32
      %dma_start3A_129 = arith.constant 0 : i32
      %dma_start3A_130 = tpu.memref_slice %arg3[%add3A, %dma_start3A_128, %dma_start3A_129] : memref<32x80x128xi32, #tpu.memory_space<hbm>> -> memref<1x40x128xi32, #tpu.memory_space<hbm>>
      %dma_start3A_131 = tpu.memref_squeeze %dma_start3A_130 : memref<1x40x128xi32, #tpu.memory_space<hbm>> -> memref<40x128xi32, #tpu.memory_space<hbm>>
      tpu.enqueue_dma source(%dma_start3A_131 : memref<40x128xi32, #tpu.memory_space<hbm>>) target(%arg8 : memref<40x128xi32, #tpu.memory_space<vmem>>) target_semaphore(%run_scoped3A_123 : memref<!tpu.dma_semaphore, #tpu.memory_space<semaphore_mem>>)
      %dma_wait3A_132 = arith.constant 40 : i32
      %dma_wait3A_133 = arith.constant 0 : i32
      %dma_wait3A_134 = tpu.memref_slice %arg3[%add3A, %dma_wait3A_132, %dma_wait3A_133] : memref<32x80x128xi32, #tpu.memory_space<hbm>> -> memref<1x40x128xi32, #tpu.memory_space<hbm>>
      %dma_wait3A_135 = tpu.memref_squeeze %dma_wait3A_134 : memref<1x40x128xi32, #tpu.memory_space<hbm>> -> memref<40x128xi32, #tpu.memory_space<hbm>>
      %dma_wait3A_136 = arith.constant 40 : i32
      %dma_wait3A_137 = arith.constant 0 : i32
      %dma_wait3A_138 = tpu.memref_slice %arg3[%add3A, %dma_wait3A_136, %dma_wait3A_137] : memref<32x80x128xi32, #tpu.memory_space<hbm>> -> memref<1x40x128xi32, #tpu.memory_space<hbm>>
      %dma_wait3A_139 = tpu.memref_squeeze %dma_wait3A_138 : memref<1x40x128xi32, #tpu.memory_space<hbm>> -> memref<40x128xi32, #tpu.memory_space<hbm>>
      tpu.wait_dma2 semaphore(%run_scoped3A_123 : memref<!tpu.dma_semaphore, #tpu.memory_space<semaphore_mem>>) src(%dma_wait3A_139 : memref<40x128xi32, #tpu.memory_space<hbm>>) dst(%arg8 : memref<40x128xi32, #tpu.memory_space<vmem>>)
      tpu.yield
    }) : () -> ()
    %dma_start3A_57 = arith.constant 0 : i32
    %dma_start3A_58 = arith.constant 0 : i32
    %dma_start3A_59 = arith.constant 0 : i32
    %dma_start3A_60 = arith.constant 0 : i32
    %dma_start3A_61 = tpu.memref_slice %arg10[%dma_start3A_58, %dma_start3A_59, %dma_start3A_60] : memref<2x128x128xf32, #tpu.memory_space<vmem>> -> memref<1x128x128xf32, #tpu.memory_space<vmem>>
    %dma_start3A_62 = tpu.memref_squeeze %dma_start3A_61 : memref<1x128x128xf32, #tpu.memory_space<vmem>> -> memref<128x128xf32, #tpu.memory_space<vmem>>
    %dma_start3A_63 = arith.constant 0 : i32
    %dma_start3A_64 = tpu.memref_slice %arg8[%dma_start3A_57, %dma_start3A_63] : memref<40x128xi32, #tpu.memory_space<vmem>> -> memref<1x128xi32, #tpu.memory_space<vmem>>
    %dma_start3A_65 = tpu.memref_squeeze %dma_start3A_64 : memref<1x128xi32, #tpu.memory_space<vmem>> -> memref<128xi32, #tpu.memory_space<vmem>>
    %dma_start3A_66 = arith.constant 0 : i32
    %dma_start3A_67 = arith.constant 0 : i32
    %dma_start3A_68 = tpu.memref_slice %arg2[%dma_start3A_66, %dma_start3A_67] : memref<10000x128xf32, #tpu.memory_space<hbm>> -> memref<10000x128xf32, #tpu.memory_space<hbm>>
    tpu.enqueue_indirect_dma source(%dma_start3A_68 : memref<10000x128xf32, #tpu.memory_space<hbm>>) target(%dma_start3A_62 : memref<128x128xf32, #tpu.memory_space<vmem>>) offsets(%dma_start3A_65 : memref<128xi32, #tpu.memory_space<vmem>>) semaphore(%arg12 : memref<!tpu.dma_semaphore, #tpu.memory_space<semaphore_mem>>)
    %dma_start3A_69 = arith.constant 1 : i32
    %dma_start3A_70 = arith.constant 1 : i32
    %dma_start3A_71 = arith.constant 0 : i32
    %dma_start3A_72 = arith.constant 0 : i32
    %dma_start3A_73 = tpu.memref_slice %arg10[%dma_start3A_70, %dma_start3A_71, %dma_start3A_72] : memref<2x128x128xf32, #tpu.memory_space<vmem>> -> memref<1x128x128xf32, #tpu.memory_space<vmem>>
    %dma_start3A_74 = tpu.memref_squeeze %dma_start3A_73 : memref<1x128x128xf32, #tpu.memory_space<vmem>> -> memref<128x128xf32, #tpu.memory_space<vmem>>
    %dma_start3A_75 = arith.constant 0 : i32
    %dma_start3A_76 = tpu.memref_slice %arg8[%dma_start3A_69, %dma_start3A_75] : memref<40x128xi32, #tpu.memory_space<vmem>> -> memref<1x128xi32, #tpu.memory_space<vmem>>
    %dma_start3A_77 = tpu.memref_squeeze %dma_start3A_76 : memref<1x128xi32, #tpu.memory_space<vmem>> -> memref<128xi32, #tpu.memory_space<vmem>>
    %dma_start3A_78 = arith.constant 0 : i32
    %dma_start3A_79 = arith.constant 0 : i32
    %dma_start3A_80 = tpu.memref_slice %arg2[%dma_start3A_78, %dma_start3A_79] : memref<10000x128xf32, #tpu.memory_space<hbm>> -> memref<10000x128xf32, #tpu.memory_space<hbm>>
    tpu.enqueue_indirect_dma source(%dma_start3A_80 : memref<10000x128xf32, #tpu.memory_space<hbm>>) target(%dma_start3A_74 : memref<128x128xf32, #tpu.memory_space<vmem>>) offsets(%dma_start3A_77 : memref<128xi32, #tpu.memory_space<vmem>>) semaphore(%arg13 : memref<!tpu.dma_semaphore, #tpu.memory_space<semaphore_mem>>)
    %scan3A_81 = arith.constant 0 : i32
    %scan3A_82 = arith.constant 0 : i32
    %scan3A_83 = arith.constant 19 : i32
    %scan3A_84 = arith.addi %scan3A_82, %scan3A_83 : i32
    %scan3A_85 = arith.constant 1 : i32
    scf.for %scan3A_123 = %scan3A_82 to %scan3A_84 step %scan3A_85  : i32 {
      %mul3A_124 = arith.constant 2 : i32
      %mul3A_125 = arith.muli %scan3A_123, %mul3A_124 : i32
      %add3A_126 = arith.constant 0 : i32
      %add3A_127 = arith.addi %mul3A_125, %add3A_126 : i32
      %dma_wait3A_128 = arith.constant 0 : i32
      %dma_wait3A_129 = arith.constant 0 : i32
      %dma_wait3A_130 = arith.constant 0 : i32
      %dma_wait3A_131 = tpu.memref_slice %arg10[%dma_wait3A_128, %dma_wait3A_129, %dma_wait3A_130] : memref<2x128x128xf32, #tpu.memory_space<vmem>> -> memref<1x128x128xf32, #tpu.memory_space<vmem>>
      %dma_wait3A_132 = tpu.memref_squeeze %dma_wait3A_131 : memref<1x128x128xf32, #tpu.memory_space<vmem>> -> memref<128x128xf32, #tpu.memory_space<vmem>>
      %dma_wait3A_133 = arith.constant 0 : i32
      %dma_wait3A_134 = tpu.memref_slice %arg8[%add3A_127, %dma_wait3A_133] : memref<40x128xi32, #tpu.memory_space<vmem>> -> memref<1x128xi32, #tpu.memory_space<vmem>>
      %dma_wait3A_135 = tpu.memref_squeeze %dma_wait3A_134 : memref<1x128xi32, #tpu.memory_space<vmem>> -> memref<128xi32, #tpu.memory_space<vmem>>
      %dma_wait3A_136 = arith.constant 0 : i32
      %dma_wait3A_137 = arith.constant 0 : i32
      %dma_wait3A_138 = tpu.memref_slice %arg2[%dma_wait3A_136, %dma_wait3A_137] : memref<10000x128xf32, #tpu.memory_space<hbm>> -> memref<10000x128xf32, #tpu.memory_space<hbm>>
      tpu.wait_indirect_dma semaphore(%arg12 : memref<!tpu.dma_semaphore, #tpu.memory_space<semaphore_mem>>) src(%dma_wait3A_138 : memref<10000x128xf32, #tpu.memory_space<hbm>>) dst(%dma_wait3A_132 : memref<128x128xf32, #tpu.memory_space<vmem>>)
      %run_scoped3A_139 = arith.constant 0 : i32
      "tpu.region"() ({
        %run_scoped3A_182 = tpu.sem_alloc : memref<!tpu.dma_semaphore, #tpu.memory_space<semaphore_mem>>
        %dma_start3A_183 = arith.constant 0 : i32
        %dma_start3A_184 = arith.constant 0 : i32
        %dma_start3A_185 = tpu.memref_slice %arg10[%run_scoped3A_139, %dma_start3A_183, %dma_start3A_184] : memref<2x128x128xf32, #tpu.memory_space<vmem>> -> memref<1x128x128xf32, #tpu.memory_space<vmem>>
        %dma_start3A_186 = tpu.memref_squeeze %dma_start3A_185 : memref<1x128x128xf32, #tpu.memory_space<vmem>> -> memref<128x128xf32, #tpu.memory_space<vmem>>
        %dma_start3A_187 = arith.constant 0 : i32
        %dma_start3A_188 = tpu.memref_slice %arg9[%add3A_127, %dma_start3A_187] : memref<40x128xi32, #tpu.memory_space<vmem>> -> memref<1x128xi32, #tpu.memory_space<vmem>>
        %dma_start3A_189 = tpu.memref_squeeze %dma_start3A_188 : memref<1x128xi32, #tpu.memory_space<vmem>> -> memref<128xi32, #tpu.memory_space<vmem>>
        %dma_start3A_190 = arith.constant 0 : i32
        %dma_start3A_191 = arith.constant 0 : i32
        %dma_start3A_192 = tpu.memref_slice %arg11[%dma_start3A_190, %dma_start3A_191] : memref<10112x128xf32, #tpu.memory_space<vmem_shared>> -> memref<10112x128xf32, #tpu.memory_space<vmem_shared>>
        tpu.enqueue_indirect_dma source(%dma_start3A_186 : memref<128x128xf32, #tpu.memory_space<vmem>>) target(%dma_start3A_192 : memref<10112x128xf32, #tpu.memory_space<vmem_shared>>) offsets(%dma_start3A_189 : memref<128xi32, #tpu.memory_space<vmem>>) semaphore(%run_scoped3A_182 : memref<!tpu.dma_semaphore, #tpu.memory_space<semaphore_mem>>) {add = true}
        %dma_wait3A_193 = arith.constant 0 : i32
        %dma_wait3A_194 = arith.constant 0 : i32
        %dma_wait3A_195 = tpu.memref_slice %arg10[%run_scoped3A_139, %dma_wait3A_193, %dma_wait3A_194] : memref<2x128x128xf32, #tpu.memory_space<vmem>> -> memref<1x128x128xf32, #tpu.memory_space<vmem>>
        %dma_wait3A_196 = tpu.memref_squeeze %dma_wait3A_195 : memref<1x128x128xf32, #tpu.memory_space<vmem>> -> memref<128x128xf32, #tpu.memory_space<vmem>>
        %dma_wait3A_197 = arith.constant 0 : i32
        %dma_wait3A_198 = tpu.memref_slice %arg9[%add3A_127, %dma_wait3A_197] : memref<40x128xi32, #tpu.memory_space<vmem>> -> memref<1x128xi32, #tpu.memory_space<vmem>>
        %dma_wait3A_199 = tpu.memref_squeeze %dma_wait3A_198 : memref<1x128xi32, #tpu.memory_space<vmem>> -> memref<128xi32, #tpu.memory_space<vmem>>
        %dma_wait3A_200 = arith.constant 0 : i32
        %dma_wait3A_201 = arith.constant 0 : i32
        %dma_wait3A_202 = tpu.memref_slice %arg11[%dma_wait3A_200, %dma_wait3A_201] : memref<10112x128xf32, #tpu.memory_space<vmem_shared>> -> memref<10112x128xf32, #tpu.memory_space<vmem_shared>>
        tpu.wait_indirect_dma semaphore(%run_scoped3A_182 : memref<!tpu.dma_semaphore, #tpu.memory_space<semaphore_mem>>) src(%dma_wait3A_196 : memref<128x128xf32, #tpu.memory_space<vmem>>) dst(%dma_wait3A_202 : memref<10112x128xf32, #tpu.memory_space<vmem_shared>>)
        tpu.yield
      }) : () -> ()
      %add3A_140 = arith.constant 2 : i32
      %add3A_141 = arith.addi %add3A_127, %add3A_140 : i32
      %dma_start3A_142 = arith.constant 0 : i32
      %dma_start3A_143 = arith.constant 0 : i32
      %dma_start3A_144 = arith.constant 0 : i32
      %dma_start3A_145 = tpu.memref_slice %arg10[%dma_start3A_142, %dma_start3A_143, %dma_start3A_144] : memref<2x128x128xf32, #tpu.memory_space<vmem>> -> memref<1x128x128xf32, #tpu.memory_space<vmem>>
      %dma_start3A_146 = tpu.memref_squeeze %dma_start3A_145 : memref<1x128x128xf32, #tpu.memory_space<vmem>> -> memref<128x128xf32, #tpu.memory_space<vmem>>
      %dma_start3A_147 = arith.constant 0 : i32
      %dma_start3A_148 = tpu.memref_slice %arg8[%add3A_141, %dma_start3A_147] : memref<40x128xi32, #tpu.memory_space<vmem>> -> memref<1x128xi32, #tpu.memory_space<vmem>>
      %dma_start3A_149 = tpu.memref_squeeze %dma_start3A_148 : memref<1x128xi32, #tpu.memory_space<vmem>> -> memref<128xi32, #tpu.memory_space<vmem>>
      %dma_start3A_150 = arith.constant 0 : i32
      %dma_start3A_151 = arith.constant 0 : i32
      %dma_start3A_152 = tpu.memref_slice %arg2[%dma_start3A_150, %dma_start3A_151] : memref<10000x128xf32, #tpu.memory_space<hbm>> -> memref<10000x128xf32, #tpu.memory_space<hbm>>
      tpu.enqueue_indirect_dma source(%dma_start3A_152 : memref<10000x128xf32, #tpu.memory_space<hbm>>) target(%dma_start3A_146 : memref<128x128xf32, #tpu.memory_space<vmem>>) offsets(%dma_start3A_149 : memref<128xi32, #tpu.memory_space<vmem>>) semaphore(%arg12 : memref<!tpu.dma_semaphore, #tpu.memory_space<semaphore_mem>>)
      %mul3A_153 = arith.constant 2 : i32
      %mul3A_154 = arith.muli %scan3A_123, %mul3A_153 : i32
      %add3A_155 = arith.constant 1 : i32
      %add3A_156 = arith.addi %mul3A_154, %add3A_155 : i32
      %dma_wait3A_157 = arith.constant 1 : i32
      %dma_wait3A_158 = arith.constant 0 : i32
      %dma_wait3A_159 = arith.constant 0 : i32
      %dma_wait3A_160 = tpu.memref_slice %arg10[%dma_wait3A_157, %dma_wait3A_158, %dma_wait3A_159] : memref<2x128x128xf32, #tpu.memory_space<vmem>> -> memref<1x128x128xf32, #tpu.memory_space<vmem>>
      %dma_wait3A_161 = tpu.memref_squeeze %dma_wait3A_160 : memref<1x128x128xf32, #tpu.memory_space<vmem>> -> memref<128x128xf32, #tpu.memory_space<vmem>>
      %dma_wait3A_162 = arith.constant 0 : i32
      %dma_wait3A_163 = tpu.memref_slice %arg8[%add3A_156, %dma_wait3A_162] : memref<40x128xi32, #tpu.memory_space<vmem>> -> memref<1x128xi32, #tpu.memory_space<vmem>>
      %dma_wait3A_164 = tpu.memref_squeeze %dma_wait3A_163 : memref<1x128xi32, #tpu.memory_space<vmem>> -> memref<128xi32, #tpu.memory_space<vmem>>
      %dma_wait3A_165 = arith.constant 0 : i32
      %dma_wait3A_166 = arith.constant 0 : i32
      %dma_wait3A_167 = tpu.memref_slice %arg2[%dma_wait3A_165, %dma_wait3A_166] : memref<10000x128xf32, #tpu.memory_space<hbm>> -> memref<10000x128xf32, #tpu.memory_space<hbm>>
      tpu.wait_indirect_dma semaphore(%arg13 : memref<!tpu.dma_semaphore, #tpu.memory_space<semaphore_mem>>) src(%dma_wait3A_167 : memref<10000x128xf32, #tpu.memory_space<hbm>>) dst(%dma_wait3A_161 : memref<128x128xf32, #tpu.memory_space<vmem>>)
      %run_scoped3A_168 = arith.constant 1 : i32
      "tpu.region"() ({
        %run_scoped3A_182 = tpu.sem_alloc : memref<!tpu.dma_semaphore, #tpu.memory_space<semaphore_mem>>
        %dma_start3A_183 = arith.constant 0 : i32
        %dma_start3A_184 = arith.constant 0 : i32
        %dma_start3A_185 = tpu.memref_slice %arg10[%run_scoped3A_168, %dma_start3A_183, %dma_start3A_184] : memref<2x128x128xf32, #tpu.memory_space<vmem>> -> memref<1x128x128xf32, #tpu.memory_space<vmem>>
        %dma_start3A_186 = tpu.memref_squeeze %dma_start3A_185 : memref<1x128x128xf32, #tpu.memory_space<vmem>> -> memref<128x128xf32, #tpu.memory_space<vmem>>
        %dma_start3A_187 = arith.constant 0 : i32
        %dma_start3A_188 = tpu.memref_slice %arg9[%add3A_156, %dma_start3A_187] : memref<40x128xi32, #tpu.memory_space<vmem>> -> memref<1x128xi32, #tpu.memory_space<vmem>>
        %dma_start3A_189 = tpu.memref_squeeze %dma_start3A_188 : memref<1x128xi32, #tpu.memory_space<vmem>> -> memref<128xi32, #tpu.memory_space<vmem>>
        %dma_start3A_190 = arith.constant 0 : i32
        %dma_start3A_191 = arith.constant 0 : i32
        %dma_start3A_192 = tpu.memref_slice %arg11[%dma_start3A_190, %dma_start3A_191] : memref<10112x128xf32, #tpu.memory_space<vmem_shared>> -> memref<10112x128xf32, #tpu.memory_space<vmem_shared>>
        tpu.enqueue_indirect_dma source(%dma_start3A_186 : memref<128x128xf32, #tpu.memory_space<vmem>>) target(%dma_start3A_192 : memref<10112x128xf32, #tpu.memory_space<vmem_shared>>) offsets(%dma_start3A_189 : memref<128xi32, #tpu.memory_space<vmem>>) semaphore(%run_scoped3A_182 : memref<!tpu.dma_semaphore, #tpu.memory_space<semaphore_mem>>) {add = true}
        %dma_wait3A_193 = arith.constant 0 : i32
        %dma_wait3A_194 = arith.constant 0 : i32
        %dma_wait3A_195 = tpu.memref_slice %arg10[%run_scoped3A_168, %dma_wait3A_193, %dma_wait3A_194] : memref<2x128x128xf32, #tpu.memory_space<vmem>> -> memref<1x128x128xf32, #tpu.memory_space<vmem>>
        %dma_wait3A_196 = tpu.memref_squeeze %dma_wait3A_195 : memref<1x128x128xf32, #tpu.memory_space<vmem>> -> memref<128x128xf32, #tpu.memory_space<vmem>>
        %dma_wait3A_197 = arith.constant 0 : i32
        %dma_wait3A_198 = tpu.memref_slice %arg9[%add3A_156, %dma_wait3A_197] : memref<40x128xi32, #tpu.memory_space<vmem>> -> memref<1x128xi32, #tpu.memory_space<vmem>>
        %dma_wait3A_199 = tpu.memref_squeeze %dma_wait3A_198 : memref<1x128xi32, #tpu.memory_space<vmem>> -> memref<128xi32, #tpu.memory_space<vmem>>
        %dma_wait3A_200 = arith.constant 0 : i32
        %dma_wait3A_201 = arith.constant 0 : i32
        %dma_wait3A_202 = tpu.memref_slice %arg11[%dma_wait3A_200, %dma_wait3A_201] : memref<10112x128xf32, #tpu.memory_space<vmem_shared>> -> memref<10112x128xf32, #tpu.memory_space<vmem_shared>>
        tpu.wait_indirect_dma semaphore(%run_scoped3A_182 : memref<!tpu.dma_semaphore, #tpu.memory_space<semaphore_mem>>) src(%dma_wait3A_196 : memref<128x128xf32, #tpu.memory_space<vmem>>) dst(%dma_wait3A_202 : memref<10112x128xf32, #tpu.memory_space<vmem_shared>>)
        tpu.yield
      }) : () -> ()
      %add3A_169 = arith.constant 2 : i32
      %add3A_170 = arith.addi %add3A_156, %add3A_169 : i32
      %dma_start3A_171 = arith.constant 1 : i32
      %dma_start3A_172 = arith.constant 0 : i32
      %dma_start3A_173 = arith.constant 0 : i32
      %dma_start3A_174 = tpu.memref_slice %arg10[%dma_start3A_171, %dma_start3A_172, %dma_start3A_173] : memref<2x128x128xf32, #tpu.memory_space<vmem>> -> memref<1x128x128xf32, #tpu.memory_space<vmem>>
      %dma_start3A_175 = tpu.memref_squeeze %dma_start3A_174 : memref<1x128x128xf32, #tpu.memory_space<vmem>> -> memref<128x128xf32, #tpu.memory_space<vmem>>
      %dma_start3A_176 = arith.constant 0 : i32
      %dma_start3A_177 = tpu.memref_slice %arg8[%add3A_170, %dma_start3A_176] : memref<40x128xi32, #tpu.memory_space<vmem>> -> memref<1x128xi32, #tpu.memory_space<vmem>>
      %dma_start3A_178 = tpu.memref_squeeze %dma_start3A_177 : memref<1x128xi32, #tpu.memory_space<vmem>> -> memref<128xi32, #tpu.memory_space<vmem>>
      %dma_start3A_179 = arith.constant 0 : i32
      %dma_start3A_180 = arith.constant 0 : i32
      %dma_start3A_181 = tpu.memref_slice %arg2[%dma_start3A_179, %dma_start3A_180] : memref<10000x128xf32, #tpu.memory_space<hbm>> -> memref<10000x128xf32, #tpu.memory_space<hbm>>
      tpu.enqueue_indirect_dma source(%dma_start3A_181 : memref<10000x128xf32, #tpu.memory_space<hbm>>) target(%dma_start3A_175 : memref<128x128xf32, #tpu.memory_space<vmem>>) offsets(%dma_start3A_178 : memref<128xi32, #tpu.memory_space<vmem>>) semaphore(%arg13 : memref<!tpu.dma_semaphore, #tpu.memory_space<semaphore_mem>>)
    }
    %scan3A_86 = arith.constant 19 : i32
    %dma_wait3A_87 = arith.constant 38 : i32
    %dma_wait3A_88 = arith.constant 0 : i32
    %dma_wait3A_89 = arith.constant 0 : i32
    %dma_wait3A_90 = arith.constant 0 : i32
    %dma_wait3A_91 = tpu.memref_slice %arg10[%dma_wait3A_88, %dma_wait3A_89, %dma_wait3A_90] : memref<2x128x128xf32, #tpu.memory_space<vmem>> -> memref<1x128x128xf32, #tpu.memory_space<vmem>>
    %dma_wait3A_92 = tpu.memref_squeeze %dma_wait3A_91 : memref<1x128x128xf32, #tpu.memory_space<vmem>> -> memref<128x128xf32, #tpu.memory_space<vmem>>
    %dma_wait3A_93 = arith.constant 0 : i32
    %dma_wait3A_94 = tpu.memref_slice %arg8[%dma_wait3A_87, %dma_wait3A_93] : memref<40x128xi32, #tpu.memory_space<vmem>> -> memref<1x128xi32, #tpu.memory_space<vmem>>
    %dma_wait3A_95 = tpu.memref_squeeze %dma_wait3A_94 : memref<1x128xi32, #tpu.memory_space<vmem>> -> memref<128xi32, #tpu.memory_space<vmem>>
    %dma_wait3A_96 = arith.constant 0 : i32
    %dma_wait3A_97 = arith.constant 0 : i32
    %dma_wait3A_98 = tpu.memref_slice %arg2[%dma_wait3A_96, %dma_wait3A_97] : memref<10000x128xf32, #tpu.memory_space<hbm>> -> memref<10000x128xf32, #tpu.memory_space<hbm>>
    tpu.wait_indirect_dma semaphore(%arg12 : memref<!tpu.dma_semaphore, #tpu.memory_space<semaphore_mem>>) src(%dma_wait3A_98 : memref<10000x128xf32, #tpu.memory_space<hbm>>) dst(%dma_wait3A_92 : memref<128x128xf32, #tpu.memory_space<vmem>>)
    %run_scoped3A_99 = arith.constant 0 : i32
    %run_scoped3A_100 = arith.constant 38 : i32
    "tpu.region"() ({
      %run_scoped3A_123 = tpu.sem_alloc : memref<!tpu.dma_semaphore, #tpu.memory_space<semaphore_mem>>
      %dma_start3A_124 = arith.constant 0 : i32
      %dma_start3A_125 = arith.constant 0 : i32
      %dma_start3A_126 = tpu.memref_slice %arg10[%run_scoped3A_99, %dma_start3A_124, %dma_start3A_125] : memref<2x128x128xf32, #tpu.memory_space<vmem>> -> memref<1x128x128xf32, #tpu.memory_space<vmem>>
      %dma_start3A_127 = tpu.memref_squeeze %dma_start3A_126 : memref<1x128x128xf32, #tpu.memory_space<vmem>> -> memref<128x128xf32, #tpu.memory_space<vmem>>
      %dma_start3A_128 = arith.constant 0 : i32
      %dma_start3A_129 = tpu.memref_slice %arg9[%run_scoped3A_100, %dma_start3A_128] : memref<40x128xi32, #tpu.memory_space<vmem>> -> memref<1x128xi32, #tpu.memory_space<vmem>>
      %dma_start3A_130 = tpu.memref_squeeze %dma_start3A_129 : memref<1x128xi32, #tpu.memory_space<vmem>> -> memref<128xi32, #tpu.memory_space<vmem>>
      %dma_start3A_131 = arith.constant 0 : i32
      %dma_start3A_132 = arith.constant 0 : i32
      %dma_start3A_133 = tpu.memref_slice %arg11[%dma_start3A_131, %dma_start3A_132] : memref<10112x128xf32, #tpu.memory_space<vmem_shared>> -> memref<10112x128xf32, #tpu.memory_space<vmem_shared>>
      tpu.enqueue_indirect_dma source(%dma_start3A_127 : memref<128x128xf32, #tpu.memory_space<vmem>>) target(%dma_start3A_133 : memref<10112x128xf32, #tpu.memory_space<vmem_shared>>) offsets(%dma_start3A_130 : memref<128xi32, #tpu.memory_space<vmem>>) semaphore(%run_scoped3A_123 : memref<!tpu.dma_semaphore, #tpu.memory_space<semaphore_mem>>) {add = true}
      %dma_wait3A_134 = arith.constant 0 : i32
      %dma_wait3A_135 = arith.constant 0 : i32
      %dma_wait3A_136 = tpu.memref_slice %arg10[%run_scoped3A_99, %dma_wait3A_134, %dma_wait3A_135] : memref<2x128x128xf32, #tpu.memory_space<vmem>> -> memref<1x128x128xf32, #tpu.memory_space<vmem>>
      %dma_wait3A_137 = tpu.memref_squeeze %dma_wait3A_136 : memref<1x128x128xf32, #tpu.memory_space<vmem>> -> memref<128x128xf32, #tpu.memory_space<vmem>>
      %dma_wait3A_138 = arith.constant 0 : i32
      %dma_wait3A_139 = tpu.memref_slice %arg9[%run_scoped3A_100, %dma_wait3A_138] : memref<40x128xi32, #tpu.memory_space<vmem>> -> memref<1x128xi32, #tpu.memory_space<vmem>>
      %dma_wait3A_140 = tpu.memref_squeeze %dma_wait3A_139 : memref<1x128xi32, #tpu.memory_space<vmem>> -> memref<128xi32, #tpu.memory_space<vmem>>
      %dma_wait3A_141 = arith.constant 0 : i32
      %dma_wait3A_142 = arith.constant 0 : i32
      %dma_wait3A_143 = tpu.memref_slice %arg11[%dma_wait3A_141, %dma_wait3A_142] : memref<10112x128xf32, #tpu.memory_space<vmem_shared>> -> memref<10112x128xf32, #tpu.memory_space<vmem_shared>>
      tpu.wait_indirect_dma semaphore(%run_scoped3A_123 : memref<!tpu.dma_semaphore, #tpu.memory_space<semaphore_mem>>) src(%dma_wait3A_137 : memref<128x128xf32, #tpu.memory_space<vmem>>) dst(%dma_wait3A_143 : memref<10112x128xf32, #tpu.memory_space<vmem_shared>>)
      tpu.yield
    }) : () -> ()
    %dma_wait3A_101 = arith.constant 39 : i32
    %dma_wait3A_102 = arith.constant 1 : i32
    %dma_wait3A_103 = arith.constant 0 : i32
    %dma_wait3A_104 = arith.constant 0 : i32
    %dma_wait3A_105 = tpu.memref_slice %arg10[%dma_wait3A_102, %dma_wait3A_103, %dma_wait3A_104] : memref<2x128x128xf32, #tpu.memory_space<vmem>> -> memref<1x128x128xf32, #tpu.memory_space<vmem>>
    %dma_wait3A_106 = tpu.memref_squeeze %dma_wait3A_105 : memref<1x128x128xf32, #tpu.memory_space<vmem>> -> memref<128x128xf32, #tpu.memory_space<vmem>>
    %dma_wait3A_107 = arith.constant 0 : i32
    %dma_wait3A_108 = tpu.memref_slice %arg8[%dma_wait3A_101, %dma_wait3A_107] : memref<40x128xi32, #tpu.memory_space<vmem>> -> memref<1x128xi32, #tpu.memory_space<vmem>>
    %dma_wait3A_109 = tpu.memref_squeeze %dma_wait3A_108 : memref<1x128xi32, #tpu.memory_space<vmem>> -> memref<128xi32, #tpu.memory_space<vmem>>
    %dma_wait3A_110 = arith.constant 0 : i32
    %dma_wait3A_111 = arith.constant 0 : i32
    %dma_wait3A_112 = tpu.memref_slice %arg2[%dma_wait3A_110, %dma_wait3A_111] : memref<10000x128xf32, #tpu.memory_space<hbm>> -> memref<10000x128xf32, #tpu.memory_space<hbm>>
    tpu.wait_indirect_dma semaphore(%arg13 : memref<!tpu.dma_semaphore, #tpu.memory_space<semaphore_mem>>) src(%dma_wait3A_112 : memref<10000x128xf32, #tpu.memory_space<hbm>>) dst(%dma_wait3A_106 : memref<128x128xf32, #tpu.memory_space<vmem>>)
    %run_scoped3A_113 = arith.constant 1 : i32
    %run_scoped3A_114 = arith.constant 39 : i32
    "tpu.region"() ({
      %run_scoped3A_123 = tpu.sem_alloc : memref<!tpu.dma_semaphore, #tpu.memory_space<semaphore_mem>>
      %dma_start3A_124 = arith.constant 0 : i32
      %dma_start3A_125 = arith.constant 0 : i32
      %dma_start3A_126 = tpu.memref_slice %arg10[%run_scoped3A_113, %dma_start3A_124, %dma_start3A_125] : memref<2x128x128xf32, #tpu.memory_space<vmem>> -> memref<1x128x128xf32, #tpu.memory_space<vmem>>
      %dma_start3A_127 = tpu.memref_squeeze %dma_start3A_126 : memref<1x128x128xf32, #tpu.memory_space<vmem>> -> memref<128x128xf32, #tpu.memory_space<vmem>>
      %dma_start3A_128 = arith.constant 0 : i32
      %dma_start3A_129 = tpu.memref_slice %arg9[%run_scoped3A_114, %dma_start3A_128] : memref<40x128xi32, #tpu.memory_space<vmem>> -> memref<1x128xi32, #tpu.memory_space<vmem>>
      %dma_start3A_130 = tpu.memref_squeeze %dma_start3A_129 : memref<1x128xi32, #tpu.memory_space<vmem>> -> memref<128xi32, #tpu.memory_space<vmem>>
      %dma_start3A_131 = arith.constant 0 : i32
      %dma_start3A_132 = arith.constant 0 : i32
      %dma_start3A_133 = tpu.memref_slice %arg11[%dma_start3A_131, %dma_start3A_132] : memref<10112x128xf32, #tpu.memory_space<vmem_shared>> -> memref<10112x128xf32, #tpu.memory_space<vmem_shared>>
      tpu.enqueue_indirect_dma source(%dma_start3A_127 : memref<128x128xf32, #tpu.memory_space<vmem>>) target(%dma_start3A_133 : memref<10112x128xf32, #tpu.memory_space<vmem_shared>>) offsets(%dma_start3A_130 : memref<128xi32, #tpu.memory_space<vmem>>) semaphore(%run_scoped3A_123 : memref<!tpu.dma_semaphore, #tpu.memory_space<semaphore_mem>>) {add = true}
      %dma_wait3A_134 = arith.constant 0 : i32
      %dma_wait3A_135 = arith.constant 0 : i32
      %dma_wait3A_136 = tpu.memref_slice %arg10[%run_scoped3A_113, %dma_wait3A_134, %dma_wait3A_135] : memref<2x128x128xf32, #tpu.memory_space<vmem>> -> memref<1x128x128xf32, #tpu.memory_space<vmem>>
      %dma_wait3A_137 = tpu.memref_squeeze %dma_wait3A_136 : memref<1x128x128xf32, #tpu.memory_space<vmem>> -> memref<128x128xf32, #tpu.memory_space<vmem>>
      %dma_wait3A_138 = arith.constant 0 : i32
      %dma_wait3A_139 = tpu.memref_slice %arg9[%run_scoped3A_114, %dma_wait3A_138] : memref<40x128xi32, #tpu.memory_space<vmem>> -> memref<1x128xi32, #tpu.memory_space<vmem>>
      %dma_wait3A_140 = tpu.memref_squeeze %dma_wait3A_139 : memref<1x128xi32, #tpu.memory_space<vmem>> -> memref<128xi32, #tpu.memory_space<vmem>>
      %dma_wait3A_141 = arith.constant 0 : i32
      %dma_wait3A_142 = arith.constant 0 : i32
      %dma_wait3A_143 = tpu.memref_slice %arg11[%dma_wait3A_141, %dma_wait3A_142] : memref<10112x128xf32, #tpu.memory_space<vmem_shared>> -> memref<10112x128xf32, #tpu.memory_space<vmem_shared>>
      tpu.wait_indirect_dma semaphore(%run_scoped3A_123 : memref<!tpu.dma_semaphore, #tpu.memory_space<semaphore_mem>>) src(%dma_wait3A_137 : memref<128x128xf32, #tpu.memory_space<vmem>>) dst(%dma_wait3A_143 : memref<10112x128xf32, #tpu.memory_space<vmem_shared>>)
      tpu.yield
    }) : () -> ()
    %barrier3A_115 = arith.constant 0 : index
    tpu.barrier barrier_id(%barrier3A_115)
    %eq3A = arith.constant 0 : i32
    %eq3A_116 = arith.cmpi eq, %arg0, %eq3A : i32
    %convert_element_type3A = arith.extui %eq3A_116 : i1 to i32
    %cond3A = arith.constant 0 : i32
    %cond3A_117 = arith.cmpi ne, %convert_element_type3A, %cond3A : i32
    scf.if %cond3A_117 {
      "tpu.region"() ({
        %run_scoped3A_123 = tpu.sem_alloc : memref<!tpu.dma_semaphore, #tpu.memory_space<semaphore_mem>>
        %dma_start3A_124 = arith.constant 0 : i32
        %dma_start3A_125 = tpu.memref_slice %arg6[%mul3A_2, %dma_start3A_124] : memref<10112x128xf32, #tpu.memory_space<hbm>> -> memref<632x128xf32, #tpu.memory_space<hbm>>
        %dma_start3A_126 = arith.constant 0 : i32
        %dma_start3A_127 = tpu.memref_slice %arg11[%mul3A_2, %dma_start3A_126] : memref<10112x128xf32, #tpu.memory_space<vmem_shared>> -> memref<632x128xf32, #tpu.memory_space<vmem_shared>>
        tpu.enqueue_dma source(%dma_start3A_127 : memref<632x128xf32, #tpu.memory_space<vmem_shared>>) target(%dma_start3A_125 : memref<632x128xf32, #tpu.memory_space<hbm>>) target_semaphore(%run_scoped3A_123 : memref<!tpu.dma_semaphore, #tpu.memory_space<semaphore_mem>>)
        %dma_wait3A_128 = arith.constant 0 : i32
        %dma_wait3A_129 = tpu.memref_slice %arg6[%mul3A_2, %dma_wait3A_128] : memref<10112x128xf32, #tpu.memory_space<hbm>> -> memref<632x128xf32, #tpu.memory_space<hbm>>
        %dma_wait3A_130 = arith.constant 0 : i32
        %dma_wait3A_131 = tpu.memref_slice %arg11[%mul3A_2, %dma_wait3A_130] : memref<10112x128xf32, #tpu.memory_space<vmem_shared>> -> memref<632x128xf32, #tpu.memory_space<vmem_shared>>
        tpu.wait_dma2 semaphore(%run_scoped3A_123 : memref<!tpu.dma_semaphore, #tpu.memory_space<semaphore_mem>>) src(%dma_wait3A_131 : memref<632x128xf32, #tpu.memory_space<vmem_shared>>) dst(%dma_wait3A_129 : memref<632x128xf32, #tpu.memory_space<hbm>>)
        tpu.yield
      }) : () -> ()
    } else {
    }
    %eq3A_118 = arith.constant 1 : i32
    %eq3A_119 = arith.cmpi eq, %arg0, %eq3A_118 : i32
    %convert_element_type3A_120 = arith.extui %eq3A_119 : i1 to i32
    %cond3A_121 = arith.constant 0 : i32
    %cond3A_122 = arith.cmpi ne, %convert_element_type3A_120, %cond3A_121 : i32
    scf.if %cond3A_122 {
      "tpu.region"() ({
        %run_scoped3A_123 = tpu.sem_alloc : memref<!tpu.dma_semaphore, #tpu.memory_space<semaphore_mem>>
        %dma_start3A_124 = arith.constant 0 : i32
        %dma_start3A_125 = tpu.memref_slice %arg7[%mul3A_2, %dma_start3A_124] : memref<10112x128xf32, #tpu.memory_space<hbm>> -> memref<632x128xf32, #tpu.memory_space<hbm>>
        %dma_start3A_126 = arith.constant 0 : i32
        %dma_start3A_127 = tpu.memref_slice %arg11[%mul3A_2, %dma_start3A_126] : memref<10112x128xf32, #tpu.memory_space<vmem_shared>> -> memref<632x128xf32, #tpu.memory_space<vmem_shared>>
        tpu.enqueue_dma source(%dma_start3A_127 : memref<632x128xf32, #tpu.memory_space<vmem_shared>>) target(%dma_start3A_125 : memref<632x128xf32, #tpu.memory_space<hbm>>) target_semaphore(%run_scoped3A_123 : memref<!tpu.dma_semaphore, #tpu.memory_space<semaphore_mem>>)
        %dma_wait3A_128 = arith.constant 0 : i32
        %dma_wait3A_129 = tpu.memref_slice %arg7[%mul3A_2, %dma_wait3A_128] : memref<10112x128xf32, #tpu.memory_space<hbm>> -> memref<632x128xf32, #tpu.memory_space<hbm>>
        %dma_wait3A_130 = arith.constant 0 : i32
        %dma_wait3A_131 = tpu.memref_slice %arg11[%mul3A_2, %dma_wait3A_130] : memref<10112x128xf32, #tpu.memory_space<vmem_shared>> -> memref<632x128xf32, #tpu.memory_space<vmem_shared>>
        tpu.wait_dma2 semaphore(%run_scoped3A_123 : memref<!tpu.dma_semaphore, #tpu.memory_space<semaphore_mem>>) src(%dma_wait3A_131 : memref<632x128xf32, #tpu.memory_space<vmem_shared>>) dst(%dma_wait3A_129 : memref<632x128xf32, #tpu.memory_space<hbm>>)
        tpu.yield
      }) : () -> ()
    } else {
    }
    return
  }
}

module attributes {stable_mosaic.version = 14 : i64} {
  func.func @_embed_body(%arg0: i32, %arg1: memref<400x128xf32, #tpu.memory_space<vmem>>, %arg2: memref<128x128xf32, #tpu.memory_space<vmem>>, %arg3: memref<400x128xf32, #tpu.memory_space<vmem>>, %arg4: memref<400x128xf32, #tpu.memory_space<vmem>>, %arg5: memref<400x128xf32, #tpu.memory_space<vmem>>, %arg6: memref<400x1xf32, #tpu.memory_space<vmem>>) attributes {dimension_semantics = [#tpu.dimension_semantics<arbitrary>], iteration_bounds = array<i64: 25>, scalar_prefetch = 0 : i64, scratch_operands = 0 : i64, tpu.core_type = #tpu.core_type<tc>, window_params = [{transform_indices = @transform_0, window_bounds = array<i64: 400, 128>}, {pipeline_mode = #tpu.pipeline_mode<synchronous>, transform_indices = @transform_1, window_bounds = array<i64: 128, 128>}, {transform_indices = @transform_2, window_bounds = array<i64: 400, 128>}, {transform_indices = @transform_3, window_bounds = array<i64: 400, 128>}, {transform_indices = @transform_4, window_bounds = array<i64: 400, 128>}, {transform_indices = @transform_5, window_bounds = array<i64: 400, 1>}]} {
    %get3A = arith.constant 0 : index
    %get3A_0 = arith.constant 0 : index
    %get3A_1 = vector.load %arg1[%get3A, %get3A_0] : memref<400x128xf32, #tpu.memory_space<vmem>>, vector<400x128xf32>
    %get3A_2 = arith.constant 0 : index
    %get3A_3 = arith.constant 0 : index
    %get3A_4 = vector.load %arg2[%get3A_2, %get3A_3] : memref<128x128xf32, #tpu.memory_space<vmem>>, vector<128x128xf32>
    %dot_general3A = arith.constant dense<0.000000e+00> : vector<400x128xf32>
    %dot_general3A_5 = tpu.matmul %get3A_1, %get3A_4, %dot_general3A {dimension_numbers = #tpu.dot_dimension_numbers<[1], [0], [0], [1], [0, 0, 1, 1], [], []>, transpose_lhs_hint = false} : vector<400x128xf32>, vector<128x128xf32>, vector<400x128xf32> -> vector<400x128xf32>
    %swap3A = arith.constant 0 : index
    %swap3A_6 = arith.constant 0 : index
    %swap3A_7 = vector.load %arg5[%swap3A, %swap3A_6] : memref<400x128xf32, #tpu.memory_space<vmem>>, vector<400x128xf32>
    tpu.vector_store %arg5[%swap3A, %swap3A_6], %dot_general3A_5 {strides = array<i32>} : memref<400x128xf32, #tpu.memory_space<vmem>>, vector<400x128xf32>,
    %get3A_8 = arith.constant 0 : index
    %get3A_9 = arith.constant 0 : index
    %get3A_10 = vector.load %arg3[%get3A_8, %get3A_9] : memref<400x128xf32, #tpu.memory_space<vmem>>, vector<400x1xf32>
    %get3A_11 = arith.constant 0 : index
    %get3A_12 = arith.constant 0 : index
    %get3A_13 = vector.load %arg4[%get3A_11, %get3A_12] : memref<400x128xf32, #tpu.memory_space<vmem>>, vector<400x1xf32>
    %add3A = arith.addf %get3A_10, %get3A_13 : vector<400x1xf32>
    %max3A = arith.constant 1.000000e+00 : f32
    %max3A_14 = vector.broadcast %max3A : f32 to vector<400x1xf32>
    %max3A_15 = arith.maximumf %add3A, %max3A_14 : vector<400x1xf32>
    %div3A = arith.constant 1.000000e+00 : f32
    %div3A_16 = vector.broadcast %div3A : f32 to vector<400x1xf32>
    %div3A_17 = arith.divf %div3A_16, %max3A_15 : vector<400x1xf32>
    %swap3A_18 = arith.constant 0 : index
    %swap3A_19 = arith.constant 0 : index
    %swap3A_20 = vector.load %arg6[%swap3A_18, %swap3A_19] : memref<400x1xf32, #tpu.memory_space<vmem>>, vector<400x1xf32>
    tpu.vector_store %arg6[%swap3A_18, %swap3A_19], %div3A_17 {strides = array<i32>} : memref<400x1xf32, #tpu.memory_space<vmem>>, vector<400x1xf32>,
    return
  }
  func.func @transform_0(%arg0: i32) -> (i32, i32) {
    %c0_i32 = arith.constant 0 : i32
    %c0_i32_0 = arith.constant 0 : i32
    return %arg0, %c0_i32 : i32, i32
  }
  func.func @transform_1(%arg0: i32) -> (i32, i32) {
    %c0_i32 = arith.constant 0 : i32
    %c0_i32_0 = arith.constant 0 : i32
    %c0_i32_1 = arith.constant 0 : i32
    return %c0_i32, %c0_i32_0 : i32, i32
  }
  func.func @transform_2(%arg0: i32) -> (i32, i32) {
    %c0_i32 = arith.constant 0 : i32
    %c0_i32_0 = arith.constant 0 : i32
    return %arg0, %c0_i32 : i32, i32
  }
  func.func @transform_3(%arg0: i32) -> (i32, i32) {
    %c0_i32 = arith.constant 0 : i32
    %c0_i32_0 = arith.constant 0 : i32
    return %arg0, %c0_i32 : i32, i32
  }
  func.func @transform_4(%arg0: i32) -> (i32, i32) {
    %c0_i32 = arith.constant 0 : i32
    %c0_i32_0 = arith.constant 0 : i32
    return %arg0, %c0_i32 : i32, i32
  }
  func.func @transform_5(%arg0: i32) -> (i32, i32) {
    %c0_i32 = arith.constant 0 : i32
    %c0_i32_0 = arith.constant 0 : i32
    return %arg0, %c0_i32 : i32, i32
  }
}

module attributes {stable_mosaic.version = 14 : i64} {
  func.func @_layer_body(%arg0: i32, %arg1: memref<400x128xf32, #tpu.memory_space<vmem>>, %arg2: memref<400x128xf32, #tpu.memory_space<vmem>>, %arg3: memref<400x128xf32, #tpu.memory_space<vmem>>, %arg4: memref<400x1xf32, #tpu.memory_space<vmem>>, %arg5: memref<400x1xf32, #tpu.memory_space<vmem>>, %arg6: memref<128x128xf32, #tpu.memory_space<vmem>>, %arg7: memref<128x128xf32, #tpu.memory_space<vmem>>, %arg8: memref<1x128xf32, #tpu.memory_space<vmem>>, %arg9: memref<400x128xf32, #tpu.memory_space<vmem>>) attributes {dimension_semantics = [#tpu.dimension_semantics<arbitrary>], iteration_bounds = array<i64: 25>, scalar_prefetch = 0 : i64, scratch_operands = 0 : i64, tpu.core_type = #tpu.core_type<tc>, window_params = [{transform_indices = @transform_0, window_bounds = array<i64: 400, 128>}, {transform_indices = @transform_1, window_bounds = array<i64: 400, 128>}, {transform_indices = @transform_2, window_bounds = array<i64: 400, 128>}, {transform_indices = @transform_3, window_bounds = array<i64: 400, 1>}, {transform_indices = @transform_4, window_bounds = array<i64: 400, 1>}, {pipeline_mode = #tpu.pipeline_mode<synchronous>, transform_indices = @transform_5, window_bounds = array<i64: 128, 128>}, {pipeline_mode = #tpu.pipeline_mode<synchronous>, transform_indices = @transform_6, window_bounds = array<i64: 128, 128>}, {pipeline_mode = #tpu.pipeline_mode<synchronous>, transform_indices = @transform_7, window_bounds = array<i64: 1, 128>}, {transform_indices = @transform_8, window_bounds = array<i64: 400, 128>}]} {
    %get3A = arith.constant 0 : index
    %get3A_0 = arith.constant 0 : index
    %get3A_1 = vector.load %arg2[%get3A, %get3A_0] : memref<400x128xf32, #tpu.memory_space<vmem>>, vector<400x128xf32>
    %get3A_2 = arith.constant 0 : index
    %get3A_3 = arith.constant 0 : index
    %get3A_4 = vector.load %arg3[%get3A_2, %get3A_3] : memref<400x128xf32, #tpu.memory_space<vmem>>, vector<400x128xf32>
    %add3A = arith.addf %get3A_1, %get3A_4 : vector<400x128xf32>
    %get3A_5 = arith.constant 0 : index
    %get3A_6 = arith.constant 0 : index
    %get3A_7 = vector.load %arg4[%get3A_5, %get3A_6] : memref<400x1xf32, #tpu.memory_space<vmem>>, vector<400x1xf32>
    %mul3A = vector.broadcast %get3A_7 : vector<400x1xf32> to vector<400x128xf32>
    %mul3A_8 = arith.mulf %add3A, %mul3A : vector<400x128xf32>
    %get3A_9 = arith.constant 0 : index
    %get3A_10 = arith.constant 0 : index
    %get3A_11 = vector.load %arg1[%get3A_9, %get3A_10] : memref<400x128xf32, #tpu.memory_space<vmem>>, vector<400x128xf32>
    %get3A_12 = arith.constant 0 : index
    %get3A_13 = arith.constant 0 : index
    %get3A_14 = vector.load %arg6[%get3A_12, %get3A_13] : memref<128x128xf32, #tpu.memory_space<vmem>>, vector<128x128xf32>
    %dot_general3A = arith.constant dense<0.000000e+00> : vector<400x128xf32>
    %dot_general3A_15 = tpu.matmul %get3A_11, %get3A_14, %dot_general3A {dimension_numbers = #tpu.dot_dimension_numbers<[1], [0], [0], [1], [0, 0, 1, 1], [], []>, transpose_lhs_hint = false} : vector<400x128xf32>, vector<128x128xf32>, vector<400x128xf32> -> vector<400x128xf32>
    %get3A_16 = arith.constant 0 : index
    %get3A_17 = arith.constant 0 : index
    %get3A_18 = vector.load %arg7[%get3A_16, %get3A_17] : memref<128x128xf32, #tpu.memory_space<vmem>>, vector<128x128xf32>
    %dot_general3A_19 = arith.constant dense<0.000000e+00> : vector<400x128xf32>
    %dot_general3A_20 = tpu.matmul %mul3A_8, %get3A_18, %dot_general3A_19 {dimension_numbers = #tpu.dot_dimension_numbers<[1], [0], [0], [1], [0, 0, 1, 1], [], []>, transpose_lhs_hint = false} : vector<400x128xf32>, vector<128x128xf32>, vector<400x128xf32> -> vector<400x128xf32>
    %add3A_21 = arith.addf %dot_general3A_15, %dot_general3A_20 : vector<400x128xf32>
    %get3A_22 = arith.constant 0 : index
    %get3A_23 = arith.constant 0 : index
    %get3A_24 = vector.load %arg8[%get3A_22, %get3A_23] : memref<1x128xf32, #tpu.memory_space<vmem>>, vector<1x128xf32>
    %add3A_25 = vector.broadcast %get3A_24 : vector<1x128xf32> to vector<400x128xf32>
    %add3A_26 = arith.addf %add3A_21, %add3A_25 : vector<400x128xf32>
    %max3A = arith.constant 0.000000e+00 : f32
    %max3A_27 = vector.broadcast %max3A : f32 to vector<400x128xf32>
    %max3A_28 = arith.maximumf %add3A_26, %max3A_27 : vector<400x128xf32>
    %get3A_29 = arith.constant 0 : index
    %get3A_30 = arith.constant 0 : index
    %get3A_31 = vector.load %arg5[%get3A_29, %get3A_30] : memref<400x1xf32, #tpu.memory_space<vmem>>, vector<400x1xf32>
    %mul3A_32 = vector.broadcast %get3A_31 : vector<400x1xf32> to vector<400x128xf32>
    %mul3A_33 = arith.mulf %max3A_28, %mul3A_32 : vector<400x128xf32>
    %get3A_34 = arith.constant 0 : index
    %get3A_35 = arith.constant 0 : index
    %get3A_36 = vector.load %arg1[%get3A_34, %get3A_35] : memref<400x128xf32, #tpu.memory_space<vmem>>, vector<400x128xf32>
    %add3A_37 = arith.addf %mul3A_33, %get3A_36 : vector<400x128xf32>
    %swap3A = arith.constant 0 : index
    %swap3A_38 = arith.constant 0 : index
    %swap3A_39 = vector.load %arg9[%swap3A, %swap3A_38] : memref<400x128xf32, #tpu.memory_space<vmem>>, vector<400x128xf32>
    tpu.vector_store %arg9[%swap3A, %swap3A_38], %add3A_37 {strides = array<i32>} : memref<400x128xf32, #tpu.memory_space<vmem>>, vector<400x128xf32>,
    return
  }
  func.func @transform_0(%arg0: i32) -> (i32, i32) {
    %c0_i32 = arith.constant 0 : i32
    %c0_i32_0 = arith.constant 0 : i32
    return %arg0, %c0_i32 : i32, i32
  }
  func.func @transform_1(%arg0: i32) -> (i32, i32) {
    %c0_i32 = arith.constant 0 : i32
    %c0_i32_0 = arith.constant 0 : i32
    return %arg0, %c0_i32 : i32, i32
  }
  func.func @transform_2(%arg0: i32) -> (i32, i32) {
    %c0_i32 = arith.constant 0 : i32
    %c0_i32_0 = arith.constant 0 : i32
    return %arg0, %c0_i32 : i32, i32
  }
  func.func @transform_3(%arg0: i32) -> (i32, i32) {
    %c0_i32 = arith.constant 0 : i32
    %c0_i32_0 = arith.constant 0 : i32
    return %arg0, %c0_i32 : i32, i32
  }
  func.func @transform_4(%arg0: i32) -> (i32, i32) {
    %c0_i32 = arith.constant 0 : i32
    %c0_i32_0 = arith.constant 0 : i32
    return %arg0, %c0_i32 : i32, i32
  }
  func.func @transform_5(%arg0: i32) -> (i32, i32) {
    %c0_i32 = arith.constant 0 : i32
    %c0_i32_0 = arith.constant 0 : i32
    %c0_i32_1 = arith.constant 0 : i32
    return %c0_i32, %c0_i32_0 : i32, i32
  }
  func.func @transform_6(%arg0: i32) -> (i32, i32) {
    %c0_i32 = arith.constant 0 : i32
    %c0_i32_0 = arith.constant 0 : i32
    %c0_i32_1 = arith.constant 0 : i32
    return %c0_i32, %c0_i32_0 : i32, i32
  }
  func.func @transform_7(%arg0: i32) -> (i32, i32) {
    %c0_i32 = arith.constant 0 : i32
    %c0_i32_0 = arith.constant 0 : i32
    %c0_i32_1 = arith.constant 0 : i32
    return %c0_i32, %c0_i32_0 : i32, i32
  }
  func.func @transform_8(%arg0: i32) -> (i32, i32) {
    %c0_i32 = arith.constant 0 : i32
    %c0_i32_0 = arith.constant 0 : i32
    return %arg0, %c0_i32 : i32, i32
  }
}

module attributes {stable_mosaic.version = 14 : i64} {
  func.func @_readout_body(%arg0: memref<10000x128xf32, #tpu.memory_space<vmem>>, %arg1: memref<128x128xf32, #tpu.memory_space<vmem>>, %arg2: memref<128x1xf32, #tpu.memory_space<vmem>>, %arg3: memref<1x1xf32, #tpu.memory_space<vmem>>, %arg4: memref<1x1xf32, #tpu.memory_space<vmem>>) attributes {dimension_semantics = [], scalar_prefetch = 0 : i64, scratch_operands = 0 : i64, tpu.core_type = #tpu.core_type<tc>} {
    %get3A = arith.constant 0 : index
    %get3A_0 = arith.constant 0 : index
    %get3A_1 = vector.load %arg0[%get3A, %get3A_0] : memref<10000x128xf32, #tpu.memory_space<vmem>>, vector<10000x128xf32>
    %reduce_sum3A = arith.constant dense<0.000000e+00> : vector<128xf32>
    %reduce_sum3A_2 = vector.multi_reduction <add>, %get3A_1, %reduce_sum3A [0] : vector<10000x128xf32> to vector<128xf32>
    %broadcast_in_dim3A = vector.shape_cast %reduce_sum3A_2 : vector<128xf32> to vector<1x128xf32>
    %mul3A = arith.constant 9.99999974E-5 : f32
    %mul3A_3 = vector.broadcast %mul3A : f32 to vector<1x128xf32>
    %mul3A_4 = arith.mulf %broadcast_in_dim3A, %mul3A_3 : vector<1x128xf32>
    %get3A_5 = arith.constant 0 : index
    %get3A_6 = arith.constant 0 : index
    %get3A_7 = vector.load %arg1[%get3A_5, %get3A_6] : memref<128x128xf32, #tpu.memory_space<vmem>>, vector<128x128xf32>
    %dot_general3A = arith.constant dense<0.000000e+00> : vector<1x128xf32>
    %dot_general3A_8 = tpu.matmul %mul3A_4, %get3A_7, %dot_general3A {dimension_numbers = #tpu.dot_dimension_numbers<[1], [0], [0], [1], [0, 0, 1, 1], [], []>, transpose_lhs_hint = false} : vector<1x128xf32>, vector<128x128xf32>, vector<1x128xf32> -> vector<1x128xf32>
    %get3A_9 = arith.constant 0 : index
    %get3A_10 = arith.constant 0 : index
    %get3A_11 = vector.load %arg2[%get3A_9, %get3A_10] : memref<128x1xf32, #tpu.memory_space<vmem>>, vector<128x1xf32>
    %dot_general3A_12 = arith.constant dense<0.000000e+00> : vector<1x1xf32>
    %dot_general3A_13 = tpu.matmul %dot_general3A_8, %get3A_11, %dot_general3A_12 {dimension_numbers = #tpu.dot_dimension_numbers<[1], [0], [0], [1], [0, 0, 1, 1], [], []>, transpose_lhs_hint = false} : vector<1x128xf32>, vector<128x1xf32>, vector<1x1xf32> -> vector<1x1xf32>
    %get3A_14 = arith.constant 0 : index
    %get3A_15 = arith.constant 0 : index
    %get3A_16 = vector.load %arg3[%get3A_14, %get3A_15] : memref<1x1xf32, #tpu.memory_space<vmem>>, vector<1x1xf32>
    %add3A = arith.addf %dot_general3A_13, %get3A_16 : vector<1x1xf32>
    %swap3A = arith.constant 0 : index
    %swap3A_17 = arith.constant 0 : index
    %swap3A_18 = vector.load %arg4[%swap3A, %swap3A_17] : memref<1x1xf32, #tpu.memory_space<vmem>>, vector<1x1xf32>
    tpu.vector_store %arg4[%swap3A, %swap3A_17], %add3A {strides = array<i32>} : memref<1x1xf32, #tpu.memory_space<vmem>>, vector<1x1xf32>,
    return
  }
}

</mosaic_0001>

<sc_bundles>
// kernel: kernel.13.cloned.1.call-start
scs
__scs_entry_jumppad:
0x0: {  	(pc) =	sbr.rel $0x88, $3  }
0x1: {  	(tag) =	ssettag $0x0;
	lr =	simm.s32 $0x1  }
0x2: {  	[smem:$0x3F98] =	sst lr;
	_ =	strace $0xD0000000  }
0x3: {  	_ = 	snop  }
0x4: {  	_ = 	snop  }
0x5: {  	_ = 	snop  }
0x6: {  	_ = 	snop  }
0x7: {  	_ = 	snop  }
__scs_overlays_trampoline_lowered:
0x8: {  	[smem:$0x3FA7] =	sst s0  }
0x9: {  	[smem:$0x3FA8] =	sst s1  }
0xa: {  	[smem:$0x3FA9] =	sst s2  }
0xb: {  	[smem:$0x3FAA] =	sst s3  }
0xc: {  	[smem:$0x3FAB] =	sst s4  }
0xd: {  	[smem:$0x3FAC] =	sst s5  }
0xe: {  	[smem:$0x3FAD] =	sst s6  }
0xf: {  	[smem:$0x3FAE] =	sst s7  }
0x10: {  	[smem:$0x3FAF] =	sst s8  }
0x11: {  	[smem:$0x3FB0] =	sst s9;
	s0 =	simm.s32 @!p0 $0x0  }
0x12: {  	s1 =	sld [smem:$0x3F96];
	s0 =	simm.s32 @p0 $0x1  }
0x13: {  	[smem:$0x3FB1] =	sst s0;
	s0 =	simm.s32 @!p1 $0x0  }
0x14: {  	s2 =	sld [smem:$0x3F95];
	s0 =	simm.s32 @p1 $0x1  }
0x15: {  	[smem:$0x3FB2] =	sst s0;
	s0 =	simm.s32 @!p2 $0x0  }
0x16: {  	s3 =	sld [smem:$0x3FDB];
	s0 =	simm.s32 @p2 $0x1  }
0x17: {  	s4 =	simm.s32 $0x1BF5;
	[smem:$0x3FB4] =	sst s0  }
0x18: {  	s0 =	sld [smem:$0x3F97];
	_ =	swait.ge [sflag:s4], $0x0  }
0x19: {  	s7 =	sld [smem:$0x3F98]  }
0x1a: {  	s8 =	sadd.s32 $0xFFFFE003, lr  }
0x1b: {  	s9 =	sadd.s32 $0xFFFFFEF7, lr;
	s5 =	simm.s32 $0xFFFFFFFF;
	p2 =	slt.u32 s8, $0xFFFFF086  }
0x1c: {  	p1 =	slt.u32 s9, $0xF7A;
	s5 =	simm.s32 @!p2 $0x0  }
0x1d: {  	s5 =	simm.s32 @p1 $0x1;
	p0 =	seq.s32 s7, s2  }
0x1e: {  	s7 =	smul.u32 @!p0 $0xF7A, s2;
	p2 =	seq.s32 @!p0 s5, $0x0  }
0x1f: {  	s9 =	smul.u32 $0xF7A, s1;
	s8 =	simm.s32 @!p0 $0x1BF5;
	p2 =	por !p2, p0  }
0x20: {  	[sflag:s8] =	ssyncset.s32 @!p0 $0xFFFFF086;
	s6 =	sadd.s32 @!p0 s3, s7;
	s7 =	simm.s32 @!p0 $0x108  }
0x21: {  	s3 =	sadd.s32 s3, s9;
	s6 =	sadd.s32 @!p0 $0x88, s6;
	s7 =	simm.s32 @p2 $0x1082  }
0x22: {  	[simem:s7], [sflag:s8] =	dma.local @!p0 [hbm:s6], $0xF7A  }
0x23: {  	s9 =	sor.u32 $0xD0000000, s2;
	s6 =	simm.s32 $0x108;
	_ =	swait.ge @!p0 [sflag:s8], $0x0  }
0x24: {  	s3 =	sadd.s32 $0x88, s3;
	s6 =	simm.s32 @!p1 $0x1082;
	[sflag:s4] =	ssyncset.s32 $0xFFFFF086  }
0x25: {  	[simem:s6], [sflag:s4] =	dma.local [hbm:s3], $0xF7A  }
0x26: {  	[smem:$0x3F98] =	sst s1;
	(tag) =	ssettag s2;
	_ =	strace s9  }
0x27: {  	s1 =	sld [smem:$0x3FA8]  }
0x28: {  	s2 =	sld [smem:$0x3FA9]  }
0x29: {  	s4 =	sld [smem:$0x3FAB]  }
0x2a: {  	p0 =	seq.s32 s5, $0x0;
	s5 =	sld [smem:$0x3FAC]  }
0x2b: {  	s6 =	sld [smem:$0x3FAD]  }
0x2c: {  	s7 =	sld [smem:$0x3FAE]  }
0x2d: {  	s3 =	simm.s32 $0x108;
	s8 =	sld [smem:$0x3FAF]  }
0x2e: {  	s3 =	simm.s32 @!p0 $0x1082;
	s9 =	sld [smem:$0x3FB0]  }
0x2f: {  	lr =	sadd.s32 s0, s3;
	s0 =	sld [smem:$0x3FA7]  }
0x30: {  	s3 =	sld [smem:$0x3FAA]  }
0x31: {  	[smem:$0x3FB3] =	sst s10  }
0x32: {  	s10 =	sld [smem:$0x3FB1];
	_ =	sdelay $0x3  }
0x33: {  	p0 =	seq.s32 s10, $0x1;
	s10 =	sld [smem:$0x3FB3];
	_ =	sdelay $0x3  }
0x34: {  	[smem:$0x3FB3] =	sst s10  }
0x35: {  	s10 =	sld [smem:$0x3FB2];
	_ =	sdelay $0x3  }
0x36: {  	p1 =	seq.s32 s10, $0x1;
	s10 =	sld [smem:$0x3FB3];
	_ =	sdelay $0x3  }
0x37: {  	[smem:$0x3FB3] =	sst s10  }
0x38: {  	s10 =	sld [smem:$0x3FB4]  }
0x39: {  	_ = 	snop;
	(pc) =	sbr.ind lr, $3  }
0x3a: {  	_ = 	snop  }
0x3b: {  	_ = 	snop  }
0x3c: {  	p2 =	seq.s32 s10, $0x1;
	s10 =	sld [smem:$0x3FB3]  }
0x3d: {  	_ =	shalt  }
0x3e: {  	_ =	shalt  }
0x3f: {  	_ =	shalt  }
0x40: {  	_ =	shalt  }
0x41: {  	_ =	shalt  }
0x42: {  	_ =	shalt  }
0x43: {  	_ =	shalt  }
0x44: {  	_ =	shalt  }
0x45: {  	_ =	shalt  }
0x46: {  	_ =	shalt  }
0x47: {  	_ =	shalt  }
0x48: {  	_ =	shalt  }
0x49: {  	_ =	shalt  }
0x4a: {  	_ =	shalt  }
0x4b: {  	_ =	shalt  }
0x4c: {  	_ =	shalt  }
0x4d: {  	_ =	shalt  }
0x4e: {  	_ =	shalt  }
0x4f: {  	_ =	shalt  }
0x50: {  	_ =	shalt  }
0x51: {  	_ =	shalt  }
0x52: {  	_ =	shalt  }
0x53: {  	_ =	shalt  }
0x54: {  	_ =	shalt  }
0x55: {  	_ =	shalt  }
0x56: {  	_ =	shalt  }
0x57: {  	_ =	shalt  }
0x58: {  	_ =	shalt  }
0x59: {  	_ =	shalt  }
0x5a: {  	_ =	shalt  }
0x5b: {  	_ =	shalt  }
0x5c: {  	_ =	shalt  }
0x5d: {  	_ =	shalt  }
0x5e: {  	_ =	shalt  }
0x5f: {  	_ =	shalt  }
0x60: {  	_ =	shalt  }
0x61: {  	_ =	shalt  }
0x62: {  	_ =	shalt  }
0x63: {  	_ =	shalt  }
0x64: {  	_ =	shalt  }
0x65: {  	_ =	shalt  }
0x66: {  	_ =	shalt  }
0x67: {  	_ =	shalt  }
0x68: {  	_ =	shalt  }
0x69: {  	_ =	shalt  }
0x6a: {  	_ =	shalt  }
0x6b: {  	_ =	shalt  }
0x6c: {  	_ =	shalt  }
0x6d: {  	_ =	shalt  }
0x6e: {  	_ =	shalt  }
0x6f: {  	_ =	shalt  }
0x70: {  	_ =	shalt  }
0x71: {  	_ =	shalt  }
0x72: {  	_ =	shalt  }
0x73: {  	_ =	shalt  }
0x74: {  	_ =	shalt  }
0x75: {  	_ =	shalt  }
0x76: {  	_ =	shalt  }
0x77: {  	_ =	shalt  }
0x78: {  	_ =	shalt  }
0x79: {  	_ =	shalt  }
0x7a: {  	_ =	shalt  }
0x7b: {  	_ =	shalt  }
0x7c: {  	_ =	shalt  }
0x7d: {  	_ =	shalt  }
0x7e: {  	_ =	shalt  }
0x7f: {  	_ =	shalt  }
0x80: {  	_ =	shalt  }
0x81: {  	_ =	shalt  }
0x82: {  	_ =	shalt  }
0x83: {  	_ =	shalt  }
0x84: {  	_ =	shalt  }
0x85: {  	_ =	shalt  }
0x86: {  	_ =	shalt  }
0x87: {  	_ =	shalt  }
.Lfunc_end0:
.L_simem_size_0:
called_computation_lowered:
.L_overlay_start_0:
0x88: {  	s2 =	sld [smem:$0x3FD9]  }
0x89: {  	s3 =	sld [smem:$0x3FFE];
	_ =	sdelay $0x1  }
0x8a: {  	s1 =	srdreg.scid  }
0x8b: {  	s0 =	sand.u32 $0x1, s1  }
0x8c: {  	s16 =	sshll.u32 s0, $0xA;
	s2 =	sadd.s32 s3, s2  }
0x8d: {  	s2 =	sadd.s32 s2, s16  }
0x8e: {  	[smem:$0x3FBF] =	sst s2  }
0x8f: {  	_ = 	snop  }
0x90: {  	(tm) =	ssettm $0x1  }
0x91: {  	s17 =	sld [smem:$0x3FFB];
	_ =	sdelay $0x3  }
0x92: {  	_ =	strace s17  }
0x93: {  	s2 =	sld [smem:$0x3FFC];
	_ =	sdelay $0x3  }
0x94: {  	_ =	strace s2  }
0x95: {  	s2 =	sld [smem:$0x3FFD];
	_ =	sdelay $0x3  }
0x96: {  	_ =	strace s2  }
0x97: {  	_ =	strace $0x8FFFFFFF  }
0x98: {  	s18 =	sld [smem:$0x3FDB];
	_ =	sdelay $0x1  }
0x99: {  	s19 =	simm.s32 $_scs_section_size  }
0x9a: {  	s4 =	simm.s32 $_size__tile_overlayer_lowered;
	s5 =	simm.s32 $_tile_overlayer_lowered  }
0x9b: {  	s22 =	simm.s32 $0x1BFF;
	s21 =	sshll.u32 s5, $0x1;
	s2 =	sadd.s32 s19, s18  }
0x9c: {  	s6 =	simm.s32 $0x0;
	s20 =	sshll.u32 s4, $0x1;
	s4 =	sadd.s32 s21, s2  }
0x9d: {  	[timem:s6], [sflag:s22] =	dma.local [hbm:s4], s20  }
0x9e: {  	_ =	swait.ge [sflag:s22], s20  }
0x9f: {  	s3 =	ssub.s32 $0x0, s20;
	[sflag:s22] =	ssyncset.done $0x0  }
0xa0: {  	[sflag:s22] =	ssyncadd.s32 s3;
	_ =	sdelay $0x1  }
0xa1: {  	s23 =	simm.s32 $0x1B8B  }
0xa2: {  	_ =	swait.ge [sflag:s23], $0x1  }
0xa3: {  	[sflag:s23] =	ssyncset.done $0x0  }
0xa4: {  	s25 =	simm.s32 $0x1B8E;
	s24 =	sld [smem:$0x3FFE];
	[sflag:s23] =	ssyncadd.s32 $0xFFFFFFFF  }
0xa5: {  	s26 =	simm.s32 $execute0_lowered;
	[smem:$0x3FD2] =	sst s25  }
0xa6: {  	s4 =	sshll.u32 s26, $0x1;
	_ =	strace $0x80000046;
	[dreg:$0x1] =	wrdreg $0xFFFFFFFF  }
0xa7: {  	s28 =	simm.s32 $_size_execute0_lowered;
	s2 =	sadd.s32 s2, s4;
	[dreg:$0x0] =	wrdreg $0x0  }
0xa8: {  	s4 =	sshll.u32 s28, $0x1;
	[dreg:$0x2] =	wrdreg s2  }
0xa9: {  	[dreg:$0x3] =	wrdreg s4  }
0xaa: {  	[dreg:$0x4] =	wrdreg $0xC0  }
0xab: {  	_ =	task [dreg:s6], $0x5FFFF  }
0xac: {  	[dreg:$0x1] =	wrdreg $0xFFFFFFFF  }
0xad: {  	[dreg:$0x0] =	wrdreg $0x60  }
0xae: {  	[dreg:$0x2] =	wrdreg s24  }
0xaf: {  	[dreg:$0x3] =	wrdreg $0x94000  }
0xb0: {  	[dreg:$0x4] =	wrdreg $0x9  }
0xb1: {  	_ =	task.clear_ibuf [dreg:s6], $0x5FFFF;
	_ =	strace $0x90000046  }
0xb2: {  	s29 =	simm.s32 $0x9;
	_ =	strace $0x80000048  }
0xb3: {  	_ =	swait.ge [sflag:s29], $0x1  }
0xb4: {  	[sflag:s29] =	ssyncadd.s32 $0xFFFFFFFF  }
0xb5: {  	_ =	strace $0x90000048  }
0xb6: {  	_ =	sfence  }
0xb7: {  	s30 =	sld [smem:$0x0];
	_ =	sdelay $0x2  }
0xb8: {  	s31 =	sshll.u32 s1, $0xD;
	s1 =	sshrl.u32 s1, $0x2  }
0xb9: {  	s3 =	sand.u32 $0x4000, s31;
	s1 =	sadd.s32 s1, s30  }
0xba: {  	s0 =	sor.u32 s3, s0;
	s1 =	sshll.u32 s1, $0x11  }
0xbb: {  	s0 =	sor.u32 s1, s0  }
0xbc: {  	s0 =	sadd.s32 $0x8F2B, s0  }
0xbd: {  	[sflag:s0] =	ssyncadd.remote.s32 $0x1  }
0xbe: {  	_ =	sfence.sel $0xFFFF  }
0xbf: {  	[dreg:$0x0] =	wrdreg $0xFFFFFFFF;
	(pc) =	sbr.abs _section_cstart, $3  }
0xc0: {  	[dreg:$0x1] =	wrdreg $0xFFFFFFFF  }
0xc1: {  	_ =	task.clear_ibuf [dreg:s6], $0x2FFFF;
	_ =	strace $0x9FFFFFFF  }
0xc2: {  	(tm) =	ssettm $0x7FFFFFFF  }
0xc3: {  	_ =	shalt  }
tec
execute0_lowered:
.L_overlay_start_1:
0x0: {  	(tag) =	ssettag $0x1  }
0x1: {  	s0 =	srdreg.scid;
	s5 =	rddreg [dreg:$0x0]  }
0x2: {  	s2 =	rddreg [dreg:$0x1];
	s1 =	stileid.u32;
	s3 =	simm.s32 $0x0  }
0x3: {  	s14 =	simm.s32 $0x80;
	s8 =	sand.u32 $0x1, s0;
	s0 =	rddreg [dreg:$0x2]  }
0x4: {  	s15 =	simm.s32 $0x0;
	[smem:$0x7FF] =	sst s3;
	s7 =	smul.u32 $0x2780, s1  }
0x5: {  	s10 =	smul.u32 $0x4F000, s1;
	s31 =	sshll.u32 s1, $0x6;
	s4 =	sshll.u32 s8, $0x4  }
0x6: {  	_ =	strace $0x80000047;
	s9 =	ssub.s32 $0x2, s8;
	p0 =	seq.s32 s8, $0x1  }
0x7: {  	s4 =	sor.u32 s1, s4;
	s12 =	sadd.s32 s7, s5;
	s29 =	sshrl.u32 s9, $0x1  }
0x8: {  	s30 =	sshrl.u32 s10, $0x2;
	s10 =	simm.s32 $0x68400;
	s6 =	smul.u32 $0x2800, s4  }
0x9: {  	s4 =	sadd.s32 $0x40400, s5;
	s9 =	ssub.s32 s9, s29;
	s13 =	sadd.s32 s30, s2  }
0xa: {  	s10 =	simm.s32 @!p0 $0x40C00;
	s9 =	smax.u32 s9, $0x1;
	s6 =	sshrl.u32 s6, $0x3  }
0xb: {  	s10 =	sadd.s32 s10, s12;
	s11 =	sadd.s32 s6, s5;
	s5 =	sadd.s32 $0x18C00, s12  }
0xc: {  	s6 =	sor.u32 $0x1C01, s31;
	s12 =	simm.s32 $0x1;
	s7 =	sadd.s32 $0xEC00, s11  }
0xd: {  	s8 =	sadd.s32 $0xEE80, s11;
	s11 =	sshrl.u32 s13, $0x3;
	s13 =	simm.s32 $0x1400  }
.LBB2_1:
0xe: {  	[spmem:s11], [sflag:s6] =	dma.local [hbm:s5], $0x2780  }
0xf: {  	_ =	swait.ge [sflag:s12], $0x2780  }
0x10: {  	[sflag:s12] =	ssyncset.done $0x0  }
0x11: {  	[sflag:s12] =	ssyncadd.s32 $0xFFFFD880  }
0x12: {  	[tilespmem:s13], [sflag:$0x1] =	stream.linear.gather [hbm4b:s4+s3], $0x4000, $0x38;
	[tilespmem:$0x1D000] =	vst v63  }
0x13: {  	_ =	swait.ge [sflag:s12], $0x4000  }
0x14: {  	[sflag:s12] =	ssyncset.done $0x0  }
0x15: {  	[sflag:s12] =	ssyncadd.s32 $0xFFFFC000  }
0x16: {  	[bflag:$0x0] =	sbarrier.arrive $0xFFFF  }
0x17: {  	[tilespmem:s3], [sflag:$0x1] =	stream.linear.gather [hbm4b:s7+s3], $0x1400, $0x38;
	[tilespmem:$0x1D000] =	vst v63  }
0x18: {  	_ =	swait.ge [sflag:s12], $0x1400  }
0x19: {  	[sflag:s12] =	ssyncset.done $0x0  }
0x1a: {  	s16 =	simm.s32 $0x0;
	[sflag:s12] =	ssyncadd.s32 $0xFFFFEC00  }
0x1b: {  	[spmem:s2] =	stream.indirect.scatter.add.f32 [tilespmem:s13], [sflag:$0x1], $0x80, s16, s14, $0xb8;
	[tilespmem:$0x1D000] =	vst v63  }
0x1c: {  	_ =	swait.ge [sflag:s12], $0x4000  }
0x1d: {  	s16 =	simm.s32 $0x200;
	[sflag:s12] =	ssyncset.done $0x0  }
.LBB2_2:
0x1e: {  	s17 =	sshra.s32 s16, $0x2;
	[sflag:s12] =	ssyncadd.s32 $0xFFFFC000;
	p0 =	sne.s32 s16, $0x4E00  }
0x1f: {  	[spmem:s2] =	stream.indirect.scatter.add.f32 [tilespmem:s13], [sflag:$0x1], $0x80, s17, s14, $0xb8;
	[tilespmem:$0x1D000] =	vst v63  }
.Ltmp0:
0x20: {  	_ = 	snop;
	(pc) =	sbr.rel @p0 .LBB2_2-.Ltmp0, $4  }
0x21: {  	_ = 	snop  }
0x22: {  	s16 =	sadd.s32 $0x200, s16  }
0x23: {  	_ =	swait.ge [sflag:s12], $0x4000  }
0x24: {  	[sflag:s12] =	ssyncset.done $0x0  }
0x25: {  	[sflag:s12] =	ssyncadd.s32 $0xFFFFC000;
	s16 =	simm.s32 $0x0  }
0x26: {  	[tilespmem:s16], [sflag:$0x1] =	stream.linear.gather [hbm4b:s8+s16], $0x1400, $0x38;
	[tilespmem:$0x1D000] =	vst v63  }
0x27: {  	_ =	swait.ge [sflag:s12], $0x1400  }
0x28: {  	[sflag:s12] =	ssyncset.done $0x0  }
0x29: {  	s31 =	simm.s32 $0x0;
	[sflag:s12] =	ssyncadd.s32 $0xFFFFEC00  }
0x2a: {  	[spmem:s2] =	stream.indirect.scatter.add.f32 [tilespmem:s13], [sflag:$0x1], $0x80, s31, s14, $0xb8;
	[tilespmem:$0x1D000] =	vst v63  }
0x2b: {  	_ =	swait.ge [sflag:s12], $0x4000  }
0x2c: {  	s16 =	simm.s32 $0x200;
	[sflag:s12] =	ssyncset.done $0x0  }
.LBB2_4:
0x2d: {  	s17 =	sshra.s32 s16, $0x2;
	[sflag:s12] =	ssyncadd.s32 $0xFFFFC000;
	p0 =	sne.s32 s16, $0x4E00  }
0x2e: {  	[spmem:s2] =	stream.indirect.scatter.add.f32 [tilespmem:s13], [sflag:$0x1], $0x80, s17, s14, $0xb8;
	[tilespmem:$0x1D000] =	vst v63  }
.Ltmp1:
0x2f: {  	_ = 	snop;
	(pc) =	sbr.rel @p0 .LBB2_4-.Ltmp1, $4  }
0x30: {  	_ = 	snop  }
0x31: {  	s16 =	sadd.s32 $0x200, s16  }
0x32: {  	_ =	swait.ge [sflag:s12], $0x4000  }
0x33: {  	[sflag:s12] =	ssyncset.done $0x0  }
0x34: {  	s15 =	sadd.s32 $0x1, s15  }
0x35: {  	[sflag:s12] =	ssyncadd.s32 $0xFFFFC000;
	p0 =	sne.s32 s15, s9  }
.Ltmp2:
0x36: {  	[bflag:$0x0] =	sbarrier.arrive $0xFFFF;
	(pc) =	sbr.rel @p0 .LBB2_1-.Ltmp2, $4  }
0x37: {  	[hbm:s10], [sflag:s6] =	dma.local [spmem:s11], $0x2780  }
0x38: {  	_ =	swait.ge [sflag:s12], $0x2780  }
0x39: {  	[sflag:s12] =	ssyncset.done $0x0  }
0x3a: {  	[sflag:s12] =	ssyncadd.s32 $0xFFFFD880  }
0x3b: {  	_ =	sfence.sel $0x180000  }
0x3c: {  	[bflag:$0x0] =	sbarrier.arrive $0xFFFF  }
0x3d: {  	p0 =	sne.s32 s1, $0x0;
	_ =	strace $0x90000047  }
0x3e: {  	s0 =	sadd.s32 @!p0 $0x100000, s0;
	[bflag:$0x2] =	sbarrier.arrive $0xFFFF  }
0x3f: {  	[sflag:s0] =	ssyncadd.tile.s32 @!p0 $0x1;
	_ =	shalt  }
.Lfunc_end2:
_tile_overlayer_lowered:
.L_overlay_start_2:
0x40: {  	(tag) =	ssettag $0x2  }
0x41: {  	s0 =	rddreg [dreg:$0x0];
	s2 =	stileid.u32  }
0x42: {  	s1 =	rddreg [dreg:$0x1];
	p0 =	sne.s32 s2, $0x0  }
0x43: {  	s3 =	rddreg [dreg:$0x2];
	[bflag:$0x3] =	sbarrier.arrive $0xFFFF;
	s2 =	simm.s32 @!p0 $0x1C01  }
0x44: {  	[timem:s3], [sflag:s2] =	dma.local @!p0 [hbm:s0], s1  }
0x45: {  	s0 =	simm.s32 @!p0 $0x1  }
0x46: {  	_ =	swait.ge @!p0 [sflag:s0], s1  }
0x47: {  	s1 =	ssub.s32 @!p0 $0x0, s1;
	[sflag:s0] =	ssyncset.done @!p0 $0x0  }
0x48: {  	[sflag:s0] =	ssyncadd.s32 @!p0 s1  }
0x49: {  	[bflag:$0x3] =	sbarrier.arrive $0xFFFF  }
0x4a: {  	_ =	shalt  }

// kernel: kernel.16.cloned.1.call-start
scs
__scs_entry_jumppad:
0x0: {  	(pc) =	sbr.rel $0x88, $3  }
0x1: {  	(tag) =	ssettag $0x0;
	lr =	simm.s32 $0x1  }
0x2: {  	[smem:$0x3F98] =	sst lr;
	_ =	strace $0xD0000000  }
0x3: {  	_ = 	snop  }
0x4: {  	_ = 	snop  }
0x5: {  	_ = 	snop  }
0x6: {  	_ = 	snop  }
0x7: {  	_ = 	snop  }
__scs_overlays_trampoline_lowered:
0x8: {  	[smem:$0x3FA7] =	sst s0  }
0x9: {  	[smem:$0x3FA8] =	sst s1  }
0xa: {  	[smem:$0x3FA9] =	sst s2  }
0xb: {  	[smem:$0x3FAA] =	sst s3  }
0xc: {  	[smem:$0x3FAB] =	sst s4  }
0xd: {  	[smem:$0x3FAC] =	sst s5  }
0xe: {  	[smem:$0x3FAD] =	sst s6  }
0xf: {  	[smem:$0x3FAE] =	sst s7  }
0x10: {  	[smem:$0x3FAF] =	sst s8  }
0x11: {  	[smem:$0x3FB0] =	sst s9;
	s0 =	simm.s32 @!p0 $0x0  }
0x12: {  	s1 =	sld [smem:$0x3F96];
	s0 =	simm.s32 @p0 $0x1  }
0x13: {  	[smem:$0x3FB1] =	sst s0;
	s0 =	simm.s32 @!p1 $0x0  }
0x14: {  	s2 =	sld [smem:$0x3F95];
	s0 =	simm.s32 @p1 $0x1  }
0x15: {  	[smem:$0x3FB2] =	sst s0;
	s0 =	simm.s32 @!p2 $0x0  }
0x16: {  	s3 =	sld [smem:$0x3FDB];
	s0 =	simm.s32 @p2 $0x1  }
0x17: {  	s4 =	simm.s32 $0x1BF5;
	[smem:$0x3FB4] =	sst s0  }
0x18: {  	s0 =	sld [smem:$0x3F97];
	_ =	swait.ge [sflag:s4], $0x0  }
0x19: {  	s7 =	sld [smem:$0x3F98]  }
0x1a: {  	s8 =	sadd.s32 $0xFFFFE003, lr  }
0x1b: {  	s9 =	sadd.s32 $0xFFFFFEF7, lr;
	s5 =	simm.s32 $0xFFFFFFFF;
	p2 =	slt.u32 s8, $0xFFFFF086  }
0x1c: {  	p1 =	slt.u32 s9, $0xF7A;
	s5 =	simm.s32 @!p2 $0x0  }
0x1d: {  	s5 =	simm.s32 @p1 $0x1;
	p0 =	seq.s32 s7, s2  }
0x1e: {  	s7 =	smul.u32 @!p0 $0xF7A, s2;
	p2 =	seq.s32 @!p0 s5, $0x0  }
0x1f: {  	s9 =	smul.u32 $0xF7A, s1;
	s8 =	simm.s32 @!p0 $0x1BF5;
	p2 =	por !p2, p0  }
0x20: {  	[sflag:s8] =	ssyncset.s32 @!p0 $0xFFFFF086;
	s6 =	sadd.s32 @!p0 s3, s7;
	s7 =	simm.s32 @!p0 $0x108  }
0x21: {  	s3 =	sadd.s32 s3, s9;
	s6 =	sadd.s32 @!p0 $0x88, s6;
	s7 =	simm.s32 @p2 $0x1082  }
0x22: {  	[simem:s7], [sflag:s8] =	dma.local @!p0 [hbm:s6], $0xF7A  }
0x23: {  	s9 =	sor.u32 $0xD0000000, s2;
	s6 =	simm.s32 $0x108;
	_ =	swait.ge @!p0 [sflag:s8], $0x0  }
0x24: {  	s3 =	sadd.s32 $0x88, s3;
	s6 =	simm.s32 @!p1 $0x1082;
	[sflag:s4] =	ssyncset.s32 $0xFFFFF086  }
0x25: {  	[simem:s6], [sflag:s4] =	dma.local [hbm:s3], $0xF7A  }
0x26: {  	[smem:$0x3F98] =	sst s1;
	(tag) =	ssettag s2;
	_ =	strace s9  }
0x27: {  	s1 =	sld [smem:$0x3FA8]  }
0x28: {  	s2 =	sld [smem:$0x3FA9]  }
0x29: {  	s4 =	sld [smem:$0x3FAB]  }
0x2a: {  	p0 =	seq.s32 s5, $0x0;
	s5 =	sld [smem:$0x3FAC]  }
0x2b: {  	s6 =	sld [smem:$0x3FAD]  }
0x2c: {  	s7 =	sld [smem:$0x3FAE]  }
0x2d: {  	s3 =	simm.s32 $0x108;
	s8 =	sld [smem:$0x3FAF]  }
0x2e: {  	s3 =	simm.s32 @!p0 $0x1082;
	s9 =	sld [smem:$0x3FB0]  }
0x2f: {  	lr =	sadd.s32 s0, s3;
	s0 =	sld [smem:$0x3FA7]  }
0x30: {  	s3 =	sld [smem:$0x3FAA]  }
0x31: {  	[smem:$0x3FB3] =	sst s10  }
0x32: {  	s10 =	sld [smem:$0x3FB1];
	_ =	sdelay $0x3  }
0x33: {  	p0 =	seq.s32 s10, $0x1;
	s10 =	sld [smem:$0x3FB3];
	_ =	sdelay $0x3  }
0x34: {  	[smem:$0x3FB3] =	sst s10  }
0x35: {  	s10 =	sld [smem:$0x3FB2];
	_ =	sdelay $0x3  }
0x36: {  	p1 =	seq.s32 s10, $0x1;
	s10 =	sld [smem:$0x3FB3];
	_ =	sdelay $0x3  }
0x37: {  	[smem:$0x3FB3] =	sst s10  }
0x38: {  	s10 =	sld [smem:$0x3FB4]  }
0x39: {  	_ = 	snop;
	(pc) =	sbr.ind lr, $3  }
0x3a: {  	_ = 	snop  }
0x3b: {  	_ = 	snop  }
0x3c: {  	p2 =	seq.s32 s10, $0x1;
	s10 =	sld [smem:$0x3FB3]  }
0x3d: {  	_ =	shalt  }
0x3e: {  	_ =	shalt  }
0x3f: {  	_ =	shalt  }
0x40: {  	_ =	shalt  }
0x41: {  	_ =	shalt  }
0x42: {  	_ =	shalt  }
0x43: {  	_ =	shalt  }
0x44: {  	_ =	shalt  }
0x45: {  	_ =	shalt  }
0x46: {  	_ =	shalt  }
0x47: {  	_ =	shalt  }
0x48: {  	_ =	shalt  }
0x49: {  	_ =	shalt  }
0x4a: {  	_ =	shalt  }
0x4b: {  	_ =	shalt  }
0x4c: {  	_ =	shalt  }
0x4d: {  	_ =	shalt  }
0x4e: {  	_ =	shalt  }
0x4f: {  	_ =	shalt  }
0x50: {  	_ =	shalt  }
0x51: {  	_ =	shalt  }
0x52: {  	_ =	shalt  }
0x53: {  	_ =	shalt  }
0x54: {  	_ =	shalt  }
0x55: {  	_ =	shalt  }
0x56: {  	_ =	shalt  }
0x57: {  	_ =	shalt  }
0x58: {  	_ =	shalt  }
0x59: {  	_ =	shalt  }
0x5a: {  	_ =	shalt  }
0x5b: {  	_ =	shalt  }
0x5c: {  	_ =	shalt  }
0x5d: {  	_ =	shalt  }
0x5e: {  	_ =	shalt  }
0x5f: {  	_ =	shalt  }
0x60: {  	_ =	shalt  }
0x61: {  	_ =	shalt  }
0x62: {  	_ =	shalt  }
0x63: {  	_ =	shalt  }
0x64: {  	_ =	shalt  }
0x65: {  	_ =	shalt  }
0x66: {  	_ =	shalt  }
0x67: {  	_ =	shalt  }
0x68: {  	_ =	shalt  }
0x69: {  	_ =	shalt  }
0x6a: {  	_ =	shalt  }
0x6b: {  	_ =	shalt  }
0x6c: {  	_ =	shalt  }
0x6d: {  	_ =	shalt  }
0x6e: {  	_ =	shalt  }
0x6f: {  	_ =	shalt  }
0x70: {  	_ =	shalt  }
0x71: {  	_ =	shalt  }
0x72: {  	_ =	shalt  }
0x73: {  	_ =	shalt  }
0x74: {  	_ =	shalt  }
0x75: {  	_ =	shalt  }
0x76: {  	_ =	shalt  }
0x77: {  	_ =	shalt  }
0x78: {  	_ =	shalt  }
0x79: {  	_ =	shalt  }
0x7a: {  	_ =	shalt  }
0x7b: {  	_ =	shalt  }
0x7c: {  	_ =	shalt  }
0x7d: {  	_ =	shalt  }
0x7e: {  	_ =	shalt  }
0x7f: {  	_ =	shalt  }
0x80: {  	_ =	shalt  }
0x81: {  	_ =	shalt  }
0x82: {  	_ =	shalt  }
0x83: {  	_ =	shalt  }
0x84: {  	_ =	shalt  }
0x85: {  	_ =	shalt  }
0x86: {  	_ =	shalt  }
0x87: {  	_ =	shalt  }
.Lfunc_end0:
.L_simem_size_0:
called_computation.1_lowered:
.L_overlay_start_0:
0x88: {  	s2 =	sld [smem:$0x3FD9]  }
0x89: {  	s3 =	sld [smem:$0x3FFE];
	_ =	sdelay $0x1  }
0x8a: {  	s1 =	srdreg.scid  }
0x8b: {  	s0 =	sand.u32 $0x1, s1  }
0x8c: {  	s16 =	sshll.u32 s0, $0xA;
	s2 =	sadd.s32 s3, s2  }
0x8d: {  	s2 =	sadd.s32 s2, s16  }
0x8e: {  	[smem:$0x3FBF] =	sst s2  }
0x8f: {  	_ = 	snop  }
0x90: {  	(tm) =	ssettm $0x1  }
0x91: {  	s17 =	sld [smem:$0x3FFB];
	_ =	sdelay $0x3  }
0x92: {  	_ =	strace s17  }
0x93: {  	s2 =	sld [smem:$0x3FFC];
	_ =	sdelay $0x3  }
0x94: {  	_ =	strace s2  }
0x95: {  	s2 =	sld [smem:$0x3FFD];
	_ =	sdelay $0x3  }
0x96: {  	_ =	strace s2  }
0x97: {  	_ =	strace $0x8FFFFFFF  }
0x98: {  	s18 =	sld [smem:$0x3FDB];
	_ =	sdelay $0x1  }
0x99: {  	s19 =	simm.s32 $_scs_section_size  }
0x9a: {  	s4 =	simm.s32 $_size__tile_overlayer_lowered;
	s5 =	simm.s32 $_tile_overlayer_lowered  }
0x9b: {  	s22 =	simm.s32 $0x1BFF;
	s21 =	sshll.u32 s5, $0x1;
	s2 =	sadd.s32 s19, s18  }
0x9c: {  	s6 =	simm.s32 $0x0;
	s20 =	sshll.u32 s4, $0x1;
	s4 =	sadd.s32 s21, s2  }
0x9d: {  	[timem:s6], [sflag:s22] =	dma.local [hbm:s4], s20  }
0x9e: {  	_ =	swait.ge [sflag:s22], s20  }
0x9f: {  	s3 =	ssub.s32 $0x0, s20;
	[sflag:s22] =	ssyncset.done $0x0  }
0xa0: {  	[sflag:s22] =	ssyncadd.s32 s3;
	_ =	sdelay $0x1  }
0xa1: {  	s23 =	simm.s32 $0x1B8B  }
0xa2: {  	_ =	swait.ge [sflag:s23], $0x1  }
0xa3: {  	[sflag:s23] =	ssyncset.done $0x0  }
0xa4: {  	s25 =	simm.s32 $0x1B8E;
	s24 =	sld [smem:$0x3FFE];
	[sflag:s23] =	ssyncadd.s32 $0xFFFFFFFF  }
0xa5: {  	s26 =	simm.s32 $execute0_lowered;
	[smem:$0x3FD2] =	sst s25  }
0xa6: {  	s4 =	sshll.u32 s26, $0x1;
	_ =	strace $0x80000049;
	[dreg:$0x1] =	wrdreg $0xFFFFFFFF  }
0xa7: {  	s28 =	simm.s32 $_size_execute0_lowered;
	s2 =	sadd.s32 s2, s4;
	[dreg:$0x0] =	wrdreg $0x0  }
0xa8: {  	s4 =	sshll.u32 s28, $0x1;
	[dreg:$0x2] =	wrdreg s2  }
0xa9: {  	[dreg:$0x3] =	wrdreg s4  }
0xaa: {  	[dreg:$0x4] =	wrdreg $0xC0  }
0xab: {  	_ =	task [dreg:s6], $0x5FFFF  }
0xac: {  	[dreg:$0x1] =	wrdreg $0xFFFFFFFF  }
0xad: {  	[dreg:$0x0] =	wrdreg $0x60  }
0xae: {  	[dreg:$0x2] =	wrdreg s24  }
0xaf: {  	[dreg:$0x3] =	wrdreg $0xA8000  }
0xb0: {  	[dreg:$0x4] =	wrdreg $0x9  }
0xb1: {  	_ =	task.clear_ibuf [dreg:s6], $0x5FFFF;
	_ =	strace $0x90000049  }
0xb2: {  	s29 =	simm.s32 $0x9;
	_ =	strace $0x8000004B  }
0xb3: {  	_ =	swait.ge [sflag:s29], $0x1  }
0xb4: {  	[sflag:s29] =	ssyncadd.s32 $0xFFFFFFFF  }
0xb5: {  	_ =	strace $0x9000004B  }
0xb6: {  	_ =	sfence  }
0xb7: {  	s30 =	sld [smem:$0x0];
	_ =	sdelay $0x2  }
0xb8: {  	s31 =	sshll.u32 s1, $0xD;
	s1 =	sshrl.u32 s1, $0x2  }
0xb9: {  	s3 =	sand.u32 $0x4000, s31;
	s1 =	sadd.s32 s1, s30  }
0xba: {  	s0 =	sor.u32 s3, s0;
	s1 =	sshll.u32 s1, $0x11  }
0xbb: {  	s0 =	sor.u32 s1, s0  }
0xbc: {  	s0 =	sadd.s32 $0x8F2B, s0  }
0xbd: {  	[sflag:s0] =	ssyncadd.remote.s32 $0x1  }
0xbe: {  	_ =	sfence.sel $0xFFFF  }
0xbf: {  	[dreg:$0x0] =	wrdreg $0xFFFFFFFF;
	(pc) =	sbr.abs _section_cstart, $3  }
0xc0: {  	[dreg:$0x1] =	wrdreg $0xFFFFFFFF  }
0xc1: {  	_ =	task.clear_ibuf [dreg:s6], $0x2FFFF;
	_ =	strace $0x9FFFFFFF  }
0xc2: {  	(tm) =	ssettm $0x7FFFFFFF  }
0xc3: {  	_ =	shalt  }
tec
execute0_lowered:
.L_overlay_start_1:
0x0: {  	(tag) =	ssettag $0x1  }
0x1: {  	s5 =	rddreg [dreg:$0x0]  }
0x2: {  	s1 =	rddreg [dreg:$0x1]  }
0x3: {  	s0 =	rddreg [dreg:$0x2]  }
0x4: {  	s3 =	simm.s32 $0x0;
	s2 =	stileid.u32;
	s6 =	srdreg.scid  }
0x5: {  	s16 =	simm.s32 $0x8EE00;
	s17 =	simm.s32 $0x2800;
	s18 =	simm.s32 $0x6800  }
0x6: {  	s19 =	simm.s32 $0x1;
	s20 =	simm.s32 $0x2;
	s21 =	simm.s32 $0x2700  }
0x7: {  	s22 =	simm.s32 $0x2780;
	s23 =	simm.s32 $0x0;
	[smem:$0x7FF] =	sst s3  }
0x8: {  	s4 =	sadd.s32 $0x40400, s5;
	s10 =	sadd.s32 $0x4C00, s5;
	s7 =	smul.u32 $0x2780, s2  }
0x9: {  	s11 =	sand.u32 $0x1, s6;
	s9 =	sadd.s32 $0xEC00, s5;
	s26 =	smul.u32 $0x4F000, s2  }
0xa: {  	s31 =	sshll.u32 s2, $0x6;
	_ =	strace $0x8000004A;
	s8 =	sshll.u32 s11, $0x4  }
0xb: {  	s28 =	ssub.s32 $0x2, s11;
	p0 =	seq.s32 s11, $0x1;
	s12 =	sadd.s32 s7, s5  }
0xc: {  	s29 =	sor.u32 s2, s8;
	s30 =	sshrl.u32 s28, $0x1;
	s6 =	sshrl.u32 s26, $0x2  }
0xd: {  	s16 =	simm.s32 @!p0 $0x67600;
	s7 =	smul.u32 $0x2800, s29;
	s13 =	ssub.s32 s28, s30  }
0xe: {  	s14 =	sadd.s32 s6, s1;
	s5 =	sadd.s32 $0x18C00, s12;
	s6 =	sor.u32 $0x1C03, s31  }
0xf: {  	s12 =	sadd.s32 s16, s12;
	s16 =	simm.s32 $0x80;
	s11 =	smax.u32 s13, $0x1  }
0x10: {  	s13 =	sshrl.u32 s14, $0x3;
	s14 =	simm.s32 $0x3;
	s15 =	sshrl.u32 s7, $0x3  }
0x11: {  	s7 =	sadd.s32 s9, s15;
	s8 =	sadd.s32 s10, s15;
	s15 =	sadd.s32 $0x280, s15  }
0x12: {  	s9 =	sadd.s32 s9, s15;
	s10 =	sadd.s32 s10, s15;
	s15 =	simm.s32 $0x1400  }
.LBB2_1:
0x13: {  	[spmem:s13], [sflag:s6] =	dma.local [hbm:s5], $0x2780  }
0x14: {  	_ =	swait.ge [sflag:s14], $0x2780  }
0x15: {  	[sflag:s14] =	ssyncset.done $0x0  }
0x16: {  	[sflag:s14] =	ssyncadd.s32 $0xFFFFD880  }
0x17: {  	[bflag:$0x0] =	sbarrier.arrive $0xFFFF  }
0x18: {  	[tilespmem:s15], [sflag:$0x3] =	stream.linear.gather [hbm4b:s7+s3], $0x1400, $0x38;
	[tilespmem:$0x1E400] =	vst v63  }
0x19: {  	_ =	swait.ge [sflag:s14], $0x1400  }
0x1a: {  	[sflag:s14] =	ssyncset.done $0x0  }
0x1b: {  	[sflag:s14] =	ssyncadd.s32 $0xFFFFEC00  }
0x1c: {  	[tilespmem:s3], [sflag:$0x3] =	stream.linear.gather [hbm4b:s8+s3], $0x1400, $0x38;
	[tilespmem:$0x1E400] =	vst v63  }
0x1d: {  	_ =	swait.ge [sflag:s14], $0x1400  }
0x1e: {  	[sflag:s14] =	ssyncset.done $0x0  }
0x1f: {  	[sflag:s14] =	ssyncadd.s32 $0xFFFFEC00  }
0x20: {  	[tilespmem:s17], [sflag:$0x1] =	stream.indirect.gather [hbm4b:s4+s16], $0x80, s3, s16, $0xb8;
	[tilespmem:$0x1E400] =	vst v63  }
0x21: {  	_ = 	snop  }
0x22: {  	[tilespmem:s18], [sflag:$0x2] =	stream.indirect.gather [hbm4b:s4+s16], $0x80, s16, s16, $0xb8;
	[tilespmem:$0x1E400] =	vst v63  }
0x23: {  	_ =	swait.ge [sflag:s19], $0x4000  }
0x24: {  	[sflag:s19] =	ssyncset.done $0x0  }
0x25: {  	s24 =	simm.s32 $0x1400;
	[sflag:s19] =	ssyncadd.s32 $0xFFFFC000  }
0x26: {  	[spmem:s1] =	stream.indirect.scatter.add.f32 [tilespmem:s17], [sflag:$0x3], $0x80, s24, s16, $0xb8;
	[tilespmem:$0x1E400] =	vst v63  }
0x27: {  	_ =	swait.ge [sflag:s14], $0x4000  }
0x28: {  	[sflag:s14] =	ssyncset.done $0x0  }
0x29: {  	s30 =	simm.s32 $0x100;
	[sflag:s14] =	ssyncadd.s32 $0xFFFFC000  }
0x2a: {  	[tilespmem:s17], [sflag:$0x1] =	stream.indirect.gather [hbm4b:s4+s16], $0x80, s30, s16, $0xb8;
	[tilespmem:$0x1E400] =	vst v63  }
0x2b: {  	_ =	swait.ge [sflag:s20], $0x4000  }
0x2c: {  	[sflag:s20] =	ssyncset.done $0x0  }
0x2d: {  	s31 =	simm.s32 $0x1480;
	[sflag:s20] =	ssyncadd.s32 $0xFFFFC000  }
0x2e: {  	[spmem:s1] =	stream.indirect.scatter.add.f32 [tilespmem:s18], [sflag:$0x3], $0x80, s31, s16, $0xb8;
	[tilespmem:$0x1E400] =	vst v63  }
0x2f: {  	_ =	swait.ge [sflag:s14], $0x4000  }
0x30: {  	[sflag:s14] =	ssyncset.done $0x0  }
0x31: {  	s25 =	simm.s32 $0x180;
	s24 =	simm.s32 $0x400;
	[sflag:s14] =	ssyncadd.s32 $0xFFFFC000  }
.LBB2_2:
0x32: {  	[tilespmem:s18], [sflag:$0x2] =	stream.indirect.gather [hbm4b:s4+s16], $0x80, s25, s16, $0xb8;
	[tilespmem:$0x1E400] =	vst v63  }
0x33: {  	s25 =	smov.u32 s24  }
0x34: {  	p0 =	sne.s32 s24, $0x4800;
	s24 =	sadd.s32 $0x400, s24;
	_ =	swait.ge [sflag:s19], $0x4000  }
0x35: {  	s25 =	sshra.s32 s25, $0x2;
	[sflag:s19] =	ssyncset.done $0x0  }
0x36: {  	s26 =	sadd.s32 $0x1400, s25;
	[sflag:s19] =	ssyncadd.s32 $0xFFFFC000  }
0x37: {  	[spmem:s1] =	stream.indirect.scatter.add.f32 [tilespmem:s17], [sflag:$0x3], $0x80, s26, s16, $0xb8;
	[tilespmem:$0x1E400] =	vst v63  }
0x38: {  	_ =	swait.ge [sflag:s14], $0x4000  }
0x39: {  	[sflag:s14] =	ssyncset.done $0x0  }
0x3a: {  	s26 =	sadd.s32 $0x100, s25;
	[sflag:s14] =	ssyncadd.s32 $0xFFFFC000  }
0x3b: {  	[tilespmem:s17], [sflag:$0x1] =	stream.indirect.gather [hbm4b:s4+s16], $0x80, s26, s16, $0xb8;
	[tilespmem:$0x1E400] =	vst v63  }
0x3c: {  	_ =	swait.ge [sflag:s20], $0x4000  }
0x3d: {  	[sflag:s20] =	ssyncset.done $0x0  }
.Ltmp0:
0x3e: {  	s26 =	sadd.s32 $0x1480, s25;
	[sflag:s20] =	ssyncadd.s32 $0xFFFFC000;
	(pc) =	sbr.rel @p0 .LBB2_2-.Ltmp0, $4  }
0x3f: {  	[spmem:s1] =	stream.indirect.scatter.add.f32 [tilespmem:s18], [sflag:$0x3], $0x80, s26, s16, $0xb8;
	[tilespmem:$0x1E400] =	vst v63  }
0x40: {  	_ =	swait.ge [sflag:s14], $0x4000  }
0x41: {  	[sflag:s14] =	ssyncset.done $0x0  }
0x42: {  	s25 =	sadd.s32 $0x180, s25;
	[sflag:s14] =	ssyncadd.s32 $0xFFFFC000  }
0x43: {  	[tilespmem:s18], [sflag:$0x2] =	stream.indirect.gather [hbm4b:s4+s16], $0x80, s25, s16, $0xb8;
	[tilespmem:$0x1E400] =	vst v63  }
0x44: {  	_ =	swait.ge [sflag:s19], $0x4000  }
0x45: {  	[sflag:s19] =	ssyncset.done $0x0  }
0x46: {  	[sflag:s19] =	ssyncadd.s32 $0xFFFFC000  }
0x47: {  	[spmem:s1] =	stream.indirect.scatter.add.f32 [tilespmem:s17], [sflag:$0x3], $0x80, s21, s16, $0xb8;
	[tilespmem:$0x1E400] =	vst v63  }
0x48: {  	_ =	swait.ge [sflag:s14], $0x4000  }
0x49: {  	[sflag:s14] =	ssyncset.done $0x0  }
0x4a: {  	[sflag:s14] =	ssyncadd.s32 $0xFFFFC000  }
0x4b: {  	_ =	swait.ge [sflag:s20], $0x4000  }
0x4c: {  	[sflag:s20] =	ssyncset.done $0x0  }
0x4d: {  	[sflag:s20] =	ssyncadd.s32 $0xFFFFC000  }
0x4e: {  	[spmem:s1] =	stream.indirect.scatter.add.f32 [tilespmem:s18], [sflag:$0x3], $0x80, s22, s16, $0xb8;
	[tilespmem:$0x1E400] =	vst v63  }
0x4f: {  	_ =	swait.ge [sflag:s14], $0x4000  }
0x50: {  	[sflag:s14] =	ssyncset.done $0x0  }
0x51: {  	s24 =	simm.s32 $0x0;
	[sflag:s14] =	ssyncadd.s32 $0xFFFFC000  }
0x52: {  	[tilespmem:s15], [sflag:$0x3] =	stream.linear.gather [hbm4b:s9+s24], $0x1400, $0x38;
	[tilespmem:$0x1E400] =	vst v63  }
0x53: {  	_ =	swait.ge [sflag:s14], $0x1400  }
0x54: {  	[sflag:s14] =	ssyncset.done $0x0  }
0x55: {  	[sflag:s14] =	ssyncadd.s32 $0xFFFFEC00  }
0x56: {  	[tilespmem:s24], [sflag:$0x3] =	stream.linear.gather [hbm4b:s10+s24], $0x1400, $0x38;
	[tilespmem:$0x1E400] =	vst v63  }
0x57: {  	_ =	swait.ge [sflag:s14], $0x1400  }
0x58: {  	[sflag:s14] =	ssyncset.done $0x0  }
0x59: {  	[sflag:s14] =	ssyncadd.s32 $0xFFFFEC00  }
0x5a: {  	[tilespmem:s17], [sflag:$0x1] =	stream.indirect.gather [hbm4b:s4+s16], $0x80, s24, s16, $0xb8;
	[tilespmem:$0x1E400] =	vst v63  }
0x5b: {  	_ = 	snop  }
0x5c: {  	[tilespmem:s18], [sflag:$0x2] =	stream.indirect.gather [hbm4b:s4+s16], $0x80, s16, s16, $0xb8;
	[tilespmem:$0x1E400] =	vst v63  }
0x5d: {  	_ =	swait.ge [sflag:s19], $0x4000  }
0x5e: {  	[sflag:s19] =	ssyncset.done $0x0  }
0x5f: {  	s29 =	simm.s32 $0x1400;
	[sflag:s19] =	ssyncadd.s32 $0xFFFFC000  }
0x60: {  	[spmem:s1] =	stream.indirect.scatter.add.f32 [tilespmem:s17], [sflag:$0x3], $0x80, s29, s16, $0xb8;
	[tilespmem:$0x1E400] =	vst v63  }
0x61: {  	_ =	swait.ge [sflag:s14], $0x4000  }
0x62: {  	[sflag:s14] =	ssyncset.done $0x0  }
0x63: {  	s30 =	simm.s32 $0x100;
	[sflag:s14] =	ssyncadd.s32 $0xFFFFC000  }
0x64: {  	[tilespmem:s17], [sflag:$0x1] =	stream.indirect.gather [hbm4b:s4+s16], $0x80, s30, s16, $0xb8;
	[tilespmem:$0x1E400] =	vst v63  }
0x65: {  	_ =	swait.ge [sflag:s20], $0x4000  }
0x66: {  	[sflag:s20] =	ssyncset.done $0x0  }
0x67: {  	s31 =	simm.s32 $0x1480;
	[sflag:s20] =	ssyncadd.s32 $0xFFFFC000  }
0x68: {  	[spmem:s1] =	stream.indirect.scatter.add.f32 [tilespmem:s18], [sflag:$0x3], $0x80, s31, s16, $0xb8;
	[tilespmem:$0x1E400] =	vst v63  }
0x69: {  	_ =	swait.ge [sflag:s14], $0x4000  }
0x6a: {  	[sflag:s14] =	ssyncset.done $0x0  }
0x6b: {  	s25 =	simm.s32 $0x180;
	s24 =	simm.s32 $0x400;
	[sflag:s14] =	ssyncadd.s32 $0xFFFFC000  }
.LBB2_4:
0x6c: {  	[tilespmem:s18], [sflag:$0x2] =	stream.indirect.gather [hbm4b:s4+s16], $0x80, s25, s16, $0xb8;
	[tilespmem:$0x1E400] =	vst v63  }
0x6d: {  	s25 =	smov.u32 s24  }
0x6e: {  	p0 =	sne.s32 s24, $0x4800;
	s24 =	sadd.s32 $0x400, s24;
	_ =	swait.ge [sflag:s19], $0x4000  }
0x6f: {  	s25 =	sshra.s32 s25, $0x2;
	[sflag:s19] =	ssyncset.done $0x0  }
0x70: {  	s26 =	sadd.s32 $0x1400, s25;
	[sflag:s19] =	ssyncadd.s32 $0xFFFFC000  }
0x71: {  	[spmem:s1] =	stream.indirect.scatter.add.f32 [tilespmem:s17], [sflag:$0x3], $0x80, s26, s16, $0xb8;
	[tilespmem:$0x1E400] =	vst v63  }
0x72: {  	_ =	swait.ge [sflag:s14], $0x4000  }
0x73: {  	[sflag:s14] =	ssyncset.done $0x0  }
0x74: {  	s26 =	sadd.s32 $0x100, s25;
	[sflag:s14] =	ssyncadd.s32 $0xFFFFC000  }
0x75: {  	[tilespmem:s17], [sflag:$0x1] =	stream.indirect.gather [hbm4b:s4+s16], $0x80, s26, s16, $0xb8;
	[tilespmem:$0x1E400] =	vst v63  }
0x76: {  	_ =	swait.ge [sflag:s20], $0x4000  }
0x77: {  	[sflag:s20] =	ssyncset.done $0x0  }
.Ltmp1:
0x78: {  	s26 =	sadd.s32 $0x1480, s25;
	[sflag:s20] =	ssyncadd.s32 $0xFFFFC000;
	(pc) =	sbr.rel @p0 .LBB2_4-.Ltmp1, $4  }
0x79: {  	[spmem:s1] =	stream.indirect.scatter.add.f32 [tilespmem:s18], [sflag:$0x3], $0x80, s26, s16, $0xb8;
	[tilespmem:$0x1E400] =	vst v63  }
0x7a: {  	_ =	swait.ge [sflag:s14], $0x4000  }
0x7b: {  	[sflag:s14] =	ssyncset.done $0x0  }
0x7c: {  	s25 =	sadd.s32 $0x180, s25;
	[sflag:s14] =	ssyncadd.s32 $0xFFFFC000  }
0x7d: {  	[tilespmem:s18], [sflag:$0x2] =	stream.indirect.gather [hbm4b:s4+s16], $0x80, s25, s16, $0xb8;
	[tilespmem:$0x1E400] =	vst v63  }
0x7e: {  	_ =	swait.ge [sflag:s19], $0x4000  }
0x7f: {  	[sflag:s19] =	ssyncset.done $0x0  }
0x80: {  	[sflag:s19] =	ssyncadd.s32 $0xFFFFC000  }
0x81: {  	[spmem:s1] =	stream.indirect.scatter.add.f32 [tilespmem:s17], [sflag:$0x3], $0x80, s21, s16, $0xb8;
	[tilespmem:$0x1E400] =	vst v63  }
0x82: {  	_ =	swait.ge [sflag:s14], $0x4000  }
0x83: {  	[sflag:s14] =	ssyncset.done $0x0  }
0x84: {  	[sflag:s14] =	ssyncadd.s32 $0xFFFFC000  }
0x85: {  	_ =	swait.ge [sflag:s20], $0x4000  }
0x86: {  	[sflag:s20] =	ssyncset.done $0x0  }
0x87: {  	[sflag:s20] =	ssyncadd.s32 $0xFFFFC000  }
0x88: {  	[spmem:s1] =	stream.indirect.scatter.add.f32 [tilespmem:s18], [sflag:$0x3], $0x80, s22, s16, $0xb8;
	[tilespmem:$0x1E400] =	vst v63  }
0x89: {  	_ =	swait.ge [sflag:s14], $0x4000  }
0x8a: {  	s23 =	sadd.s32 $0x1, s23;
	[sflag:s14] =	ssyncset.done $0x0  }
0x8b: {  	p0 =	sne.s32 s23, s11;
	[sflag:s14] =	ssyncadd.s32 $0xFFFFC000  }
.Ltmp2:
0x8c: {  	[bflag:$0x0] =	sbarrier.arrive $0xFFFF;
	(pc) =	sbr.rel @p0 .LBB2_1-.Ltmp2, $4  }
0x8d: {  	[hbm:s12], [sflag:s6] =	dma.local [spmem:s13], $0x2780  }
0x8e: {  	_ =	swait.ge [sflag:s14], $0x2780  }
0x8f: {  	[sflag:s14] =	ssyncset.done $0x0  }
0x90: {  	[sflag:s14] =	ssyncadd.s32 $0xFFFFD880  }
0x91: {  	_ =	sfence.sel $0x180000  }
0x92: {  	[bflag:$0x0] =	sbarrier.arrive $0xFFFF  }
0x93: {  	p0 =	sne.s32 s2, $0x0;
	_ =	strace $0x9000004A  }
0x94: {  	s0 =	sadd.s32 @!p0 $0x100000, s0;
	[bflag:$0x2] =	sbarrier.arrive $0xFFFF  }
0x95: {  	[sflag:s0] =	ssyncadd.tile.s32 @!p0 $0x1;
	_ =	shalt  }
.Lfunc_end2:
_tile_overlayer_lowered:
.L_overlay_start_2:
0x96: {  	(tag) =	ssettag $0x2  }
0x97: {  	s0 =	rddreg [dreg:$0x0];
	s2 =	stileid.u32  }
0x98: {  	s1 =	rddreg [dreg:$0x1];
	p0 =	sne.s32 s2, $0x0  }
0x99: {  	s3 =	rddreg [dreg:$0x2];
	[bflag:$0x3] =	sbarrier.arrive $0xFFFF;
	s2 =	simm.s32 @!p0 $0x1C03  }
0x9a: {  	[timem:s3], [sflag:s2] =	dma.local @!p0 [hbm:s0], s1  }
0x9b: {  	s0 =	simm.s32 @!p0 $0x3  }
0x9c: {  	_ =	swait.ge @!p0 [sflag:s0], s1  }
0x9d: {  	s1 =	ssub.s32 @!p0 $0x0, s1;
	[sflag:s0] =	ssyncset.done @!p0 $0x0  }
0x9e: {  	[sflag:s0] =	ssyncadd.s32 @!p0 s1  }
0x9f: {  	[bflag:$0x3] =	sbarrier.arrive $0xFFFF  }
0xa0: {  	_ =	shalt  }

// kernel: kernel.19.cloned.1.call-start
scs
__scs_entry_jumppad:
0x0: {  	(pc) =	sbr.rel $0x88, $3  }
0x1: {  	(tag) =	ssettag $0x0;
	lr =	simm.s32 $0x1  }
0x2: {  	[smem:$0x3F98] =	sst lr;
	_ =	strace $0xD0000000  }
0x3: {  	_ = 	snop  }
0x4: {  	_ = 	snop  }
0x5: {  	_ = 	snop  }
0x6: {  	_ = 	snop  }
0x7: {  	_ = 	snop  }
__scs_overlays_trampoline_lowered:
0x8: {  	[smem:$0x3FA7] =	sst s0  }
0x9: {  	[smem:$0x3FA8] =	sst s1  }
0xa: {  	[smem:$0x3FA9] =	sst s2  }
0xb: {  	[smem:$0x3FAA] =	sst s3  }
0xc: {  	[smem:$0x3FAB] =	sst s4  }
0xd: {  	[smem:$0x3FAC] =	sst s5  }
0xe: {  	[smem:$0x3FAD] =	sst s6  }
0xf: {  	[smem:$0x3FAE] =	sst s7  }
0x10: {  	[smem:$0x3FAF] =	sst s8  }
0x11: {  	[smem:$0x3FB0] =	sst s9;
	s0 =	simm.s32 @!p0 $0x0  }
0x12: {  	s1 =	sld [smem:$0x3F96];
	s0 =	simm.s32 @p0 $0x1  }
0x13: {  	[smem:$0x3FB1] =	sst s0;
	s0 =	simm.s32 @!p1 $0x0  }
0x14: {  	s2 =	sld [smem:$0x3F95];
	s0 =	simm.s32 @p1 $0x1  }
0x15: {  	[smem:$0x3FB2] =	sst s0;
	s0 =	simm.s32 @!p2 $0x0  }
0x16: {  	s3 =	sld [smem:$0x3FDB];
	s0 =	simm.s32 @p2 $0x1  }
0x17: {  	s4 =	simm.s32 $0x1BF5;
	[smem:$0x3FB4] =	sst s0  }
0x18: {  	s0 =	sld [smem:$0x3F97];
	_ =	swait.ge [sflag:s4], $0x0  }
0x19: {  	s7 =	sld [smem:$0x3F98]  }
0x1a: {  	s8 =	sadd.s32 $0xFFFFE003, lr  }
0x1b: {  	s9 =	sadd.s32 $0xFFFFFEF7, lr;
	s5 =	simm.s32 $0xFFFFFFFF;
	p2 =	slt.u32 s8, $0xFFFFF086  }
0x1c: {  	p1 =	slt.u32 s9, $0xF7A;
	s5 =	simm.s32 @!p2 $0x0  }
0x1d: {  	s5 =	simm.s32 @p1 $0x1;
	p0 =	seq.s32 s7, s2  }
0x1e: {  	s7 =	smul.u32 @!p0 $0xF7A, s2;
	p2 =	seq.s32 @!p0 s5, $0x0  }
0x1f: {  	s9 =	smul.u32 $0xF7A, s1;
	s8 =	simm.s32 @!p0 $0x1BF5;
	p2 =	por !p2, p0  }
0x20: {  	[sflag:s8] =	ssyncset.s32 @!p0 $0xFFFFF086;
	s6 =	sadd.s32 @!p0 s3, s7;
	s7 =	simm.s32 @!p0 $0x108  }
0x21: {  	s3 =	sadd.s32 s3, s9;
	s6 =	sadd.s32 @!p0 $0x88, s6;
	s7 =	simm.s32 @p2 $0x1082  }
0x22: {  	[simem:s7], [sflag:s8] =	dma.local @!p0 [hbm:s6], $0xF7A  }
0x23: {  	s9 =	sor.u32 $0xD0000000, s2;
	s6 =	simm.s32 $0x108;
	_ =	swait.ge @!p0 [sflag:s8], $0x0  }
0x24: {  	s3 =	sadd.s32 $0x88, s3;
	s6 =	simm.s32 @!p1 $0x1082;
	[sflag:s4] =	ssyncset.s32 $0xFFFFF086  }
0x25: {  	[simem:s6], [sflag:s4] =	dma.local [hbm:s3], $0xF7A  }
0x26: {  	[smem:$0x3F98] =	sst s1;
	(tag) =	ssettag s2;
	_ =	strace s9  }
0x27: {  	s1 =	sld [smem:$0x3FA8]  }
0x28: {  	s2 =	sld [smem:$0x3FA9]  }
0x29: {  	s4 =	sld [smem:$0x3FAB]  }
0x2a: {  	p0 =	seq.s32 s5, $0x0;
	s5 =	sld [smem:$0x3FAC]  }
0x2b: {  	s6 =	sld [smem:$0x3FAD]  }
0x2c: {  	s7 =	sld [smem:$0x3FAE]  }
0x2d: {  	s3 =	simm.s32 $0x108;
	s8 =	sld [smem:$0x3FAF]  }
0x2e: {  	s3 =	simm.s32 @!p0 $0x1082;
	s9 =	sld [smem:$0x3FB0]  }
0x2f: {  	lr =	sadd.s32 s0, s3;
	s0 =	sld [smem:$0x3FA7]  }
0x30: {  	s3 =	sld [smem:$0x3FAA]  }
0x31: {  	[smem:$0x3FB3] =	sst s10  }
0x32: {  	s10 =	sld [smem:$0x3FB1];
	_ =	sdelay $0x3  }
0x33: {  	p0 =	seq.s32 s10, $0x1;
	s10 =	sld [smem:$0x3FB3];
	_ =	sdelay $0x3  }
0x34: {  	[smem:$0x3FB3] =	sst s10  }
0x35: {  	s10 =	sld [smem:$0x3FB2];
	_ =	sdelay $0x3  }
0x36: {  	p1 =	seq.s32 s10, $0x1;
	s10 =	sld [smem:$0x3FB3];
	_ =	sdelay $0x3  }
0x37: {  	[smem:$0x3FB3] =	sst s10  }
0x38: {  	s10 =	sld [smem:$0x3FB4]  }
0x39: {  	_ = 	snop;
	(pc) =	sbr.ind lr, $3  }
0x3a: {  	_ = 	snop  }
0x3b: {  	_ = 	snop  }
0x3c: {  	p2 =	seq.s32 s10, $0x1;
	s10 =	sld [smem:$0x3FB3]  }
0x3d: {  	_ =	shalt  }
0x3e: {  	_ =	shalt  }
0x3f: {  	_ =	shalt  }
0x40: {  	_ =	shalt  }
0x41: {  	_ =	shalt  }
0x42: {  	_ =	shalt  }
0x43: {  	_ =	shalt  }
0x44: {  	_ =	shalt  }
0x45: {  	_ =	shalt  }
0x46: {  	_ =	shalt  }
0x47: {  	_ =	shalt  }
0x48: {  	_ =	shalt  }
0x49: {  	_ =	shalt  }
0x4a: {  	_ =	shalt  }
0x4b: {  	_ =	shalt  }
0x4c: {  	_ =	shalt  }
0x4d: {  	_ =	shalt  }
0x4e: {  	_ =	shalt  }
0x4f: {  	_ =	shalt  }
0x50: {  	_ =	shalt  }
0x51: {  	_ =	shalt  }
0x52: {  	_ =	shalt  }
0x53: {  	_ =	shalt  }
0x54: {  	_ =	shalt  }
0x55: {  	_ =	shalt  }
0x56: {  	_ =	shalt  }
0x57: {  	_ =	shalt  }
0x58: {  	_ =	shalt  }
0x59: {  	_ =	shalt  }
0x5a: {  	_ =	shalt  }
0x5b: {  	_ =	shalt  }
0x5c: {  	_ =	shalt  }
0x5d: {  	_ =	shalt  }
0x5e: {  	_ =	shalt  }
0x5f: {  	_ =	shalt  }
0x60: {  	_ =	shalt  }
0x61: {  	_ =	shalt  }
0x62: {  	_ =	shalt  }
0x63: {  	_ =	shalt  }
0x64: {  	_ =	shalt  }
0x65: {  	_ =	shalt  }
0x66: {  	_ =	shalt  }
0x67: {  	_ =	shalt  }
0x68: {  	_ =	shalt  }
0x69: {  	_ =	shalt  }
0x6a: {  	_ =	shalt  }
0x6b: {  	_ =	shalt  }
0x6c: {  	_ =	shalt  }
0x6d: {  	_ =	shalt  }
0x6e: {  	_ =	shalt  }
0x6f: {  	_ =	shalt  }
0x70: {  	_ =	shalt  }
0x71: {  	_ =	shalt  }
0x72: {  	_ =	shalt  }
0x73: {  	_ =	shalt  }
0x74: {  	_ =	shalt  }
0x75: {  	_ =	shalt  }
0x76: {  	_ =	shalt  }
0x77: {  	_ =	shalt  }
0x78: {  	_ =	shalt  }
0x79: {  	_ =	shalt  }
0x7a: {  	_ =	shalt  }
0x7b: {  	_ =	shalt  }
0x7c: {  	_ =	shalt  }
0x7d: {  	_ =	shalt  }
0x7e: {  	_ =	shalt  }
0x7f: {  	_ =	shalt  }
0x80: {  	_ =	shalt  }
0x81: {  	_ =	shalt  }
0x82: {  	_ =	shalt  }
0x83: {  	_ =	shalt  }
0x84: {  	_ =	shalt  }
0x85: {  	_ =	shalt  }
0x86: {  	_ =	shalt  }
0x87: {  	_ =	shalt  }
.Lfunc_end0:
.L_simem_size_0:
called_computation.2_lowered:
.L_overlay_start_0:
0x88: {  	s2 =	sld [smem:$0x3FD9]  }
0x89: {  	s3 =	sld [smem:$0x3FFE];
	_ =	sdelay $0x1  }
0x8a: {  	s1 =	srdreg.scid  }
0x8b: {  	s0 =	sand.u32 $0x1, s1  }
0x8c: {  	s16 =	sshll.u32 s0, $0xA;
	s2 =	sadd.s32 s3, s2  }
0x8d: {  	s2 =	sadd.s32 s2, s16  }
0x8e: {  	[smem:$0x3FBF] =	sst s2  }
0x8f: {  	_ = 	snop  }
0x90: {  	(tm) =	ssettm $0x1  }
0x91: {  	s17 =	sld [smem:$0x3FFB];
	_ =	sdelay $0x3  }
0x92: {  	_ =	strace s17  }
0x93: {  	s2 =	sld [smem:$0x3FFC];
	_ =	sdelay $0x3  }
0x94: {  	_ =	strace s2  }
0x95: {  	s2 =	sld [smem:$0x3FFD];
	_ =	sdelay $0x3  }
0x96: {  	_ =	strace s2  }
0x97: {  	_ =	strace $0x8FFFFFFF  }
0x98: {  	s18 =	sld [smem:$0x3FDB];
	_ =	sdelay $0x1  }
0x99: {  	s19 =	simm.s32 $_scs_section_size  }
0x9a: {  	s4 =	simm.s32 $_size__tile_overlayer_lowered;
	s5 =	simm.s32 $_tile_overlayer_lowered  }
0x9b: {  	s22 =	simm.s32 $0x1BFF;
	s21 =	sshll.u32 s5, $0x1;
	s2 =	sadd.s32 s19, s18  }
0x9c: {  	s6 =	simm.s32 $0x0;
	s20 =	sshll.u32 s4, $0x1;
	s4 =	sadd.s32 s21, s2  }
0x9d: {  	[timem:s6], [sflag:s22] =	dma.local [hbm:s4], s20  }
0x9e: {  	_ =	swait.ge [sflag:s22], s20  }
0x9f: {  	s3 =	ssub.s32 $0x0, s20;
	[sflag:s22] =	ssyncset.done $0x0  }
0xa0: {  	[sflag:s22] =	ssyncadd.s32 s3;
	_ =	sdelay $0x1  }
0xa1: {  	s23 =	simm.s32 $0x1B8B  }
0xa2: {  	_ =	swait.ge [sflag:s23], $0x1  }
0xa3: {  	[sflag:s23] =	ssyncset.done $0x0  }
0xa4: {  	s25 =	simm.s32 $0x1B8E;
	s24 =	sld [smem:$0x3FFE];
	[sflag:s23] =	ssyncadd.s32 $0xFFFFFFFF  }
0xa5: {  	s26 =	simm.s32 $execute0_lowered;
	[smem:$0x3FD2] =	sst s25  }
0xa6: {  	s4 =	sshll.u32 s26, $0x1;
	_ =	strace $0x8000004C;
	[dreg:$0x1] =	wrdreg $0xFFFFFFFF  }
0xa7: {  	s28 =	simm.s32 $_size_execute0_lowered;
	s2 =	sadd.s32 s2, s4;
	[dreg:$0x0] =	wrdreg $0x0  }
0xa8: {  	s4 =	sshll.u32 s28, $0x1;
	[dreg:$0x2] =	wrdreg s2  }
0xa9: {  	[dreg:$0x3] =	wrdreg s4  }
0xaa: {  	[dreg:$0x4] =	wrdreg $0xC0  }
0xab: {  	_ =	task [dreg:s6], $0x5FFFF  }
0xac: {  	[dreg:$0x1] =	wrdreg $0xFFFFFFFF  }
0xad: {  	[dreg:$0x0] =	wrdreg $0x60  }
0xae: {  	[dreg:$0x2] =	wrdreg s24  }
0xaf: {  	[dreg:$0x3] =	wrdreg $0xA8000  }
0xb0: {  	[dreg:$0x4] =	wrdreg $0x9  }
0xb1: {  	_ =	task.clear_ibuf [dreg:s6], $0x5FFFF;
	_ =	strace $0x9000004C  }
0xb2: {  	s29 =	simm.s32 $0x9;
	_ =	strace $0x8000004E  }
0xb3: {  	_ =	swait.ge [sflag:s29], $0x1  }
0xb4: {  	[sflag:s29] =	ssyncadd.s32 $0xFFFFFFFF  }
0xb5: {  	_ =	strace $0x9000004E  }
0xb6: {  	_ =	sfence  }
0xb7: {  	s30 =	sld [smem:$0x0];
	_ =	sdelay $0x2  }
0xb8: {  	s31 =	sshll.u32 s1, $0xD;
	s1 =	sshrl.u32 s1, $0x2  }
0xb9: {  	s3 =	sand.u32 $0x4000, s31;
	s1 =	sadd.s32 s1, s30  }
0xba: {  	s0 =	sor.u32 s3, s0;
	s1 =	sshll.u32 s1, $0x11  }
0xbb: {  	s0 =	sor.u32 s1, s0  }
0xbc: {  	s0 =	sadd.s32 $0x8F2B, s0  }
0xbd: {  	[sflag:s0] =	ssyncadd.remote.s32 $0x1  }
0xbe: {  	_ =	sfence.sel $0xFFFF  }
0xbf: {  	[dreg:$0x0] =	wrdreg $0xFFFFFFFF;
	(pc) =	sbr.abs _section_cstart, $3  }
0xc0: {  	[dreg:$0x1] =	wrdreg $0xFFFFFFFF  }
0xc1: {  	_ =	task.clear_ibuf [dreg:s6], $0x2FFFF;
	_ =	strace $0x9FFFFFFF  }
0xc2: {  	(tm) =	ssettm $0x7FFFFFFF  }
0xc3: {  	_ =	shalt  }
tec
execute0_lowered:
.L_overlay_start_1:
0x0: {  	(tag) =	ssettag $0x1  }
0x1: {  	s5 =	rddreg [dreg:$0x0]  }
0x2: {  	s1 =	rddreg [dreg:$0x1]  }
0x3: {  	s0 =	rddreg [dreg:$0x2]  }
0x4: {  	s3 =	simm.s32 $0x0;
	s2 =	stileid.u32;
	s6 =	srdreg.scid  }
0x5: {  	s16 =	simm.s32 $0x8EE00;
	s17 =	simm.s32 $0x2800;
	s18 =	simm.s32 $0x6800  }
0x6: {  	s19 =	simm.s32 $0x1;
	s20 =	simm.s32 $0x2;
	s21 =	simm.s32 $0x2700  }
0x7: {  	s22 =	simm.s32 $0x2780;
	s23 =	simm.s32 $0x0;
	[smem:$0x7FF] =	sst s3  }
0x8: {  	s4 =	sadd.s32 $0x40400, s5;
	s10 =	sadd.s32 $0x4C00, s5;
	s7 =	smul.u32 $0x2780, s2  }
0x9: {  	s11 =	sand.u32 $0x1, s6;
	s9 =	sadd.s32 $0xEC00, s5;
	s26 =	smul.u32 $0x4F000, s2  }
0xa: {  	s31 =	sshll.u32 s2, $0x6;
	_ =	strace $0x8000004D;
	s8 =	sshll.u32 s11, $0x4  }
0xb: {  	s28 =	ssub.s32 $0x2, s11;
	p0 =	seq.s32 s11, $0x1;
	s12 =	sadd.s32 s7, s5  }
0xc: {  	s29 =	sor.u32 s2, s8;
	s30 =	sshrl.u32 s28, $0x1;
	s6 =	sshrl.u32 s26, $0x2  }
0xd: {  	s16 =	simm.s32 @!p0 $0x67600;
	s7 =	smul.u32 $0x2800, s29;
	s13 =	ssub.s32 s28, s30  }
0xe: {  	s14 =	sadd.s32 s6, s1;
	s5 =	sadd.s32 $0x18C00, s12;
	s6 =	sor.u32 $0x1C03, s31  }
0xf: {  	s12 =	sadd.s32 s16, s12;
	s16 =	simm.s32 $0x80;
	s11 =	smax.u32 s13, $0x1  }
0x10: {  	s13 =	sshrl.u32 s14, $0x3;
	s14 =	simm.s32 $0x3;
	s15 =	sshrl.u32 s7, $0x3  }
0x11: {  	s7 =	sadd.s32 s9, s15;
	s8 =	sadd.s32 s10, s15;
	s15 =	sadd.s32 $0x280, s15  }
0x12: {  	s9 =	sadd.s32 s9, s15;
	s10 =	sadd.s32 s10, s15;
	s15 =	simm.s32 $0x1400  }
.LBB2_1:
0x13: {  	[spmem:s13], [sflag:s6] =	dma.local [hbm:s5], $0x2780  }
0x14: {  	_ =	swait.ge [sflag:s14], $0x2780  }
0x15: {  	[sflag:s14] =	ssyncset.done $0x0  }
0x16: {  	[sflag:s14] =	ssyncadd.s32 $0xFFFFD880  }
0x17: {  	[bflag:$0x0] =	sbarrier.arrive $0xFFFF  }
0x18: {  	[tilespmem:s15], [sflag:$0x3] =	stream.linear.gather [hbm4b:s7+s3], $0x1400, $0x38;
	[tilespmem:$0x1E400] =	vst v63  }
0x19: {  	_ =	swait.ge [sflag:s14], $0x1400  }
0x1a: {  	[sflag:s14] =	ssyncset.done $0x0  }
0x1b: {  	[sflag:s14] =	ssyncadd.s32 $0xFFFFEC00  }
0x1c: {  	[tilespmem:s3], [sflag:$0x3] =	stream.linear.gather [hbm4b:s8+s3], $0x1400, $0x38;
	[tilespmem:$0x1E400] =	vst v63  }
0x1d: {  	_ =	swait.ge [sflag:s14], $0x1400  }
0x1e: {  	[sflag:s14] =	ssyncset.done $0x0  }
0x1f: {  	[sflag:s14] =	ssyncadd.s32 $0xFFFFEC00  }
0x20: {  	[tilespmem:s17], [sflag:$0x1] =	stream.indirect.gather [hbm4b:s4+s16], $0x80, s3, s16, $0xb8;
	[tilespmem:$0x1E400] =	vst v63  }
0x21: {  	_ = 	snop  }
0x22: {  	[tilespmem:s18], [sflag:$0x2] =	stream.indirect.gather [hbm4b:s4+s16], $0x80, s16, s16, $0xb8;
	[tilespmem:$0x1E400] =	vst v63  }
0x23: {  	_ =	swait.ge [sflag:s19], $0x4000  }
0x24: {  	[sflag:s19] =	ssyncset.done $0x0  }
0x25: {  	s24 =	simm.s32 $0x1400;
	[sflag:s19] =	ssyncadd.s32 $0xFFFFC000  }
0x26: {  	[spmem:s1] =	stream.indirect.scatter.add.f32 [tilespmem:s17], [sflag:$0x3], $0x80, s24, s16, $0xb8;
	[tilespmem:$0x1E400] =	vst v63  }
0x27: {  	_ =	swait.ge [sflag:s14], $0x4000  }
0x28: {  	[sflag:s14] =	ssyncset.done $0x0  }
0x29: {  	s30 =	simm.s32 $0x100;
	[sflag:s14] =	ssyncadd.s32 $0xFFFFC000  }
0x2a: {  	[tilespmem:s17], [sflag:$0x1] =	stream.indirect.gather [hbm4b:s4+s16], $0x80, s30, s16, $0xb8;
	[tilespmem:$0x1E400] =	vst v63  }
0x2b: {  	_ =	swait.ge [sflag:s20], $0x4000  }
0x2c: {  	[sflag:s20] =	ssyncset.done $0x0  }
0x2d: {  	s31 =	simm.s32 $0x1480;
	[sflag:s20] =	ssyncadd.s32 $0xFFFFC000  }
0x2e: {  	[spmem:s1] =	stream.indirect.scatter.add.f32 [tilespmem:s18], [sflag:$0x3], $0x80, s31, s16, $0xb8;
	[tilespmem:$0x1E400] =	vst v63  }
0x2f: {  	_ =	swait.ge [sflag:s14], $0x4000  }
0x30: {  	[sflag:s14] =	ssyncset.done $0x0  }
0x31: {  	s25 =	simm.s32 $0x180;
	s24 =	simm.s32 $0x400;
	[sflag:s14] =	ssyncadd.s32 $0xFFFFC000  }
.LBB2_2:
0x32: {  	[tilespmem:s18], [sflag:$0x2] =	stream.indirect.gather [hbm4b:s4+s16], $0x80, s25, s16, $0xb8;
	[tilespmem:$0x1E400] =	vst v63  }
0x33: {  	s25 =	smov.u32 s24  }
0x34: {  	p0 =	sne.s32 s24, $0x4800;
	s24 =	sadd.s32 $0x400, s24;
	_ =	swait.ge [sflag:s19], $0x4000  }
0x35: {  	s25 =	sshra.s32 s25, $0x2;
	[sflag:s19] =	ssyncset.done $0x0  }
0x36: {  	s26 =	sadd.s32 $0x1400, s25;
	[sflag:s19] =	ssyncadd.s32 $0xFFFFC000  }
0x37: {  	[spmem:s1] =	stream.indirect.scatter.add.f32 [tilespmem:s17], [sflag:$0x3], $0x80, s26, s16, $0xb8;
	[tilespmem:$0x1E400] =	vst v63  }
0x38: {  	_ =	swait.ge [sflag:s14], $0x4000  }
0x39: {  	[sflag:s14] =	ssyncset.done $0x0  }
0x3a: {  	s26 =	sadd.s32 $0x100, s25;
	[sflag:s14] =	ssyncadd.s32 $0xFFFFC000  }
0x3b: {  	[tilespmem:s17], [sflag:$0x1] =	stream.indirect.gather [hbm4b:s4+s16], $0x80, s26, s16, $0xb8;
	[tilespmem:$0x1E400] =	vst v63  }
0x3c: {  	_ =	swait.ge [sflag:s20], $0x4000  }
0x3d: {  	[sflag:s20] =	ssyncset.done $0x0  }
.Ltmp0:
0x3e: {  	s26 =	sadd.s32 $0x1480, s25;
	[sflag:s20] =	ssyncadd.s32 $0xFFFFC000;
	(pc) =	sbr.rel @p0 .LBB2_2-.Ltmp0, $4  }
0x3f: {  	[spmem:s1] =	stream.indirect.scatter.add.f32 [tilespmem:s18], [sflag:$0x3], $0x80, s26, s16, $0xb8;
	[tilespmem:$0x1E400] =	vst v63  }
0x40: {  	_ =	swait.ge [sflag:s14], $0x4000  }
0x41: {  	[sflag:s14] =	ssyncset.done $0x0  }
0x42: {  	s25 =	sadd.s32 $0x180, s25;
	[sflag:s14] =	ssyncadd.s32 $0xFFFFC000  }
0x43: {  	[tilespmem:s18], [sflag:$0x2] =	stream.indirect.gather [hbm4b:s4+s16], $0x80, s25, s16, $0xb8;
	[tilespmem:$0x1E400] =	vst v63  }
0x44: {  	_ =	swait.ge [sflag:s19], $0x4000  }
0x45: {  	[sflag:s19] =	ssyncset.done $0x0  }
0x46: {  	[sflag:s19] =	ssyncadd.s32 $0xFFFFC000  }
0x47: {  	[spmem:s1] =	stream.indirect.scatter.add.f32 [tilespmem:s17], [sflag:$0x3], $0x80, s21, s16, $0xb8;
	[tilespmem:$0x1E400] =	vst v63  }
0x48: {  	_ =	swait.ge [sflag:s14], $0x4000  }
0x49: {  	[sflag:s14] =	ssyncset.done $0x0  }
0x4a: {  	[sflag:s14] =	ssyncadd.s32 $0xFFFFC000  }
0x4b: {  	_ =	swait.ge [sflag:s20], $0x4000  }
0x4c: {  	[sflag:s20] =	ssyncset.done $0x0  }
0x4d: {  	[sflag:s20] =	ssyncadd.s32 $0xFFFFC000  }
0x4e: {  	[spmem:s1] =	stream.indirect.scatter.add.f32 [tilespmem:s18], [sflag:$0x3], $0x80, s22, s16, $0xb8;
	[tilespmem:$0x1E400] =	vst v63  }
0x4f: {  	_ =	swait.ge [sflag:s14], $0x4000  }
0x50: {  	[sflag:s14] =	ssyncset.done $0x0  }
0x51: {  	s24 =	simm.s32 $0x0;
	[sflag:s14] =	ssyncadd.s32 $0xFFFFC000  }
0x52: {  	[tilespmem:s15], [sflag:$0x3] =	stream.linear.gather [hbm4b:s9+s24], $0x1400, $0x38;
	[tilespmem:$0x1E400] =	vst v63  }
0x53: {  	_ =	swait.ge [sflag:s14], $0x1400  }
0x54: {  	[sflag:s14] =	ssyncset.done $0x0  }
0x55: {  	[sflag:s14] =	ssyncadd.s32 $0xFFFFEC00  }
0x56: {  	[tilespmem:s24], [sflag:$0x3] =	stream.linear.gather [hbm4b:s10+s24], $0x1400, $0x38;
	[tilespmem:$0x1E400] =	vst v63  }
0x57: {  	_ =	swait.ge [sflag:s14], $0x1400  }
0x58: {  	[sflag:s14] =	ssyncset.done $0x0  }
0x59: {  	[sflag:s14] =	ssyncadd.s32 $0xFFFFEC00  }
0x5a: {  	[tilespmem:s17], [sflag:$0x1] =	stream.indirect.gather [hbm4b:s4+s16], $0x80, s24, s16, $0xb8;
	[tilespmem:$0x1E400] =	vst v63  }
0x5b: {  	_ = 	snop  }
0x5c: {  	[tilespmem:s18], [sflag:$0x2] =	stream.indirect.gather [hbm4b:s4+s16], $0x80, s16, s16, $0xb8;
	[tilespmem:$0x1E400] =	vst v63  }
0x5d: {  	_ =	swait.ge [sflag:s19], $0x4000  }
0x5e: {  	[sflag:s19] =	ssyncset.done $0x0  }
0x5f: {  	s29 =	simm.s32 $0x1400;
	[sflag:s19] =	ssyncadd.s32 $0xFFFFC000  }
0x60: {  	[spmem:s1] =	stream.indirect.scatter.add.f32 [tilespmem:s17], [sflag:$0x3], $0x80, s29, s16, $0xb8;
	[tilespmem:$0x1E400] =	vst v63  }
0x61: {  	_ =	swait.ge [sflag:s14], $0x4000  }
0x62: {  	[sflag:s14] =	ssyncset.done $0x0  }
0x63: {  	s30 =	simm.s32 $0x100;
	[sflag:s14] =	ssyncadd.s32 $0xFFFFC000  }
0x64: {  	[tilespmem:s17], [sflag:$0x1] =	stream.indirect.gather [hbm4b:s4+s16], $0x80, s30, s16, $0xb8;
	[tilespmem:$0x1E400] =	vst v63  }
0x65: {  	_ =	swait.ge [sflag:s20], $0x4000  }
0x66: {  	[sflag:s20] =	ssyncset.done $0x0  }
0x67: {  	s31 =	simm.s32 $0x1480;
	[sflag:s20] =	ssyncadd.s32 $0xFFFFC000  }
0x68: {  	[spmem:s1] =	stream.indirect.scatter.add.f32 [tilespmem:s18], [sflag:$0x3], $0x80, s31, s16, $0xb8;
	[tilespmem:$0x1E400] =	vst v63  }
0x69: {  	_ =	swait.ge [sflag:s14], $0x4000  }
0x6a: {  	[sflag:s14] =	ssyncset.done $0x0  }
0x6b: {  	s25 =	simm.s32 $0x180;
	s24 =	simm.s32 $0x400;
	[sflag:s14] =	ssyncadd.s32 $0xFFFFC000  }
.LBB2_4:
0x6c: {  	[tilespmem:s18], [sflag:$0x2] =	stream.indirect.gather [hbm4b:s4+s16], $0x80, s25, s16, $0xb8;
	[tilespmem:$0x1E400] =	vst v63  }
0x6d: {  	s25 =	smov.u32 s24  }
0x6e: {  	p0 =	sne.s32 s24, $0x4800;
	s24 =	sadd.s32 $0x400, s24;
	_ =	swait.ge [sflag:s19], $0x4000  }
0x6f: {  	s25 =	sshra.s32 s25, $0x2;
	[sflag:s19] =	ssyncset.done $0x0  }
0x70: {  	s26 =	sadd.s32 $0x1400, s25;
	[sflag:s19] =	ssyncadd.s32 $0xFFFFC000  }
0x71: {  	[spmem:s1] =	stream.indirect.scatter.add.f32 [tilespmem:s17], [sflag:$0x3], $0x80, s26, s16, $0xb8;
	[tilespmem:$0x1E400] =	vst v63  }
0x72: {  	_ =	swait.ge [sflag:s14], $0x4000  }
0x73: {  	[sflag:s14] =	ssyncset.done $0x0  }
0x74: {  	s26 =	sadd.s32 $0x100, s25;
	[sflag:s14] =	ssyncadd.s32 $0xFFFFC000  }
0x75: {  	[tilespmem:s17], [sflag:$0x1] =	stream.indirect.gather [hbm4b:s4+s16], $0x80, s26, s16, $0xb8;
	[tilespmem:$0x1E400] =	vst v63  }
0x76: {  	_ =	swait.ge [sflag:s20], $0x4000  }
0x77: {  	[sflag:s20] =	ssyncset.done $0x0  }
.Ltmp1:
0x78: {  	s26 =	sadd.s32 $0x1480, s25;
	[sflag:s20] =	ssyncadd.s32 $0xFFFFC000;
	(pc) =	sbr.rel @p0 .LBB2_4-.Ltmp1, $4  }
0x79: {  	[spmem:s1] =	stream.indirect.scatter.add.f32 [tilespmem:s18], [sflag:$0x3], $0x80, s26, s16, $0xb8;
	[tilespmem:$0x1E400] =	vst v63  }
0x7a: {  	_ =	swait.ge [sflag:s14], $0x4000  }
0x7b: {  	[sflag:s14] =	ssyncset.done $0x0  }
0x7c: {  	s25 =	sadd.s32 $0x180, s25;
	[sflag:s14] =	ssyncadd.s32 $0xFFFFC000  }
0x7d: {  	[tilespmem:s18], [sflag:$0x2] =	stream.indirect.gather [hbm4b:s4+s16], $0x80, s25, s16, $0xb8;
	[tilespmem:$0x1E400] =	vst v63  }
0x7e: {  	_ =	swait.ge [sflag:s19], $0x4000  }
0x7f: {  	[sflag:s19] =	ssyncset.done $0x0  }
0x80: {  	[sflag:s19] =	ssyncadd.s32 $0xFFFFC000  }
0x81: {  	[spmem:s1] =	stream.indirect.scatter.add.f32 [tilespmem:s17], [sflag:$0x3], $0x80, s21, s16, $0xb8;
	[tilespmem:$0x1E400] =	vst v63  }
0x82: {  	_ =	swait.ge [sflag:s14], $0x4000  }
0x83: {  	[sflag:s14] =	ssyncset.done $0x0  }
0x84: {  	[sflag:s14] =	ssyncadd.s32 $0xFFFFC000  }
0x85: {  	_ =	swait.ge [sflag:s20], $0x4000  }
0x86: {  	[sflag:s20] =	ssyncset.done $0x0  }
0x87: {  	[sflag:s20] =	ssyncadd.s32 $0xFFFFC000  }
0x88: {  	[spmem:s1] =	stream.indirect.scatter.add.f32 [tilespmem:s18], [sflag:$0x3], $0x80, s22, s16, $0xb8;
	[tilespmem:$0x1E400] =	vst v63  }
0x89: {  	_ =	swait.ge [sflag:s14], $0x4000  }
0x8a: {  	s23 =	sadd.s32 $0x1, s23;
	[sflag:s14] =	ssyncset.done $0x0  }
0x8b: {  	p0 =	sne.s32 s23, s11;
	[sflag:s14] =	ssyncadd.s32 $0xFFFFC000  }
.Ltmp2:
0x8c: {  	[bflag:$0x0] =	sbarrier.arrive $0xFFFF;
	(pc) =	sbr.rel @p0 .LBB2_1-.Ltmp2, $4  }
0x8d: {  	[hbm:s12], [sflag:s6] =	dma.local [spmem:s13], $0x2780  }
0x8e: {  	_ =	swait.ge [sflag:s14], $0x2780  }
0x8f: {  	[sflag:s14] =	ssyncset.done $0x0  }
0x90: {  	[sflag:s14] =	ssyncadd.s32 $0xFFFFD880  }
0x91: {  	_ =	sfence.sel $0x180000  }
0x92: {  	[bflag:$0x0] =	sbarrier.arrive $0xFFFF  }
0x93: {  	p0 =	sne.s32 s2, $0x0;
	_ =	strace $0x9000004D  }
0x94: {  	s0 =	sadd.s32 @!p0 $0x100000, s0;
	[bflag:$0x2] =	sbarrier.arrive $0xFFFF  }
0x95: {  	[sflag:s0] =	ssyncadd.tile.s32 @!p0 $0x1;
	_ =	shalt  }
.Lfunc_end2:
_tile_overlayer_lowered:
.L_overlay_start_2:
0x96: {  	(tag) =	ssettag $0x2  }
0x97: {  	s0 =	rddreg [dreg:$0x0];
	s2 =	stileid.u32  }
0x98: {  	s1 =	rddreg [dreg:$0x1];
	p0 =	sne.s32 s2, $0x0  }
0x99: {  	s3 =	rddreg [dreg:$0x2];
	[bflag:$0x3] =	sbarrier.arrive $0xFFFF;
	s2 =	simm.s32 @!p0 $0x1C03  }
0x9a: {  	[timem:s3], [sflag:s2] =	dma.local @!p0 [hbm:s0], s1  }
0x9b: {  	s0 =	simm.s32 @!p0 $0x3  }
0x9c: {  	_ =	swait.ge @!p0 [sflag:s0], s1  }
0x9d: {  	s1 =	ssub.s32 @!p0 $0x0, s1;
	[sflag:s0] =	ssyncset.done @!p0 $0x0  }
0x9e: {  	[sflag:s0] =	ssyncadd.s32 @!p0 s1  }
0x9f: {  	[bflag:$0x3] =	sbarrier.arrive $0xFFFF  }
0xa0: {  	_ =	shalt  }

// kernel: kernel.22.cloned.1.call-start
scs
__scs_entry_jumppad:
0x0: {  	(pc) =	sbr.rel $0x88, $3  }
0x1: {  	(tag) =	ssettag $0x0;
	lr =	simm.s32 $0x1  }
0x2: {  	[smem:$0x3F98] =	sst lr;
	_ =	strace $0xD0000000  }
0x3: {  	_ = 	snop  }
0x4: {  	_ = 	snop  }
0x5: {  	_ = 	snop  }
0x6: {  	_ = 	snop  }
0x7: {  	_ = 	snop  }
__scs_overlays_trampoline_lowered:
0x8: {  	[smem:$0x3FA7] =	sst s0  }
0x9: {  	[smem:$0x3FA8] =	sst s1  }
0xa: {  	[smem:$0x3FA9] =	sst s2  }
0xb: {  	[smem:$0x3FAA] =	sst s3  }
0xc: {  	[smem:$0x3FAB] =	sst s4  }
0xd: {  	[smem:$0x3FAC] =	sst s5  }
0xe: {  	[smem:$0x3FAD] =	sst s6  }
0xf: {  	[smem:$0x3FAE] =	sst s7  }
0x10: {  	[smem:$0x3FAF] =	sst s8  }
0x11: {  	[smem:$0x3FB0] =	sst s9;
	s0 =	simm.s32 @!p0 $0x0  }
0x12: {  	s1 =	sld [smem:$0x3F96];
	s0 =	simm.s32 @p0 $0x1  }
0x13: {  	[smem:$0x3FB1] =	sst s0;
	s0 =	simm.s32 @!p1 $0x0  }
0x14: {  	s2 =	sld [smem:$0x3F95];
	s0 =	simm.s32 @p1 $0x1  }
0x15: {  	[smem:$0x3FB2] =	sst s0;
	s0 =	simm.s32 @!p2 $0x0  }
0x16: {  	s3 =	sld [smem:$0x3FDB];
	s0 =	simm.s32 @p2 $0x1  }
0x17: {  	s4 =	simm.s32 $0x1BF5;
	[smem:$0x3FB4] =	sst s0  }
0x18: {  	s0 =	sld [smem:$0x3F97];
	_ =	swait.ge [sflag:s4], $0x0  }
0x19: {  	s7 =	sld [smem:$0x3F98]  }
0x1a: {  	s8 =	sadd.s32 $0xFFFFE003, lr  }
0x1b: {  	s9 =	sadd.s32 $0xFFFFFEF7, lr;
	s5 =	simm.s32 $0xFFFFFFFF;
	p2 =	slt.u32 s8, $0xFFFFF086  }
0x1c: {  	p1 =	slt.u32 s9, $0xF7A;
	s5 =	simm.s32 @!p2 $0x0  }
0x1d: {  	s5 =	simm.s32 @p1 $0x1;
	p0 =	seq.s32 s7, s2  }
0x1e: {  	s7 =	smul.u32 @!p0 $0xF7A, s2;
	p2 =	seq.s32 @!p0 s5, $0x0  }
0x1f: {  	s9 =	smul.u32 $0xF7A, s1;
	s8 =	simm.s32 @!p0 $0x1BF5;
	p2 =	por !p2, p0  }
0x20: {  	[sflag:s8] =	ssyncset.s32 @!p0 $0xFFFFF086;
	s6 =	sadd.s32 @!p0 s3, s7;
	s7 =	simm.s32 @!p0 $0x108  }
0x21: {  	s3 =	sadd.s32 s3, s9;
	s6 =	sadd.s32 @!p0 $0x88, s6;
	s7 =	simm.s32 @p2 $0x1082  }
0x22: {  	[simem:s7], [sflag:s8] =	dma.local @!p0 [hbm:s6], $0xF7A  }
0x23: {  	s9 =	sor.u32 $0xD0000000, s2;
	s6 =	simm.s32 $0x108;
	_ =	swait.ge @!p0 [sflag:s8], $0x0  }
0x24: {  	s3 =	sadd.s32 $0x88, s3;
	s6 =	simm.s32 @!p1 $0x1082;
	[sflag:s4] =	ssyncset.s32 $0xFFFFF086  }
0x25: {  	[simem:s6], [sflag:s4] =	dma.local [hbm:s3], $0xF7A  }
0x26: {  	[smem:$0x3F98] =	sst s1;
	(tag) =	ssettag s2;
	_ =	strace s9  }
0x27: {  	s1 =	sld [smem:$0x3FA8]  }
0x28: {  	s2 =	sld [smem:$0x3FA9]  }
0x29: {  	s4 =	sld [smem:$0x3FAB]  }
0x2a: {  	p0 =	seq.s32 s5, $0x0;
	s5 =	sld [smem:$0x3FAC]  }
0x2b: {  	s6 =	sld [smem:$0x3FAD]  }
0x2c: {  	s7 =	sld [smem:$0x3FAE]  }
0x2d: {  	s3 =	simm.s32 $0x108;
	s8 =	sld [smem:$0x3FAF]  }
0x2e: {  	s3 =	simm.s32 @!p0 $0x1082;
	s9 =	sld [smem:$0x3FB0]  }
0x2f: {  	lr =	sadd.s32 s0, s3;
	s0 =	sld [smem:$0x3FA7]  }
0x30: {  	s3 =	sld [smem:$0x3FAA]  }
0x31: {  	[smem:$0x3FB3] =	sst s10  }
0x32: {  	s10 =	sld [smem:$0x3FB1];
	_ =	sdelay $0x3  }
0x33: {  	p0 =	seq.s32 s10, $0x1;
	s10 =	sld [smem:$0x3FB3];
	_ =	sdelay $0x3  }
0x34: {  	[smem:$0x3FB3] =	sst s10  }
0x35: {  	s10 =	sld [smem:$0x3FB2];
	_ =	sdelay $0x3  }
0x36: {  	p1 =	seq.s32 s10, $0x1;
	s10 =	sld [smem:$0x3FB3];
	_ =	sdelay $0x3  }
0x37: {  	[smem:$0x3FB3] =	sst s10  }
0x38: {  	s10 =	sld [smem:$0x3FB4]  }
0x39: {  	_ = 	snop;
	(pc) =	sbr.ind lr, $3  }
0x3a: {  	_ = 	snop  }
0x3b: {  	_ = 	snop  }
0x3c: {  	p2 =	seq.s32 s10, $0x1;
	s10 =	sld [smem:$0x3FB3]  }
0x3d: {  	_ =	shalt  }
0x3e: {  	_ =	shalt  }
0x3f: {  	_ =	shalt  }
0x40: {  	_ =	shalt  }
0x41: {  	_ =	shalt  }
0x42: {  	_ =	shalt  }
0x43: {  	_ =	shalt  }
0x44: {  	_ =	shalt  }
0x45: {  	_ =	shalt  }
0x46: {  	_ =	shalt  }
0x47: {  	_ =	shalt  }
0x48: {  	_ =	shalt  }
0x49: {  	_ =	shalt  }
0x4a: {  	_ =	shalt  }
0x4b: {  	_ =	shalt  }
0x4c: {  	_ =	shalt  }
0x4d: {  	_ =	shalt  }
0x4e: {  	_ =	shalt  }
0x4f: {  	_ =	shalt  }
0x50: {  	_ =	shalt  }
0x51: {  	_ =	shalt  }
0x52: {  	_ =	shalt  }
0x53: {  	_ =	shalt  }
0x54: {  	_ =	shalt  }
0x55: {  	_ =	shalt  }
0x56: {  	_ =	shalt  }
0x57: {  	_ =	shalt  }
0x58: {  	_ =	shalt  }
0x59: {  	_ =	shalt  }
0x5a: {  	_ =	shalt  }
0x5b: {  	_ =	shalt  }
0x5c: {  	_ =	shalt  }
0x5d: {  	_ =	shalt  }
0x5e: {  	_ =	shalt  }
0x5f: {  	_ =	shalt  }
0x60: {  	_ =	shalt  }
0x61: {  	_ =	shalt  }
0x62: {  	_ =	shalt  }
0x63: {  	_ =	shalt  }
0x64: {  	_ =	shalt  }
0x65: {  	_ =	shalt  }
0x66: {  	_ =	shalt  }
0x67: {  	_ =	shalt  }
0x68: {  	_ =	shalt  }
0x69: {  	_ =	shalt  }
0x6a: {  	_ =	shalt  }
0x6b: {  	_ =	shalt  }
0x6c: {  	_ =	shalt  }
0x6d: {  	_ =	shalt  }
0x6e: {  	_ =	shalt  }
0x6f: {  	_ =	shalt  }
0x70: {  	_ =	shalt  }
0x71: {  	_ =	shalt  }
0x72: {  	_ =	shalt  }
0x73: {  	_ =	shalt  }
0x74: {  	_ =	shalt  }
0x75: {  	_ =	shalt  }
0x76: {  	_ =	shalt  }
0x77: {  	_ =	shalt  }
0x78: {  	_ =	shalt  }
0x79: {  	_ =	shalt  }
0x7a: {  	_ =	shalt  }
0x7b: {  	_ =	shalt  }
0x7c: {  	_ =	shalt  }
0x7d: {  	_ =	shalt  }
0x7e: {  	_ =	shalt  }
0x7f: {  	_ =	shalt  }
0x80: {  	_ =	shalt  }
0x81: {  	_ =	shalt  }
0x82: {  	_ =	shalt  }
0x83: {  	_ =	shalt  }
0x84: {  	_ =	shalt  }
0x85: {  	_ =	shalt  }
0x86: {  	_ =	shalt  }
0x87: {  	_ =	shalt  }
.Lfunc_end0:
.L_simem_size_0:
called_computation.3_lowered:
.L_overlay_start_0:
0x88: {  	s2 =	sld [smem:$0x3FD9]  }
0x89: {  	s3 =	sld [smem:$0x3FFE];
	_ =	sdelay $0x1  }
0x8a: {  	s1 =	srdreg.scid  }
0x8b: {  	s0 =	sand.u32 $0x1, s1  }
0x8c: {  	s16 =	sshll.u32 s0, $0xA;
	s2 =	sadd.s32 s3, s2  }
0x8d: {  	s2 =	sadd.s32 s2, s16  }
0x8e: {  	[smem:$0x3FBF] =	sst s2  }
0x8f: {  	_ = 	snop  }
0x90: {  	(tm) =	ssettm $0x1  }
0x91: {  	s17 =	sld [smem:$0x3FFB];
	_ =	sdelay $0x3  }
0x92: {  	_ =	strace s17  }
0x93: {  	s2 =	sld [smem:$0x3FFC];
	_ =	sdelay $0x3  }
0x94: {  	_ =	strace s2  }
0x95: {  	s2 =	sld [smem:$0x3FFD];
	_ =	sdelay $0x3  }
0x96: {  	_ =	strace s2  }
0x97: {  	_ =	strace $0x8FFFFFFF  }
0x98: {  	s18 =	sld [smem:$0x3FDB];
	_ =	sdelay $0x1  }
0x99: {  	s19 =	simm.s32 $_scs_section_size  }
0x9a: {  	s4 =	simm.s32 $_size__tile_overlayer_lowered;
	s5 =	simm.s32 $_tile_overlayer_lowered  }
0x9b: {  	s22 =	simm.s32 $0x1BFF;
	s21 =	sshll.u32 s5, $0x1;
	s2 =	sadd.s32 s19, s18  }
0x9c: {  	s6 =	simm.s32 $0x0;
	s20 =	sshll.u32 s4, $0x1;
	s4 =	sadd.s32 s21, s2  }
0x9d: {  	[timem:s6], [sflag:s22] =	dma.local [hbm:s4], s20  }
0x9e: {  	_ =	swait.ge [sflag:s22], s20  }
0x9f: {  	s3 =	ssub.s32 $0x0, s20;
	[sflag:s22] =	ssyncset.done $0x0  }
0xa0: {  	[sflag:s22] =	ssyncadd.s32 s3;
	_ =	sdelay $0x1  }
0xa1: {  	s23 =	simm.s32 $0x1B8B  }
0xa2: {  	_ =	swait.ge [sflag:s23], $0x1  }
0xa3: {  	[sflag:s23] =	ssyncset.done $0x0  }
0xa4: {  	s25 =	simm.s32 $0x1B8E;
	s24 =	sld [smem:$0x3FFE];
	[sflag:s23] =	ssyncadd.s32 $0xFFFFFFFF  }
0xa5: {  	s26 =	simm.s32 $execute0_lowered;
	[smem:$0x3FD2] =	sst s25  }
0xa6: {  	s4 =	sshll.u32 s26, $0x1;
	_ =	strace $0x8000004F;
	[dreg:$0x1] =	wrdreg $0xFFFFFFFF  }
0xa7: {  	s28 =	simm.s32 $_size_execute0_lowered;
	s2 =	sadd.s32 s2, s4;
	[dreg:$0x0] =	wrdreg $0x0  }
0xa8: {  	s4 =	sshll.u32 s28, $0x1;
	[dreg:$0x2] =	wrdreg s2  }
0xa9: {  	[dreg:$0x3] =	wrdreg s4  }
0xaa: {  	[dreg:$0x4] =	wrdreg $0xC0  }
0xab: {  	_ =	task [dreg:s6], $0x5FFFF  }
0xac: {  	[dreg:$0x1] =	wrdreg $0xFFFFFFFF  }
0xad: {  	[dreg:$0x0] =	wrdreg $0x60  }
0xae: {  	[dreg:$0x2] =	wrdreg s24  }
0xaf: {  	[dreg:$0x3] =	wrdreg $0xA8000  }
0xb0: {  	[dreg:$0x4] =	wrdreg $0x9  }
0xb1: {  	_ =	task.clear_ibuf [dreg:s6], $0x5FFFF;
	_ =	strace $0x9000004F  }
0xb2: {  	s29 =	simm.s32 $0x9;
	_ =	strace $0x80000051  }
0xb3: {  	_ =	swait.ge [sflag:s29], $0x1  }
0xb4: {  	[sflag:s29] =	ssyncadd.s32 $0xFFFFFFFF  }
0xb5: {  	_ =	strace $0x90000051  }
0xb6: {  	_ =	sfence  }
0xb7: {  	s30 =	sld [smem:$0x0];
	_ =	sdelay $0x2  }
0xb8: {  	s31 =	sshll.u32 s1, $0xD;
	s1 =	sshrl.u32 s1, $0x2  }
0xb9: {  	s3 =	sand.u32 $0x4000, s31;
	s1 =	sadd.s32 s1, s30  }
0xba: {  	s0 =	sor.u32 s3, s0;
	s1 =	sshll.u32 s1, $0x11  }
0xbb: {  	s0 =	sor.u32 s1, s0  }
0xbc: {  	s0 =	sadd.s32 $0x8F2B, s0  }
0xbd: {  	[sflag:s0] =	ssyncadd.remote.s32 $0x1  }
0xbe: {  	_ =	sfence.sel $0xFFFF  }
0xbf: {  	[dreg:$0x0] =	wrdreg $0xFFFFFFFF;
	(pc) =	sbr.abs _section_cstart, $3  }
0xc0: {  	[dreg:$0x1] =	wrdreg $0xFFFFFFFF  }
0xc1: {  	_ =	task.clear_ibuf [dreg:s6], $0x2FFFF;
	_ =	strace $0x9FFFFFFF  }
0xc2: {  	(tm) =	ssettm $0x7FFFFFFF  }
0xc3: {  	_ =	shalt  }
tec
execute0_lowered:
.L_overlay_start_1:
0x0: {  	(tag) =	ssettag $0x1  }
0x1: {  	s5 =	rddreg [dreg:$0x0]  }
0x2: {  	s1 =	rddreg [dreg:$0x1]  }
0x3: {  	s0 =	rddreg [dreg:$0x2]  }
0x4: {  	s3 =	simm.s32 $0x0;
	s2 =	stileid.u32;
	s6 =	srdreg.scid  }
0x5: {  	s16 =	simm.s32 $0x8EE00;
	s17 =	simm.s32 $0x2800;
	s18 =	simm.s32 $0x6800  }
0x6: {  	s19 =	simm.s32 $0x1;
	s20 =	simm.s32 $0x2;
	s21 =	simm.s32 $0x2700  }
0x7: {  	s22 =	simm.s32 $0x2780;
	s23 =	simm.s32 $0x0;
	[smem:$0x7FF] =	sst s3  }
0x8: {  	s4 =	sadd.s32 $0x40400, s5;
	s10 =	sadd.s32 $0x4C00, s5;
	s7 =	smul.u32 $0x2780, s2  }
0x9: {  	s11 =	sand.u32 $0x1, s6;
	s9 =	sadd.s32 $0xEC00, s5;
	s26 =	smul.u32 $0x4F000, s2  }
0xa: {  	s31 =	sshll.u32 s2, $0x6;
	_ =	strace $0x80000050;
	s8 =	sshll.u32 s11, $0x4  }
0xb: {  	s28 =	ssub.s32 $0x2, s11;
	p0 =	seq.s32 s11, $0x1;
	s12 =	sadd.s32 s7, s5  }
0xc: {  	s29 =	sor.u32 s2, s8;
	s30 =	sshrl.u32 s28, $0x1;
	s6 =	sshrl.u32 s26, $0x2  }
0xd: {  	s16 =	simm.s32 @!p0 $0x67600;
	s7 =	smul.u32 $0x2800, s29;
	s13 =	ssub.s32 s28, s30  }
0xe: {  	s14 =	sadd.s32 s6, s1;
	s5 =	sadd.s32 $0x18C00, s12;
	s6 =	sor.u32 $0x1C03, s31  }
0xf: {  	s12 =	sadd.s32 s16, s12;
	s16 =	simm.s32 $0x80;
	s11 =	smax.u32 s13, $0x1  }
0x10: {  	s13 =	sshrl.u32 s14, $0x3;
	s14 =	simm.s32 $0x3;
	s15 =	sshrl.u32 s7, $0x3  }
0x11: {  	s7 =	sadd.s32 s9, s15;
	s8 =	sadd.s32 s10, s15;
	s15 =	sadd.s32 $0x280, s15  }
0x12: {  	s9 =	sadd.s32 s9, s15;
	s10 =	sadd.s32 s10, s15;
	s15 =	simm.s32 $0x1400  }
.LBB2_1:
0x13: {  	[spmem:s13], [sflag:s6] =	dma.local [hbm:s5], $0x2780  }
0x14: {  	_ =	swait.ge [sflag:s14], $0x2780  }
0x15: {  	[sflag:s14] =	ssyncset.done $0x0  }
0x16: {  	[sflag:s14] =	ssyncadd.s32 $0xFFFFD880  }
0x17: {  	[bflag:$0x0] =	sbarrier.arrive $0xFFFF  }
0x18: {  	[tilespmem:s15], [sflag:$0x3] =	stream.linear.gather [hbm4b:s7+s3], $0x1400, $0x38;
	[tilespmem:$0x1E400] =	vst v63  }
0x19: {  	_ =	swait.ge [sflag:s14], $0x1400  }
0x1a: {  	[sflag:s14] =	ssyncset.done $0x0  }
0x1b: {  	[sflag:s14] =	ssyncadd.s32 $0xFFFFEC00  }
0x1c: {  	[tilespmem:s3], [sflag:$0x3] =	stream.linear.gather [hbm4b:s8+s3], $0x1400, $0x38;
	[tilespmem:$0x1E400] =	vst v63  }
0x1d: {  	_ =	swait.ge [sflag:s14], $0x1400  }
0x1e: {  	[sflag:s14] =	ssyncset.done $0x0  }
0x1f: {  	[sflag:s14] =	ssyncadd.s32 $0xFFFFEC00  }
0x20: {  	[tilespmem:s17], [sflag:$0x1] =	stream.indirect.gather [hbm4b:s4+s16], $0x80, s3, s16, $0xb8;
	[tilespmem:$0x1E400] =	vst v63  }
0x21: {  	_ = 	snop  }
0x22: {  	[tilespmem:s18], [sflag:$0x2] =	stream.indirect.gather [hbm4b:s4+s16], $0x80, s16, s16, $0xb8;
	[tilespmem:$0x1E400] =	vst v63  }
0x23: {  	_ =	swait.ge [sflag:s19], $0x4000  }
0x24: {  	[sflag:s19] =	ssyncset.done $0x0  }
0x25: {  	s24 =	simm.s32 $0x1400;
	[sflag:s19] =	ssyncadd.s32 $0xFFFFC000  }
0x26: {  	[spmem:s1] =	stream.indirect.scatter.add.f32 [tilespmem:s17], [sflag:$0x3], $0x80, s24, s16, $0xb8;
	[tilespmem:$0x1E400] =	vst v63  }
0x27: {  	_ =	swait.ge [sflag:s14], $0x4000  }
0x28: {  	[sflag:s14] =	ssyncset.done $0x0  }
0x29: {  	s30 =	simm.s32 $0x100;
	[sflag:s14] =	ssyncadd.s32 $0xFFFFC000  }
0x2a: {  	[tilespmem:s17], [sflag:$0x1] =	stream.indirect.gather [hbm4b:s4+s16], $0x80, s30, s16, $0xb8;
	[tilespmem:$0x1E400] =	vst v63  }
0x2b: {  	_ =	swait.ge [sflag:s20], $0x4000  }
0x2c: {  	[sflag:s20] =	ssyncset.done $0x0  }
0x2d: {  	s31 =	simm.s32 $0x1480;
	[sflag:s20] =	ssyncadd.s32 $0xFFFFC000  }
0x2e: {  	[spmem:s1] =	stream.indirect.scatter.add.f32 [tilespmem:s18], [sflag:$0x3], $0x80, s31, s16, $0xb8;
	[tilespmem:$0x1E400] =	vst v63  }
0x2f: {  	_ =	swait.ge [sflag:s14], $0x4000  }
0x30: {  	[sflag:s14] =	ssyncset.done $0x0  }
0x31: {  	s25 =	simm.s32 $0x180;
	s24 =	simm.s32 $0x400;
	[sflag:s14] =	ssyncadd.s32 $0xFFFFC000  }
.LBB2_2:
0x32: {  	[tilespmem:s18], [sflag:$0x2] =	stream.indirect.gather [hbm4b:s4+s16], $0x80, s25, s16, $0xb8;
	[tilespmem:$0x1E400] =	vst v63  }
0x33: {  	s25 =	smov.u32 s24  }
0x34: {  	p0 =	sne.s32 s24, $0x4800;
	s24 =	sadd.s32 $0x400, s24;
	_ =	swait.ge [sflag:s19], $0x4000  }
0x35: {  	s25 =	sshra.s32 s25, $0x2;
	[sflag:s19] =	ssyncset.done $0x0  }
0x36: {  	s26 =	sadd.s32 $0x1400, s25;
	[sflag:s19] =	ssyncadd.s32 $0xFFFFC000  }
0x37: {  	[spmem:s1] =	stream.indirect.scatter.add.f32 [tilespmem:s17], [sflag:$0x3], $0x80, s26, s16, $0xb8;
	[tilespmem:$0x1E400] =	vst v63  }
0x38: {  	_ =	swait.ge [sflag:s14], $0x4000  }
0x39: {  	[sflag:s14] =	ssyncset.done $0x0  }
0x3a: {  	s26 =	sadd.s32 $0x100, s25;
	[sflag:s14] =	ssyncadd.s32 $0xFFFFC000  }
0x3b: {  	[tilespmem:s17], [sflag:$0x1] =	stream.indirect.gather [hbm4b:s4+s16], $0x80, s26, s16, $0xb8;
	[tilespmem:$0x1E400] =	vst v63  }
0x3c: {  	_ =	swait.ge [sflag:s20], $0x4000  }
0x3d: {  	[sflag:s20] =	ssyncset.done $0x0  }
.Ltmp0:
0x3e: {  	s26 =	sadd.s32 $0x1480, s25;
	[sflag:s20] =	ssyncadd.s32 $0xFFFFC000;
	(pc) =	sbr.rel @p0 .LBB2_2-.Ltmp0, $4  }
0x3f: {  	[spmem:s1] =	stream.indirect.scatter.add.f32 [tilespmem:s18], [sflag:$0x3], $0x80, s26, s16, $0xb8;
	[tilespmem:$0x1E400] =	vst v63  }
0x40: {  	_ =	swait.ge [sflag:s14], $0x4000  }
0x41: {  	[sflag:s14] =	ssyncset.done $0x0  }
0x42: {  	s25 =	sadd.s32 $0x180, s25;
	[sflag:s14] =	ssyncadd.s32 $0xFFFFC000  }
0x43: {  	[tilespmem:s18], [sflag:$0x2] =	stream.indirect.gather [hbm4b:s4+s16], $0x80, s25, s16, $0xb8;
	[tilespmem:$0x1E400] =	vst v63  }
0x44: {  	_ =	swait.ge [sflag:s19], $0x4000  }
0x45: {  	[sflag:s19] =	ssyncset.done $0x0  }
0x46: {  	[sflag:s19] =	ssyncadd.s32 $0xFFFFC000  }
0x47: {  	[spmem:s1] =	stream.indirect.scatter.add.f32 [tilespmem:s17], [sflag:$0x3], $0x80, s21, s16, $0xb8;
	[tilespmem:$0x1E400] =	vst v63  }
0x48: {  	_ =	swait.ge [sflag:s14], $0x4000  }
0x49: {  	[sflag:s14] =	ssyncset.done $0x0  }
0x4a: {  	[sflag:s14] =	ssyncadd.s32 $0xFFFFC000  }
0x4b: {  	_ =	swait.ge [sflag:s20], $0x4000  }
0x4c: {  	[sflag:s20] =	ssyncset.done $0x0  }
0x4d: {  	[sflag:s20] =	ssyncadd.s32 $0xFFFFC000  }
0x4e: {  	[spmem:s1] =	stream.indirect.scatter.add.f32 [tilespmem:s18], [sflag:$0x3], $0x80, s22, s16, $0xb8;
	[tilespmem:$0x1E400] =	vst v63  }
0x4f: {  	_ =	swait.ge [sflag:s14], $0x4000  }
0x50: {  	[sflag:s14] =	ssyncset.done $0x0  }
0x51: {  	s24 =	simm.s32 $0x0;
	[sflag:s14] =	ssyncadd.s32 $0xFFFFC000  }
0x52: {  	[tilespmem:s15], [sflag:$0x3] =	stream.linear.gather [hbm4b:s9+s24], $0x1400, $0x38;
	[tilespmem:$0x1E400] =	vst v63  }
0x53: {  	_ =	swait.ge [sflag:s14], $0x1400  }
0x54: {  	[sflag:s14] =	ssyncset.done $0x0  }
0x55: {  	[sflag:s14] =	ssyncadd.s32 $0xFFFFEC00  }
0x56: {  	[tilespmem:s24], [sflag:$0x3] =	stream.linear.gather [hbm4b:s10+s24], $0x1400, $0x38;
	[tilespmem:$0x1E400] =	vst v63  }
0x57: {  	_ =	swait.ge [sflag:s14], $0x1400  }
0x58: {  	[sflag:s14] =	ssyncset.done $0x0  }
0x59: {  	[sflag:s14] =	ssyncadd.s32 $0xFFFFEC00  }
0x5a: {  	[tilespmem:s17], [sflag:$0x1] =	stream.indirect.gather [hbm4b:s4+s16], $0x80, s24, s16, $0xb8;
	[tilespmem:$0x1E400] =	vst v63  }
0x5b: {  	_ = 	snop  }
0x5c: {  	[tilespmem:s18], [sflag:$0x2] =	stream.indirect.gather [hbm4b:s4+s16], $0x80, s16, s16, $0xb8;
	[tilespmem:$0x1E400] =	vst v63  }
0x5d: {  	_ =	swait.ge [sflag:s19], $0x4000  }
0x5e: {  	[sflag:s19] =	ssyncset.done $0x0  }
0x5f: {  	s29 =	simm.s32 $0x1400;
	[sflag:s19] =	ssyncadd.s32 $0xFFFFC000  }
0x60: {  	[spmem:s1] =	stream.indirect.scatter.add.f32 [tilespmem:s17], [sflag:$0x3], $0x80, s29, s16, $0xb8;
	[tilespmem:$0x1E400] =	vst v63  }
0x61: {  	_ =	swait.ge [sflag:s14], $0x4000  }
0x62: {  	[sflag:s14] =	ssyncset.done $0x0  }
0x63: {  	s30 =	simm.s32 $0x100;
	[sflag:s14] =	ssyncadd.s32 $0xFFFFC000  }
0x64: {  	[tilespmem:s17], [sflag:$0x1] =	stream.indirect.gather [hbm4b:s4+s16], $0x80, s30, s16, $0xb8;
	[tilespmem:$0x1E400] =	vst v63  }
0x65: {  	_ =	swait.ge [sflag:s20], $0x4000  }
0x66: {  	[sflag:s20] =	ssyncset.done $0x0  }
0x67: {  	s31 =	simm.s32 $0x1480;
	[sflag:s20] =	ssyncadd.s32 $0xFFFFC000  }
0x68: {  	[spmem:s1] =	stream.indirect.scatter.add.f32 [tilespmem:s18], [sflag:$0x3], $0x80, s31, s16, $0xb8;
	[tilespmem:$0x1E400] =	vst v63  }
0x69: {  	_ =	swait.ge [sflag:s14], $0x4000  }
0x6a: {  	[sflag:s14] =	ssyncset.done $0x0  }
0x6b: {  	s25 =	simm.s32 $0x180;
	s24 =	simm.s32 $0x400;
	[sflag:s14] =	ssyncadd.s32 $0xFFFFC000  }
.LBB2_4:
0x6c: {  	[tilespmem:s18], [sflag:$0x2] =	stream.indirect.gather [hbm4b:s4+s16], $0x80, s25, s16, $0xb8;
	[tilespmem:$0x1E400] =	vst v63  }
0x6d: {  	s25 =	smov.u32 s24  }
0x6e: {  	p0 =	sne.s32 s24, $0x4800;
	s24 =	sadd.s32 $0x400, s24;
	_ =	swait.ge [sflag:s19], $0x4000  }
0x6f: {  	s25 =	sshra.s32 s25, $0x2;
	[sflag:s19] =	ssyncset.done $0x0  }
0x70: {  	s26 =	sadd.s32 $0x1400, s25;
	[sflag:s19] =	ssyncadd.s32 $0xFFFFC000  }
0x71: {  	[spmem:s1] =	stream.indirect.scatter.add.f32 [tilespmem:s17], [sflag:$0x3], $0x80, s26, s16, $0xb8;
	[tilespmem:$0x1E400] =	vst v63  }
0x72: {  	_ =	swait.ge [sflag:s14], $0x4000  }
0x73: {  	[sflag:s14] =	ssyncset.done $0x0  }
0x74: {  	s26 =	sadd.s32 $0x100, s25;
	[sflag:s14] =	ssyncadd.s32 $0xFFFFC000  }
0x75: {  	[tilespmem:s17], [sflag:$0x1] =	stream.indirect.gather [hbm4b:s4+s16], $0x80, s26, s16, $0xb8;
	[tilespmem:$0x1E400] =	vst v63  }
0x76: {  	_ =	swait.ge [sflag:s20], $0x4000  }
0x77: {  	[sflag:s20] =	ssyncset.done $0x0  }
.Ltmp1:
0x78: {  	s26 =	sadd.s32 $0x1480, s25;
	[sflag:s20] =	ssyncadd.s32 $0xFFFFC000;
	(pc) =	sbr.rel @p0 .LBB2_4-.Ltmp1, $4  }
0x79: {  	[spmem:s1] =	stream.indirect.scatter.add.f32 [tilespmem:s18], [sflag:$0x3], $0x80, s26, s16, $0xb8;
	[tilespmem:$0x1E400] =	vst v63  }
0x7a: {  	_ =	swait.ge [sflag:s14], $0x4000  }
0x7b: {  	[sflag:s14] =	ssyncset.done $0x0  }
0x7c: {  	s25 =	sadd.s32 $0x180, s25;
	[sflag:s14] =	ssyncadd.s32 $0xFFFFC000  }
0x7d: {  	[tilespmem:s18], [sflag:$0x2] =	stream.indirect.gather [hbm4b:s4+s16], $0x80, s25, s16, $0xb8;
	[tilespmem:$0x1E400] =	vst v63  }
0x7e: {  	_ =	swait.ge [sflag:s19], $0x4000  }
0x7f: {  	[sflag:s19] =	ssyncset.done $0x0  }
0x80: {  	[sflag:s19] =	ssyncadd.s32 $0xFFFFC000  }
0x81: {  	[spmem:s1] =	stream.indirect.scatter.add.f32 [tilespmem:s17], [sflag:$0x3], $0x80, s21, s16, $0xb8;
	[tilespmem:$0x1E400] =	vst v63  }
0x82: {  	_ =	swait.ge [sflag:s14], $0x4000  }
0x83: {  	[sflag:s14] =	ssyncset.done $0x0  }
0x84: {  	[sflag:s14] =	ssyncadd.s32 $0xFFFFC000  }
0x85: {  	_ =	swait.ge [sflag:s20], $0x4000  }
0x86: {  	[sflag:s20] =	ssyncset.done $0x0  }
0x87: {  	[sflag:s20] =	ssyncadd.s32 $0xFFFFC000  }
0x88: {  	[spmem:s1] =	stream.indirect.scatter.add.f32 [tilespmem:s18], [sflag:$0x3], $0x80, s22, s16, $0xb8;
	[tilespmem:$0x1E400] =	vst v63  }
0x89: {  	_ =	swait.ge [sflag:s14], $0x4000  }
0x8a: {  	s23 =	sadd.s32 $0x1, s23;
	[sflag:s14] =	ssyncset.done $0x0  }
0x8b: {  	p0 =	sne.s32 s23, s11;
	[sflag:s14] =	ssyncadd.s32 $0xFFFFC000  }
.Ltmp2:
0x8c: {  	[bflag:$0x0] =	sbarrier.arrive $0xFFFF;
	(pc) =	sbr.rel @p0 .LBB2_1-.Ltmp2, $4  }
0x8d: {  	[hbm:s12], [sflag:s6] =	dma.local [spmem:s13], $0x2780  }
0x8e: {  	_ =	swait.ge [sflag:s14], $0x2780  }
0x8f: {  	[sflag:s14] =	ssyncset.done $0x0  }
0x90: {  	[sflag:s14] =	ssyncadd.s32 $0xFFFFD880  }
0x91: {  	_ =	sfence.sel $0x180000  }
0x92: {  	[bflag:$0x0] =	sbarrier.arrive $0xFFFF  }
0x93: {  	p0 =	sne.s32 s2, $0x0;
	_ =	strace $0x90000050  }
0x94: {  	s0 =	sadd.s32 @!p0 $0x100000, s0;
	[bflag:$0x2] =	sbarrier.arrive $0xFFFF  }
0x95: {  	[sflag:s0] =	ssyncadd.tile.s32 @!p0 $0x1;
	_ =	shalt  }
.Lfunc_end2:
_tile_overlayer_lowered:
.L_overlay_start_2:
0x96: {  	(tag) =	ssettag $0x2  }
0x97: {  	s0 =	rddreg [dreg:$0x0];
	s2 =	stileid.u32  }
0x98: {  	s1 =	rddreg [dreg:$0x1];
	p0 =	sne.s32 s2, $0x0  }
0x99: {  	s3 =	rddreg [dreg:$0x2];
	[bflag:$0x3] =	sbarrier.arrive $0xFFFF;
	s2 =	simm.s32 @!p0 $0x1C03  }
0x9a: {  	[timem:s3], [sflag:s2] =	dma.local @!p0 [hbm:s0], s1  }
0x9b: {  	s0 =	simm.s32 @!p0 $0x3  }
0x9c: {  	_ =	swait.ge @!p0 [sflag:s0], s1  }
0x9d: {  	s1 =	ssub.s32 @!p0 $0x0, s1;
	[sflag:s0] =	ssyncset.done @!p0 $0x0  }
0x9e: {  	[sflag:s0] =	ssyncadd.s32 @!p0 s1  }
0x9f: {  	[bflag:$0x3] =	sbarrier.arrive $0xFFFF  }
0xa0: {  	_ =	shalt  }

// kernel: kernel.25.cloned.1.call-start
scs
__scs_entry_jumppad:
0x0: {  	(pc) =	sbr.rel $0x88, $3  }
0x1: {  	(tag) =	ssettag $0x0;
	lr =	simm.s32 $0x1  }
0x2: {  	[smem:$0x3F98] =	sst lr;
	_ =	strace $0xD0000000  }
0x3: {  	_ = 	snop  }
0x4: {  	_ = 	snop  }
0x5: {  	_ = 	snop  }
0x6: {  	_ = 	snop  }
0x7: {  	_ = 	snop  }
__scs_overlays_trampoline_lowered:
0x8: {  	[smem:$0x3FA7] =	sst s0  }
0x9: {  	[smem:$0x3FA8] =	sst s1  }
0xa: {  	[smem:$0x3FA9] =	sst s2  }
0xb: {  	[smem:$0x3FAA] =	sst s3  }
0xc: {  	[smem:$0x3FAB] =	sst s4  }
0xd: {  	[smem:$0x3FAC] =	sst s5  }
0xe: {  	[smem:$0x3FAD] =	sst s6  }
0xf: {  	[smem:$0x3FAE] =	sst s7  }
0x10: {  	[smem:$0x3FAF] =	sst s8  }
0x11: {  	[smem:$0x3FB0] =	sst s9;
	s0 =	simm.s32 @!p0 $0x0  }
0x12: {  	s1 =	sld [smem:$0x3F96];
	s0 =	simm.s32 @p0 $0x1  }
0x13: {  	[smem:$0x3FB1] =	sst s0;
	s0 =	simm.s32 @!p1 $0x0  }
0x14: {  	s2 =	sld [smem:$0x3F95];
	s0 =	simm.s32 @p1 $0x1  }
0x15: {  	[smem:$0x3FB2] =	sst s0;
	s0 =	simm.s32 @!p2 $0x0  }
0x16: {  	s3 =	sld [smem:$0x3FDB];
	s0 =	simm.s32 @p2 $0x1  }
0x17: {  	s4 =	simm.s32 $0x1BF5;
	[smem:$0x3FB4] =	sst s0  }
0x18: {  	s0 =	sld [smem:$0x3F97];
	_ =	swait.ge [sflag:s4], $0x0  }
0x19: {  	s7 =	sld [smem:$0x3F98]  }
0x1a: {  	s8 =	sadd.s32 $0xFFFFE003, lr  }
0x1b: {  	s9 =	sadd.s32 $0xFFFFFEF7, lr;
	s5 =	simm.s32 $0xFFFFFFFF;
	p2 =	slt.u32 s8, $0xFFFFF086  }
0x1c: {  	p1 =	slt.u32 s9, $0xF7A;
	s5 =	simm.s32 @!p2 $0x0  }
0x1d: {  	s5 =	simm.s32 @p1 $0x1;
	p0 =	seq.s32 s7, s2  }
0x1e: {  	s7 =	smul.u32 @!p0 $0xF7A, s2;
	p2 =	seq.s32 @!p0 s5, $0x0  }
0x1f: {  	s9 =	smul.u32 $0xF7A, s1;
	s8 =	simm.s32 @!p0 $0x1BF5;
	p2 =	por !p2, p0  }
0x20: {  	[sflag:s8] =	ssyncset.s32 @!p0 $0xFFFFF086;
	s6 =	sadd.s32 @!p0 s3, s7;
	s7 =	simm.s32 @!p0 $0x108  }
0x21: {  	s3 =	sadd.s32 s3, s9;
	s6 =	sadd.s32 @!p0 $0x88, s6;
	s7 =	simm.s32 @p2 $0x1082  }
0x22: {  	[simem:s7], [sflag:s8] =	dma.local @!p0 [hbm:s6], $0xF7A  }
0x23: {  	s9 =	sor.u32 $0xD0000000, s2;
	s6 =	simm.s32 $0x108;
	_ =	swait.ge @!p0 [sflag:s8], $0x0  }
0x24: {  	s3 =	sadd.s32 $0x88, s3;
	s6 =	simm.s32 @!p1 $0x1082;
	[sflag:s4] =	ssyncset.s32 $0xFFFFF086  }
0x25: {  	[simem:s6], [sflag:s4] =	dma.local [hbm:s3], $0xF7A  }
0x26: {  	[smem:$0x3F98] =	sst s1;
	(tag) =	ssettag s2;
	_ =	strace s9  }
0x27: {  	s1 =	sld [smem:$0x3FA8]  }
0x28: {  	s2 =	sld [smem:$0x3FA9]  }
0x29: {  	s4 =	sld [smem:$0x3FAB]  }
0x2a: {  	p0 =	seq.s32 s5, $0x0;
	s5 =	sld [smem:$0x3FAC]  }
0x2b: {  	s6 =	sld [smem:$0x3FAD]  }
0x2c: {  	s7 =	sld [smem:$0x3FAE]  }
0x2d: {  	s3 =	simm.s32 $0x108;
	s8 =	sld [smem:$0x3FAF]  }
0x2e: {  	s3 =	simm.s32 @!p0 $0x1082;
	s9 =	sld [smem:$0x3FB0]  }
0x2f: {  	lr =	sadd.s32 s0, s3;
	s0 =	sld [smem:$0x3FA7]  }
0x30: {  	s3 =	sld [smem:$0x3FAA]  }
0x31: {  	[smem:$0x3FB3] =	sst s10  }
0x32: {  	s10 =	sld [smem:$0x3FB1];
	_ =	sdelay $0x3  }
0x33: {  	p0 =	seq.s32 s10, $0x1;
	s10 =	sld [smem:$0x3FB3];
	_ =	sdelay $0x3  }
0x34: {  	[smem:$0x3FB3] =	sst s10  }
0x35: {  	s10 =	sld [smem:$0x3FB2];
	_ =	sdelay $0x3  }
0x36: {  	p1 =	seq.s32 s10, $0x1;
	s10 =	sld [smem:$0x3FB3];
	_ =	sdelay $0x3  }
0x37: {  	[smem:$0x3FB3] =	sst s10  }
0x38: {  	s10 =	sld [smem:$0x3FB4]  }
0x39: {  	_ = 	snop;
	(pc) =	sbr.ind lr, $3  }
0x3a: {  	_ = 	snop  }
0x3b: {  	_ = 	snop  }
0x3c: {  	p2 =	seq.s32 s10, $0x1;
	s10 =	sld [smem:$0x3FB3]  }
0x3d: {  	_ =	shalt  }
0x3e: {  	_ =	shalt  }
0x3f: {  	_ =	shalt  }
0x40: {  	_ =	shalt  }
0x41: {  	_ =	shalt  }
0x42: {  	_ =	shalt  }
0x43: {  	_ =	shalt  }
0x44: {  	_ =	shalt  }
0x45: {  	_ =	shalt  }
0x46: {  	_ =	shalt  }
0x47: {  	_ =	shalt  }
0x48: {  	_ =	shalt  }
0x49: {  	_ =	shalt  }
0x4a: {  	_ =	shalt  }
0x4b: {  	_ =	shalt  }
0x4c: {  	_ =	shalt  }
0x4d: {  	_ =	shalt  }
0x4e: {  	_ =	shalt  }
0x4f: {  	_ =	shalt  }
0x50: {  	_ =	shalt  }
0x51: {  	_ =	shalt  }
0x52: {  	_ =	shalt  }
0x53: {  	_ =	shalt  }
0x54: {  	_ =	shalt  }
0x55: {  	_ =	shalt  }
0x56: {  	_ =	shalt  }
0x57: {  	_ =	shalt  }
0x58: {  	_ =	shalt  }
0x59: {  	_ =	shalt  }
0x5a: {  	_ =	shalt  }
0x5b: {  	_ =	shalt  }
0x5c: {  	_ =	shalt  }
0x5d: {  	_ =	shalt  }
0x5e: {  	_ =	shalt  }
0x5f: {  	_ =	shalt  }
0x60: {  	_ =	shalt  }
0x61: {  	_ =	shalt  }
0x62: {  	_ =	shalt  }
0x63: {  	_ =	shalt  }
0x64: {  	_ =	shalt  }
0x65: {  	_ =	shalt  }
0x66: {  	_ =	shalt  }
0x67: {  	_ =	shalt  }
0x68: {  	_ =	shalt  }
0x69: {  	_ =	shalt  }
0x6a: {  	_ =	shalt  }
0x6b: {  	_ =	shalt  }
0x6c: {  	_ =	shalt  }
0x6d: {  	_ =	shalt  }
0x6e: {  	_ =	shalt  }
0x6f: {  	_ =	shalt  }
0x70: {  	_ =	shalt  }
0x71: {  	_ =	shalt  }
0x72: {  	_ =	shalt  }
0x73: {  	_ =	shalt  }
0x74: {  	_ =	shalt  }
0x75: {  	_ =	shalt  }
0x76: {  	_ =	shalt  }
0x77: {  	_ =	shalt  }
0x78: {  	_ =	shalt  }
0x79: {  	_ =	shalt  }
0x7a: {  	_ =	shalt  }
0x7b: {  	_ =	shalt  }
0x7c: {  	_ =	shalt  }
0x7d: {  	_ =	shalt  }
0x7e: {  	_ =	shalt  }
0x7f: {  	_ =	shalt  }
0x80: {  	_ =	shalt  }
0x81: {  	_ =	shalt  }
0x82: {  	_ =	shalt  }
0x83: {  	_ =	shalt  }
0x84: {  	_ =	shalt  }
0x85: {  	_ =	shalt  }
0x86: {  	_ =	shalt  }
0x87: {  	_ =	shalt  }
.Lfunc_end0:
.L_simem_size_0:
called_computation.4_lowered:
.L_overlay_start_0:
0x88: {  	s2 =	sld [smem:$0x3FD9]  }
0x89: {  	s3 =	sld [smem:$0x3FFE];
	_ =	sdelay $0x1  }
0x8a: {  	s1 =	srdreg.scid  }
0x8b: {  	s0 =	sand.u32 $0x1, s1  }
0x8c: {  	s16 =	sshll.u32 s0, $0xA;
	s2 =	sadd.s32 s3, s2  }
0x8d: {  	s2 =	sadd.s32 s2, s16  }
0x8e: {  	[smem:$0x3FBF] =	sst s2  }
0x8f: {  	_ = 	snop  }
0x90: {  	(tm) =	ssettm $0x1  }
0x91: {  	s17 =	sld [smem:$0x3FFB];
	_ =	sdelay $0x3  }
0x92: {  	_ =	strace s17  }
0x93: {  	s2 =	sld [smem:$0x3FFC];
	_ =	sdelay $0x3  }
0x94: {  	_ =	strace s2  }
0x95: {  	s2 =	sld [smem:$0x3FFD];
	_ =	sdelay $0x3  }
0x96: {  	_ =	strace s2  }
0x97: {  	_ =	strace $0x8FFFFFFF  }
0x98: {  	s18 =	sld [smem:$0x3FDB];
	_ =	sdelay $0x1  }
0x99: {  	s19 =	simm.s32 $_scs_section_size  }
0x9a: {  	s4 =	simm.s32 $_size__tile_overlayer_lowered;
	s5 =	simm.s32 $_tile_overlayer_lowered  }
0x9b: {  	s22 =	simm.s32 $0x1BFF;
	s21 =	sshll.u32 s5, $0x1;
	s2 =	sadd.s32 s19, s18  }
0x9c: {  	s6 =	simm.s32 $0x0;
	s20 =	sshll.u32 s4, $0x1;
	s4 =	sadd.s32 s21, s2  }
0x9d: {  	[timem:s6], [sflag:s22] =	dma.local [hbm:s4], s20  }
0x9e: {  	_ =	swait.ge [sflag:s22], s20  }
0x9f: {  	s3 =	ssub.s32 $0x0, s20;
	[sflag:s22] =	ssyncset.done $0x0  }
0xa0: {  	[sflag:s22] =	ssyncadd.s32 s3;
	_ =	sdelay $0x1  }
0xa1: {  	s23 =	simm.s32 $0x1B8B  }
0xa2: {  	_ =	swait.ge [sflag:s23], $0x1  }
0xa3: {  	[sflag:s23] =	ssyncset.done $0x0  }
0xa4: {  	s25 =	simm.s32 $0x1B8E;
	s24 =	sld [smem:$0x3FFE];
	[sflag:s23] =	ssyncadd.s32 $0xFFFFFFFF  }
0xa5: {  	s26 =	simm.s32 $execute0_lowered;
	[smem:$0x3FD2] =	sst s25  }
0xa6: {  	s4 =	sshll.u32 s26, $0x1;
	_ =	strace $0x80000052;
	[dreg:$0x1] =	wrdreg $0xFFFFFFFF  }
0xa7: {  	s28 =	simm.s32 $_size_execute0_lowered;
	s2 =	sadd.s32 s2, s4;
	[dreg:$0x0] =	wrdreg $0x0  }
0xa8: {  	s4 =	sshll.u32 s28, $0x1;
	[dreg:$0x2] =	wrdreg s2  }
0xa9: {  	[dreg:$0x3] =	wrdreg s4  }
0xaa: {  	[dreg:$0x4] =	wrdreg $0xC0  }
0xab: {  	_ =	task [dreg:s6], $0x5FFFF  }
0xac: {  	[dreg:$0x1] =	wrdreg $0xFFFFFFFF  }
0xad: {  	[dreg:$0x0] =	wrdreg $0x60  }
0xae: {  	[dreg:$0x2] =	wrdreg s24  }
0xaf: {  	[dreg:$0x3] =	wrdreg $0xA8000  }
0xb0: {  	[dreg:$0x4] =	wrdreg $0x9  }
0xb1: {  	_ =	task.clear_ibuf [dreg:s6], $0x5FFFF;
	_ =	strace $0x90000052  }
0xb2: {  	s29 =	simm.s32 $0x9;
	_ =	strace $0x80000054  }
0xb3: {  	_ =	swait.ge [sflag:s29], $0x1  }
0xb4: {  	[sflag:s29] =	ssyncadd.s32 $0xFFFFFFFF  }
0xb5: {  	_ =	strace $0x90000054  }
0xb6: {  	_ =	sfence  }
0xb7: {  	s30 =	sld [smem:$0x0];
	_ =	sdelay $0x2  }
0xb8: {  	s31 =	sshll.u32 s1, $0xD;
	s1 =	sshrl.u32 s1, $0x2  }
0xb9: {  	s3 =	sand.u32 $0x4000, s31;
	s1 =	sadd.s32 s1, s30  }
0xba: {  	s0 =	sor.u32 s3, s0;
	s1 =	sshll.u32 s1, $0x11  }
0xbb: {  	s0 =	sor.u32 s1, s0  }
0xbc: {  	s0 =	sadd.s32 $0x8F2B, s0  }
0xbd: {  	[sflag:s0] =	ssyncadd.remote.s32 $0x1  }
0xbe: {  	_ =	sfence.sel $0xFFFF  }
0xbf: {  	[dreg:$0x0] =	wrdreg $0xFFFFFFFF;
	(pc) =	sbr.abs _section_cstart, $3  }
0xc0: {  	[dreg:$0x1] =	wrdreg $0xFFFFFFFF  }
0xc1: {  	_ =	task.clear_ibuf [dreg:s6], $0x2FFFF;
	_ =	strace $0x9FFFFFFF  }
0xc2: {  	(tm) =	ssettm $0x7FFFFFFF  }
0xc3: {  	_ =	shalt  }
tec
execute0_lowered:
.L_overlay_start_1:
0x0: {  	(tag) =	ssettag $0x1  }
0x1: {  	s5 =	rddreg [dreg:$0x0]  }
0x2: {  	s1 =	rddreg [dreg:$0x1]  }
0x3: {  	s0 =	rddreg [dreg:$0x2]  }
0x4: {  	s3 =	simm.s32 $0x0;
	s2 =	stileid.u32;
	s6 =	srdreg.scid  }
0x5: {  	s16 =	simm.s32 $0x8EE00;
	s17 =	simm.s32 $0x2800;
	s18 =	simm.s32 $0x6800  }
0x6: {  	s19 =	simm.s32 $0x1;
	s20 =	simm.s32 $0x2;
	s21 =	simm.s32 $0x2700  }
0x7: {  	s22 =	simm.s32 $0x2780;
	s23 =	simm.s32 $0x0;
	[smem:$0x7FF] =	sst s3  }
0x8: {  	s4 =	sadd.s32 $0x40400, s5;
	s10 =	sadd.s32 $0x4C00, s5;
	s7 =	smul.u32 $0x2780, s2  }
0x9: {  	s11 =	sand.u32 $0x1, s6;
	s9 =	sadd.s32 $0xEC00, s5;
	s26 =	smul.u32 $0x4F000, s2  }
0xa: {  	s31 =	sshll.u32 s2, $0x6;
	_ =	strace $0x80000053;
	s8 =	sshll.u32 s11, $0x4  }
0xb: {  	s28 =	ssub.s32 $0x2, s11;
	p0 =	seq.s32 s11, $0x1;
	s12 =	sadd.s32 s7, s5  }
0xc: {  	s29 =	sor.u32 s2, s8;
	s30 =	sshrl.u32 s28, $0x1;
	s6 =	sshrl.u32 s26, $0x2  }
0xd: {  	s16 =	simm.s32 @!p0 $0x67600;
	s7 =	smul.u32 $0x2800, s29;
	s13 =	ssub.s32 s28, s30  }
0xe: {  	s14 =	sadd.s32 s6, s1;
	s5 =	sadd.s32 $0x18C00, s12;
	s6 =	sor.u32 $0x1C03, s31  }
0xf: {  	s12 =	sadd.s32 s16, s12;
	s16 =	simm.s32 $0x80;
	s11 =	smax.u32 s13, $0x1  }
0x10: {  	s13 =	sshrl.u32 s14, $0x3;
	s14 =	simm.s32 $0x3;
	s15 =	sshrl.u32 s7, $0x3  }
0x11: {  	s7 =	sadd.s32 s9, s15;
	s8 =	sadd.s32 s10, s15;
	s15 =	sadd.s32 $0x280, s15  }
0x12: {  	s9 =	sadd.s32 s9, s15;
	s10 =	sadd.s32 s10, s15;
	s15 =	simm.s32 $0x1400  }
.LBB2_1:
0x13: {  	[spmem:s13], [sflag:s6] =	dma.local [hbm:s5], $0x2780  }
0x14: {  	_ =	swait.ge [sflag:s14], $0x2780  }
0x15: {  	[sflag:s14] =	ssyncset.done $0x0  }
0x16: {  	[sflag:s14] =	ssyncadd.s32 $0xFFFFD880  }
0x17: {  	[bflag:$0x0] =	sbarrier.arrive $0xFFFF  }
0x18: {  	[tilespmem:s15], [sflag:$0x3] =	stream.linear.gather [hbm4b:s7+s3], $0x1400, $0x38;
	[tilespmem:$0x1E400] =	vst v63  }
0x19: {  	_ =	swait.ge [sflag:s14], $0x1400  }
0x1a: {  	[sflag:s14] =	ssyncset.done $0x0  }
0x1b: {  	[sflag:s14] =	ssyncadd.s32 $0xFFFFEC00  }
0x1c: {  	[tilespmem:s3], [sflag:$0x3] =	stream.linear.gather [hbm4b:s8+s3], $0x1400, $0x38;
	[tilespmem:$0x1E400] =	vst v63  }
0x1d: {  	_ =	swait.ge [sflag:s14], $0x1400  }
0x1e: {  	[sflag:s14] =	ssyncset.done $0x0  }
0x1f: {  	[sflag:s14] =	ssyncadd.s32 $0xFFFFEC00  }
0x20: {  	[tilespmem:s17], [sflag:$0x1] =	stream.indirect.gather [hbm4b:s4+s16], $0x80, s3, s16, $0xb8;
	[tilespmem:$0x1E400] =	vst v63  }
0x21: {  	_ = 	snop  }
0x22: {  	[tilespmem:s18], [sflag:$0x2] =	stream.indirect.gather [hbm4b:s4+s16], $0x80, s16, s16, $0xb8;
	[tilespmem:$0x1E400] =	vst v63  }
0x23: {  	_ =	swait.ge [sflag:s19], $0x4000  }
0x24: {  	[sflag:s19] =	ssyncset.done $0x0  }
0x25: {  	s24 =	simm.s32 $0x1400;
	[sflag:s19] =	ssyncadd.s32 $0xFFFFC000  }
0x26: {  	[spmem:s1] =	stream.indirect.scatter.add.f32 [tilespmem:s17], [sflag:$0x3], $0x80, s24, s16, $0xb8;
	[tilespmem:$0x1E400] =	vst v63  }
0x27: {  	_ =	swait.ge [sflag:s14], $0x4000  }
0x28: {  	[sflag:s14] =	ssyncset.done $0x0  }
0x29: {  	s30 =	simm.s32 $0x100;
	[sflag:s14] =	ssyncadd.s32 $0xFFFFC000  }
0x2a: {  	[tilespmem:s17], [sflag:$0x1] =	stream.indirect.gather [hbm4b:s4+s16], $0x80, s30, s16, $0xb8;
	[tilespmem:$0x1E400] =	vst v63  }
0x2b: {  	_ =	swait.ge [sflag:s20], $0x4000  }
0x2c: {  	[sflag:s20] =	ssyncset.done $0x0  }
0x2d: {  	s31 =	simm.s32 $0x1480;
	[sflag:s20] =	ssyncadd.s32 $0xFFFFC000  }
0x2e: {  	[spmem:s1] =	stream.indirect.scatter.add.f32 [tilespmem:s18], [sflag:$0x3], $0x80, s31, s16, $0xb8;
	[tilespmem:$0x1E400] =	vst v63  }
0x2f: {  	_ =	swait.ge [sflag:s14], $0x4000  }
0x30: {  	[sflag:s14] =	ssyncset.done $0x0  }
0x31: {  	s25 =	simm.s32 $0x180;
	s24 =	simm.s32 $0x400;
	[sflag:s14] =	ssyncadd.s32 $0xFFFFC000  }
.LBB2_2:
0x32: {  	[tilespmem:s18], [sflag:$0x2] =	stream.indirect.gather [hbm4b:s4+s16], $0x80, s25, s16, $0xb8;
	[tilespmem:$0x1E400] =	vst v63  }
0x33: {  	s25 =	smov.u32 s24  }
0x34: {  	p0 =	sne.s32 s24, $0x4800;
	s24 =	sadd.s32 $0x400, s24;
	_ =	swait.ge [sflag:s19], $0x4000  }
0x35: {  	s25 =	sshra.s32 s25, $0x2;
	[sflag:s19] =	ssyncset.done $0x0  }
0x36: {  	s26 =	sadd.s32 $0x1400, s25;
	[sflag:s19] =	ssyncadd.s32 $0xFFFFC000  }
0x37: {  	[spmem:s1] =	stream.indirect.scatter.add.f32 [tilespmem:s17], [sflag:$0x3], $0x80, s26, s16, $0xb8;
	[tilespmem:$0x1E400] =	vst v63  }
0x38: {  	_ =	swait.ge [sflag:s14], $0x4000  }
0x39: {  	[sflag:s14] =	ssyncset.done $0x0  }
0x3a: {  	s26 =	sadd.s32 $0x100, s25;
	[sflag:s14] =	ssyncadd.s32 $0xFFFFC000  }
0x3b: {  	[tilespmem:s17], [sflag:$0x1] =	stream.indirect.gather [hbm4b:s4+s16], $0x80, s26, s16, $0xb8;
	[tilespmem:$0x1E400] =	vst v63  }
0x3c: {  	_ =	swait.ge [sflag:s20], $0x4000  }
0x3d: {  	[sflag:s20] =	ssyncset.done $0x0  }
.Ltmp0:
0x3e: {  	s26 =	sadd.s32 $0x1480, s25;
	[sflag:s20] =	ssyncadd.s32 $0xFFFFC000;
	(pc) =	sbr.rel @p0 .LBB2_2-.Ltmp0, $4  }
0x3f: {  	[spmem:s1] =	stream.indirect.scatter.add.f32 [tilespmem:s18], [sflag:$0x3], $0x80, s26, s16, $0xb8;
	[tilespmem:$0x1E400] =	vst v63  }
0x40: {  	_ =	swait.ge [sflag:s14], $0x4000  }
0x41: {  	[sflag:s14] =	ssyncset.done $0x0  }
0x42: {  	s25 =	sadd.s32 $0x180, s25;
	[sflag:s14] =	ssyncadd.s32 $0xFFFFC000  }
0x43: {  	[tilespmem:s18], [sflag:$0x2] =	stream.indirect.gather [hbm4b:s4+s16], $0x80, s25, s16, $0xb8;
	[tilespmem:$0x1E400] =	vst v63  }
0x44: {  	_ =	swait.ge [sflag:s19], $0x4000  }
0x45: {  	[sflag:s19] =	ssyncset.done $0x0  }
0x46: {  	[sflag:s19] =	ssyncadd.s32 $0xFFFFC000  }
0x47: {  	[spmem:s1] =	stream.indirect.scatter.add.f32 [tilespmem:s17], [sflag:$0x3], $0x80, s21, s16, $0xb8;
	[tilespmem:$0x1E400] =	vst v63  }
0x48: {  	_ =	swait.ge [sflag:s14], $0x4000  }
0x49: {  	[sflag:s14] =	ssyncset.done $0x0  }
0x4a: {  	[sflag:s14] =	ssyncadd.s32 $0xFFFFC000  }
0x4b: {  	_ =	swait.ge [sflag:s20], $0x4000  }
0x4c: {  	[sflag:s20] =	ssyncset.done $0x0  }
0x4d: {  	[sflag:s20] =	ssyncadd.s32 $0xFFFFC000  }
0x4e: {  	[spmem:s1] =	stream.indirect.scatter.add.f32 [tilespmem:s18], [sflag:$0x3], $0x80, s22, s16, $0xb8;
	[tilespmem:$0x1E400] =	vst v63  }
0x4f: {  	_ =	swait.ge [sflag:s14], $0x4000  }
0x50: {  	[sflag:s14] =	ssyncset.done $0x0  }
0x51: {  	s24 =	simm.s32 $0x0;
	[sflag:s14] =	ssyncadd.s32 $0xFFFFC000  }
0x52: {  	[tilespmem:s15], [sflag:$0x3] =	stream.linear.gather [hbm4b:s9+s24], $0x1400, $0x38;
	[tilespmem:$0x1E400] =	vst v63  }
0x53: {  	_ =	swait.ge [sflag:s14], $0x1400  }
0x54: {  	[sflag:s14] =	ssyncset.done $0x0  }
0x55: {  	[sflag:s14] =	ssyncadd.s32 $0xFFFFEC00  }
0x56: {  	[tilespmem:s24], [sflag:$0x3] =	stream.linear.gather [hbm4b:s10+s24], $0x1400, $0x38;
	[tilespmem:$0x1E400] =	vst v63  }
0x57: {  	_ =	swait.ge [sflag:s14], $0x1400  }
0x58: {  	[sflag:s14] =	ssyncset.done $0x0  }
0x59: {  	[sflag:s14] =	ssyncadd.s32 $0xFFFFEC00  }
0x5a: {  	[tilespmem:s17], [sflag:$0x1] =	stream.indirect.gather [hbm4b:s4+s16], $0x80, s24, s16, $0xb8;
	[tilespmem:$0x1E400] =	vst v63  }
0x5b: {  	_ = 	snop  }
0x5c: {  	[tilespmem:s18], [sflag:$0x2] =	stream.indirect.gather [hbm4b:s4+s16], $0x80, s16, s16, $0xb8;
	[tilespmem:$0x1E400] =	vst v63  }
0x5d: {  	_ =	swait.ge [sflag:s19], $0x4000  }
0x5e: {  	[sflag:s19] =	ssyncset.done $0x0  }
0x5f: {  	s29 =	simm.s32 $0x1400;
	[sflag:s19] =	ssyncadd.s32 $0xFFFFC000  }
0x60: {  	[spmem:s1] =	stream.indirect.scatter.add.f32 [tilespmem:s17], [sflag:$0x3], $0x80, s29, s16, $0xb8;
	[tilespmem:$0x1E400] =	vst v63  }
0x61: {  	_ =	swait.ge [sflag:s14], $0x4000  }
0x62: {  	[sflag:s14] =	ssyncset.done $0x0  }
0x63: {  	s30 =	simm.s32 $0x100;
	[sflag:s14] =	ssyncadd.s32 $0xFFFFC000  }
0x64: {  	[tilespmem:s17], [sflag:$0x1] =	stream.indirect.gather [hbm4b:s4+s16], $0x80, s30, s16, $0xb8;
	[tilespmem:$0x1E400] =	vst v63  }
0x65: {  	_ =	swait.ge [sflag:s20], $0x4000  }
0x66: {  	[sflag:s20] =	ssyncset.done $0x0  }
0x67: {  	s31 =	simm.s32 $0x1480;
	[sflag:s20] =	ssyncadd.s32 $0xFFFFC000  }
0x68: {  	[spmem:s1] =	stream.indirect.scatter.add.f32 [tilespmem:s18], [sflag:$0x3], $0x80, s31, s16, $0xb8;
	[tilespmem:$0x1E400] =	vst v63  }
0x69: {  	_ =	swait.ge [sflag:s14], $0x4000  }
0x6a: {  	[sflag:s14] =	ssyncset.done $0x0  }
0x6b: {  	s25 =	simm.s32 $0x180;
	s24 =	simm.s32 $0x400;
	[sflag:s14] =	ssyncadd.s32 $0xFFFFC000  }
.LBB2_4:
0x6c: {  	[tilespmem:s18], [sflag:$0x2] =	stream.indirect.gather [hbm4b:s4+s16], $0x80, s25, s16, $0xb8;
	[tilespmem:$0x1E400] =	vst v63  }
0x6d: {  	s25 =	smov.u32 s24  }
0x6e: {  	p0 =	sne.s32 s24, $0x4800;
	s24 =	sadd.s32 $0x400, s24;
	_ =	swait.ge [sflag:s19], $0x4000  }
0x6f: {  	s25 =	sshra.s32 s25, $0x2;
	[sflag:s19] =	ssyncset.done $0x0  }
0x70: {  	s26 =	sadd.s32 $0x1400, s25;
	[sflag:s19] =	ssyncadd.s32 $0xFFFFC000  }
0x71: {  	[spmem:s1] =	stream.indirect.scatter.add.f32 [tilespmem:s17], [sflag:$0x3], $0x80, s26, s16, $0xb8;
	[tilespmem:$0x1E400] =	vst v63  }
0x72: {  	_ =	swait.ge [sflag:s14], $0x4000  }
0x73: {  	[sflag:s14] =	ssyncset.done $0x0  }
0x74: {  	s26 =	sadd.s32 $0x100, s25;
	[sflag:s14] =	ssyncadd.s32 $0xFFFFC000  }
0x75: {  	[tilespmem:s17], [sflag:$0x1] =	stream.indirect.gather [hbm4b:s4+s16], $0x80, s26, s16, $0xb8;
	[tilespmem:$0x1E400] =	vst v63  }
0x76: {  	_ =	swait.ge [sflag:s20], $0x4000  }
0x77: {  	[sflag:s20] =	ssyncset.done $0x0  }
.Ltmp1:
0x78: {  	s26 =	sadd.s32 $0x1480, s25;
	[sflag:s20] =	ssyncadd.s32 $0xFFFFC000;
	(pc) =	sbr.rel @p0 .LBB2_4-.Ltmp1, $4  }
0x79: {  	[spmem:s1] =	stream.indirect.scatter.add.f32 [tilespmem:s18], [sflag:$0x3], $0x80, s26, s16, $0xb8;
	[tilespmem:$0x1E400] =	vst v63  }
0x7a: {  	_ =	swait.ge [sflag:s14], $0x4000  }
0x7b: {  	[sflag:s14] =	ssyncset.done $0x0  }
0x7c: {  	s25 =	sadd.s32 $0x180, s25;
	[sflag:s14] =	ssyncadd.s32 $0xFFFFC000  }
0x7d: {  	[tilespmem:s18], [sflag:$0x2] =	stream.indirect.gather [hbm4b:s4+s16], $0x80, s25, s16, $0xb8;
	[tilespmem:$0x1E400] =	vst v63  }
0x7e: {  	_ =	swait.ge [sflag:s19], $0x4000  }
0x7f: {  	[sflag:s19] =	ssyncset.done $0x0  }
0x80: {  	[sflag:s19] =	ssyncadd.s32 $0xFFFFC000  }
0x81: {  	[spmem:s1] =	stream.indirect.scatter.add.f32 [tilespmem:s17], [sflag:$0x3], $0x80, s21, s16, $0xb8;
	[tilespmem:$0x1E400] =	vst v63  }
0x82: {  	_ =	swait.ge [sflag:s14], $0x4000  }
0x83: {  	[sflag:s14] =	ssyncset.done $0x0  }
0x84: {  	[sflag:s14] =	ssyncadd.s32 $0xFFFFC000  }
0x85: {  	_ =	swait.ge [sflag:s20], $0x4000  }
0x86: {  	[sflag:s20] =	ssyncset.done $0x0  }
0x87: {  	[sflag:s20] =	ssyncadd.s32 $0xFFFFC000  }
0x88: {  	[spmem:s1] =	stream.indirect.scatter.add.f32 [tilespmem:s18], [sflag:$0x3], $0x80, s22, s16, $0xb8;
	[tilespmem:$0x1E400] =	vst v63  }
0x89: {  	_ =	swait.ge [sflag:s14], $0x4000  }
0x8a: {  	s23 =	sadd.s32 $0x1, s23;
	[sflag:s14] =	ssyncset.done $0x0  }
0x8b: {  	p0 =	sne.s32 s23, s11;
	[sflag:s14] =	ssyncadd.s32 $0xFFFFC000  }
.Ltmp2:
0x8c: {  	[bflag:$0x0] =	sbarrier.arrive $0xFFFF;
	(pc) =	sbr.rel @p0 .LBB2_1-.Ltmp2, $4  }
0x8d: {  	[hbm:s12], [sflag:s6] =	dma.local [spmem:s13], $0x2780  }
0x8e: {  	_ =	swait.ge [sflag:s14], $0x2780  }
0x8f: {  	[sflag:s14] =	ssyncset.done $0x0  }
0x90: {  	[sflag:s14] =	ssyncadd.s32 $0xFFFFD880  }
0x91: {  	_ =	sfence.sel $0x180000  }
0x92: {  	[bflag:$0x0] =	sbarrier.arrive $0xFFFF  }
0x93: {  	p0 =	sne.s32 s2, $0x0;
	_ =	strace $0x90000053  }
0x94: {  	s0 =	sadd.s32 @!p0 $0x100000, s0;
	[bflag:$0x2] =	sbarrier.arrive $0xFFFF  }
0x95: {  	[sflag:s0] =	ssyncadd.tile.s32 @!p0 $0x1;
	_ =	shalt  }
.Lfunc_end2:
_tile_overlayer_lowered:
.L_overlay_start_2:
0x96: {  	(tag) =	ssettag $0x2  }
0x97: {  	s0 =	rddreg [dreg:$0x0];
	s2 =	stileid.u32  }
0x98: {  	s1 =	rddreg [dreg:$0x1];
	p0 =	sne.s32 s2, $0x0  }
0x99: {  	s3 =	rddreg [dreg:$0x2];
	[bflag:$0x3] =	sbarrier.arrive $0xFFFF;
	s2 =	simm.s32 @!p0 $0x1C03  }
0x9a: {  	[timem:s3], [sflag:s2] =	dma.local @!p0 [hbm:s0], s1  }
0x9b: {  	s0 =	simm.s32 @!p0 $0x3  }
0x9c: {  	_ =	swait.ge @!p0 [sflag:s0], s1  }
0x9d: {  	s1 =	ssub.s32 @!p0 $0x0, s1;
	[sflag:s0] =	ssyncset.done @!p0 $0x0  }
0x9e: {  	[sflag:s0] =	ssyncadd.s32 @!p0 s1  }
0x9f: {  	[bflag:$0x3] =	sbarrier.arrive $0xFFFF  }
0xa0: {  	_ =	shalt  }

</sc_bundles>
